<compile_context>
chip_gen: v7x
topology: tpu7x:2x2x1
jax: 0.10.2.dev20260603
libtpu: 0.0.44.dev20260713+nightly
codegen_flags: <defaults>
</compile_context>

<pallas_src>
import functools

import numpy as np
import jax
import jax.numpy as jnp
from jax import lax
from jax.experimental import pallas as pl
from jax.experimental.pallas import tpu as pltpu
from jax.experimental.pallas import tpu_sc as plsc

N = 10000
K = 64
R2 = 25.0
NPAD = 10240
QB = 256
NBLK = NPAD // QB
CH = 128
QB2 = 64
DT = 128


def _cmpx(key, idx, j, keep_min, lane):
    bitj = (lane & j) != 0
    pk = jnp.where(bitj, jnp.roll(key, j, axis=1), jnp.roll(key, -j, axis=1))
    pi = jnp.where(bitj, jnp.roll(idx, j, axis=1), jnp.roll(idx, -j, axis=1))
    take = (keep_min & (pk < key)) | (jnp.logical_not(keep_min) & (pk > key))
    return jnp.where(take, pk, key), jnp.where(take, pi, idx)


def _select_kernel(tb_ref, qf_ref, ct_ref, idx_ref, mk_ref):
    b = pl.program_id(0)
    lane = lax.broadcasted_iota(jnp.int32, (QB, CH), 1)
    lane_lt64 = lane < 64
    qx = qf_ref[:, 0:1]
    qy = qf_ref[:, 1:2]
    qz = qf_ref[:, 2:3]
    qb = qf_ref[:, 3:4]
    inf = jnp.float32(jnp.inf)

    def chunk_body(t, carry):
        lk, li = carry
        c0 = t * CH
        cx = ct_ref[0:1, pl.ds(c0, CH)]
        cy = ct_ref[1:2, pl.ds(c0, CH)]
        cz = ct_ref[2:3, pl.ds(c0, CH)]
        cb = ct_ref[3:4, pl.ds(c0, CH)]
        dx = qx - cx
        dy = qy - cy
        dz = qz - cz
        d2 = dx * dx + dy * dy + dz * dz
        valid = (qb == cb) & (d2 <= R2)
        key = jnp.where(valid, d2, inf)
        idx = lane + c0
        for k in (2, 4, 8, 16, 32, 64, 128):
            j = k // 2
            while j:
                keep_min = ((lane & k) != 0) ^ ((lane & j) != 0)
                key, idx = _cmpx(key, idx, j, keep_min, lane)
                j //= 2
        dk = jnp.where(lane_lt64, jnp.roll(key, -64, axis=1), inf)
        di = jnp.roll(idx, -64, axis=1)
        take = dk < lk
        mk = jnp.where(take, dk, lk)
        mi = jnp.where(take, di, li)
        for j in (32, 16, 8, 4, 2, 1):
            keep_min = (lane & j) == 0
            mk, mi = _cmpx(mk, mi, j, keep_min, lane)
        return mk, mi

    lk0 = jnp.full((QB, CH), inf, jnp.float32)
    li0 = jnp.zeros((QB, CH), jnp.int32)
    t0 = tb_ref[2 * b]
    t1 = tb_ref[2 * b + 1]
    lk, li = lax.fori_loop(t0, t1, chunk_body, (lk0, li0))
    idx_ref[...] = li[:, 0:64]
    mk_ref[...] = (lk[:, 0:64] < 1e30).astype(jnp.float32)


def _msg_kernel(g_ref, xq_ref, qpn_ref, mk_ref, wl_ref, wsa_ref, wd_ref,
                wp8_ref, bp_ref, ba_ref, wa_ref, out_ref):
    g = g_ref[...]
    xj = g[:, 0:64]
    pnj = g[:, 64:72]
    qpn = qpn_ref[...]
    rel = (qpn[:, None, :] - pnj.reshape(QB2, K, 8)).reshape(QB2 * K, 8)
    delta = jax.nn.relu(
        jnp.dot(rel, wp8_ref[...], preferred_element_type=jnp.float32)
        + bp_ref[...])
    pre = jnp.dot(delta, wa_ref[...], preferred_element_type=jnp.float32)
    asj = jnp.dot(xj, wsa_ref[...], preferred_element_type=jnp.float32)
    vj = jnp.dot(xj, wl_ref[...], preferred_element_type=jnp.float32)
    ad = jnp.dot(xq_ref[...], wd_ref[...],
                 preferred_element_type=jnp.float32) + ba_ref[...]
    a3 = (ad[:, None, :] - asj.reshape(QB2, K, 128)
          + pre.reshape(QB2, K, 128))
    a3 = jax.nn.relu(a3)
    mb = mk_ref[...][:, :, None] > 0.0
    a3 = jnp.where(mb, a3, -1e30)
    mx = jnp.max(a3, axis=1, keepdims=True)
    e = jnp.exp(a3 - mx)
    p3 = e / jnp.sum(e, axis=1, keepdims=True)
    val3 = (vj + delta).reshape(QB2, K, 128)
    msg = jnp.where(mb, p3 * val3, 0.0)
    out_ref[...] = jnp.sum(msg, axis=1)


def _sc_gather(table, idxf):
    ne = idxf.shape[0]
    d = table.shape[1]
    nc, ns = 2, 16
    nw = nc * ns
    cg = 128
    per_w = ne // nw
    nch = per_w // cg
    mesh = plsc.VectorSubcoreMesh(core_axis_name="core",
                                  subcore_axis_name="subcore")

    @functools.partial(
        pl.kernel,
        out_type=jax.ShapeDtypeStruct((ne, d), jnp.float32),
        mesh=mesh,
        scratch_types=[
            pltpu.VMEM((4 * cg,), jnp.int32),
            pltpu.VMEM((4 * cg, d), jnp.float32),
            pltpu.SemaphoreType.DMA,
        ])
    def k(x_hbm, i_hbm, o_hbm, idx_v, rows_v, sem):
        wid = lax.axis_index("subcore") * nc + lax.axis_index("core")
        base = wid * per_w

        @pl.loop(0, nch, step=4)
        def _(i):
            off = base + i * cg
            pltpu.sync_copy(i_hbm.at[pl.ds(off, 4 * cg)], idx_v)
            copies = [
                pltpu.async_copy(x_hbm.at[idx_v.at[pl.ds(b * cg, cg)]],
                                 rows_v.at[pl.ds(b * cg, cg)], sem)
                for b in range(4)
            ]
            for c in copies:
                c.wait()
            pltpu.sync_copy(rows_v, o_hbm.at[pl.ds(off, 4 * cg)])

    return k(table, idxf)


def kernel(x, pos, normal, batch, W_lin, W_src, W_dst,
           W_pos, b_pos, g_pos, be_pos, W_attn, b_attn, g_attn, be_attn):
    f32 = jnp.float32
    batch = batch.astype(jnp.int32)
    s = np.float32(1.0 / np.sqrt(1.0 + 1e-5))
    wp = W_pos * (s * g_pos)[None, :]
    bp = b_pos * (s * g_pos) + be_pos
    wa = W_attn * (s * g_attn)[None, :]
    ba = b_attn * (s * g_attn) + be_attn
    wl = jnp.pad(W_lin, ((0, 5), (0, 0)))
    wsa = jnp.pad(W_src @ wa, ((0, 5), (0, 0)))
    wd = jnp.pad(W_dst @ wa, ((0, 5), (0, 0)))
    wp8 = jnp.pad(wp, ((0, 2), (0, 0)))

    xp = jnp.pad(x, ((0, NPAD - N), (0, 64 - x.shape[1])))
    pn = jnp.pad(jnp.concatenate([pos, normal], axis=1),
                 ((0, NPAD - N), (0, 2)))
    table = jnp.concatenate(
        [xp, pn, jnp.zeros((NPAD, DT - 72), f32)], axis=1)
    bpad = jnp.pad(batch, (0, NPAD - N), constant_values=16)
    qf = jnp.concatenate(
        [jnp.pad(pos, ((0, NPAD - N), (0, 0))),
         bpad[:, None].astype(f32)], axis=1)
    ct = jnp.pad(qf.T, ((0, 4), (0, 0)))

    bstart = jnp.searchsorted(bpad, jnp.arange(18, dtype=jnp.int32),
                              side="left").astype(jnp.int32)
    qlo = jnp.arange(NBLK, dtype=jnp.int32) * QB
    bmin = bpad[qlo]
    bmax = bpad[qlo + QB - 1]
    lo = bstart[bmin]
    hi = bstart[bmax + 1]
    tb = jnp.stack([lo // CH, (hi + CH - 1) // CH], axis=1)
    tb = tb.reshape(-1).astype(jnp.int32)

    idx, mk = pl.pallas_call(
        _select_kernel,
        grid_spec=pltpu.PrefetchScalarGridSpec(
            num_scalar_prefetch=1,
            grid=(NBLK,),
            in_specs=[
                pl.BlockSpec((QB, 4), lambda b, tb_ref: (b, 0)),
                pl.BlockSpec((8, NPAD), lambda b, tb_ref: (0, 0)),
            ],
            out_specs=[
                pl.BlockSpec((QB, K), lambda b, tb_ref: (b, 0)),
                pl.BlockSpec((QB, K), lambda b, tb_ref: (b, 0)),
            ],
        ),
        out_shape=[
            jax.ShapeDtypeStruct((NPAD, K), jnp.int32),
            jax.ShapeDtypeStruct((NPAD, K), f32),
        ],
    )(tb, qf, ct)

    g = _sc_gather(table, idx.reshape(NPAD * K))

    out = pl.pallas_call(
        _msg_kernel,
        grid=(NPAD // QB2,),
        in_specs=[
            pl.BlockSpec((QB2 * K, DT), lambda i: (i, 0)),
            pl.BlockSpec((QB2, 64), lambda i: (i, 0)),
            pl.BlockSpec((QB2, 8), lambda i: (i, 0)),
            pl.BlockSpec((QB2, K), lambda i: (i, 0)),
            pl.BlockSpec((64, 128), lambda i: (0, 0)),
            pl.BlockSpec((64, 128), lambda i: (0, 0)),
            pl.BlockSpec((64, 128), lambda i: (0, 0)),
            pl.BlockSpec((8, 128), lambda i: (0, 0)),
            pl.BlockSpec((1, 128), lambda i: (0, 0)),
            pl.BlockSpec((1, 128), lambda i: (0, 0)),
            pl.BlockSpec((128, 128), lambda i: (0, 0)),
        ],
        out_specs=pl.BlockSpec((QB2, 128), lambda i: (i, 0)),
        out_shape=jax.ShapeDtypeStruct((NPAD, 128), f32),
    )(g, xp, pn, mk, wl, wsa, wd, wp8, bp.reshape(1, 128),
      ba.reshape(1, 128), wa)

    return out[:N]

# --- scband reference (transcript-rebuilt; emitter-appended) ---
"""Pipeline reference for scband-point-transformer-conv1-81698867904602 (READ-ONLY COPY).

The authoritative reference and input builder live on the scoring server;
editing this copy changes nothing except your own understanding.
"""

import jax, jax.numpy as jnp
import numpy as np

N = 10000
K = 64
R = 5.0
DIN = 59
DOUT = 128
NB = 16


def _bn_eval(h, g, b):
    # BatchNorm1d in eval mode with running_mean=0, running_var=1
    return (h / jnp.sqrt(1.0 + 1e-5)) * g + b


def _mlp(h, W, b, g, be):
    # Seq(Lin, BN, ReLU, Dropout(eval=identity))
    h = h @ W + b
    h = _bn_eval(h, g, be)
    return jax.nn.relu(h)


def _build_radius_graph(pos, batch):
    # torch_cluster.radius(pos, pos, R, batch, batch, max_num_neighbors=64)
    # returns for each query node up to K neighbors (including self) within radius R
    r2 = R * R
    idxs, masks = [], []
    chunk = 1000
    for s in range(0, N, chunk):
        p = pos[s:s + chunk]
        d2 = jnp.sum((p[:, None, :] - pos[None, :, :]) ** 2, axis=-1)
        same = batch[s:s + chunk, None] == batch[None, :]
        valid = (d2 <= r2) & same
        md = jnp.where(valid, d2, jnp.inf)
        vals, idx = jax.lax.top_k(-md, K)
        idxs.append(idx)
        masks.append(jnp.isfinite(vals))
    return jnp.concatenate(idxs, 0), jnp.concatenate(masks, 0)


def setup_inputs(seed: int = 0) -> dict:
    key = jax.random.key(seed)
    ks = jax.random.split(key, 16)
    x = jax.random.normal(ks[0], (N, DIN), dtype=jnp.float32)
    pos = jax.random.normal(ks[1], (N, 3), dtype=jnp.float32) * 4.0
    normal = jax.random.normal(ks[2], (N, 3), dtype=jnp.float32)
    normal = normal / (jnp.linalg.norm(normal, axis=-1, keepdims=True) + 1e-8)
    batch = jnp.sort(jax.random.randint(ks[3], (N,), 0, NB)).astype(jnp.int64)
    # PointTransformerConv linear layers (bias=False as in PyG)
    W_lin = jax.random.normal(ks[4], (DIN, DOUT), dtype=jnp.float32) / np.sqrt(DIN)
    W_src = jax.random.normal(ks[5], (DIN, DOUT), dtype=jnp.float32) / np.sqrt(DIN)
    W_dst = jax.random.normal(ks[6], (DIN, DOUT), dtype=jnp.float32) / np.sqrt(DIN)
    # pos_nn = MLP([6, 128])
    W_pos = jax.random.normal(ks[7], (6, DOUT), dtype=jnp.float32) / np.sqrt(6.0)
    b_pos = jnp.zeros((DOUT,), dtype=jnp.float32)
    g_pos = jnp.ones((DOUT,), dtype=jnp.float32)
    be_pos = jnp.zeros((DOUT,), dtype=jnp.float32)
    # attn_nn = MLP([128, 128])
    W_attn = jax.random.normal(ks[8], (DOUT, DOUT), dtype=jnp.float32) / np.sqrt(DOUT)
    b_attn = jnp.zeros((DOUT,), dtype=jnp.float32)
    g_attn = jnp.ones((DOUT,), dtype=jnp.float32)
    be_attn = jnp.zeros((DOUT,), dtype=jnp.float32)
    return {"x": x, "pos": pos, "normal": normal, "batch": batch,
            "W_lin": W_lin, "W_src": W_src, "W_dst": W_dst,
            "W_pos": W_pos, "b_pos": b_pos, "g_pos": g_pos, "be_pos": be_pos,
            "W_attn": W_attn, "b_attn": b_attn, "g_attn": g_attn, "be_attn": be_attn}


def reference(x, pos, normal, batch, W_lin, W_src, W_dst,
              W_pos, b_pos, g_pos, be_pos, W_attn, b_attn, g_attn, be_attn):
    # radius graph construction is non-differentiable (index selection)
    idx, mask = _build_radius_graph(jax.lax.stop_gradient(pos), batch)
    v = x @ W_lin   # value projection
    xs = x @ W_src  # source (neighbor j) projection
    xd = x @ W_dst  # destination (center i) projection
    outs = []
    chunk = 2000
    for s in range(0, N, chunk):
        ii = idx[s:s + chunk]        # [c, K]
        mm = mask[s:s + chunk]       # [c, K]
        rel = jnp.concatenate([
            pos[s:s + chunk, None, :] - pos[ii],
            normal[s:s + chunk, None, :] - normal[ii],
        ], axis=-1)                   # [c, K, 6]
        delta = _mlp(rel, W_pos, b_pos, g_pos, be_pos)                 # [c, K, 128]
        a = _mlp(xd[s:s + chunk, None, :] - xs[ii] + delta,
                 W_attn, b_attn, g_attn, be_attn)                      # [c, K, 128]
        a = jnp.where(mm[..., None], a, -1e30)
        a = jax.nn.softmax(a, axis=1)  # per-dst, per-channel softmax over neighbors
        msg = jnp.where(mm[..., None], a * (v[ii] + delta), 0.0)
        outs.append(jnp.sum(msg, axis=1))
    return jnp.concatenate(outs, 0)

if __name__ == "__main__":
    import jax
    _d = setup_inputs()
    print(jax.jit(kernel)(*tuple(_d.values())))

</pallas_src>

<mosaic_0001>
#map = affine_map<(d0, d1) -> (0, 0)>
#map1 = affine_map<(d0, d1) -> (0)>
module attributes {stable_mosaic.version = 14 : i64} {
  func.func @k(%arg0: i32, %arg1: i32, %arg2: memref<10240x128xf32, #tpu.memory_space<hbm>>, %arg3: memref<655360xi32, #tpu.memory_space<hbm>>, %arg4: memref<655360x128xf32, #tpu.memory_space<hbm>>, %arg5: memref<512xi32, #tpu.memory_space<vmem>>, %arg6: memref<512x128xf32, #tpu.memory_space<vmem>>, %arg7: memref<!tpu.dma_semaphore, #tpu.memory_space<semaphore_mem>>) attributes {dimension_semantics = [#tpu.dimension_semantics<core_parallel>, #tpu.dimension_semantics<subcore_parallel>], iteration_bounds = array<i64: 2, 16>, scalar_prefetch = 0 : i64, scratch_operands = 3 : i64, tpu.core_type = #tpu.core_type<sc_vector_subcore>, window_params = [{transform_indices = #map}, {transform_indices = #map1}, {transform_indices = #map}]} {
    %mul3A = arith.constant 2 : i32
    %mul3A_0 = arith.muli %arg1, %mul3A : i32
    %add3A = arith.addi %mul3A_0, %arg0 : i32
    %mul3A_1 = arith.constant 20480 : i32
    %mul3A_2 = arith.muli %add3A, %mul3A_1 : i32
    %scan3A = arith.constant 0 : i32
    %scan3A_3 = arith.constant 40 : i32
    %scan3A_4 = arith.addi %scan3A, %scan3A_3 : i32
    %scan3A_5 = arith.constant 1 : i32
    scf.for %scan3A_7 = %scan3A to %scan3A_4 step %scan3A_5  : i32 {
      %mul3A_8 = arith.constant 4 : i32
      %mul3A_9 = arith.muli %scan3A_7, %mul3A_8 : i32
      %add3A_10 = arith.constant 0 : i32
      %add3A_11 = arith.addi %add3A_10, %mul3A_9 : i32
      %mul3A_12 = arith.constant 128 : i32
      %mul3A_13 = arith.muli %add3A_11, %mul3A_12 : i32
      %add3A_14 = arith.addi %mul3A_2, %mul3A_13 : i32
      "tpu.region"() ({
        %run_scoped3A = tpu.sem_alloc : memref<!tpu.dma_semaphore, #tpu.memory_space<semaphore_mem>>
        %dma_start3A_77 = tpu.memref_slice %arg3[%add3A_14] : memref<655360xi32, #tpu.memory_space<hbm>> -> memref<512xi32, #tpu.memory_space<hbm>>
        %dma_start3A_78 = tpu.memref_slice %arg3[%add3A_14] : memref<655360xi32, #tpu.memory_space<hbm>> -> memref<512xi32, #tpu.memory_space<hbm>>
        tpu.enqueue_dma source(%dma_start3A_78 : memref<512xi32, #tpu.memory_space<hbm>>) target(%arg5 : memref<512xi32, #tpu.memory_space<vmem>>) target_semaphore(%run_scoped3A : memref<!tpu.dma_semaphore, #tpu.memory_space<semaphore_mem>>)
        %dma_wait3A_79 = tpu.memref_slice %arg3[%add3A_14] : memref<655360xi32, #tpu.memory_space<hbm>> -> memref<512xi32, #tpu.memory_space<hbm>>
        %dma_wait3A_80 = tpu.memref_slice %arg3[%add3A_14] : memref<655360xi32, #tpu.memory_space<hbm>> -> memref<512xi32, #tpu.memory_space<hbm>>
        tpu.wait_dma2 semaphore(%run_scoped3A : memref<!tpu.dma_semaphore, #tpu.memory_space<semaphore_mem>>) src(%dma_wait3A_80 : memref<512xi32, #tpu.memory_space<hbm>>) dst(%arg5 : memref<512xi32, #tpu.memory_space<vmem>>)
        tpu.yield
      }) : () -> ()
      %dma_start3A = arith.constant 0 : i32
      %dma_start3A_15 = arith.constant 0 : i32
      %dma_start3A_16 = tpu.memref_slice %arg6[%dma_start3A, %dma_start3A_15] : memref<512x128xf32, #tpu.memory_space<vmem>> -> memref<128x128xf32, #tpu.memory_space<vmem>>
      %dma_start3A_17 = arith.constant 0 : i32
      %dma_start3A_18 = tpu.memref_slice %arg5[%dma_start3A_17] : memref<512xi32, #tpu.memory_space<vmem>> -> memref<128xi32, #tpu.memory_space<vmem>>
      %dma_start3A_19 = arith.constant 0 : i32
      %dma_start3A_20 = arith.constant 0 : i32
      %dma_start3A_21 = tpu.memref_slice %arg2[%dma_start3A_19, %dma_start3A_20] : memref<10240x128xf32, #tpu.memory_space<hbm>> -> memref<10240x128xf32, #tpu.memory_space<hbm>>
      tpu.enqueue_indirect_dma source(%dma_start3A_21 : memref<10240x128xf32, #tpu.memory_space<hbm>>) target(%dma_start3A_16 : memref<128x128xf32, #tpu.memory_space<vmem>>) offsets(%dma_start3A_18 : memref<128xi32, #tpu.memory_space<vmem>>) semaphore(%arg7 : memref<!tpu.dma_semaphore, #tpu.memory_space<semaphore_mem>>)
      %dma_start3A_22 = arith.constant 128 : i32
      %dma_start3A_23 = arith.constant 0 : i32
      %dma_start3A_24 = tpu.memref_slice %arg6[%dma_start3A_22, %dma_start3A_23] : memref<512x128xf32, #tpu.memory_space<vmem>> -> memref<128x128xf32, #tpu.memory_space<vmem>>
      %dma_start3A_25 = arith.constant 128 : i32
      %dma_start3A_26 = tpu.memref_slice %arg5[%dma_start3A_25] : memref<512xi32, #tpu.memory_space<vmem>> -> memref<128xi32, #tpu.memory_space<vmem>>
      %dma_start3A_27 = arith.constant 0 : i32
      %dma_start3A_28 = arith.constant 0 : i32
      %dma_start3A_29 = tpu.memref_slice %arg2[%dma_start3A_27, %dma_start3A_28] : memref<10240x128xf32, #tpu.memory_space<hbm>> -> memref<10240x128xf32, #tpu.memory_space<hbm>>
      tpu.enqueue_indirect_dma source(%dma_start3A_29 : memref<10240x128xf32, #tpu.memory_space<hbm>>) target(%dma_start3A_24 : memref<128x128xf32, #tpu.memory_space<vmem>>) offsets(%dma_start3A_26 : memref<128xi32, #tpu.memory_space<vmem>>) semaphore(%arg7 : memref<!tpu.dma_semaphore, #tpu.memory_space<semaphore_mem>>)
      %dma_start3A_30 = arith.constant 256 : i32
      %dma_start3A_31 = arith.constant 0 : i32
      %dma_start3A_32 = tpu.memref_slice %arg6[%dma_start3A_30, %dma_start3A_31] : memref<512x128xf32, #tpu.memory_space<vmem>> -> memref<128x128xf32, #tpu.memory_space<vmem>>
      %dma_start3A_33 = arith.constant 256 : i32
      %dma_start3A_34 = tpu.memref_slice %arg5[%dma_start3A_33] : memref<512xi32, #tpu.memory_space<vmem>> -> memref<128xi32, #tpu.memory_space<vmem>>
      %dma_start3A_35 = arith.constant 0 : i32
      %dma_start3A_36 = arith.constant 0 : i32
      %dma_start3A_37 = tpu.memref_slice %arg2[%dma_start3A_35, %dma_start3A_36] : memref<10240x128xf32, #tpu.memory_space<hbm>> -> memref<10240x128xf32, #tpu.memory_space<hbm>>
      tpu.enqueue_indirect_dma source(%dma_start3A_37 : memref<10240x128xf32, #tpu.memory_space<hbm>>) target(%dma_start3A_32 : memref<128x128xf32, #tpu.memory_space<vmem>>) offsets(%dma_start3A_34 : memref<128xi32, #tpu.memory_space<vmem>>) semaphore(%arg7 : memref<!tpu.dma_semaphore, #tpu.memory_space<semaphore_mem>>)
      %dma_start3A_38 = arith.constant 384 : i32
      %dma_start3A_39 = arith.constant 0 : i32
      %dma_start3A_40 = tpu.memref_slice %arg6[%dma_start3A_38, %dma_start3A_39] : memref<512x128xf32, #tpu.memory_space<vmem>> -> memref<128x128xf32, #tpu.memory_space<vmem>>
      %dma_start3A_41 = arith.constant 384 : i32
      %dma_start3A_42 = tpu.memref_slice %arg5[%dma_start3A_41] : memref<512xi32, #tpu.memory_space<vmem>> -> memref<128xi32, #tpu.memory_space<vmem>>
      %dma_start3A_43 = arith.constant 0 : i32
      %dma_start3A_44 = arith.constant 0 : i32
      %dma_start3A_45 = tpu.memref_slice %arg2[%dma_start3A_43, %dma_start3A_44] : memref<10240x128xf32, #tpu.memory_space<hbm>> -> memref<10240x128xf32, #tpu.memory_space<hbm>>
      tpu.enqueue_indirect_dma source(%dma_start3A_45 : memref<10240x128xf32, #tpu.memory_space<hbm>>) target(%dma_start3A_40 : memref<128x128xf32, #tpu.memory_space<vmem>>) offsets(%dma_start3A_42 : memref<128xi32, #tpu.memory_space<vmem>>) semaphore(%arg7 : memref<!tpu.dma_semaphore, #tpu.memory_space<semaphore_mem>>)
      %dma_wait3A = arith.constant 0 : i32
      %dma_wait3A_46 = arith.constant 0 : i32
      %dma_wait3A_47 = tpu.memref_slice %arg6[%dma_wait3A, %dma_wait3A_46] : memref<512x128xf32, #tpu.memory_space<vmem>> -> memref<128x128xf32, #tpu.memory_space<vmem>>
      %dma_wait3A_48 = arith.constant 0 : i32
      %dma_wait3A_49 = tpu.memref_slice %arg5[%dma_wait3A_48] : memref<512xi32, #tpu.memory_space<vmem>> -> memref<128xi32, #tpu.memory_space<vmem>>
      %dma_wait3A_50 = arith.constant 0 : i32
      %dma_wait3A_51 = arith.constant 0 : i32
      %dma_wait3A_52 = tpu.memref_slice %arg2[%dma_wait3A_50, %dma_wait3A_51] : memref<10240x128xf32, #tpu.memory_space<hbm>> -> memref<10240x128xf32, #tpu.memory_space<hbm>>
      tpu.wait_indirect_dma semaphore(%arg7 : memref<!tpu.dma_semaphore, #tpu.memory_space<semaphore_mem>>) src(%dma_wait3A_52 : memref<10240x128xf32, #tpu.memory_space<hbm>>) dst(%dma_wait3A_47 : memref<128x128xf32, #tpu.memory_space<vmem>>)
      %dma_wait3A_53 = arith.constant 128 : i32
      %dma_wait3A_54 = arith.constant 0 : i32
      %dma_wait3A_55 = tpu.memref_slice %arg6[%dma_wait3A_53, %dma_wait3A_54] : memref<512x128xf32, #tpu.memory_space<vmem>> -> memref<128x128xf32, #tpu.memory_space<vmem>>
      %dma_wait3A_56 = arith.constant 128 : i32
      %dma_wait3A_57 = tpu.memref_slice %arg5[%dma_wait3A_56] : memref<512xi32, #tpu.memory_space<vmem>> -> memref<128xi32, #tpu.memory_space<vmem>>
      %dma_wait3A_58 = arith.constant 0 : i32
      %dma_wait3A_59 = arith.constant 0 : i32
      %dma_wait3A_60 = tpu.memref_slice %arg2[%dma_wait3A_58, %dma_wait3A_59] : memref<10240x128xf32, #tpu.memory_space<hbm>> -> memref<10240x128xf32, #tpu.memory_space<hbm>>
      tpu.wait_indirect_dma semaphore(%arg7 : memref<!tpu.dma_semaphore, #tpu.memory_space<semaphore_mem>>) src(%dma_wait3A_60 : memref<10240x128xf32, #tpu.memory_space<hbm>>) dst(%dma_wait3A_55 : memref<128x128xf32, #tpu.memory_space<vmem>>)
      %dma_wait3A_61 = arith.constant 256 : i32
      %dma_wait3A_62 = arith.constant 0 : i32
      %dma_wait3A_63 = tpu.memref_slice %arg6[%dma_wait3A_61, %dma_wait3A_62] : memref<512x128xf32, #tpu.memory_space<vmem>> -> memref<128x128xf32, #tpu.memory_space<vmem>>
      %dma_wait3A_64 = arith.constant 256 : i32
      %dma_wait3A_65 = tpu.memref_slice %arg5[%dma_wait3A_64] : memref<512xi32, #tpu.memory_space<vmem>> -> memref<128xi32, #tpu.memory_space<vmem>>
      %dma_wait3A_66 = arith.constant 0 : i32
      %dma_wait3A_67 = arith.constant 0 : i32
      %dma_wait3A_68 = tpu.memref_slice %arg2[%dma_wait3A_66, %dma_wait3A_67] : memref<10240x128xf32, #tpu.memory_space<hbm>> -> memref<10240x128xf32, #tpu.memory_space<hbm>>
      tpu.wait_indirect_dma semaphore(%arg7 : memref<!tpu.dma_semaphore, #tpu.memory_space<semaphore_mem>>) src(%dma_wait3A_68 : memref<10240x128xf32, #tpu.memory_space<hbm>>) dst(%dma_wait3A_63 : memref<128x128xf32, #tpu.memory_space<vmem>>)
      %dma_wait3A_69 = arith.constant 384 : i32
      %dma_wait3A_70 = arith.constant 0 : i32
      %dma_wait3A_71 = tpu.memref_slice %arg6[%dma_wait3A_69, %dma_wait3A_70] : memref<512x128xf32, #tpu.memory_space<vmem>> -> memref<128x128xf32, #tpu.memory_space<vmem>>
      %dma_wait3A_72 = arith.constant 384 : i32
      %dma_wait3A_73 = tpu.memref_slice %arg5[%dma_wait3A_72] : memref<512xi32, #tpu.memory_space<vmem>> -> memref<128xi32, #tpu.memory_space<vmem>>
      %dma_wait3A_74 = arith.constant 0 : i32
      %dma_wait3A_75 = arith.constant 0 : i32
      %dma_wait3A_76 = tpu.memref_slice %arg2[%dma_wait3A_74, %dma_wait3A_75] : memref<10240x128xf32, #tpu.memory_space<hbm>> -> memref<10240x128xf32, #tpu.memory_space<hbm>>
      tpu.wait_indirect_dma semaphore(%arg7 : memref<!tpu.dma_semaphore, #tpu.memory_space<semaphore_mem>>) src(%dma_wait3A_76 : memref<10240x128xf32, #tpu.memory_space<hbm>>) dst(%dma_wait3A_71 : memref<128x128xf32, #tpu.memory_space<vmem>>)
      "tpu.region"() ({
        %run_scoped3A = tpu.sem_alloc : memref<!tpu.dma_semaphore, #tpu.memory_space<semaphore_mem>>
        %dma_start3A_77 = arith.constant 0 : i32
        %dma_start3A_78 = tpu.memref_slice %arg4[%add3A_14, %dma_start3A_77] : memref<655360x128xf32, #tpu.memory_space<hbm>> -> memref<512x128xf32, #tpu.memory_space<hbm>>
        %dma_start3A_79 = arith.constant 0 : i32
        %dma_start3A_80 = tpu.memref_slice %arg4[%add3A_14, %dma_start3A_79] : memref<655360x128xf32, #tpu.memory_space<hbm>> -> memref<512x128xf32, #tpu.memory_space<hbm>>
        tpu.enqueue_dma source(%arg6 : memref<512x128xf32, #tpu.memory_space<vmem>>) target(%dma_start3A_80 : memref<512x128xf32, #tpu.memory_space<hbm>>) target_semaphore(%run_scoped3A : memref<!tpu.dma_semaphore, #tpu.memory_space<semaphore_mem>>)
        %dma_wait3A_81 = arith.constant 0 : i32
        %dma_wait3A_82 = tpu.memref_slice %arg4[%add3A_14, %dma_wait3A_81] : memref<655360x128xf32, #tpu.memory_space<hbm>> -> memref<512x128xf32, #tpu.memory_space<hbm>>
        %dma_wait3A_83 = arith.constant 0 : i32
        %dma_wait3A_84 = tpu.memref_slice %arg4[%add3A_14, %dma_wait3A_83] : memref<655360x128xf32, #tpu.memory_space<hbm>> -> memref<512x128xf32, #tpu.memory_space<hbm>>
        tpu.wait_dma2 semaphore(%run_scoped3A : memref<!tpu.dma_semaphore, #tpu.memory_space<semaphore_mem>>) src(%arg6 : memref<512x128xf32, #tpu.memory_space<vmem>>) dst(%dma_wait3A_84 : memref<512x128xf32, #tpu.memory_space<hbm>>)
        tpu.yield
      }) : () -> ()
    }
    %scan3A_6 = arith.constant 40 : i32
    return
  }
}

module attributes {stable_mosaic.version = 14 : i64} {
  func.func @_select_kernel(%arg0: i32, %arg1: memref<80xi32, #tpu.memory_space<smem>>, %arg2: memref<256x4xf32, #tpu.memory_space<vmem>>, %arg3: memref<8x10240xf32, #tpu.memory_space<vmem>>, %arg4: memref<256x64xi32, #tpu.memory_space<vmem>>, %arg5: memref<256x64xf32, #tpu.memory_space<vmem>>) attributes {dimension_semantics = [#tpu.dimension_semantics<arbitrary>], iteration_bounds = array<i64: 40>, scalar_prefetch = 1 : i64, scratch_operands = 0 : i64, tpu.core_type = #tpu.core_type<tc>, window_params = [{transform_indices = @transform_0, window_bounds = array<i64: 256, 4>}, {pipeline_mode = #tpu.pipeline_mode<synchronous>, transform_indices = @transform_1, window_bounds = array<i64: 8, 10240>}, {transform_indices = @transform_2, window_bounds = array<i64: 256, 64>}, {transform_indices = @transform_3, window_bounds = array<i64: 256, 64>}]} {
    %iota3A = tpu.iota {dimensions = array<i32: 1>} : vector<256x128xi32>
    %lt3A = arith.constant 64 : i32
    %lt3A_0 = vector.broadcast %lt3A : i32 to vector<256x128xi32>
    %lt3A_1 = arith.cmpi slt, %iota3A, %lt3A_0 : vector<256x128xi32>
    %get3A = arith.constant 0 : index
    %get3A_2 = arith.constant 0 : index
    %get3A_3 = vector.load %arg2[%get3A, %get3A_2] : memref<256x4xf32, #tpu.memory_space<vmem>>, vector<256x1xf32>
    %get3A_4 = arith.constant 0 : index
    %get3A_5 = arith.constant 1 : index
    %get3A_6 = vector.load %arg2[%get3A_4, %get3A_5] : memref<256x4xf32, #tpu.memory_space<vmem>>, vector<256x1xf32>
    %get3A_7 = arith.constant 0 : index
    %get3A_8 = arith.constant 2 : index
    %get3A_9 = vector.load %arg2[%get3A_7, %get3A_8] : memref<256x4xf32, #tpu.memory_space<vmem>>, vector<256x1xf32>
    %get3A_10 = arith.constant 0 : index
    %get3A_11 = arith.constant 3 : index
    %get3A_12 = vector.load %arg2[%get3A_10, %get3A_11] : memref<256x4xf32, #tpu.memory_space<vmem>>, vector<256x1xf32>
    %broadcast_in_dim3A = arith.constant 0x7F800000 : f32
    %broadcast_in_dim3A_13 = vector.broadcast %broadcast_in_dim3A : f32 to vector<256x128xf32>
    %broadcast_in_dim3A_14 = arith.constant 0 : i32
    %broadcast_in_dim3A_15 = vector.broadcast %broadcast_in_dim3A_14 : i32 to vector<256x128xi32>
    %mul3A = arith.constant 2 : i32
    %mul3A_16 = arith.muli %mul3A, %arg0 : i32
    %get3A_17 = arith.index_cast %mul3A_16 : i32 to index
    %get3A_18 = memref.load %arg1[%get3A_17] : memref<80xi32, #tpu.memory_space<smem>>
    %mul3A_19 = arith.constant 2 : i32
    %mul3A_20 = arith.muli %mul3A_19, %arg0 : i32
    %add3A = arith.constant 1 : i32
    %add3A_21 = arith.addi %mul3A_20, %add3A : i32
    %get3A_22 = arith.index_cast %add3A_21 : i32 to index
    %get3A_23 = memref.load %arg1[%get3A_22] : memref<80xi32, #tpu.memory_space<smem>>
    %while3A = arith.constant 0x7F800000 : f32
    %while3A_24 = arith.subi %get3A_23, %get3A_18 : i32
    %while3A_25 = arith.addi %get3A_18, %while3A_24 : i32
    %while3A_26 = arith.constant 1 : i32
    %while3A_27 = arith.divsi %while3A_24, %while3A_26 : i32
    %while3A_28 = arith.muli %while3A_27, %while3A_26 : i32
    %while3A_29 = arith.addi %get3A_18, %while3A_28 : i32
    %while3A_30 = arith.constant 1 : i32
    %while3A_31:2 = scf.for %while3A_44 = %get3A_18 to %while3A_29 step %while3A_30 iter_args(%while3A_45 = %broadcast_in_dim3A_13, %while3A_46 = %broadcast_in_dim3A_15) -> (vector<256x128xf32>, vector<256x128xi32>)  : i32 {
      %mul3A_47 = arith.constant 128 : i32
      %mul3A_48 = arith.muli %while3A_44, %mul3A_47 : i32
      %get3A_49 = arith.constant 0 : index
      %get3A_50 = arith.index_cast %mul3A_48 : i32 to index
      %get3A_51 = vector.load %arg3[%get3A_49, %get3A_50] : memref<8x10240xf32, #tpu.memory_space<vmem>>, vector<1x128xf32>
      %get3A_52 = arith.constant 1 : index
      %get3A_53 = arith.index_cast %mul3A_48 : i32 to index
      %get3A_54 = vector.load %arg3[%get3A_52, %get3A_53] : memref<8x10240xf32, #tpu.memory_space<vmem>>, vector<1x128xf32>
      %get3A_55 = arith.constant 2 : index
      %get3A_56 = arith.index_cast %mul3A_48 : i32 to index
      %get3A_57 = vector.load %arg3[%get3A_55, %get3A_56] : memref<8x10240xf32, #tpu.memory_space<vmem>>, vector<1x128xf32>
      %get3A_58 = arith.constant 3 : index
      %get3A_59 = arith.index_cast %mul3A_48 : i32 to index
      %get3A_60 = vector.load %arg3[%get3A_58, %get3A_59] : memref<8x10240xf32, #tpu.memory_space<vmem>>, vector<1x128xf32>
      %sub3A = vector.broadcast %get3A_3 : vector<256x1xf32> to vector<256x128xf32>
      %sub3A_61 = vector.broadcast %get3A_51 : vector<1x128xf32> to vector<256x128xf32>
      %sub3A_62 = arith.subf %sub3A, %sub3A_61 : vector<256x128xf32>
      %sub3A_63 = vector.broadcast %get3A_6 : vector<256x1xf32> to vector<256x128xf32>
      %sub3A_64 = vector.broadcast %get3A_54 : vector<1x128xf32> to vector<256x128xf32>
      %sub3A_65 = arith.subf %sub3A_63, %sub3A_64 : vector<256x128xf32>
      %sub3A_66 = vector.broadcast %get3A_9 : vector<256x1xf32> to vector<256x128xf32>
      %sub3A_67 = vector.broadcast %get3A_57 : vector<1x128xf32> to vector<256x128xf32>
      %sub3A_68 = arith.subf %sub3A_66, %sub3A_67 : vector<256x128xf32>
      %mul3A_69 = arith.mulf %sub3A_62, %sub3A_62 : vector<256x128xf32>
      %mul3A_70 = arith.mulf %sub3A_65, %sub3A_65 : vector<256x128xf32>
      %add3A_71 = arith.addf %mul3A_69, %mul3A_70 : vector<256x128xf32>
      %mul3A_72 = arith.mulf %sub3A_68, %sub3A_68 : vector<256x128xf32>
      %add3A_73 = arith.addf %add3A_71, %mul3A_72 : vector<256x128xf32>
      %eq3A = vector.broadcast %get3A_12 : vector<256x1xf32> to vector<256x128xf32>
      %eq3A_74 = vector.broadcast %get3A_60 : vector<1x128xf32> to vector<256x128xf32>
      %eq3A_75 = arith.cmpf oeq, %eq3A, %eq3A_74 : vector<256x128xf32>
      %le3A = arith.constant 2.500000e+01 : f32
      %le3A_76 = vector.broadcast %le3A : f32 to vector<256x128xf32>
      %le3A_77 = arith.cmpf ole, %add3A_73, %le3A_76 : vector<256x128xf32>
      %and3A = arith.andi %eq3A_75, %le3A_77 : vector<256x128xi1>
      %broadcast_in_dim3A_78 = vector.broadcast %while3A : f32 to vector<256x128xf32>
      %select_n3A = arith.select %and3A, %add3A_73, %broadcast_in_dim3A_78 : vector<256x128xi1>, vector<256x128xf32>
      %add3A_79 = vector.broadcast %mul3A_48 : i32 to vector<256x128xi32>
      %add3A_80 = arith.addi %iota3A, %add3A_79 : vector<256x128xi32>
      %and3A_81 = arith.constant 2 : i32
      %and3A_82 = vector.broadcast %and3A_81 : i32 to vector<256x128xi32>
      %and3A_83 = arith.andi %iota3A, %and3A_82 : vector<256x128xi32>
      %ne3A = arith.constant 0 : i32
      %ne3A_84 = vector.broadcast %ne3A : i32 to vector<256x128xi32>
      %ne3A_85 = arith.cmpi ne, %and3A_83, %ne3A_84 : vector<256x128xi32>
      %and3A_86 = arith.constant 1 : i32
      %and3A_87 = vector.broadcast %and3A_86 : i32 to vector<256x128xi32>
      %and3A_88 = arith.andi %iota3A, %and3A_87 : vector<256x128xi32>
      %ne3A_89 = arith.constant 0 : i32
      %ne3A_90 = vector.broadcast %ne3A_89 : i32 to vector<256x128xi32>
      %ne3A_91 = arith.cmpi ne, %and3A_88, %ne3A_90 : vector<256x128xi32>
      %xor3A = arith.xori %ne3A_85, %ne3A_91 : vector<256x128xi1>
      %and3A_92 = arith.constant 1 : i32
      %and3A_93 = vector.broadcast %and3A_92 : i32 to vector<256x128xi32>
      %and3A_94 = arith.andi %iota3A, %and3A_93 : vector<256x128xi32>
      %ne3A_95 = arith.constant 0 : i32
      %ne3A_96 = vector.broadcast %ne3A_95 : i32 to vector<256x128xi32>
      %ne3A_97 = arith.cmpi ne, %and3A_94, %ne3A_96 : vector<256x128xi32>
      %slice3A_98 = vector.extract_strided_slice %select_n3A {offsets = [0, 127], sizes = [256, 1], strides = [1, 1]} : vector<256x128xf32> to vector<256x1xf32>
      %slice3A_99 = vector.extract_strided_slice %select_n3A {offsets = [0, 0], sizes = [256, 127], strides = [1, 1]} : vector<256x128xf32> to vector<256x127xf32>
      %concatenate3A = tpu.concatenate %slice3A_98, %slice3A_99 in 1 : vector<256x1xf32>, vector<256x127xf32> -> vector<256x128xf32>
      %slice3A_100 = vector.extract_strided_slice %select_n3A {offsets = [0, 1], sizes = [256, 127], strides = [1, 1]} : vector<256x128xf32> to vector<256x127xf32>
      %slice3A_101 = vector.extract_strided_slice %select_n3A {offsets = [0, 0], sizes = [256, 1], strides = [1, 1]} : vector<256x128xf32> to vector<256x1xf32>
      %concatenate3A_102 = tpu.concatenate %slice3A_100, %slice3A_101 in 1 : vector<256x127xf32>, vector<256x1xf32> -> vector<256x128xf32>
      %select_n3A_103 = arith.select %ne3A_97, %concatenate3A, %concatenate3A_102 : vector<256x128xi1>, vector<256x128xf32>
      %slice3A_104 = vector.extract_strided_slice %add3A_80 {offsets = [0, 127], sizes = [256, 1], strides = [1, 1]} : vector<256x128xi32> to vector<256x1xi32>
      %slice3A_105 = vector.extract_strided_slice %add3A_80 {offsets = [0, 0], sizes = [256, 127], strides = [1, 1]} : vector<256x128xi32> to vector<256x127xi32>
      %concatenate3A_106 = tpu.concatenate %slice3A_104, %slice3A_105 in 1 : vector<256x1xi32>, vector<256x127xi32> -> vector<256x128xi32>
      %slice3A_107 = vector.extract_strided_slice %add3A_80 {offsets = [0, 1], sizes = [256, 127], strides = [1, 1]} : vector<256x128xi32> to vector<256x127xi32>
      %slice3A_108 = vector.extract_strided_slice %add3A_80 {offsets = [0, 0], sizes = [256, 1], strides = [1, 1]} : vector<256x128xi32> to vector<256x1xi32>
      %concatenate3A_109 = tpu.concatenate %slice3A_107, %slice3A_108 in 1 : vector<256x127xi32>, vector<256x1xi32> -> vector<256x128xi32>
      %select_n3A_110 = arith.select %ne3A_97, %concatenate3A_106, %concatenate3A_109 : vector<256x128xi1>, vector<256x128xi32>
      %lt3A_111 = arith.cmpf olt, %select_n3A_103, %select_n3A : vector<256x128xf32>
      %and3A_112 = arith.andi %xor3A, %lt3A_111 : vector<256x128xi1>
      %not3A = arith.constant dense<true> : vector<256x128xi1>
      %not3A_113 = arith.xori %xor3A, %not3A : vector<256x128xi1>
      %gt3A = arith.cmpf ogt, %select_n3A_103, %select_n3A : vector<256x128xf32>
      %and3A_114 = arith.andi %not3A_113, %gt3A : vector<256x128xi1>
      %or3A = arith.ori %and3A_112, %and3A_114 : vector<256x128xi1>
      %select_n3A_115 = arith.select %or3A, %select_n3A_103, %select_n3A : vector<256x128xi1>, vector<256x128xf32>
      %select_n3A_116 = arith.select %or3A, %select_n3A_110, %add3A_80 : vector<256x128xi1>, vector<256x128xi32>
      %and3A_117 = arith.constant 4 : i32
      %and3A_118 = vector.broadcast %and3A_117 : i32 to vector<256x128xi32>
      %and3A_119 = arith.andi %iota3A, %and3A_118 : vector<256x128xi32>
      %ne3A_120 = arith.constant 0 : i32
      %ne3A_121 = vector.broadcast %ne3A_120 : i32 to vector<256x128xi32>
      %ne3A_122 = arith.cmpi ne, %and3A_119, %ne3A_121 : vector<256x128xi32>
      %and3A_123 = arith.constant 2 : i32
      %and3A_124 = vector.broadcast %and3A_123 : i32 to vector<256x128xi32>
      %and3A_125 = arith.andi %iota3A, %and3A_124 : vector<256x128xi32>
      %ne3A_126 = arith.constant 0 : i32
      %ne3A_127 = vector.broadcast %ne3A_126 : i32 to vector<256x128xi32>
      %ne3A_128 = arith.cmpi ne, %and3A_125, %ne3A_127 : vector<256x128xi32>
      %xor3A_129 = arith.xori %ne3A_122, %ne3A_128 : vector<256x128xi1>
      %and3A_130 = arith.constant 2 : i32
      %and3A_131 = vector.broadcast %and3A_130 : i32 to vector<256x128xi32>
      %and3A_132 = arith.andi %iota3A, %and3A_131 : vector<256x128xi32>
      %ne3A_133 = arith.constant 0 : i32
      %ne3A_134 = vector.broadcast %ne3A_133 : i32 to vector<256x128xi32>
      %ne3A_135 = arith.cmpi ne, %and3A_132, %ne3A_134 : vector<256x128xi32>
      %slice3A_136 = vector.extract_strided_slice %select_n3A_115 {offsets = [0, 126], sizes = [256, 2], strides = [1, 1]} : vector<256x128xf32> to vector<256x2xf32>
      %slice3A_137 = vector.extract_strided_slice %select_n3A_115 {offsets = [0, 0], sizes = [256, 126], strides = [1, 1]} : vector<256x128xf32> to vector<256x126xf32>
      %concatenate3A_138 = tpu.concatenate %slice3A_136, %slice3A_137 in 1 : vector<256x2xf32>, vector<256x126xf32> -> vector<256x128xf32>
      %slice3A_139 = vector.extract_strided_slice %select_n3A_115 {offsets = [0, 2], sizes = [256, 126], strides = [1, 1]} : vector<256x128xf32> to vector<256x126xf32>
      %slice3A_140 = vector.extract_strided_slice %select_n3A_115 {offsets = [0, 0], sizes = [256, 2], strides = [1, 1]} : vector<256x128xf32> to vector<256x2xf32>
      %concatenate3A_141 = tpu.concatenate %slice3A_139, %slice3A_140 in 1 : vector<256x126xf32>, vector<256x2xf32> -> vector<256x128xf32>
      %select_n3A_142 = arith.select %ne3A_135, %concatenate3A_138, %concatenate3A_141 : vector<256x128xi1>, vector<256x128xf32>
      %slice3A_143 = vector.extract_strided_slice %select_n3A_116 {offsets = [0, 126], sizes = [256, 2], strides = [1, 1]} : vector<256x128xi32> to vector<256x2xi32>
      %slice3A_144 = vector.extract_strided_slice %select_n3A_116 {offsets = [0, 0], sizes = [256, 126], strides = [1, 1]} : vector<256x128xi32> to vector<256x126xi32>
      %concatenate3A_145 = tpu.concatenate %slice3A_143, %slice3A_144 in 1 : vector<256x2xi32>, vector<256x126xi32> -> vector<256x128xi32>
      %slice3A_146 = vector.extract_strided_slice %select_n3A_116 {offsets = [0, 2], sizes = [256, 126], strides = [1, 1]} : vector<256x128xi32> to vector<256x126xi32>
      %slice3A_147 = vector.extract_strided_slice %select_n3A_116 {offsets = [0, 0], sizes = [256, 2], strides = [1, 1]} : vector<256x128xi32> to vector<256x2xi32>
      %concatenate3A_148 = tpu.concatenate %slice3A_146, %slice3A_147 in 1 : vector<256x126xi32>, vector<256x2xi32> -> vector<256x128xi32>
      %select_n3A_149 = arith.select %ne3A_135, %concatenate3A_145, %concatenate3A_148 : vector<256x128xi1>, vector<256x128xi32>
      %lt3A_150 = arith.cmpf olt, %select_n3A_142, %select_n3A_115 : vector<256x128xf32>
      %and3A_151 = arith.andi %xor3A_129, %lt3A_150 : vector<256x128xi1>
      %not3A_152 = arith.constant dense<true> : vector<256x128xi1>
      %not3A_153 = arith.xori %xor3A_129, %not3A_152 : vector<256x128xi1>
      %gt3A_154 = arith.cmpf ogt, %select_n3A_142, %select_n3A_115 : vector<256x128xf32>
      %and3A_155 = arith.andi %not3A_153, %gt3A_154 : vector<256x128xi1>
      %or3A_156 = arith.ori %and3A_151, %and3A_155 : vector<256x128xi1>
      %select_n3A_157 = arith.select %or3A_156, %select_n3A_142, %select_n3A_115 : vector<256x128xi1>, vector<256x128xf32>
      %select_n3A_158 = arith.select %or3A_156, %select_n3A_149, %select_n3A_116 : vector<256x128xi1>, vector<256x128xi32>
      %and3A_159 = arith.constant 4 : i32
      %and3A_160 = vector.broadcast %and3A_159 : i32 to vector<256x128xi32>
      %and3A_161 = arith.andi %iota3A, %and3A_160 : vector<256x128xi32>
      %ne3A_162 = arith.constant 0 : i32
      %ne3A_163 = vector.broadcast %ne3A_162 : i32 to vector<256x128xi32>
      %ne3A_164 = arith.cmpi ne, %and3A_161, %ne3A_163 : vector<256x128xi32>
      %and3A_165 = arith.constant 1 : i32
      %and3A_166 = vector.broadcast %and3A_165 : i32 to vector<256x128xi32>
      %and3A_167 = arith.andi %iota3A, %and3A_166 : vector<256x128xi32>
      %ne3A_168 = arith.constant 0 : i32
      %ne3A_169 = vector.broadcast %ne3A_168 : i32 to vector<256x128xi32>
      %ne3A_170 = arith.cmpi ne, %and3A_167, %ne3A_169 : vector<256x128xi32>
      %xor3A_171 = arith.xori %ne3A_164, %ne3A_170 : vector<256x128xi1>
      %and3A_172 = arith.constant 1 : i32
      %and3A_173 = vector.broadcast %and3A_172 : i32 to vector<256x128xi32>
      %and3A_174 = arith.andi %iota3A, %and3A_173 : vector<256x128xi32>
      %ne3A_175 = arith.constant 0 : i32
      %ne3A_176 = vector.broadcast %ne3A_175 : i32 to vector<256x128xi32>
      %ne3A_177 = arith.cmpi ne, %and3A_174, %ne3A_176 : vector<256x128xi32>
      %slice3A_178 = vector.extract_strided_slice %select_n3A_157 {offsets = [0, 127], sizes = [256, 1], strides = [1, 1]} : vector<256x128xf32> to vector<256x1xf32>
      %slice3A_179 = vector.extract_strided_slice %select_n3A_157 {offsets = [0, 0], sizes = [256, 127], strides = [1, 1]} : vector<256x128xf32> to vector<256x127xf32>
      %concatenate3A_180 = tpu.concatenate %slice3A_178, %slice3A_179 in 1 : vector<256x1xf32>, vector<256x127xf32> -> vector<256x128xf32>
      %slice3A_181 = vector.extract_strided_slice %select_n3A_157 {offsets = [0, 1], sizes = [256, 127], strides = [1, 1]} : vector<256x128xf32> to vector<256x127xf32>
      %slice3A_182 = vector.extract_strided_slice %select_n3A_157 {offsets = [0, 0], sizes = [256, 1], strides = [1, 1]} : vector<256x128xf32> to vector<256x1xf32>
      %concatenate3A_183 = tpu.concatenate %slice3A_181, %slice3A_182 in 1 : vector<256x127xf32>, vector<256x1xf32> -> vector<256x128xf32>
      %select_n3A_184 = arith.select %ne3A_177, %concatenate3A_180, %concatenate3A_183 : vector<256x128xi1>, vector<256x128xf32>
      %slice3A_185 = vector.extract_strided_slice %select_n3A_158 {offsets = [0, 127], sizes = [256, 1], strides = [1, 1]} : vector<256x128xi32> to vector<256x1xi32>
      %slice3A_186 = vector.extract_strided_slice %select_n3A_158 {offsets = [0, 0], sizes = [256, 127], strides = [1, 1]} : vector<256x128xi32> to vector<256x127xi32>
      %concatenate3A_187 = tpu.concatenate %slice3A_185, %slice3A_186 in 1 : vector<256x1xi32>, vector<256x127xi32> -> vector<256x128xi32>
      %slice3A_188 = vector.extract_strided_slice %select_n3A_158 {offsets = [0, 1], sizes = [256, 127], strides = [1, 1]} : vector<256x128xi32> to vector<256x127xi32>
      %slice3A_189 = vector.extract_strided_slice %select_n3A_158 {offsets = [0, 0], sizes = [256, 1], strides = [1, 1]} : vector<256x128xi32> to vector<256x1xi32>
      %concatenate3A_190 = tpu.concatenate %slice3A_188, %slice3A_189 in 1 : vector<256x127xi32>, vector<256x1xi32> -> vector<256x128xi32>
      %select_n3A_191 = arith.select %ne3A_177, %concatenate3A_187, %concatenate3A_190 : vector<256x128xi1>, vector<256x128xi32>
      %lt3A_192 = arith.cmpf olt, %select_n3A_184, %select_n3A_157 : vector<256x128xf32>
      %and3A_193 = arith.andi %xor3A_171, %lt3A_192 : vector<256x128xi1>
      %not3A_194 = arith.constant dense<true> : vector<256x128xi1>
      %not3A_195 = arith.xori %xor3A_171, %not3A_194 : vector<256x128xi1>
      %gt3A_196 = arith.cmpf ogt, %select_n3A_184, %select_n3A_157 : vector<256x128xf32>
      %and3A_197 = arith.andi %not3A_195, %gt3A_196 : vector<256x128xi1>
      %or3A_198 = arith.ori %and3A_193, %and3A_197 : vector<256x128xi1>
      %select_n3A_199 = arith.select %or3A_198, %select_n3A_184, %select_n3A_157 : vector<256x128xi1>, vector<256x128xf32>
      %select_n3A_200 = arith.select %or3A_198, %select_n3A_191, %select_n3A_158 : vector<256x128xi1>, vector<256x128xi32>
      %and3A_201 = arith.constant 8 : i32
      %and3A_202 = vector.broadcast %and3A_201 : i32 to vector<256x128xi32>
      %and3A_203 = arith.andi %iota3A, %and3A_202 : vector<256x128xi32>
      %ne3A_204 = arith.constant 0 : i32
      %ne3A_205 = vector.broadcast %ne3A_204 : i32 to vector<256x128xi32>
      %ne3A_206 = arith.cmpi ne, %and3A_203, %ne3A_205 : vector<256x128xi32>
      %and3A_207 = arith.constant 4 : i32
      %and3A_208 = vector.broadcast %and3A_207 : i32 to vector<256x128xi32>
      %and3A_209 = arith.andi %iota3A, %and3A_208 : vector<256x128xi32>
      %ne3A_210 = arith.constant 0 : i32
      %ne3A_211 = vector.broadcast %ne3A_210 : i32 to vector<256x128xi32>
      %ne3A_212 = arith.cmpi ne, %and3A_209, %ne3A_211 : vector<256x128xi32>
      %xor3A_213 = arith.xori %ne3A_206, %ne3A_212 : vector<256x128xi1>
      %and3A_214 = arith.constant 4 : i32
      %and3A_215 = vector.broadcast %and3A_214 : i32 to vector<256x128xi32>
      %and3A_216 = arith.andi %iota3A, %and3A_215 : vector<256x128xi32>
      %ne3A_217 = arith.constant 0 : i32
      %ne3A_218 = vector.broadcast %ne3A_217 : i32 to vector<256x128xi32>
      %ne3A_219 = arith.cmpi ne, %and3A_216, %ne3A_218 : vector<256x128xi32>
      %slice3A_220 = vector.extract_strided_slice %select_n3A_199 {offsets = [0, 124], sizes = [256, 4], strides = [1, 1]} : vector<256x128xf32> to vector<256x4xf32>
      %slice3A_221 = vector.extract_strided_slice %select_n3A_199 {offsets = [0, 0], sizes = [256, 124], strides = [1, 1]} : vector<256x128xf32> to vector<256x124xf32>
      %concatenate3A_222 = tpu.concatenate %slice3A_220, %slice3A_221 in 1 : vector<256x4xf32>, vector<256x124xf32> -> vector<256x128xf32>
      %slice3A_223 = vector.extract_strided_slice %select_n3A_199 {offsets = [0, 4], sizes = [256, 124], strides = [1, 1]} : vector<256x128xf32> to vector<256x124xf32>
      %slice3A_224 = vector.extract_strided_slice %select_n3A_199 {offsets = [0, 0], sizes = [256, 4], strides = [1, 1]} : vector<256x128xf32> to vector<256x4xf32>
      %concatenate3A_225 = tpu.concatenate %slice3A_223, %slice3A_224 in 1 : vector<256x124xf32>, vector<256x4xf32> -> vector<256x128xf32>
      %select_n3A_226 = arith.select %ne3A_219, %concatenate3A_222, %concatenate3A_225 : vector<256x128xi1>, vector<256x128xf32>
      %slice3A_227 = vector.extract_strided_slice %select_n3A_200 {offsets = [0, 124], sizes = [256, 4], strides = [1, 1]} : vector<256x128xi32> to vector<256x4xi32>
      %slice3A_228 = vector.extract_strided_slice %select_n3A_200 {offsets = [0, 0], sizes = [256, 124], strides = [1, 1]} : vector<256x128xi32> to vector<256x124xi32>
      %concatenate3A_229 = tpu.concatenate %slice3A_227, %slice3A_228 in 1 : vector<256x4xi32>, vector<256x124xi32> -> vector<256x128xi32>
      %slice3A_230 = vector.extract_strided_slice %select_n3A_200 {offsets = [0, 4], sizes = [256, 124], strides = [1, 1]} : vector<256x128xi32> to vector<256x124xi32>
      %slice3A_231 = vector.extract_strided_slice %select_n3A_200 {offsets = [0, 0], sizes = [256, 4], strides = [1, 1]} : vector<256x128xi32> to vector<256x4xi32>
      %concatenate3A_232 = tpu.concatenate %slice3A_230, %slice3A_231 in 1 : vector<256x124xi32>, vector<256x4xi32> -> vector<256x128xi32>
      %select_n3A_233 = arith.select %ne3A_219, %concatenate3A_229, %concatenate3A_232 : vector<256x128xi1>, vector<256x128xi32>
      %lt3A_234 = arith.cmpf olt, %select_n3A_226, %select_n3A_199 : vector<256x128xf32>
      %and3A_235 = arith.andi %xor3A_213, %lt3A_234 : vector<256x128xi1>
      %not3A_236 = arith.constant dense<true> : vector<256x128xi1>
      %not3A_237 = arith.xori %xor3A_213, %not3A_236 : vector<256x128xi1>
      %gt3A_238 = arith.cmpf ogt, %select_n3A_226, %select_n3A_199 : vector<256x128xf32>
      %and3A_239 = arith.andi %not3A_237, %gt3A_238 : vector<256x128xi1>
      %or3A_240 = arith.ori %and3A_235, %and3A_239 : vector<256x128xi1>
      %select_n3A_241 = arith.select %or3A_240, %select_n3A_226, %select_n3A_199 : vector<256x128xi1>, vector<256x128xf32>
      %select_n3A_242 = arith.select %or3A_240, %select_n3A_233, %select_n3A_200 : vector<256x128xi1>, vector<256x128xi32>
      %and3A_243 = arith.constant 8 : i32
      %and3A_244 = vector.broadcast %and3A_243 : i32 to vector<256x128xi32>
      %and3A_245 = arith.andi %iota3A, %and3A_244 : vector<256x128xi32>
      %ne3A_246 = arith.constant 0 : i32
      %ne3A_247 = vector.broadcast %ne3A_246 : i32 to vector<256x128xi32>
      %ne3A_248 = arith.cmpi ne, %and3A_245, %ne3A_247 : vector<256x128xi32>
      %and3A_249 = arith.constant 2 : i32
      %and3A_250 = vector.broadcast %and3A_249 : i32 to vector<256x128xi32>
      %and3A_251 = arith.andi %iota3A, %and3A_250 : vector<256x128xi32>
      %ne3A_252 = arith.constant 0 : i32
      %ne3A_253 = vector.broadcast %ne3A_252 : i32 to vector<256x128xi32>
      %ne3A_254 = arith.cmpi ne, %and3A_251, %ne3A_253 : vector<256x128xi32>
      %xor3A_255 = arith.xori %ne3A_248, %ne3A_254 : vector<256x128xi1>
      %and3A_256 = arith.constant 2 : i32
      %and3A_257 = vector.broadcast %and3A_256 : i32 to vector<256x128xi32>
      %and3A_258 = arith.andi %iota3A, %and3A_257 : vector<256x128xi32>
      %ne3A_259 = arith.constant 0 : i32
      %ne3A_260 = vector.broadcast %ne3A_259 : i32 to vector<256x128xi32>
      %ne3A_261 = arith.cmpi ne, %and3A_258, %ne3A_260 : vector<256x128xi32>
      %slice3A_262 = vector.extract_strided_slice %select_n3A_241 {offsets = [0, 126], sizes = [256, 2], strides = [1, 1]} : vector<256x128xf32> to vector<256x2xf32>
      %slice3A_263 = vector.extract_strided_slice %select_n3A_241 {offsets = [0, 0], sizes = [256, 126], strides = [1, 1]} : vector<256x128xf32> to vector<256x126xf32>
      %concatenate3A_264 = tpu.concatenate %slice3A_262, %slice3A_263 in 1 : vector<256x2xf32>, vector<256x126xf32> -> vector<256x128xf32>
      %slice3A_265 = vector.extract_strided_slice %select_n3A_241 {offsets = [0, 2], sizes = [256, 126], strides = [1, 1]} : vector<256x128xf32> to vector<256x126xf32>
      %slice3A_266 = vector.extract_strided_slice %select_n3A_241 {offsets = [0, 0], sizes = [256, 2], strides = [1, 1]} : vector<256x128xf32> to vector<256x2xf32>
      %concatenate3A_267 = tpu.concatenate %slice3A_265, %slice3A_266 in 1 : vector<256x126xf32>, vector<256x2xf32> -> vector<256x128xf32>
      %select_n3A_268 = arith.select %ne3A_261, %concatenate3A_264, %concatenate3A_267 : vector<256x128xi1>, vector<256x128xf32>
      %slice3A_269 = vector.extract_strided_slice %select_n3A_242 {offsets = [0, 126], sizes = [256, 2], strides = [1, 1]} : vector<256x128xi32> to vector<256x2xi32>
      %slice3A_270 = vector.extract_strided_slice %select_n3A_242 {offsets = [0, 0], sizes = [256, 126], strides = [1, 1]} : vector<256x128xi32> to vector<256x126xi32>
      %concatenate3A_271 = tpu.concatenate %slice3A_269, %slice3A_270 in 1 : vector<256x2xi32>, vector<256x126xi32> -> vector<256x128xi32>
      %slice3A_272 = vector.extract_strided_slice %select_n3A_242 {offsets = [0, 2], sizes = [256, 126], strides = [1, 1]} : vector<256x128xi32> to vector<256x126xi32>
      %slice3A_273 = vector.extract_strided_slice %select_n3A_242 {offsets = [0, 0], sizes = [256, 2], strides = [1, 1]} : vector<256x128xi32> to vector<256x2xi32>
      %concatenate3A_274 = tpu.concatenate %slice3A_272, %slice3A_273 in 1 : vector<256x126xi32>, vector<256x2xi32> -> vector<256x128xi32>
      %select_n3A_275 = arith.select %ne3A_261, %concatenate3A_271, %concatenate3A_274 : vector<256x128xi1>, vector<256x128xi32>
      %lt3A_276 = arith.cmpf olt, %select_n3A_268, %select_n3A_241 : vector<256x128xf32>
      %and3A_277 = arith.andi %xor3A_255, %lt3A_276 : vector<256x128xi1>
      %not3A_278 = arith.constant dense<true> : vector<256x128xi1>
      %not3A_279 = arith.xori %xor3A_255, %not3A_278 : vector<256x128xi1>
      %gt3A_280 = arith.cmpf ogt, %select_n3A_268, %select_n3A_241 : vector<256x128xf32>
      %and3A_281 = arith.andi %not3A_279, %gt3A_280 : vector<256x128xi1>
      %or3A_282 = arith.ori %and3A_277, %and3A_281 : vector<256x128xi1>
      %select_n3A_283 = arith.select %or3A_282, %select_n3A_268, %select_n3A_241 : vector<256x128xi1>, vector<256x128xf32>
      %select_n3A_284 = arith.select %or3A_282, %select_n3A_275, %select_n3A_242 : vector<256x128xi1>, vector<256x128xi32>
      %and3A_285 = arith.constant 8 : i32
      %and3A_286 = vector.broadcast %and3A_285 : i32 to vector<256x128xi32>
      %and3A_287 = arith.andi %iota3A, %and3A_286 : vector<256x128xi32>
      %ne3A_288 = arith.constant 0 : i32
      %ne3A_289 = vector.broadcast %ne3A_288 : i32 to vector<256x128xi32>
      %ne3A_290 = arith.cmpi ne, %and3A_287, %ne3A_289 : vector<256x128xi32>
      %and3A_291 = arith.constant 1 : i32
      %and3A_292 = vector.broadcast %and3A_291 : i32 to vector<256x128xi32>
      %and3A_293 = arith.andi %iota3A, %and3A_292 : vector<256x128xi32>
      %ne3A_294 = arith.constant 0 : i32
      %ne3A_295 = vector.broadcast %ne3A_294 : i32 to vector<256x128xi32>
      %ne3A_296 = arith.cmpi ne, %and3A_293, %ne3A_295 : vector<256x128xi32>
      %xor3A_297 = arith.xori %ne3A_290, %ne3A_296 : vector<256x128xi1>
      %and3A_298 = arith.constant 1 : i32
      %and3A_299 = vector.broadcast %and3A_298 : i32 to vector<256x128xi32>
      %and3A_300 = arith.andi %iota3A, %and3A_299 : vector<256x128xi32>
      %ne3A_301 = arith.constant 0 : i32
      %ne3A_302 = vector.broadcast %ne3A_301 : i32 to vector<256x128xi32>
      %ne3A_303 = arith.cmpi ne, %and3A_300, %ne3A_302 : vector<256x128xi32>
      %slice3A_304 = vector.extract_strided_slice %select_n3A_283 {offsets = [0, 127], sizes = [256, 1], strides = [1, 1]} : vector<256x128xf32> to vector<256x1xf32>
      %slice3A_305 = vector.extract_strided_slice %select_n3A_283 {offsets = [0, 0], sizes = [256, 127], strides = [1, 1]} : vector<256x128xf32> to vector<256x127xf32>
      %concatenate3A_306 = tpu.concatenate %slice3A_304, %slice3A_305 in 1 : vector<256x1xf32>, vector<256x127xf32> -> vector<256x128xf32>
      %slice3A_307 = vector.extract_strided_slice %select_n3A_283 {offsets = [0, 1], sizes = [256, 127], strides = [1, 1]} : vector<256x128xf32> to vector<256x127xf32>
      %slice3A_308 = vector.extract_strided_slice %select_n3A_283 {offsets = [0, 0], sizes = [256, 1], strides = [1, 1]} : vector<256x128xf32> to vector<256x1xf32>
      %concatenate3A_309 = tpu.concatenate %slice3A_307, %slice3A_308 in 1 : vector<256x127xf32>, vector<256x1xf32> -> vector<256x128xf32>
      %select_n3A_310 = arith.select %ne3A_303, %concatenate3A_306, %concatenate3A_309 : vector<256x128xi1>, vector<256x128xf32>
      %slice3A_311 = vector.extract_strided_slice %select_n3A_284 {offsets = [0, 127], sizes = [256, 1], strides = [1, 1]} : vector<256x128xi32> to vector<256x1xi32>
      %slice3A_312 = vector.extract_strided_slice %select_n3A_284 {offsets = [0, 0], sizes = [256, 127], strides = [1, 1]} : vector<256x128xi32> to vector<256x127xi32>
      %concatenate3A_313 = tpu.concatenate %slice3A_311, %slice3A_312 in 1 : vector<256x1xi32>, vector<256x127xi32> -> vector<256x128xi32>
      %slice3A_314 = vector.extract_strided_slice %select_n3A_284 {offsets = [0, 1], sizes = [256, 127], strides = [1, 1]} : vector<256x128xi32> to vector<256x127xi32>
      %slice3A_315 = vector.extract_strided_slice %select_n3A_284 {offsets = [0, 0], sizes = [256, 1], strides = [1, 1]} : vector<256x128xi32> to vector<256x1xi32>
      %concatenate3A_316 = tpu.concatenate %slice3A_314, %slice3A_315 in 1 : vector<256x127xi32>, vector<256x1xi32> -> vector<256x128xi32>
      %select_n3A_317 = arith.select %ne3A_303, %concatenate3A_313, %concatenate3A_316 : vector<256x128xi1>, vector<256x128xi32>
      %lt3A_318 = arith.cmpf olt, %select_n3A_310, %select_n3A_283 : vector<256x128xf32>
      %and3A_319 = arith.andi %xor3A_297, %lt3A_318 : vector<256x128xi1>
      %not3A_320 = arith.constant dense<true> : vector<256x128xi1>
      %not3A_321 = arith.xori %xor3A_297, %not3A_320 : vector<256x128xi1>
      %gt3A_322 = arith.cmpf ogt, %select_n3A_310, %select_n3A_283 : vector<256x128xf32>
      %and3A_323 = arith.andi %not3A_321, %gt3A_322 : vector<256x128xi1>
      %or3A_324 = arith.ori %and3A_319, %and3A_323 : vector<256x128xi1>
      %select_n3A_325 = arith.select %or3A_324, %select_n3A_310, %select_n3A_283 : vector<256x128xi1>, vector<256x128xf32>
      %select_n3A_326 = arith.select %or3A_324, %select_n3A_317, %select_n3A_284 : vector<256x128xi1>, vector<256x128xi32>
      %and3A_327 = arith.constant 16 : i32
      %and3A_328 = vector.broadcast %and3A_327 : i32 to vector<256x128xi32>
      %and3A_329 = arith.andi %iota3A, %and3A_328 : vector<256x128xi32>
      %ne3A_330 = arith.constant 0 : i32
      %ne3A_331 = vector.broadcast %ne3A_330 : i32 to vector<256x128xi32>
      %ne3A_332 = arith.cmpi ne, %and3A_329, %ne3A_331 : vector<256x128xi32>
      %and3A_333 = arith.constant 8 : i32
      %and3A_334 = vector.broadcast %and3A_333 : i32 to vector<256x128xi32>
      %and3A_335 = arith.andi %iota3A, %and3A_334 : vector<256x128xi32>
      %ne3A_336 = arith.constant 0 : i32
      %ne3A_337 = vector.broadcast %ne3A_336 : i32 to vector<256x128xi32>
      %ne3A_338 = arith.cmpi ne, %and3A_335, %ne3A_337 : vector<256x128xi32>
      %xor3A_339 = arith.xori %ne3A_332, %ne3A_338 : vector<256x128xi1>
      %and3A_340 = arith.constant 8 : i32
      %and3A_341 = vector.broadcast %and3A_340 : i32 to vector<256x128xi32>
      %and3A_342 = arith.andi %iota3A, %and3A_341 : vector<256x128xi32>
      %ne3A_343 = arith.constant 0 : i32
      %ne3A_344 = vector.broadcast %ne3A_343 : i32 to vector<256x128xi32>
      %ne3A_345 = arith.cmpi ne, %and3A_342, %ne3A_344 : vector<256x128xi32>
      %slice3A_346 = vector.extract_strided_slice %select_n3A_325 {offsets = [0, 120], sizes = [256, 8], strides = [1, 1]} : vector<256x128xf32> to vector<256x8xf32>
      %slice3A_347 = vector.extract_strided_slice %select_n3A_325 {offsets = [0, 0], sizes = [256, 120], strides = [1, 1]} : vector<256x128xf32> to vector<256x120xf32>
      %concatenate3A_348 = tpu.concatenate %slice3A_346, %slice3A_347 in 1 : vector<256x8xf32>, vector<256x120xf32> -> vector<256x128xf32>
      %slice3A_349 = vector.extract_strided_slice %select_n3A_325 {offsets = [0, 8], sizes = [256, 120], strides = [1, 1]} : vector<256x128xf32> to vector<256x120xf32>
      %slice3A_350 = vector.extract_strided_slice %select_n3A_325 {offsets = [0, 0], sizes = [256, 8], strides = [1, 1]} : vector<256x128xf32> to vector<256x8xf32>
      %concatenate3A_351 = tpu.concatenate %slice3A_349, %slice3A_350 in 1 : vector<256x120xf32>, vector<256x8xf32> -> vector<256x128xf32>
      %select_n3A_352 = arith.select %ne3A_345, %concatenate3A_348, %concatenate3A_351 : vector<256x128xi1>, vector<256x128xf32>
      %slice3A_353 = vector.extract_strided_slice %select_n3A_326 {offsets = [0, 120], sizes = [256, 8], strides = [1, 1]} : vector<256x128xi32> to vector<256x8xi32>
      %slice3A_354 = vector.extract_strided_slice %select_n3A_326 {offsets = [0, 0], sizes = [256, 120], strides = [1, 1]} : vector<256x128xi32> to vector<256x120xi32>
      %concatenate3A_355 = tpu.concatenate %slice3A_353, %slice3A_354 in 1 : vector<256x8xi32>, vector<256x120xi32> -> vector<256x128xi32>
      %slice3A_356 = vector.extract_strided_slice %select_n3A_326 {offsets = [0, 8], sizes = [256, 120], strides = [1, 1]} : vector<256x128xi32> to vector<256x120xi32>
      %slice3A_357 = vector.extract_strided_slice %select_n3A_326 {offsets = [0, 0], sizes = [256, 8], strides = [1, 1]} : vector<256x128xi32> to vector<256x8xi32>
      %concatenate3A_358 = tpu.concatenate %slice3A_356, %slice3A_357 in 1 : vector<256x120xi32>, vector<256x8xi32> -> vector<256x128xi32>
      %select_n3A_359 = arith.select %ne3A_345, %concatenate3A_355, %concatenate3A_358 : vector<256x128xi1>, vector<256x128xi32>
      %lt3A_360 = arith.cmpf olt, %select_n3A_352, %select_n3A_325 : vector<256x128xf32>
      %and3A_361 = arith.andi %xor3A_339, %lt3A_360 : vector<256x128xi1>
      %not3A_362 = arith.constant dense<true> : vector<256x128xi1>
      %not3A_363 = arith.xori %xor3A_339, %not3A_362 : vector<256x128xi1>
      %gt3A_364 = arith.cmpf ogt, %select_n3A_352, %select_n3A_325 : vector<256x128xf32>
      %and3A_365 = arith.andi %not3A_363, %gt3A_364 : vector<256x128xi1>
      %or3A_366 = arith.ori %and3A_361, %and3A_365 : vector<256x128xi1>
      %select_n3A_367 = arith.select %or3A_366, %select_n3A_352, %select_n3A_325 : vector<256x128xi1>, vector<256x128xf32>
      %select_n3A_368 = arith.select %or3A_366, %select_n3A_359, %select_n3A_326 : vector<256x128xi1>, vector<256x128xi32>
      %and3A_369 = arith.constant 16 : i32
      %and3A_370 = vector.broadcast %and3A_369 : i32 to vector<256x128xi32>
      %and3A_371 = arith.andi %iota3A, %and3A_370 : vector<256x128xi32>
      %ne3A_372 = arith.constant 0 : i32
      %ne3A_373 = vector.broadcast %ne3A_372 : i32 to vector<256x128xi32>
      %ne3A_374 = arith.cmpi ne, %and3A_371, %ne3A_373 : vector<256x128xi32>
      %and3A_375 = arith.constant 4 : i32
      %and3A_376 = vector.broadcast %and3A_375 : i32 to vector<256x128xi32>
      %and3A_377 = arith.andi %iota3A, %and3A_376 : vector<256x128xi32>
      %ne3A_378 = arith.constant 0 : i32
      %ne3A_379 = vector.broadcast %ne3A_378 : i32 to vector<256x128xi32>
      %ne3A_380 = arith.cmpi ne, %and3A_377, %ne3A_379 : vector<256x128xi32>
      %xor3A_381 = arith.xori %ne3A_374, %ne3A_380 : vector<256x128xi1>
      %and3A_382 = arith.constant 4 : i32
      %and3A_383 = vector.broadcast %and3A_382 : i32 to vector<256x128xi32>
      %and3A_384 = arith.andi %iota3A, %and3A_383 : vector<256x128xi32>
      %ne3A_385 = arith.constant 0 : i32
      %ne3A_386 = vector.broadcast %ne3A_385 : i32 to vector<256x128xi32>
      %ne3A_387 = arith.cmpi ne, %and3A_384, %ne3A_386 : vector<256x128xi32>
      %slice3A_388 = vector.extract_strided_slice %select_n3A_367 {offsets = [0, 124], sizes = [256, 4], strides = [1, 1]} : vector<256x128xf32> to vector<256x4xf32>
      %slice3A_389 = vector.extract_strided_slice %select_n3A_367 {offsets = [0, 0], sizes = [256, 124], strides = [1, 1]} : vector<256x128xf32> to vector<256x124xf32>
      %concatenate3A_390 = tpu.concatenate %slice3A_388, %slice3A_389 in 1 : vector<256x4xf32>, vector<256x124xf32> -> vector<256x128xf32>
      %slice3A_391 = vector.extract_strided_slice %select_n3A_367 {offsets = [0, 4], sizes = [256, 124], strides = [1, 1]} : vector<256x128xf32> to vector<256x124xf32>
      %slice3A_392 = vector.extract_strided_slice %select_n3A_367 {offsets = [0, 0], sizes = [256, 4], strides = [1, 1]} : vector<256x128xf32> to vector<256x4xf32>
      %concatenate3A_393 = tpu.concatenate %slice3A_391, %slice3A_392 in 1 : vector<256x124xf32>, vector<256x4xf32> -> vector<256x128xf32>
      %select_n3A_394 = arith.select %ne3A_387, %concatenate3A_390, %concatenate3A_393 : vector<256x128xi1>, vector<256x128xf32>
      %slice3A_395 = vector.extract_strided_slice %select_n3A_368 {offsets = [0, 124], sizes = [256, 4], strides = [1, 1]} : vector<256x128xi32> to vector<256x4xi32>
      %slice3A_396 = vector.extract_strided_slice %select_n3A_368 {offsets = [0, 0], sizes = [256, 124], strides = [1, 1]} : vector<256x128xi32> to vector<256x124xi32>
      %concatenate3A_397 = tpu.concatenate %slice3A_395, %slice3A_396 in 1 : vector<256x4xi32>, vector<256x124xi32> -> vector<256x128xi32>
      %slice3A_398 = vector.extract_strided_slice %select_n3A_368 {offsets = [0, 4], sizes = [256, 124], strides = [1, 1]} : vector<256x128xi32> to vector<256x124xi32>
      %slice3A_399 = vector.extract_strided_slice %select_n3A_368 {offsets = [0, 0], sizes = [256, 4], strides = [1, 1]} : vector<256x128xi32> to vector<256x4xi32>
      %concatenate3A_400 = tpu.concatenate %slice3A_398, %slice3A_399 in 1 : vector<256x124xi32>, vector<256x4xi32> -> vector<256x128xi32>
      %select_n3A_401 = arith.select %ne3A_387, %concatenate3A_397, %concatenate3A_400 : vector<256x128xi1>, vector<256x128xi32>
      %lt3A_402 = arith.cmpf olt, %select_n3A_394, %select_n3A_367 : vector<256x128xf32>
      %and3A_403 = arith.andi %xor3A_381, %lt3A_402 : vector<256x128xi1>
      %not3A_404 = arith.constant dense<true> : vector<256x128xi1>
      %not3A_405 = arith.xori %xor3A_381, %not3A_404 : vector<256x128xi1>
      %gt3A_406 = arith.cmpf ogt, %select_n3A_394, %select_n3A_367 : vector<256x128xf32>
      %and3A_407 = arith.andi %not3A_405, %gt3A_406 : vector<256x128xi1>
      %or3A_408 = arith.ori %and3A_403, %and3A_407 : vector<256x128xi1>
      %select_n3A_409 = arith.select %or3A_408, %select_n3A_394, %select_n3A_367 : vector<256x128xi1>, vector<256x128xf32>
      %select_n3A_410 = arith.select %or3A_408, %select_n3A_401, %select_n3A_368 : vector<256x128xi1>, vector<256x128xi32>
      %and3A_411 = arith.constant 16 : i32
      %and3A_412 = vector.broadcast %and3A_411 : i32 to vector<256x128xi32>
      %and3A_413 = arith.andi %iota3A, %and3A_412 : vector<256x128xi32>
      %ne3A_414 = arith.constant 0 : i32
      %ne3A_415 = vector.broadcast %ne3A_414 : i32 to vector<256x128xi32>
      %ne3A_416 = arith.cmpi ne, %and3A_413, %ne3A_415 : vector<256x128xi32>
      %and3A_417 = arith.constant 2 : i32
      %and3A_418 = vector.broadcast %and3A_417 : i32 to vector<256x128xi32>
      %and3A_419 = arith.andi %iota3A, %and3A_418 : vector<256x128xi32>
      %ne3A_420 = arith.constant 0 : i32
      %ne3A_421 = vector.broadcast %ne3A_420 : i32 to vector<256x128xi32>
      %ne3A_422 = arith.cmpi ne, %and3A_419, %ne3A_421 : vector<256x128xi32>
      %xor3A_423 = arith.xori %ne3A_416, %ne3A_422 : vector<256x128xi1>
      %and3A_424 = arith.constant 2 : i32
      %and3A_425 = vector.broadcast %and3A_424 : i32 to vector<256x128xi32>
      %and3A_426 = arith.andi %iota3A, %and3A_425 : vector<256x128xi32>
      %ne3A_427 = arith.constant 0 : i32
      %ne3A_428 = vector.broadcast %ne3A_427 : i32 to vector<256x128xi32>
      %ne3A_429 = arith.cmpi ne, %and3A_426, %ne3A_428 : vector<256x128xi32>
      %slice3A_430 = vector.extract_strided_slice %select_n3A_409 {offsets = [0, 126], sizes = [256, 2], strides = [1, 1]} : vector<256x128xf32> to vector<256x2xf32>
      %slice3A_431 = vector.extract_strided_slice %select_n3A_409 {offsets = [0, 0], sizes = [256, 126], strides = [1, 1]} : vector<256x128xf32> to vector<256x126xf32>
      %concatenate3A_432 = tpu.concatenate %slice3A_430, %slice3A_431 in 1 : vector<256x2xf32>, vector<256x126xf32> -> vector<256x128xf32>
      %slice3A_433 = vector.extract_strided_slice %select_n3A_409 {offsets = [0, 2], sizes = [256, 126], strides = [1, 1]} : vector<256x128xf32> to vector<256x126xf32>
      %slice3A_434 = vector.extract_strided_slice %select_n3A_409 {offsets = [0, 0], sizes = [256, 2], strides = [1, 1]} : vector<256x128xf32> to vector<256x2xf32>
      %concatenate3A_435 = tpu.concatenate %slice3A_433, %slice3A_434 in 1 : vector<256x126xf32>, vector<256x2xf32> -> vector<256x128xf32>
      %select_n3A_436 = arith.select %ne3A_429, %concatenate3A_432, %concatenate3A_435 : vector<256x128xi1>, vector<256x128xf32>
      %slice3A_437 = vector.extract_strided_slice %select_n3A_410 {offsets = [0, 126], sizes = [256, 2], strides = [1, 1]} : vector<256x128xi32> to vector<256x2xi32>
      %slice3A_438 = vector.extract_strided_slice %select_n3A_410 {offsets = [0, 0], sizes = [256, 126], strides = [1, 1]} : vector<256x128xi32> to vector<256x126xi32>
      %concatenate3A_439 = tpu.concatenate %slice3A_437, %slice3A_438 in 1 : vector<256x2xi32>, vector<256x126xi32> -> vector<256x128xi32>
      %slice3A_440 = vector.extract_strided_slice %select_n3A_410 {offsets = [0, 2], sizes = [256, 126], strides = [1, 1]} : vector<256x128xi32> to vector<256x126xi32>
      %slice3A_441 = vector.extract_strided_slice %select_n3A_410 {offsets = [0, 0], sizes = [256, 2], strides = [1, 1]} : vector<256x128xi32> to vector<256x2xi32>
      %concatenate3A_442 = tpu.concatenate %slice3A_440, %slice3A_441 in 1 : vector<256x126xi32>, vector<256x2xi32> -> vector<256x128xi32>
      %select_n3A_443 = arith.select %ne3A_429, %concatenate3A_439, %concatenate3A_442 : vector<256x128xi1>, vector<256x128xi32>
      %lt3A_444 = arith.cmpf olt, %select_n3A_436, %select_n3A_409 : vector<256x128xf32>
      %and3A_445 = arith.andi %xor3A_423, %lt3A_444 : vector<256x128xi1>
      %not3A_446 = arith.constant dense<true> : vector<256x128xi1>
      %not3A_447 = arith.xori %xor3A_423, %not3A_446 : vector<256x128xi1>
      %gt3A_448 = arith.cmpf ogt, %select_n3A_436, %select_n3A_409 : vector<256x128xf32>
      %and3A_449 = arith.andi %not3A_447, %gt3A_448 : vector<256x128xi1>
      %or3A_450 = arith.ori %and3A_445, %and3A_449 : vector<256x128xi1>
      %select_n3A_451 = arith.select %or3A_450, %select_n3A_436, %select_n3A_409 : vector<256x128xi1>, vector<256x128xf32>
      %select_n3A_452 = arith.select %or3A_450, %select_n3A_443, %select_n3A_410 : vector<256x128xi1>, vector<256x128xi32>
      %and3A_453 = arith.constant 16 : i32
      %and3A_454 = vector.broadcast %and3A_453 : i32 to vector<256x128xi32>
      %and3A_455 = arith.andi %iota3A, %and3A_454 : vector<256x128xi32>
      %ne3A_456 = arith.constant 0 : i32
      %ne3A_457 = vector.broadcast %ne3A_456 : i32 to vector<256x128xi32>
      %ne3A_458 = arith.cmpi ne, %and3A_455, %ne3A_457 : vector<256x128xi32>
      %and3A_459 = arith.constant 1 : i32
      %and3A_460 = vector.broadcast %and3A_459 : i32 to vector<256x128xi32>
      %and3A_461 = arith.andi %iota3A, %and3A_460 : vector<256x128xi32>
      %ne3A_462 = arith.constant 0 : i32
      %ne3A_463 = vector.broadcast %ne3A_462 : i32 to vector<256x128xi32>
      %ne3A_464 = arith.cmpi ne, %and3A_461, %ne3A_463 : vector<256x128xi32>
      %xor3A_465 = arith.xori %ne3A_458, %ne3A_464 : vector<256x128xi1>
      %and3A_466 = arith.constant 1 : i32
      %and3A_467 = vector.broadcast %and3A_466 : i32 to vector<256x128xi32>
      %and3A_468 = arith.andi %iota3A, %and3A_467 : vector<256x128xi32>
      %ne3A_469 = arith.constant 0 : i32
      %ne3A_470 = vector.broadcast %ne3A_469 : i32 to vector<256x128xi32>
      %ne3A_471 = arith.cmpi ne, %and3A_468, %ne3A_470 : vector<256x128xi32>
      %slice3A_472 = vector.extract_strided_slice %select_n3A_451 {offsets = [0, 127], sizes = [256, 1], strides = [1, 1]} : vector<256x128xf32> to vector<256x1xf32>
      %slice3A_473 = vector.extract_strided_slice %select_n3A_451 {offsets = [0, 0], sizes = [256, 127], strides = [1, 1]} : vector<256x128xf32> to vector<256x127xf32>
      %concatenate3A_474 = tpu.concatenate %slice3A_472, %slice3A_473 in 1 : vector<256x1xf32>, vector<256x127xf32> -> vector<256x128xf32>
      %slice3A_475 = vector.extract_strided_slice %select_n3A_451 {offsets = [0, 1], sizes = [256, 127], strides = [1, 1]} : vector<256x128xf32> to vector<256x127xf32>
      %slice3A_476 = vector.extract_strided_slice %select_n3A_451 {offsets = [0, 0], sizes = [256, 1], strides = [1, 1]} : vector<256x128xf32> to vector<256x1xf32>
      %concatenate3A_477 = tpu.concatenate %slice3A_475, %slice3A_476 in 1 : vector<256x127xf32>, vector<256x1xf32> -> vector<256x128xf32>
      %select_n3A_478 = arith.select %ne3A_471, %concatenate3A_474, %concatenate3A_477 : vector<256x128xi1>, vector<256x128xf32>
      %slice3A_479 = vector.extract_strided_slice %select_n3A_452 {offsets = [0, 127], sizes = [256, 1], strides = [1, 1]} : vector<256x128xi32> to vector<256x1xi32>
      %slice3A_480 = vector.extract_strided_slice %select_n3A_452 {offsets = [0, 0], sizes = [256, 127], strides = [1, 1]} : vector<256x128xi32> to vector<256x127xi32>
      %concatenate3A_481 = tpu.concatenate %slice3A_479, %slice3A_480 in 1 : vector<256x1xi32>, vector<256x127xi32> -> vector<256x128xi32>
      %slice3A_482 = vector.extract_strided_slice %select_n3A_452 {offsets = [0, 1], sizes = [256, 127], strides = [1, 1]} : vector<256x128xi32> to vector<256x127xi32>
      %slice3A_483 = vector.extract_strided_slice %select_n3A_452 {offsets = [0, 0], sizes = [256, 1], strides = [1, 1]} : vector<256x128xi32> to vector<256x1xi32>
      %concatenate3A_484 = tpu.concatenate %slice3A_482, %slice3A_483 in 1 : vector<256x127xi32>, vector<256x1xi32> -> vector<256x128xi32>
      %select_n3A_485 = arith.select %ne3A_471, %concatenate3A_481, %concatenate3A_484 : vector<256x128xi1>, vector<256x128xi32>
      %lt3A_486 = arith.cmpf olt, %select_n3A_478, %select_n3A_451 : vector<256x128xf32>
      %and3A_487 = arith.andi %xor3A_465, %lt3A_486 : vector<256x128xi1>
      %not3A_488 = arith.constant dense<true> : vector<256x128xi1>
      %not3A_489 = arith.xori %xor3A_465, %not3A_488 : vector<256x128xi1>
      %gt3A_490 = arith.cmpf ogt, %select_n3A_478, %select_n3A_451 : vector<256x128xf32>
      %and3A_491 = arith.andi %not3A_489, %gt3A_490 : vector<256x128xi1>
      %or3A_492 = arith.ori %and3A_487, %and3A_491 : vector<256x128xi1>
      %select_n3A_493 = arith.select %or3A_492, %select_n3A_478, %select_n3A_451 : vector<256x128xi1>, vector<256x128xf32>
      %select_n3A_494 = arith.select %or3A_492, %select_n3A_485, %select_n3A_452 : vector<256x128xi1>, vector<256x128xi32>
      %and3A_495 = arith.constant 32 : i32
      %and3A_496 = vector.broadcast %and3A_495 : i32 to vector<256x128xi32>
      %and3A_497 = arith.andi %iota3A, %and3A_496 : vector<256x128xi32>
      %ne3A_498 = arith.constant 0 : i32
      %ne3A_499 = vector.broadcast %ne3A_498 : i32 to vector<256x128xi32>
      %ne3A_500 = arith.cmpi ne, %and3A_497, %ne3A_499 : vector<256x128xi32>
      %and3A_501 = arith.constant 16 : i32
      %and3A_502 = vector.broadcast %and3A_501 : i32 to vector<256x128xi32>
      %and3A_503 = arith.andi %iota3A, %and3A_502 : vector<256x128xi32>
      %ne3A_504 = arith.constant 0 : i32
      %ne3A_505 = vector.broadcast %ne3A_504 : i32 to vector<256x128xi32>
      %ne3A_506 = arith.cmpi ne, %and3A_503, %ne3A_505 : vector<256x128xi32>
      %xor3A_507 = arith.xori %ne3A_500, %ne3A_506 : vector<256x128xi1>
      %and3A_508 = arith.constant 16 : i32
      %and3A_509 = vector.broadcast %and3A_508 : i32 to vector<256x128xi32>
      %and3A_510 = arith.andi %iota3A, %and3A_509 : vector<256x128xi32>
      %ne3A_511 = arith.constant 0 : i32
      %ne3A_512 = vector.broadcast %ne3A_511 : i32 to vector<256x128xi32>
      %ne3A_513 = arith.cmpi ne, %and3A_510, %ne3A_512 : vector<256x128xi32>
      %slice3A_514 = vector.extract_strided_slice %select_n3A_493 {offsets = [0, 112], sizes = [256, 16], strides = [1, 1]} : vector<256x128xf32> to vector<256x16xf32>
      %slice3A_515 = vector.extract_strided_slice %select_n3A_493 {offsets = [0, 0], sizes = [256, 112], strides = [1, 1]} : vector<256x128xf32> to vector<256x112xf32>
      %concatenate3A_516 = tpu.concatenate %slice3A_514, %slice3A_515 in 1 : vector<256x16xf32>, vector<256x112xf32> -> vector<256x128xf32>
      %slice3A_517 = vector.extract_strided_slice %select_n3A_493 {offsets = [0, 16], sizes = [256, 112], strides = [1, 1]} : vector<256x128xf32> to vector<256x112xf32>
      %slice3A_518 = vector.extract_strided_slice %select_n3A_493 {offsets = [0, 0], sizes = [256, 16], strides = [1, 1]} : vector<256x128xf32> to vector<256x16xf32>
      %concatenate3A_519 = tpu.concatenate %slice3A_517, %slice3A_518 in 1 : vector<256x112xf32>, vector<256x16xf32> -> vector<256x128xf32>
      %select_n3A_520 = arith.select %ne3A_513, %concatenate3A_516, %concatenate3A_519 : vector<256x128xi1>, vector<256x128xf32>
      %slice3A_521 = vector.extract_strided_slice %select_n3A_494 {offsets = [0, 112], sizes = [256, 16], strides = [1, 1]} : vector<256x128xi32> to vector<256x16xi32>
      %slice3A_522 = vector.extract_strided_slice %select_n3A_494 {offsets = [0, 0], sizes = [256, 112], strides = [1, 1]} : vector<256x128xi32> to vector<256x112xi32>
      %concatenate3A_523 = tpu.concatenate %slice3A_521, %slice3A_522 in 1 : vector<256x16xi32>, vector<256x112xi32> -> vector<256x128xi32>
      %slice3A_524 = vector.extract_strided_slice %select_n3A_494 {offsets = [0, 16], sizes = [256, 112], strides = [1, 1]} : vector<256x128xi32> to vector<256x112xi32>
      %slice3A_525 = vector.extract_strided_slice %select_n3A_494 {offsets = [0, 0], sizes = [256, 16], strides = [1, 1]} : vector<256x128xi32> to vector<256x16xi32>
      %concatenate3A_526 = tpu.concatenate %slice3A_524, %slice3A_525 in 1 : vector<256x112xi32>, vector<256x16xi32> -> vector<256x128xi32>
      %select_n3A_527 = arith.select %ne3A_513, %concatenate3A_523, %concatenate3A_526 : vector<256x128xi1>, vector<256x128xi32>
      %lt3A_528 = arith.cmpf olt, %select_n3A_520, %select_n3A_493 : vector<256x128xf32>
      %and3A_529 = arith.andi %xor3A_507, %lt3A_528 : vector<256x128xi1>
      %not3A_530 = arith.constant dense<true> : vector<256x128xi1>
      %not3A_531 = arith.xori %xor3A_507, %not3A_530 : vector<256x128xi1>
      %gt3A_532 = arith.cmpf ogt, %select_n3A_520, %select_n3A_493 : vector<256x128xf32>
      %and3A_533 = arith.andi %not3A_531, %gt3A_532 : vector<256x128xi1>
      %or3A_534 = arith.ori %and3A_529, %and3A_533 : vector<256x128xi1>
      %select_n3A_535 = arith.select %or3A_534, %select_n3A_520, %select_n3A_493 : vector<256x128xi1>, vector<256x128xf32>
      %select_n3A_536 = arith.select %or3A_534, %select_n3A_527, %select_n3A_494 : vector<256x128xi1>, vector<256x128xi32>
      %and3A_537 = arith.constant 32 : i32
      %and3A_538 = vector.broadcast %and3A_537 : i32 to vector<256x128xi32>
      %and3A_539 = arith.andi %iota3A, %and3A_538 : vector<256x128xi32>
      %ne3A_540 = arith.constant 0 : i32
      %ne3A_541 = vector.broadcast %ne3A_540 : i32 to vector<256x128xi32>
      %ne3A_542 = arith.cmpi ne, %and3A_539, %ne3A_541 : vector<256x128xi32>
      %and3A_543 = arith.constant 8 : i32
      %and3A_544 = vector.broadcast %and3A_543 : i32 to vector<256x128xi32>
      %and3A_545 = arith.andi %iota3A, %and3A_544 : vector<256x128xi32>
      %ne3A_546 = arith.constant 0 : i32
      %ne3A_547 = vector.broadcast %ne3A_546 : i32 to vector<256x128xi32>
      %ne3A_548 = arith.cmpi ne, %and3A_545, %ne3A_547 : vector<256x128xi32>
      %xor3A_549 = arith.xori %ne3A_542, %ne3A_548 : vector<256x128xi1>
      %and3A_550 = arith.constant 8 : i32
      %and3A_551 = vector.broadcast %and3A_550 : i32 to vector<256x128xi32>
      %and3A_552 = arith.andi %iota3A, %and3A_551 : vector<256x128xi32>
      %ne3A_553 = arith.constant 0 : i32
      %ne3A_554 = vector.broadcast %ne3A_553 : i32 to vector<256x128xi32>
      %ne3A_555 = arith.cmpi ne, %and3A_552, %ne3A_554 : vector<256x128xi32>
      %slice3A_556 = vector.extract_strided_slice %select_n3A_535 {offsets = [0, 120], sizes = [256, 8], strides = [1, 1]} : vector<256x128xf32> to vector<256x8xf32>
      %slice3A_557 = vector.extract_strided_slice %select_n3A_535 {offsets = [0, 0], sizes = [256, 120], strides = [1, 1]} : vector<256x128xf32> to vector<256x120xf32>
      %concatenate3A_558 = tpu.concatenate %slice3A_556, %slice3A_557 in 1 : vector<256x8xf32>, vector<256x120xf32> -> vector<256x128xf32>
      %slice3A_559 = vector.extract_strided_slice %select_n3A_535 {offsets = [0, 8], sizes = [256, 120], strides = [1, 1]} : vector<256x128xf32> to vector<256x120xf32>
      %slice3A_560 = vector.extract_strided_slice %select_n3A_535 {offsets = [0, 0], sizes = [256, 8], strides = [1, 1]} : vector<256x128xf32> to vector<256x8xf32>
      %concatenate3A_561 = tpu.concatenate %slice3A_559, %slice3A_560 in 1 : vector<256x120xf32>, vector<256x8xf32> -> vector<256x128xf32>
      %select_n3A_562 = arith.select %ne3A_555, %concatenate3A_558, %concatenate3A_561 : vector<256x128xi1>, vector<256x128xf32>
      %slice3A_563 = vector.extract_strided_slice %select_n3A_536 {offsets = [0, 120], sizes = [256, 8], strides = [1, 1]} : vector<256x128xi32> to vector<256x8xi32>
      %slice3A_564 = vector.extract_strided_slice %select_n3A_536 {offsets = [0, 0], sizes = [256, 120], strides = [1, 1]} : vector<256x128xi32> to vector<256x120xi32>
      %concatenate3A_565 = tpu.concatenate %slice3A_563, %slice3A_564 in 1 : vector<256x8xi32>, vector<256x120xi32> -> vector<256x128xi32>
      %slice3A_566 = vector.extract_strided_slice %select_n3A_536 {offsets = [0, 8], sizes = [256, 120], strides = [1, 1]} : vector<256x128xi32> to vector<256x120xi32>
      %slice3A_567 = vector.extract_strided_slice %select_n3A_536 {offsets = [0, 0], sizes = [256, 8], strides = [1, 1]} : vector<256x128xi32> to vector<256x8xi32>
      %concatenate3A_568 = tpu.concatenate %slice3A_566, %slice3A_567 in 1 : vector<256x120xi32>, vector<256x8xi32> -> vector<256x128xi32>
      %select_n3A_569 = arith.select %ne3A_555, %concatenate3A_565, %concatenate3A_568 : vector<256x128xi1>, vector<256x128xi32>
      %lt3A_570 = arith.cmpf olt, %select_n3A_562, %select_n3A_535 : vector<256x128xf32>
      %and3A_571 = arith.andi %xor3A_549, %lt3A_570 : vector<256x128xi1>
      %not3A_572 = arith.constant dense<true> : vector<256x128xi1>
      %not3A_573 = arith.xori %xor3A_549, %not3A_572 : vector<256x128xi1>
      %gt3A_574 = arith.cmpf ogt, %select_n3A_562, %select_n3A_535 : vector<256x128xf32>
      %and3A_575 = arith.andi %not3A_573, %gt3A_574 : vector<256x128xi1>
      %or3A_576 = arith.ori %and3A_571, %and3A_575 : vector<256x128xi1>
      %select_n3A_577 = arith.select %or3A_576, %select_n3A_562, %select_n3A_535 : vector<256x128xi1>, vector<256x128xf32>
      %select_n3A_578 = arith.select %or3A_576, %select_n3A_569, %select_n3A_536 : vector<256x128xi1>, vector<256x128xi32>
      %and3A_579 = arith.constant 32 : i32
      %and3A_580 = vector.broadcast %and3A_579 : i32 to vector<256x128xi32>
      %and3A_581 = arith.andi %iota3A, %and3A_580 : vector<256x128xi32>
      %ne3A_582 = arith.constant 0 : i32
      %ne3A_583 = vector.broadcast %ne3A_582 : i32 to vector<256x128xi32>
      %ne3A_584 = arith.cmpi ne, %and3A_581, %ne3A_583 : vector<256x128xi32>
      %and3A_585 = arith.constant 4 : i32
      %and3A_586 = vector.broadcast %and3A_585 : i32 to vector<256x128xi32>
      %and3A_587 = arith.andi %iota3A, %and3A_586 : vector<256x128xi32>
      %ne3A_588 = arith.constant 0 : i32
      %ne3A_589 = vector.broadcast %ne3A_588 : i32 to vector<256x128xi32>
      %ne3A_590 = arith.cmpi ne, %and3A_587, %ne3A_589 : vector<256x128xi32>
      %xor3A_591 = arith.xori %ne3A_584, %ne3A_590 : vector<256x128xi1>
      %and3A_592 = arith.constant 4 : i32
      %and3A_593 = vector.broadcast %and3A_592 : i32 to vector<256x128xi32>
      %and3A_594 = arith.andi %iota3A, %and3A_593 : vector<256x128xi32>
      %ne3A_595 = arith.constant 0 : i32
      %ne3A_596 = vector.broadcast %ne3A_595 : i32 to vector<256x128xi32>
      %ne3A_597 = arith.cmpi ne, %and3A_594, %ne3A_596 : vector<256x128xi32>
      %slice3A_598 = vector.extract_strided_slice %select_n3A_577 {offsets = [0, 124], sizes = [256, 4], strides = [1, 1]} : vector<256x128xf32> to vector<256x4xf32>
      %slice3A_599 = vector.extract_strided_slice %select_n3A_577 {offsets = [0, 0], sizes = [256, 124], strides = [1, 1]} : vector<256x128xf32> to vector<256x124xf32>
      %concatenate3A_600 = tpu.concatenate %slice3A_598, %slice3A_599 in 1 : vector<256x4xf32>, vector<256x124xf32> -> vector<256x128xf32>
      %slice3A_601 = vector.extract_strided_slice %select_n3A_577 {offsets = [0, 4], sizes = [256, 124], strides = [1, 1]} : vector<256x128xf32> to vector<256x124xf32>
      %slice3A_602 = vector.extract_strided_slice %select_n3A_577 {offsets = [0, 0], sizes = [256, 4], strides = [1, 1]} : vector<256x128xf32> to vector<256x4xf32>
      %concatenate3A_603 = tpu.concatenate %slice3A_601, %slice3A_602 in 1 : vector<256x124xf32>, vector<256x4xf32> -> vector<256x128xf32>
      %select_n3A_604 = arith.select %ne3A_597, %concatenate3A_600, %concatenate3A_603 : vector<256x128xi1>, vector<256x128xf32>
      %slice3A_605 = vector.extract_strided_slice %select_n3A_578 {offsets = [0, 124], sizes = [256, 4], strides = [1, 1]} : vector<256x128xi32> to vector<256x4xi32>
      %slice3A_606 = vector.extract_strided_slice %select_n3A_578 {offsets = [0, 0], sizes = [256, 124], strides = [1, 1]} : vector<256x128xi32> to vector<256x124xi32>
      %concatenate3A_607 = tpu.concatenate %slice3A_605, %slice3A_606 in 1 : vector<256x4xi32>, vector<256x124xi32> -> vector<256x128xi32>
      %slice3A_608 = vector.extract_strided_slice %select_n3A_578 {offsets = [0, 4], sizes = [256, 124], strides = [1, 1]} : vector<256x128xi32> to vector<256x124xi32>
      %slice3A_609 = vector.extract_strided_slice %select_n3A_578 {offsets = [0, 0], sizes = [256, 4], strides = [1, 1]} : vector<256x128xi32> to vector<256x4xi32>
      %concatenate3A_610 = tpu.concatenate %slice3A_608, %slice3A_609 in 1 : vector<256x124xi32>, vector<256x4xi32> -> vector<256x128xi32>
      %select_n3A_611 = arith.select %ne3A_597, %concatenate3A_607, %concatenate3A_610 : vector<256x128xi1>, vector<256x128xi32>
      %lt3A_612 = arith.cmpf olt, %select_n3A_604, %select_n3A_577 : vector<256x128xf32>
      %and3A_613 = arith.andi %xor3A_591, %lt3A_612 : vector<256x128xi1>
      %not3A_614 = arith.constant dense<true> : vector<256x128xi1>
      %not3A_615 = arith.xori %xor3A_591, %not3A_614 : vector<256x128xi1>
      %gt3A_616 = arith.cmpf ogt, %select_n3A_604, %select_n3A_577 : vector<256x128xf32>
      %and3A_617 = arith.andi %not3A_615, %gt3A_616 : vector<256x128xi1>
      %or3A_618 = arith.ori %and3A_613, %and3A_617 : vector<256x128xi1>
      %select_n3A_619 = arith.select %or3A_618, %select_n3A_604, %select_n3A_577 : vector<256x128xi1>, vector<256x128xf32>
      %select_n3A_620 = arith.select %or3A_618, %select_n3A_611, %select_n3A_578 : vector<256x128xi1>, vector<256x128xi32>
      %and3A_621 = arith.constant 32 : i32
      %and3A_622 = vector.broadcast %and3A_621 : i32 to vector<256x128xi32>
      %and3A_623 = arith.andi %iota3A, %and3A_622 : vector<256x128xi32>
      %ne3A_624 = arith.constant 0 : i32
      %ne3A_625 = vector.broadcast %ne3A_624 : i32 to vector<256x128xi32>
      %ne3A_626 = arith.cmpi ne, %and3A_623, %ne3A_625 : vector<256x128xi32>
      %and3A_627 = arith.constant 2 : i32
      %and3A_628 = vector.broadcast %and3A_627 : i32 to vector<256x128xi32>
      %and3A_629 = arith.andi %iota3A, %and3A_628 : vector<256x128xi32>
      %ne3A_630 = arith.constant 0 : i32
      %ne3A_631 = vector.broadcast %ne3A_630 : i32 to vector<256x128xi32>
      %ne3A_632 = arith.cmpi ne, %and3A_629, %ne3A_631 : vector<256x128xi32>
      %xor3A_633 = arith.xori %ne3A_626, %ne3A_632 : vector<256x128xi1>
      %and3A_634 = arith.constant 2 : i32
      %and3A_635 = vector.broadcast %and3A_634 : i32 to vector<256x128xi32>
      %and3A_636 = arith.andi %iota3A, %and3A_635 : vector<256x128xi32>
      %ne3A_637 = arith.constant 0 : i32
      %ne3A_638 = vector.broadcast %ne3A_637 : i32 to vector<256x128xi32>
      %ne3A_639 = arith.cmpi ne, %and3A_636, %ne3A_638 : vector<256x128xi32>
      %slice3A_640 = vector.extract_strided_slice %select_n3A_619 {offsets = [0, 126], sizes = [256, 2], strides = [1, 1]} : vector<256x128xf32> to vector<256x2xf32>
      %slice3A_641 = vector.extract_strided_slice %select_n3A_619 {offsets = [0, 0], sizes = [256, 126], strides = [1, 1]} : vector<256x128xf32> to vector<256x126xf32>
      %concatenate3A_642 = tpu.concatenate %slice3A_640, %slice3A_641 in 1 : vector<256x2xf32>, vector<256x126xf32> -> vector<256x128xf32>
      %slice3A_643 = vector.extract_strided_slice %select_n3A_619 {offsets = [0, 2], sizes = [256, 126], strides = [1, 1]} : vector<256x128xf32> to vector<256x126xf32>
      %slice3A_644 = vector.extract_strided_slice %select_n3A_619 {offsets = [0, 0], sizes = [256, 2], strides = [1, 1]} : vector<256x128xf32> to vector<256x2xf32>
      %concatenate3A_645 = tpu.concatenate %slice3A_643, %slice3A_644 in 1 : vector<256x126xf32>, vector<256x2xf32> -> vector<256x128xf32>
      %select_n3A_646 = arith.select %ne3A_639, %concatenate3A_642, %concatenate3A_645 : vector<256x128xi1>, vector<256x128xf32>
      %slice3A_647 = vector.extract_strided_slice %select_n3A_620 {offsets = [0, 126], sizes = [256, 2], strides = [1, 1]} : vector<256x128xi32> to vector<256x2xi32>
      %slice3A_648 = vector.extract_strided_slice %select_n3A_620 {offsets = [0, 0], sizes = [256, 126], strides = [1, 1]} : vector<256x128xi32> to vector<256x126xi32>
      %concatenate3A_649 = tpu.concatenate %slice3A_647, %slice3A_648 in 1 : vector<256x2xi32>, vector<256x126xi32> -> vector<256x128xi32>
      %slice3A_650 = vector.extract_strided_slice %select_n3A_620 {offsets = [0, 2], sizes = [256, 126], strides = [1, 1]} : vector<256x128xi32> to vector<256x126xi32>
      %slice3A_651 = vector.extract_strided_slice %select_n3A_620 {offsets = [0, 0], sizes = [256, 2], strides = [1, 1]} : vector<256x128xi32> to vector<256x2xi32>
      %concatenate3A_652 = tpu.concatenate %slice3A_650, %slice3A_651 in 1 : vector<256x126xi32>, vector<256x2xi32> -> vector<256x128xi32>
      %select_n3A_653 = arith.select %ne3A_639, %concatenate3A_649, %concatenate3A_652 : vector<256x128xi1>, vector<256x128xi32>
      %lt3A_654 = arith.cmpf olt, %select_n3A_646, %select_n3A_619 : vector<256x128xf32>
      %and3A_655 = arith.andi %xor3A_633, %lt3A_654 : vector<256x128xi1>
      %not3A_656 = arith.constant dense<true> : vector<256x128xi1>
      %not3A_657 = arith.xori %xor3A_633, %not3A_656 : vector<256x128xi1>
      %gt3A_658 = arith.cmpf ogt, %select_n3A_646, %select_n3A_619 : vector<256x128xf32>
      %and3A_659 = arith.andi %not3A_657, %gt3A_658 : vector<256x128xi1>
      %or3A_660 = arith.ori %and3A_655, %and3A_659 : vector<256x128xi1>
      %select_n3A_661 = arith.select %or3A_660, %select_n3A_646, %select_n3A_619 : vector<256x128xi1>, vector<256x128xf32>
      %select_n3A_662 = arith.select %or3A_660, %select_n3A_653, %select_n3A_620 : vector<256x128xi1>, vector<256x128xi32>
      %and3A_663 = arith.constant 32 : i32
      %and3A_664 = vector.broadcast %and3A_663 : i32 to vector<256x128xi32>
      %and3A_665 = arith.andi %iota3A, %and3A_664 : vector<256x128xi32>
      %ne3A_666 = arith.constant 0 : i32
      %ne3A_667 = vector.broadcast %ne3A_666 : i32 to vector<256x128xi32>
      %ne3A_668 = arith.cmpi ne, %and3A_665, %ne3A_667 : vector<256x128xi32>
      %and3A_669 = arith.constant 1 : i32
      %and3A_670 = vector.broadcast %and3A_669 : i32 to vector<256x128xi32>
      %and3A_671 = arith.andi %iota3A, %and3A_670 : vector<256x128xi32>
      %ne3A_672 = arith.constant 0 : i32
      %ne3A_673 = vector.broadcast %ne3A_672 : i32 to vector<256x128xi32>
      %ne3A_674 = arith.cmpi ne, %and3A_671, %ne3A_673 : vector<256x128xi32>
      %xor3A_675 = arith.xori %ne3A_668, %ne3A_674 : vector<256x128xi1>
      %and3A_676 = arith.constant 1 : i32
      %and3A_677 = vector.broadcast %and3A_676 : i32 to vector<256x128xi32>
      %and3A_678 = arith.andi %iota3A, %and3A_677 : vector<256x128xi32>
      %ne3A_679 = arith.constant 0 : i32
      %ne3A_680 = vector.broadcast %ne3A_679 : i32 to vector<256x128xi32>
      %ne3A_681 = arith.cmpi ne, %and3A_678, %ne3A_680 : vector<256x128xi32>
      %slice3A_682 = vector.extract_strided_slice %select_n3A_661 {offsets = [0, 127], sizes = [256, 1], strides = [1, 1]} : vector<256x128xf32> to vector<256x1xf32>
      %slice3A_683 = vector.extract_strided_slice %select_n3A_661 {offsets = [0, 0], sizes = [256, 127], strides = [1, 1]} : vector<256x128xf32> to vector<256x127xf32>
      %concatenate3A_684 = tpu.concatenate %slice3A_682, %slice3A_683 in 1 : vector<256x1xf32>, vector<256x127xf32> -> vector<256x128xf32>
      %slice3A_685 = vector.extract_strided_slice %select_n3A_661 {offsets = [0, 1], sizes = [256, 127], strides = [1, 1]} : vector<256x128xf32> to vector<256x127xf32>
      %slice3A_686 = vector.extract_strided_slice %select_n3A_661 {offsets = [0, 0], sizes = [256, 1], strides = [1, 1]} : vector<256x128xf32> to vector<256x1xf32>
      %concatenate3A_687 = tpu.concatenate %slice3A_685, %slice3A_686 in 1 : vector<256x127xf32>, vector<256x1xf32> -> vector<256x128xf32>
      %select_n3A_688 = arith.select %ne3A_681, %concatenate3A_684, %concatenate3A_687 : vector<256x128xi1>, vector<256x128xf32>
      %slice3A_689 = vector.extract_strided_slice %select_n3A_662 {offsets = [0, 127], sizes = [256, 1], strides = [1, 1]} : vector<256x128xi32> to vector<256x1xi32>
      %slice3A_690 = vector.extract_strided_slice %select_n3A_662 {offsets = [0, 0], sizes = [256, 127], strides = [1, 1]} : vector<256x128xi32> to vector<256x127xi32>
      %concatenate3A_691 = tpu.concatenate %slice3A_689, %slice3A_690 in 1 : vector<256x1xi32>, vector<256x127xi32> -> vector<256x128xi32>
      %slice3A_692 = vector.extract_strided_slice %select_n3A_662 {offsets = [0, 1], sizes = [256, 127], strides = [1, 1]} : vector<256x128xi32> to vector<256x127xi32>
      %slice3A_693 = vector.extract_strided_slice %select_n3A_662 {offsets = [0, 0], sizes = [256, 1], strides = [1, 1]} : vector<256x128xi32> to vector<256x1xi32>
      %concatenate3A_694 = tpu.concatenate %slice3A_692, %slice3A_693 in 1 : vector<256x127xi32>, vector<256x1xi32> -> vector<256x128xi32>
      %select_n3A_695 = arith.select %ne3A_681, %concatenate3A_691, %concatenate3A_694 : vector<256x128xi1>, vector<256x128xi32>
      %lt3A_696 = arith.cmpf olt, %select_n3A_688, %select_n3A_661 : vector<256x128xf32>
      %and3A_697 = arith.andi %xor3A_675, %lt3A_696 : vector<256x128xi1>
      %not3A_698 = arith.constant dense<true> : vector<256x128xi1>
      %not3A_699 = arith.xori %xor3A_675, %not3A_698 : vector<256x128xi1>
      %gt3A_700 = arith.cmpf ogt, %select_n3A_688, %select_n3A_661 : vector<256x128xf32>
      %and3A_701 = arith.andi %not3A_699, %gt3A_700 : vector<256x128xi1>
      %or3A_702 = arith.ori %and3A_697, %and3A_701 : vector<256x128xi1>
      %select_n3A_703 = arith.select %or3A_702, %select_n3A_688, %select_n3A_661 : vector<256x128xi1>, vector<256x128xf32>
      %select_n3A_704 = arith.select %or3A_702, %select_n3A_695, %select_n3A_662 : vector<256x128xi1>, vector<256x128xi32>
      %and3A_705 = arith.constant 64 : i32
      %and3A_706 = vector.broadcast %and3A_705 : i32 to vector<256x128xi32>
      %and3A_707 = arith.andi %iota3A, %and3A_706 : vector<256x128xi32>
      %ne3A_708 = arith.constant 0 : i32
      %ne3A_709 = vector.broadcast %ne3A_708 : i32 to vector<256x128xi32>
      %ne3A_710 = arith.cmpi ne, %and3A_707, %ne3A_709 : vector<256x128xi32>
      %and3A_711 = arith.constant 32 : i32
      %and3A_712 = vector.broadcast %and3A_711 : i32 to vector<256x128xi32>
      %and3A_713 = arith.andi %iota3A, %and3A_712 : vector<256x128xi32>
      %ne3A_714 = arith.constant 0 : i32
      %ne3A_715 = vector.broadcast %ne3A_714 : i32 to vector<256x128xi32>
      %ne3A_716 = arith.cmpi ne, %and3A_713, %ne3A_715 : vector<256x128xi32>
      %xor3A_717 = arith.xori %ne3A_710, %ne3A_716 : vector<256x128xi1>
      %and3A_718 = arith.constant 32 : i32
      %and3A_719 = vector.broadcast %and3A_718 : i32 to vector<256x128xi32>
      %and3A_720 = arith.andi %iota3A, %and3A_719 : vector<256x128xi32>
      %ne3A_721 = arith.constant 0 : i32
      %ne3A_722 = vector.broadcast %ne3A_721 : i32 to vector<256x128xi32>
      %ne3A_723 = arith.cmpi ne, %and3A_720, %ne3A_722 : vector<256x128xi32>
      %slice3A_724 = vector.extract_strided_slice %select_n3A_703 {offsets = [0, 96], sizes = [256, 32], strides = [1, 1]} : vector<256x128xf32> to vector<256x32xf32>
      %slice3A_725 = vector.extract_strided_slice %select_n3A_703 {offsets = [0, 0], sizes = [256, 96], strides = [1, 1]} : vector<256x128xf32> to vector<256x96xf32>
      %concatenate3A_726 = tpu.concatenate %slice3A_724, %slice3A_725 in 1 : vector<256x32xf32>, vector<256x96xf32> -> vector<256x128xf32>
      %slice3A_727 = vector.extract_strided_slice %select_n3A_703 {offsets = [0, 32], sizes = [256, 96], strides = [1, 1]} : vector<256x128xf32> to vector<256x96xf32>
      %slice3A_728 = vector.extract_strided_slice %select_n3A_703 {offsets = [0, 0], sizes = [256, 32], strides = [1, 1]} : vector<256x128xf32> to vector<256x32xf32>
      %concatenate3A_729 = tpu.concatenate %slice3A_727, %slice3A_728 in 1 : vector<256x96xf32>, vector<256x32xf32> -> vector<256x128xf32>
      %select_n3A_730 = arith.select %ne3A_723, %concatenate3A_726, %concatenate3A_729 : vector<256x128xi1>, vector<256x128xf32>
      %slice3A_731 = vector.extract_strided_slice %select_n3A_704 {offsets = [0, 96], sizes = [256, 32], strides = [1, 1]} : vector<256x128xi32> to vector<256x32xi32>
      %slice3A_732 = vector.extract_strided_slice %select_n3A_704 {offsets = [0, 0], sizes = [256, 96], strides = [1, 1]} : vector<256x128xi32> to vector<256x96xi32>
      %concatenate3A_733 = tpu.concatenate %slice3A_731, %slice3A_732 in 1 : vector<256x32xi32>, vector<256x96xi32> -> vector<256x128xi32>
      %slice3A_734 = vector.extract_strided_slice %select_n3A_704 {offsets = [0, 32], sizes = [256, 96], strides = [1, 1]} : vector<256x128xi32> to vector<256x96xi32>
      %slice3A_735 = vector.extract_strided_slice %select_n3A_704 {offsets = [0, 0], sizes = [256, 32], strides = [1, 1]} : vector<256x128xi32> to vector<256x32xi32>
      %concatenate3A_736 = tpu.concatenate %slice3A_734, %slice3A_735 in 1 : vector<256x96xi32>, vector<256x32xi32> -> vector<256x128xi32>
      %select_n3A_737 = arith.select %ne3A_723, %concatenate3A_733, %concatenate3A_736 : vector<256x128xi1>, vector<256x128xi32>
      %lt3A_738 = arith.cmpf olt, %select_n3A_730, %select_n3A_703 : vector<256x128xf32>
      %and3A_739 = arith.andi %xor3A_717, %lt3A_738 : vector<256x128xi1>
      %not3A_740 = arith.constant dense<true> : vector<256x128xi1>
      %not3A_741 = arith.xori %xor3A_717, %not3A_740 : vector<256x128xi1>
      %gt3A_742 = arith.cmpf ogt, %select_n3A_730, %select_n3A_703 : vector<256x128xf32>
      %and3A_743 = arith.andi %not3A_741, %gt3A_742 : vector<256x128xi1>
      %or3A_744 = arith.ori %and3A_739, %and3A_743 : vector<256x128xi1>
      %select_n3A_745 = arith.select %or3A_744, %select_n3A_730, %select_n3A_703 : vector<256x128xi1>, vector<256x128xf32>
      %select_n3A_746 = arith.select %or3A_744, %select_n3A_737, %select_n3A_704 : vector<256x128xi1>, vector<256x128xi32>
      %and3A_747 = arith.constant 64 : i32
      %and3A_748 = vector.broadcast %and3A_747 : i32 to vector<256x128xi32>
      %and3A_749 = arith.andi %iota3A, %and3A_748 : vector<256x128xi32>
      %ne3A_750 = arith.constant 0 : i32
      %ne3A_751 = vector.broadcast %ne3A_750 : i32 to vector<256x128xi32>
      %ne3A_752 = arith.cmpi ne, %and3A_749, %ne3A_751 : vector<256x128xi32>
      %and3A_753 = arith.constant 16 : i32
      %and3A_754 = vector.broadcast %and3A_753 : i32 to vector<256x128xi32>
      %and3A_755 = arith.andi %iota3A, %and3A_754 : vector<256x128xi32>
      %ne3A_756 = arith.constant 0 : i32
      %ne3A_757 = vector.broadcast %ne3A_756 : i32 to vector<256x128xi32>
      %ne3A_758 = arith.cmpi ne, %and3A_755, %ne3A_757 : vector<256x128xi32>
      %xor3A_759 = arith.xori %ne3A_752, %ne3A_758 : vector<256x128xi1>
      %and3A_760 = arith.constant 16 : i32
      %and3A_761 = vector.broadcast %and3A_760 : i32 to vector<256x128xi32>
      %and3A_762 = arith.andi %iota3A, %and3A_761 : vector<256x128xi32>
      %ne3A_763 = arith.constant 0 : i32
      %ne3A_764 = vector.broadcast %ne3A_763 : i32 to vector<256x128xi32>
      %ne3A_765 = arith.cmpi ne, %and3A_762, %ne3A_764 : vector<256x128xi32>
      %slice3A_766 = vector.extract_strided_slice %select_n3A_745 {offsets = [0, 112], sizes = [256, 16], strides = [1, 1]} : vector<256x128xf32> to vector<256x16xf32>
      %slice3A_767 = vector.extract_strided_slice %select_n3A_745 {offsets = [0, 0], sizes = [256, 112], strides = [1, 1]} : vector<256x128xf32> to vector<256x112xf32>
      %concatenate3A_768 = tpu.concatenate %slice3A_766, %slice3A_767 in 1 : vector<256x16xf32>, vector<256x112xf32> -> vector<256x128xf32>
      %slice3A_769 = vector.extract_strided_slice %select_n3A_745 {offsets = [0, 16], sizes = [256, 112], strides = [1, 1]} : vector<256x128xf32> to vector<256x112xf32>
      %slice3A_770 = vector.extract_strided_slice %select_n3A_745 {offsets = [0, 0], sizes = [256, 16], strides = [1, 1]} : vector<256x128xf32> to vector<256x16xf32>
      %concatenate3A_771 = tpu.concatenate %slice3A_769, %slice3A_770 in 1 : vector<256x112xf32>, vector<256x16xf32> -> vector<256x128xf32>
      %select_n3A_772 = arith.select %ne3A_765, %concatenate3A_768, %concatenate3A_771 : vector<256x128xi1>, vector<256x128xf32>
      %slice3A_773 = vector.extract_strided_slice %select_n3A_746 {offsets = [0, 112], sizes = [256, 16], strides = [1, 1]} : vector<256x128xi32> to vector<256x16xi32>
      %slice3A_774 = vector.extract_strided_slice %select_n3A_746 {offsets = [0, 0], sizes = [256, 112], strides = [1, 1]} : vector<256x128xi32> to vector<256x112xi32>
      %concatenate3A_775 = tpu.concatenate %slice3A_773, %slice3A_774 in 1 : vector<256x16xi32>, vector<256x112xi32> -> vector<256x128xi32>
      %slice3A_776 = vector.extract_strided_slice %select_n3A_746 {offsets = [0, 16], sizes = [256, 112], strides = [1, 1]} : vector<256x128xi32> to vector<256x112xi32>
      %slice3A_777 = vector.extract_strided_slice %select_n3A_746 {offsets = [0, 0], sizes = [256, 16], strides = [1, 1]} : vector<256x128xi32> to vector<256x16xi32>
      %concatenate3A_778 = tpu.concatenate %slice3A_776, %slice3A_777 in 1 : vector<256x112xi32>, vector<256x16xi32> -> vector<256x128xi32>
      %select_n3A_779 = arith.select %ne3A_765, %concatenate3A_775, %concatenate3A_778 : vector<256x128xi1>, vector<256x128xi32>
      %lt3A_780 = arith.cmpf olt, %select_n3A_772, %select_n3A_745 : vector<256x128xf32>
      %and3A_781 = arith.andi %xor3A_759, %lt3A_780 : vector<256x128xi1>
      %not3A_782 = arith.constant dense<true> : vector<256x128xi1>
      %not3A_783 = arith.xori %xor3A_759, %not3A_782 : vector<256x128xi1>
      %gt3A_784 = arith.cmpf ogt, %select_n3A_772, %select_n3A_745 : vector<256x128xf32>
      %and3A_785 = arith.andi %not3A_783, %gt3A_784 : vector<256x128xi1>
      %or3A_786 = arith.ori %and3A_781, %and3A_785 : vector<256x128xi1>
      %select_n3A_787 = arith.select %or3A_786, %select_n3A_772, %select_n3A_745 : vector<256x128xi1>, vector<256x128xf32>
      %select_n3A_788 = arith.select %or3A_786, %select_n3A_779, %select_n3A_746 : vector<256x128xi1>, vector<256x128xi32>
      %and3A_789 = arith.constant 64 : i32
      %and3A_790 = vector.broadcast %and3A_789 : i32 to vector<256x128xi32>
      %and3A_791 = arith.andi %iota3A, %and3A_790 : vector<256x128xi32>
      %ne3A_792 = arith.constant 0 : i32
      %ne3A_793 = vector.broadcast %ne3A_792 : i32 to vector<256x128xi32>
      %ne3A_794 = arith.cmpi ne, %and3A_791, %ne3A_793 : vector<256x128xi32>
      %and3A_795 = arith.constant 8 : i32
      %and3A_796 = vector.broadcast %and3A_795 : i32 to vector<256x128xi32>
      %and3A_797 = arith.andi %iota3A, %and3A_796 : vector<256x128xi32>
      %ne3A_798 = arith.constant 0 : i32
      %ne3A_799 = vector.broadcast %ne3A_798 : i32 to vector<256x128xi32>
      %ne3A_800 = arith.cmpi ne, %and3A_797, %ne3A_799 : vector<256x128xi32>
      %xor3A_801 = arith.xori %ne3A_794, %ne3A_800 : vector<256x128xi1>
      %and3A_802 = arith.constant 8 : i32
      %and3A_803 = vector.broadcast %and3A_802 : i32 to vector<256x128xi32>
      %and3A_804 = arith.andi %iota3A, %and3A_803 : vector<256x128xi32>
      %ne3A_805 = arith.constant 0 : i32
      %ne3A_806 = vector.broadcast %ne3A_805 : i32 to vector<256x128xi32>
      %ne3A_807 = arith.cmpi ne, %and3A_804, %ne3A_806 : vector<256x128xi32>
      %slice3A_808 = vector.extract_strided_slice %select_n3A_787 {offsets = [0, 120], sizes = [256, 8], strides = [1, 1]} : vector<256x128xf32> to vector<256x8xf32>
      %slice3A_809 = vector.extract_strided_slice %select_n3A_787 {offsets = [0, 0], sizes = [256, 120], strides = [1, 1]} : vector<256x128xf32> to vector<256x120xf32>
      %concatenate3A_810 = tpu.concatenate %slice3A_808, %slice3A_809 in 1 : vector<256x8xf32>, vector<256x120xf32> -> vector<256x128xf32>
      %slice3A_811 = vector.extract_strided_slice %select_n3A_787 {offsets = [0, 8], sizes = [256, 120], strides = [1, 1]} : vector<256x128xf32> to vector<256x120xf32>
      %slice3A_812 = vector.extract_strided_slice %select_n3A_787 {offsets = [0, 0], sizes = [256, 8], strides = [1, 1]} : vector<256x128xf32> to vector<256x8xf32>
      %concatenate3A_813 = tpu.concatenate %slice3A_811, %slice3A_812 in 1 : vector<256x120xf32>, vector<256x8xf32> -> vector<256x128xf32>
      %select_n3A_814 = arith.select %ne3A_807, %concatenate3A_810, %concatenate3A_813 : vector<256x128xi1>, vector<256x128xf32>
      %slice3A_815 = vector.extract_strided_slice %select_n3A_788 {offsets = [0, 120], sizes = [256, 8], strides = [1, 1]} : vector<256x128xi32> to vector<256x8xi32>
      %slice3A_816 = vector.extract_strided_slice %select_n3A_788 {offsets = [0, 0], sizes = [256, 120], strides = [1, 1]} : vector<256x128xi32> to vector<256x120xi32>
      %concatenate3A_817 = tpu.concatenate %slice3A_815, %slice3A_816 in 1 : vector<256x8xi32>, vector<256x120xi32> -> vector<256x128xi32>
      %slice3A_818 = vector.extract_strided_slice %select_n3A_788 {offsets = [0, 8], sizes = [256, 120], strides = [1, 1]} : vector<256x128xi32> to vector<256x120xi32>
      %slice3A_819 = vector.extract_strided_slice %select_n3A_788 {offsets = [0, 0], sizes = [256, 8], strides = [1, 1]} : vector<256x128xi32> to vector<256x8xi32>
      %concatenate3A_820 = tpu.concatenate %slice3A_818, %slice3A_819 in 1 : vector<256x120xi32>, vector<256x8xi32> -> vector<256x128xi32>
      %select_n3A_821 = arith.select %ne3A_807, %concatenate3A_817, %concatenate3A_820 : vector<256x128xi1>, vector<256x128xi32>
      %lt3A_822 = arith.cmpf olt, %select_n3A_814, %select_n3A_787 : vector<256x128xf32>
      %and3A_823 = arith.andi %xor3A_801, %lt3A_822 : vector<256x128xi1>
      %not3A_824 = arith.constant dense<true> : vector<256x128xi1>
      %not3A_825 = arith.xori %xor3A_801, %not3A_824 : vector<256x128xi1>
      %gt3A_826 = arith.cmpf ogt, %select_n3A_814, %select_n3A_787 : vector<256x128xf32>
      %and3A_827 = arith.andi %not3A_825, %gt3A_826 : vector<256x128xi1>
      %or3A_828 = arith.ori %and3A_823, %and3A_827 : vector<256x128xi1>
      %select_n3A_829 = arith.select %or3A_828, %select_n3A_814, %select_n3A_787 : vector<256x128xi1>, vector<256x128xf32>
      %select_n3A_830 = arith.select %or3A_828, %select_n3A_821, %select_n3A_788 : vector<256x128xi1>, vector<256x128xi32>
      %and3A_831 = arith.constant 64 : i32
      %and3A_832 = vector.broadcast %and3A_831 : i32 to vector<256x128xi32>
      %and3A_833 = arith.andi %iota3A, %and3A_832 : vector<256x128xi32>
      %ne3A_834 = arith.constant 0 : i32
      %ne3A_835 = vector.broadcast %ne3A_834 : i32 to vector<256x128xi32>
      %ne3A_836 = arith.cmpi ne, %and3A_833, %ne3A_835 : vector<256x128xi32>
      %and3A_837 = arith.constant 4 : i32
      %and3A_838 = vector.broadcast %and3A_837 : i32 to vector<256x128xi32>
      %and3A_839 = arith.andi %iota3A, %and3A_838 : vector<256x128xi32>
      %ne3A_840 = arith.constant 0 : i32
      %ne3A_841 = vector.broadcast %ne3A_840 : i32 to vector<256x128xi32>
      %ne3A_842 = arith.cmpi ne, %and3A_839, %ne3A_841 : vector<256x128xi32>
      %xor3A_843 = arith.xori %ne3A_836, %ne3A_842 : vector<256x128xi1>
      %and3A_844 = arith.constant 4 : i32
      %and3A_845 = vector.broadcast %and3A_844 : i32 to vector<256x128xi32>
      %and3A_846 = arith.andi %iota3A, %and3A_845 : vector<256x128xi32>
      %ne3A_847 = arith.constant 0 : i32
      %ne3A_848 = vector.broadcast %ne3A_847 : i32 to vector<256x128xi32>
      %ne3A_849 = arith.cmpi ne, %and3A_846, %ne3A_848 : vector<256x128xi32>
      %slice3A_850 = vector.extract_strided_slice %select_n3A_829 {offsets = [0, 124], sizes = [256, 4], strides = [1, 1]} : vector<256x128xf32> to vector<256x4xf32>
      %slice3A_851 = vector.extract_strided_slice %select_n3A_829 {offsets = [0, 0], sizes = [256, 124], strides = [1, 1]} : vector<256x128xf32> to vector<256x124xf32>
      %concatenate3A_852 = tpu.concatenate %slice3A_850, %slice3A_851 in 1 : vector<256x4xf32>, vector<256x124xf32> -> vector<256x128xf32>
      %slice3A_853 = vector.extract_strided_slice %select_n3A_829 {offsets = [0, 4], sizes = [256, 124], strides = [1, 1]} : vector<256x128xf32> to vector<256x124xf32>
      %slice3A_854 = vector.extract_strided_slice %select_n3A_829 {offsets = [0, 0], sizes = [256, 4], strides = [1, 1]} : vector<256x128xf32> to vector<256x4xf32>
      %concatenate3A_855 = tpu.concatenate %slice3A_853, %slice3A_854 in 1 : vector<256x124xf32>, vector<256x4xf32> -> vector<256x128xf32>
      %select_n3A_856 = arith.select %ne3A_849, %concatenate3A_852, %concatenate3A_855 : vector<256x128xi1>, vector<256x128xf32>
      %slice3A_857 = vector.extract_strided_slice %select_n3A_830 {offsets = [0, 124], sizes = [256, 4], strides = [1, 1]} : vector<256x128xi32> to vector<256x4xi32>
      %slice3A_858 = vector.extract_strided_slice %select_n3A_830 {offsets = [0, 0], sizes = [256, 124], strides = [1, 1]} : vector<256x128xi32> to vector<256x124xi32>
      %concatenate3A_859 = tpu.concatenate %slice3A_857, %slice3A_858 in 1 : vector<256x4xi32>, vector<256x124xi32> -> vector<256x128xi32>
      %slice3A_860 = vector.extract_strided_slice %select_n3A_830 {offsets = [0, 4], sizes = [256, 124], strides = [1, 1]} : vector<256x128xi32> to vector<256x124xi32>
      %slice3A_861 = vector.extract_strided_slice %select_n3A_830 {offsets = [0, 0], sizes = [256, 4], strides = [1, 1]} : vector<256x128xi32> to vector<256x4xi32>
      %concatenate3A_862 = tpu.concatenate %slice3A_860, %slice3A_861 in 1 : vector<256x124xi32>, vector<256x4xi32> -> vector<256x128xi32>
      %select_n3A_863 = arith.select %ne3A_849, %concatenate3A_859, %concatenate3A_862 : vector<256x128xi1>, vector<256x128xi32>
      %lt3A_864 = arith.cmpf olt, %select_n3A_856, %select_n3A_829 : vector<256x128xf32>
      %and3A_865 = arith.andi %xor3A_843, %lt3A_864 : vector<256x128xi1>
      %not3A_866 = arith.constant dense<true> : vector<256x128xi1>
      %not3A_867 = arith.xori %xor3A_843, %not3A_866 : vector<256x128xi1>
      %gt3A_868 = arith.cmpf ogt, %select_n3A_856, %select_n3A_829 : vector<256x128xf32>
      %and3A_869 = arith.andi %not3A_867, %gt3A_868 : vector<256x128xi1>
      %or3A_870 = arith.ori %and3A_865, %and3A_869 : vector<256x128xi1>
      %select_n3A_871 = arith.select %or3A_870, %select_n3A_856, %select_n3A_829 : vector<256x128xi1>, vector<256x128xf32>
      %select_n3A_872 = arith.select %or3A_870, %select_n3A_863, %select_n3A_830 : vector<256x128xi1>, vector<256x128xi32>
      %and3A_873 = arith.constant 64 : i32
      %and3A_874 = vector.broadcast %and3A_873 : i32 to vector<256x128xi32>
      %and3A_875 = arith.andi %iota3A, %and3A_874 : vector<256x128xi32>
      %ne3A_876 = arith.constant 0 : i32
      %ne3A_877 = vector.broadcast %ne3A_876 : i32 to vector<256x128xi32>
      %ne3A_878 = arith.cmpi ne, %and3A_875, %ne3A_877 : vector<256x128xi32>
      %and3A_879 = arith.constant 2 : i32
      %and3A_880 = vector.broadcast %and3A_879 : i32 to vector<256x128xi32>
      %and3A_881 = arith.andi %iota3A, %and3A_880 : vector<256x128xi32>
      %ne3A_882 = arith.constant 0 : i32
      %ne3A_883 = vector.broadcast %ne3A_882 : i32 to vector<256x128xi32>
      %ne3A_884 = arith.cmpi ne, %and3A_881, %ne3A_883 : vector<256x128xi32>
      %xor3A_885 = arith.xori %ne3A_878, %ne3A_884 : vector<256x128xi1>
      %and3A_886 = arith.constant 2 : i32
      %and3A_887 = vector.broadcast %and3A_886 : i32 to vector<256x128xi32>
      %and3A_888 = arith.andi %iota3A, %and3A_887 : vector<256x128xi32>
      %ne3A_889 = arith.constant 0 : i32
      %ne3A_890 = vector.broadcast %ne3A_889 : i32 to vector<256x128xi32>
      %ne3A_891 = arith.cmpi ne, %and3A_888, %ne3A_890 : vector<256x128xi32>
      %slice3A_892 = vector.extract_strided_slice %select_n3A_871 {offsets = [0, 126], sizes = [256, 2], strides = [1, 1]} : vector<256x128xf32> to vector<256x2xf32>
      %slice3A_893 = vector.extract_strided_slice %select_n3A_871 {offsets = [0, 0], sizes = [256, 126], strides = [1, 1]} : vector<256x128xf32> to vector<256x126xf32>
      %concatenate3A_894 = tpu.concatenate %slice3A_892, %slice3A_893 in 1 : vector<256x2xf32>, vector<256x126xf32> -> vector<256x128xf32>
      %slice3A_895 = vector.extract_strided_slice %select_n3A_871 {offsets = [0, 2], sizes = [256, 126], strides = [1, 1]} : vector<256x128xf32> to vector<256x126xf32>
      %slice3A_896 = vector.extract_strided_slice %select_n3A_871 {offsets = [0, 0], sizes = [256, 2], strides = [1, 1]} : vector<256x128xf32> to vector<256x2xf32>
      %concatenate3A_897 = tpu.concatenate %slice3A_895, %slice3A_896 in 1 : vector<256x126xf32>, vector<256x2xf32> -> vector<256x128xf32>
      %select_n3A_898 = arith.select %ne3A_891, %concatenate3A_894, %concatenate3A_897 : vector<256x128xi1>, vector<256x128xf32>
      %slice3A_899 = vector.extract_strided_slice %select_n3A_872 {offsets = [0, 126], sizes = [256, 2], strides = [1, 1]} : vector<256x128xi32> to vector<256x2xi32>
      %slice3A_900 = vector.extract_strided_slice %select_n3A_872 {offsets = [0, 0], sizes = [256, 126], strides = [1, 1]} : vector<256x128xi32> to vector<256x126xi32>
      %concatenate3A_901 = tpu.concatenate %slice3A_899, %slice3A_900 in 1 : vector<256x2xi32>, vector<256x126xi32> -> vector<256x128xi32>
      %slice3A_902 = vector.extract_strided_slice %select_n3A_872 {offsets = [0, 2], sizes = [256, 126], strides = [1, 1]} : vector<256x128xi32> to vector<256x126xi32>
      %slice3A_903 = vector.extract_strided_slice %select_n3A_872 {offsets = [0, 0], sizes = [256, 2], strides = [1, 1]} : vector<256x128xi32> to vector<256x2xi32>
      %concatenate3A_904 = tpu.concatenate %slice3A_902, %slice3A_903 in 1 : vector<256x126xi32>, vector<256x2xi32> -> vector<256x128xi32>
      %select_n3A_905 = arith.select %ne3A_891, %concatenate3A_901, %concatenate3A_904 : vector<256x128xi1>, vector<256x128xi32>
      %lt3A_906 = arith.cmpf olt, %select_n3A_898, %select_n3A_871 : vector<256x128xf32>
      %and3A_907 = arith.andi %xor3A_885, %lt3A_906 : vector<256x128xi1>
      %not3A_908 = arith.constant dense<true> : vector<256x128xi1>
      %not3A_909 = arith.xori %xor3A_885, %not3A_908 : vector<256x128xi1>
      %gt3A_910 = arith.cmpf ogt, %select_n3A_898, %select_n3A_871 : vector<256x128xf32>
      %and3A_911 = arith.andi %not3A_909, %gt3A_910 : vector<256x128xi1>
      %or3A_912 = arith.ori %and3A_907, %and3A_911 : vector<256x128xi1>
      %select_n3A_913 = arith.select %or3A_912, %select_n3A_898, %select_n3A_871 : vector<256x128xi1>, vector<256x128xf32>
      %select_n3A_914 = arith.select %or3A_912, %select_n3A_905, %select_n3A_872 : vector<256x128xi1>, vector<256x128xi32>
      %and3A_915 = arith.constant 64 : i32
      %and3A_916 = vector.broadcast %and3A_915 : i32 to vector<256x128xi32>
      %and3A_917 = arith.andi %iota3A, %and3A_916 : vector<256x128xi32>
      %ne3A_918 = arith.constant 0 : i32
      %ne3A_919 = vector.broadcast %ne3A_918 : i32 to vector<256x128xi32>
      %ne3A_920 = arith.cmpi ne, %and3A_917, %ne3A_919 : vector<256x128xi32>
      %and3A_921 = arith.constant 1 : i32
      %and3A_922 = vector.broadcast %and3A_921 : i32 to vector<256x128xi32>
      %and3A_923 = arith.andi %iota3A, %and3A_922 : vector<256x128xi32>
      %ne3A_924 = arith.constant 0 : i32
      %ne3A_925 = vector.broadcast %ne3A_924 : i32 to vector<256x128xi32>
      %ne3A_926 = arith.cmpi ne, %and3A_923, %ne3A_925 : vector<256x128xi32>
      %xor3A_927 = arith.xori %ne3A_920, %ne3A_926 : vector<256x128xi1>
      %and3A_928 = arith.constant 1 : i32
      %and3A_929 = vector.broadcast %and3A_928 : i32 to vector<256x128xi32>
      %and3A_930 = arith.andi %iota3A, %and3A_929 : vector<256x128xi32>
      %ne3A_931 = arith.constant 0 : i32
      %ne3A_932 = vector.broadcast %ne3A_931 : i32 to vector<256x128xi32>
      %ne3A_933 = arith.cmpi ne, %and3A_930, %ne3A_932 : vector<256x128xi32>
      %slice3A_934 = vector.extract_strided_slice %select_n3A_913 {offsets = [0, 127], sizes = [256, 1], strides = [1, 1]} : vector<256x128xf32> to vector<256x1xf32>
      %slice3A_935 = vector.extract_strided_slice %select_n3A_913 {offsets = [0, 0], sizes = [256, 127], strides = [1, 1]} : vector<256x128xf32> to vector<256x127xf32>
      %concatenate3A_936 = tpu.concatenate %slice3A_934, %slice3A_935 in 1 : vector<256x1xf32>, vector<256x127xf32> -> vector<256x128xf32>
      %slice3A_937 = vector.extract_strided_slice %select_n3A_913 {offsets = [0, 1], sizes = [256, 127], strides = [1, 1]} : vector<256x128xf32> to vector<256x127xf32>
      %slice3A_938 = vector.extract_strided_slice %select_n3A_913 {offsets = [0, 0], sizes = [256, 1], strides = [1, 1]} : vector<256x128xf32> to vector<256x1xf32>
      %concatenate3A_939 = tpu.concatenate %slice3A_937, %slice3A_938 in 1 : vector<256x127xf32>, vector<256x1xf32> -> vector<256x128xf32>
      %select_n3A_940 = arith.select %ne3A_933, %concatenate3A_936, %concatenate3A_939 : vector<256x128xi1>, vector<256x128xf32>
      %slice3A_941 = vector.extract_strided_slice %select_n3A_914 {offsets = [0, 127], sizes = [256, 1], strides = [1, 1]} : vector<256x128xi32> to vector<256x1xi32>
      %slice3A_942 = vector.extract_strided_slice %select_n3A_914 {offsets = [0, 0], sizes = [256, 127], strides = [1, 1]} : vector<256x128xi32> to vector<256x127xi32>
      %concatenate3A_943 = tpu.concatenate %slice3A_941, %slice3A_942 in 1 : vector<256x1xi32>, vector<256x127xi32> -> vector<256x128xi32>
      %slice3A_944 = vector.extract_strided_slice %select_n3A_914 {offsets = [0, 1], sizes = [256, 127], strides = [1, 1]} : vector<256x128xi32> to vector<256x127xi32>
      %slice3A_945 = vector.extract_strided_slice %select_n3A_914 {offsets = [0, 0], sizes = [256, 1], strides = [1, 1]} : vector<256x128xi32> to vector<256x1xi32>
      %concatenate3A_946 = tpu.concatenate %slice3A_944, %slice3A_945 in 1 : vector<256x127xi32>, vector<256x1xi32> -> vector<256x128xi32>
      %select_n3A_947 = arith.select %ne3A_933, %concatenate3A_943, %concatenate3A_946 : vector<256x128xi1>, vector<256x128xi32>
      %lt3A_948 = arith.cmpf olt, %select_n3A_940, %select_n3A_913 : vector<256x128xf32>
      %and3A_949 = arith.andi %xor3A_927, %lt3A_948 : vector<256x128xi1>
      %not3A_950 = arith.constant dense<true> : vector<256x128xi1>
      %not3A_951 = arith.xori %xor3A_927, %not3A_950 : vector<256x128xi1>
      %gt3A_952 = arith.cmpf ogt, %select_n3A_940, %select_n3A_913 : vector<256x128xf32>
      %and3A_953 = arith.andi %not3A_951, %gt3A_952 : vector<256x128xi1>
      %or3A_954 = arith.ori %and3A_949, %and3A_953 : vector<256x128xi1>
      %select_n3A_955 = arith.select %or3A_954, %select_n3A_940, %select_n3A_913 : vector<256x128xi1>, vector<256x128xf32>
      %select_n3A_956 = arith.select %or3A_954, %select_n3A_947, %select_n3A_914 : vector<256x128xi1>, vector<256x128xi32>
      %and3A_957 = arith.constant 128 : i32
      %and3A_958 = vector.broadcast %and3A_957 : i32 to vector<256x128xi32>
      %and3A_959 = arith.andi %iota3A, %and3A_958 : vector<256x128xi32>
      %ne3A_960 = arith.constant 0 : i32
      %ne3A_961 = vector.broadcast %ne3A_960 : i32 to vector<256x128xi32>
      %ne3A_962 = arith.cmpi ne, %and3A_959, %ne3A_961 : vector<256x128xi32>
      %and3A_963 = arith.constant 64 : i32
      %and3A_964 = vector.broadcast %and3A_963 : i32 to vector<256x128xi32>
      %and3A_965 = arith.andi %iota3A, %and3A_964 : vector<256x128xi32>
      %ne3A_966 = arith.constant 0 : i32
      %ne3A_967 = vector.broadcast %ne3A_966 : i32 to vector<256x128xi32>
      %ne3A_968 = arith.cmpi ne, %and3A_965, %ne3A_967 : vector<256x128xi32>
      %xor3A_969 = arith.xori %ne3A_962, %ne3A_968 : vector<256x128xi1>
      %and3A_970 = arith.constant 64 : i32
      %and3A_971 = vector.broadcast %and3A_970 : i32 to vector<256x128xi32>
      %and3A_972 = arith.andi %iota3A, %and3A_971 : vector<256x128xi32>
      %ne3A_973 = arith.constant 0 : i32
      %ne3A_974 = vector.broadcast %ne3A_973 : i32 to vector<256x128xi32>
      %ne3A_975 = arith.cmpi ne, %and3A_972, %ne3A_974 : vector<256x128xi32>
      %slice3A_976 = vector.extract_strided_slice %select_n3A_955 {offsets = [0, 64], sizes = [256, 64], strides = [1, 1]} : vector<256x128xf32> to vector<256x64xf32>
      %slice3A_977 = vector.extract_strided_slice %select_n3A_955 {offsets = [0, 0], sizes = [256, 64], strides = [1, 1]} : vector<256x128xf32> to vector<256x64xf32>
      %concatenate3A_978 = tpu.concatenate %slice3A_976, %slice3A_977 in 1 : vector<256x64xf32>, vector<256x64xf32> -> vector<256x128xf32>
      %slice3A_979 = vector.extract_strided_slice %select_n3A_955 {offsets = [0, 64], sizes = [256, 64], strides = [1, 1]} : vector<256x128xf32> to vector<256x64xf32>
      %slice3A_980 = vector.extract_strided_slice %select_n3A_955 {offsets = [0, 0], sizes = [256, 64], strides = [1, 1]} : vector<256x128xf32> to vector<256x64xf32>
      %concatenate3A_981 = tpu.concatenate %slice3A_979, %slice3A_980 in 1 : vector<256x64xf32>, vector<256x64xf32> -> vector<256x128xf32>
      %select_n3A_982 = arith.select %ne3A_975, %concatenate3A_978, %concatenate3A_981 : vector<256x128xi1>, vector<256x128xf32>
      %slice3A_983 = vector.extract_strided_slice %select_n3A_956 {offsets = [0, 64], sizes = [256, 64], strides = [1, 1]} : vector<256x128xi32> to vector<256x64xi32>
      %slice3A_984 = vector.extract_strided_slice %select_n3A_956 {offsets = [0, 0], sizes = [256, 64], strides = [1, 1]} : vector<256x128xi32> to vector<256x64xi32>
      %concatenate3A_985 = tpu.concatenate %slice3A_983, %slice3A_984 in 1 : vector<256x64xi32>, vector<256x64xi32> -> vector<256x128xi32>
      %slice3A_986 = vector.extract_strided_slice %select_n3A_956 {offsets = [0, 64], sizes = [256, 64], strides = [1, 1]} : vector<256x128xi32> to vector<256x64xi32>
      %slice3A_987 = vector.extract_strided_slice %select_n3A_956 {offsets = [0, 0], sizes = [256, 64], strides = [1, 1]} : vector<256x128xi32> to vector<256x64xi32>
      %concatenate3A_988 = tpu.concatenate %slice3A_986, %slice3A_987 in 1 : vector<256x64xi32>, vector<256x64xi32> -> vector<256x128xi32>
      %select_n3A_989 = arith.select %ne3A_975, %concatenate3A_985, %concatenate3A_988 : vector<256x128xi1>, vector<256x128xi32>
      %lt3A_990 = arith.cmpf olt, %select_n3A_982, %select_n3A_955 : vector<256x128xf32>
      %and3A_991 = arith.andi %xor3A_969, %lt3A_990 : vector<256x128xi1>
      %not3A_992 = arith.constant dense<true> : vector<256x128xi1>
      %not3A_993 = arith.xori %xor3A_969, %not3A_992 : vector<256x128xi1>
      %gt3A_994 = arith.cmpf ogt, %select_n3A_982, %select_n3A_955 : vector<256x128xf32>
      %and3A_995 = arith.andi %not3A_993, %gt3A_994 : vector<256x128xi1>
      %or3A_996 = arith.ori %and3A_991, %and3A_995 : vector<256x128xi1>
      %select_n3A_997 = arith.select %or3A_996, %select_n3A_982, %select_n3A_955 : vector<256x128xi1>, vector<256x128xf32>
      %select_n3A_998 = arith.select %or3A_996, %select_n3A_989, %select_n3A_956 : vector<256x128xi1>, vector<256x128xi32>
      %and3A_999 = arith.constant 128 : i32
      %and3A_1000 = vector.broadcast %and3A_999 : i32 to vector<256x128xi32>
      %and3A_1001 = arith.andi %iota3A, %and3A_1000 : vector<256x128xi32>
      %ne3A_1002 = arith.constant 0 : i32
      %ne3A_1003 = vector.broadcast %ne3A_1002 : i32 to vector<256x128xi32>
      %ne3A_1004 = arith.cmpi ne, %and3A_1001, %ne3A_1003 : vector<256x128xi32>
      %and3A_1005 = arith.constant 32 : i32
      %and3A_1006 = vector.broadcast %and3A_1005 : i32 to vector<256x128xi32>
      %and3A_1007 = arith.andi %iota3A, %and3A_1006 : vector<256x128xi32>
      %ne3A_1008 = arith.constant 0 : i32
      %ne3A_1009 = vector.broadcast %ne3A_1008 : i32 to vector<256x128xi32>
      %ne3A_1010 = arith.cmpi ne, %and3A_1007, %ne3A_1009 : vector<256x128xi32>
      %xor3A_1011 = arith.xori %ne3A_1004, %ne3A_1010 : vector<256x128xi1>
      %and3A_1012 = arith.constant 32 : i32
      %and3A_1013 = vector.broadcast %and3A_1012 : i32 to vector<256x128xi32>
      %and3A_1014 = arith.andi %iota3A, %and3A_1013 : vector<256x128xi32>
      %ne3A_1015 = arith.constant 0 : i32
      %ne3A_1016 = vector.broadcast %ne3A_1015 : i32 to vector<256x128xi32>
      %ne3A_1017 = arith.cmpi ne, %and3A_1014, %ne3A_1016 : vector<256x128xi32>
      %slice3A_1018 = vector.extract_strided_slice %select_n3A_997 {offsets = [0, 96], sizes = [256, 32], strides = [1, 1]} : vector<256x128xf32> to vector<256x32xf32>
      %slice3A_1019 = vector.extract_strided_slice %select_n3A_997 {offsets = [0, 0], sizes = [256, 96], strides = [1, 1]} : vector<256x128xf32> to vector<256x96xf32>
      %concatenate3A_1020 = tpu.concatenate %slice3A_1018, %slice3A_1019 in 1 : vector<256x32xf32>, vector<256x96xf32> -> vector<256x128xf32>
      %slice3A_1021 = vector.extract_strided_slice %select_n3A_997 {offsets = [0, 32], sizes = [256, 96], strides = [1, 1]} : vector<256x128xf32> to vector<256x96xf32>
      %slice3A_1022 = vector.extract_strided_slice %select_n3A_997 {offsets = [0, 0], sizes = [256, 32], strides = [1, 1]} : vector<256x128xf32> to vector<256x32xf32>
      %concatenate3A_1023 = tpu.concatenate %slice3A_1021, %slice3A_1022 in 1 : vector<256x96xf32>, vector<256x32xf32> -> vector<256x128xf32>
      %select_n3A_1024 = arith.select %ne3A_1017, %concatenate3A_1020, %concatenate3A_1023 : vector<256x128xi1>, vector<256x128xf32>
      %slice3A_1025 = vector.extract_strided_slice %select_n3A_998 {offsets = [0, 96], sizes = [256, 32], strides = [1, 1]} : vector<256x128xi32> to vector<256x32xi32>
      %slice3A_1026 = vector.extract_strided_slice %select_n3A_998 {offsets = [0, 0], sizes = [256, 96], strides = [1, 1]} : vector<256x128xi32> to vector<256x96xi32>
      %concatenate3A_1027 = tpu.concatenate %slice3A_1025, %slice3A_1026 in 1 : vector<256x32xi32>, vector<256x96xi32> -> vector<256x128xi32>
      %slice3A_1028 = vector.extract_strided_slice %select_n3A_998 {offsets = [0, 32], sizes = [256, 96], strides = [1, 1]} : vector<256x128xi32> to vector<256x96xi32>
      %slice3A_1029 = vector.extract_strided_slice %select_n3A_998 {offsets = [0, 0], sizes = [256, 32], strides = [1, 1]} : vector<256x128xi32> to vector<256x32xi32>
      %concatenate3A_1030 = tpu.concatenate %slice3A_1028, %slice3A_1029 in 1 : vector<256x96xi32>, vector<256x32xi32> -> vector<256x128xi32>
      %select_n3A_1031 = arith.select %ne3A_1017, %concatenate3A_1027, %concatenate3A_1030 : vector<256x128xi1>, vector<256x128xi32>
      %lt3A_1032 = arith.cmpf olt, %select_n3A_1024, %select_n3A_997 : vector<256x128xf32>
      %and3A_1033 = arith.andi %xor3A_1011, %lt3A_1032 : vector<256x128xi1>
      %not3A_1034 = arith.constant dense<true> : vector<256x128xi1>
      %not3A_1035 = arith.xori %xor3A_1011, %not3A_1034 : vector<256x128xi1>
      %gt3A_1036 = arith.cmpf ogt, %select_n3A_1024, %select_n3A_997 : vector<256x128xf32>
      %and3A_1037 = arith.andi %not3A_1035, %gt3A_1036 : vector<256x128xi1>
      %or3A_1038 = arith.ori %and3A_1033, %and3A_1037 : vector<256x128xi1>
      %select_n3A_1039 = arith.select %or3A_1038, %select_n3A_1024, %select_n3A_997 : vector<256x128xi1>, vector<256x128xf32>
      %select_n3A_1040 = arith.select %or3A_1038, %select_n3A_1031, %select_n3A_998 : vector<256x128xi1>, vector<256x128xi32>
      %and3A_1041 = arith.constant 128 : i32
      %and3A_1042 = vector.broadcast %and3A_1041 : i32 to vector<256x128xi32>
      %and3A_1043 = arith.andi %iota3A, %and3A_1042 : vector<256x128xi32>
      %ne3A_1044 = arith.constant 0 : i32
      %ne3A_1045 = vector.broadcast %ne3A_1044 : i32 to vector<256x128xi32>
      %ne3A_1046 = arith.cmpi ne, %and3A_1043, %ne3A_1045 : vector<256x128xi32>
      %and3A_1047 = arith.constant 16 : i32
      %and3A_1048 = vector.broadcast %and3A_1047 : i32 to vector<256x128xi32>
      %and3A_1049 = arith.andi %iota3A, %and3A_1048 : vector<256x128xi32>
      %ne3A_1050 = arith.constant 0 : i32
      %ne3A_1051 = vector.broadcast %ne3A_1050 : i32 to vector<256x128xi32>
      %ne3A_1052 = arith.cmpi ne, %and3A_1049, %ne3A_1051 : vector<256x128xi32>
      %xor3A_1053 = arith.xori %ne3A_1046, %ne3A_1052 : vector<256x128xi1>
      %and3A_1054 = arith.constant 16 : i32
      %and3A_1055 = vector.broadcast %and3A_1054 : i32 to vector<256x128xi32>
      %and3A_1056 = arith.andi %iota3A, %and3A_1055 : vector<256x128xi32>
      %ne3A_1057 = arith.constant 0 : i32
      %ne3A_1058 = vector.broadcast %ne3A_1057 : i32 to vector<256x128xi32>
      %ne3A_1059 = arith.cmpi ne, %and3A_1056, %ne3A_1058 : vector<256x128xi32>
      %slice3A_1060 = vector.extract_strided_slice %select_n3A_1039 {offsets = [0, 112], sizes = [256, 16], strides = [1, 1]} : vector<256x128xf32> to vector<256x16xf32>
      %slice3A_1061 = vector.extract_strided_slice %select_n3A_1039 {offsets = [0, 0], sizes = [256, 112], strides = [1, 1]} : vector<256x128xf32> to vector<256x112xf32>
      %concatenate3A_1062 = tpu.concatenate %slice3A_1060, %slice3A_1061 in 1 : vector<256x16xf32>, vector<256x112xf32> -> vector<256x128xf32>
      %slice3A_1063 = vector.extract_strided_slice %select_n3A_1039 {offsets = [0, 16], sizes = [256, 112], strides = [1, 1]} : vector<256x128xf32> to vector<256x112xf32>
      %slice3A_1064 = vector.extract_strided_slice %select_n3A_1039 {offsets = [0, 0], sizes = [256, 16], strides = [1, 1]} : vector<256x128xf32> to vector<256x16xf32>
      %concatenate3A_1065 = tpu.concatenate %slice3A_1063, %slice3A_1064 in 1 : vector<256x112xf32>, vector<256x16xf32> -> vector<256x128xf32>
      %select_n3A_1066 = arith.select %ne3A_1059, %concatenate3A_1062, %concatenate3A_1065 : vector<256x128xi1>, vector<256x128xf32>
      %slice3A_1067 = vector.extract_strided_slice %select_n3A_1040 {offsets = [0, 112], sizes = [256, 16], strides = [1, 1]} : vector<256x128xi32> to vector<256x16xi32>
      %slice3A_1068 = vector.extract_strided_slice %select_n3A_1040 {offsets = [0, 0], sizes = [256, 112], strides = [1, 1]} : vector<256x128xi32> to vector<256x112xi32>
      %concatenate3A_1069 = tpu.concatenate %slice3A_1067, %slice3A_1068 in 1 : vector<256x16xi32>, vector<256x112xi32> -> vector<256x128xi32>
      %slice3A_1070 = vector.extract_strided_slice %select_n3A_1040 {offsets = [0, 16], sizes = [256, 112], strides = [1, 1]} : vector<256x128xi32> to vector<256x112xi32>
      %slice3A_1071 = vector.extract_strided_slice %select_n3A_1040 {offsets = [0, 0], sizes = [256, 16], strides = [1, 1]} : vector<256x128xi32> to vector<256x16xi32>
      %concatenate3A_1072 = tpu.concatenate %slice3A_1070, %slice3A_1071 in 1 : vector<256x112xi32>, vector<256x16xi32> -> vector<256x128xi32>
      %select_n3A_1073 = arith.select %ne3A_1059, %concatenate3A_1069, %concatenate3A_1072 : vector<256x128xi1>, vector<256x128xi32>
      %lt3A_1074 = arith.cmpf olt, %select_n3A_1066, %select_n3A_1039 : vector<256x128xf32>
      %and3A_1075 = arith.andi %xor3A_1053, %lt3A_1074 : vector<256x128xi1>
      %not3A_1076 = arith.constant dense<true> : vector<256x128xi1>
      %not3A_1077 = arith.xori %xor3A_1053, %not3A_1076 : vector<256x128xi1>
      %gt3A_1078 = arith.cmpf ogt, %select_n3A_1066, %select_n3A_1039 : vector<256x128xf32>
      %and3A_1079 = arith.andi %not3A_1077, %gt3A_1078 : vector<256x128xi1>
      %or3A_1080 = arith.ori %and3A_1075, %and3A_1079 : vector<256x128xi1>
      %select_n3A_1081 = arith.select %or3A_1080, %select_n3A_1066, %select_n3A_1039 : vector<256x128xi1>, vector<256x128xf32>
      %select_n3A_1082 = arith.select %or3A_1080, %select_n3A_1073, %select_n3A_1040 : vector<256x128xi1>, vector<256x128xi32>
      %and3A_1083 = arith.constant 128 : i32
      %and3A_1084 = vector.broadcast %and3A_1083 : i32 to vector<256x128xi32>
      %and3A_1085 = arith.andi %iota3A, %and3A_1084 : vector<256x128xi32>
      %ne3A_1086 = arith.constant 0 : i32
      %ne3A_1087 = vector.broadcast %ne3A_1086 : i32 to vector<256x128xi32>
      %ne3A_1088 = arith.cmpi ne, %and3A_1085, %ne3A_1087 : vector<256x128xi32>
      %and3A_1089 = arith.constant 8 : i32
      %and3A_1090 = vector.broadcast %and3A_1089 : i32 to vector<256x128xi32>
      %and3A_1091 = arith.andi %iota3A, %and3A_1090 : vector<256x128xi32>
      %ne3A_1092 = arith.constant 0 : i32
      %ne3A_1093 = vector.broadcast %ne3A_1092 : i32 to vector<256x128xi32>
      %ne3A_1094 = arith.cmpi ne, %and3A_1091, %ne3A_1093 : vector<256x128xi32>
      %xor3A_1095 = arith.xori %ne3A_1088, %ne3A_1094 : vector<256x128xi1>
      %and3A_1096 = arith.constant 8 : i32
      %and3A_1097 = vector.broadcast %and3A_1096 : i32 to vector<256x128xi32>
      %and3A_1098 = arith.andi %iota3A, %and3A_1097 : vector<256x128xi32>
      %ne3A_1099 = arith.constant 0 : i32
      %ne3A_1100 = vector.broadcast %ne3A_1099 : i32 to vector<256x128xi32>
      %ne3A_1101 = arith.cmpi ne, %and3A_1098, %ne3A_1100 : vector<256x128xi32>
      %slice3A_1102 = vector.extract_strided_slice %select_n3A_1081 {offsets = [0, 120], sizes = [256, 8], strides = [1, 1]} : vector<256x128xf32> to vector<256x8xf32>
      %slice3A_1103 = vector.extract_strided_slice %select_n3A_1081 {offsets = [0, 0], sizes = [256, 120], strides = [1, 1]} : vector<256x128xf32> to vector<256x120xf32>
      %concatenate3A_1104 = tpu.concatenate %slice3A_1102, %slice3A_1103 in 1 : vector<256x8xf32>, vector<256x120xf32> -> vector<256x128xf32>
      %slice3A_1105 = vector.extract_strided_slice %select_n3A_1081 {offsets = [0, 8], sizes = [256, 120], strides = [1, 1]} : vector<256x128xf32> to vector<256x120xf32>
      %slice3A_1106 = vector.extract_strided_slice %select_n3A_1081 {offsets = [0, 0], sizes = [256, 8], strides = [1, 1]} : vector<256x128xf32> to vector<256x8xf32>
      %concatenate3A_1107 = tpu.concatenate %slice3A_1105, %slice3A_1106 in 1 : vector<256x120xf32>, vector<256x8xf32> -> vector<256x128xf32>
      %select_n3A_1108 = arith.select %ne3A_1101, %concatenate3A_1104, %concatenate3A_1107 : vector<256x128xi1>, vector<256x128xf32>
      %slice3A_1109 = vector.extract_strided_slice %select_n3A_1082 {offsets = [0, 120], sizes = [256, 8], strides = [1, 1]} : vector<256x128xi32> to vector<256x8xi32>
      %slice3A_1110 = vector.extract_strided_slice %select_n3A_1082 {offsets = [0, 0], sizes = [256, 120], strides = [1, 1]} : vector<256x128xi32> to vector<256x120xi32>
      %concatenate3A_1111 = tpu.concatenate %slice3A_1109, %slice3A_1110 in 1 : vector<256x8xi32>, vector<256x120xi32> -> vector<256x128xi32>
      %slice3A_1112 = vector.extract_strided_slice %select_n3A_1082 {offsets = [0, 8], sizes = [256, 120], strides = [1, 1]} : vector<256x128xi32> to vector<256x120xi32>
      %slice3A_1113 = vector.extract_strided_slice %select_n3A_1082 {offsets = [0, 0], sizes = [256, 8], strides = [1, 1]} : vector<256x128xi32> to vector<256x8xi32>
      %concatenate3A_1114 = tpu.concatenate %slice3A_1112, %slice3A_1113 in 1 : vector<256x120xi32>, vector<256x8xi32> -> vector<256x128xi32>
      %select_n3A_1115 = arith.select %ne3A_1101, %concatenate3A_1111, %concatenate3A_1114 : vector<256x128xi1>, vector<256x128xi32>
      %lt3A_1116 = arith.cmpf olt, %select_n3A_1108, %select_n3A_1081 : vector<256x128xf32>
      %and3A_1117 = arith.andi %xor3A_1095, %lt3A_1116 : vector<256x128xi1>
      %not3A_1118 = arith.constant dense<true> : vector<256x128xi1>
      %not3A_1119 = arith.xori %xor3A_1095, %not3A_1118 : vector<256x128xi1>
      %gt3A_1120 = arith.cmpf ogt, %select_n3A_1108, %select_n3A_1081 : vector<256x128xf32>
      %and3A_1121 = arith.andi %not3A_1119, %gt3A_1120 : vector<256x128xi1>
      %or3A_1122 = arith.ori %and3A_1117, %and3A_1121 : vector<256x128xi1>
      %select_n3A_1123 = arith.select %or3A_1122, %select_n3A_1108, %select_n3A_1081 : vector<256x128xi1>, vector<256x128xf32>
      %select_n3A_1124 = arith.select %or3A_1122, %select_n3A_1115, %select_n3A_1082 : vector<256x128xi1>, vector<256x128xi32>
      %and3A_1125 = arith.constant 128 : i32
      %and3A_1126 = vector.broadcast %and3A_1125 : i32 to vector<256x128xi32>
      %and3A_1127 = arith.andi %iota3A, %and3A_1126 : vector<256x128xi32>
      %ne3A_1128 = arith.constant 0 : i32
      %ne3A_1129 = vector.broadcast %ne3A_1128 : i32 to vector<256x128xi32>
      %ne3A_1130 = arith.cmpi ne, %and3A_1127, %ne3A_1129 : vector<256x128xi32>
      %and3A_1131 = arith.constant 4 : i32
      %and3A_1132 = vector.broadcast %and3A_1131 : i32 to vector<256x128xi32>
      %and3A_1133 = arith.andi %iota3A, %and3A_1132 : vector<256x128xi32>
      %ne3A_1134 = arith.constant 0 : i32
      %ne3A_1135 = vector.broadcast %ne3A_1134 : i32 to vector<256x128xi32>
      %ne3A_1136 = arith.cmpi ne, %and3A_1133, %ne3A_1135 : vector<256x128xi32>
      %xor3A_1137 = arith.xori %ne3A_1130, %ne3A_1136 : vector<256x128xi1>
      %and3A_1138 = arith.constant 4 : i32
      %and3A_1139 = vector.broadcast %and3A_1138 : i32 to vector<256x128xi32>
      %and3A_1140 = arith.andi %iota3A, %and3A_1139 : vector<256x128xi32>
      %ne3A_1141 = arith.constant 0 : i32
      %ne3A_1142 = vector.broadcast %ne3A_1141 : i32 to vector<256x128xi32>
      %ne3A_1143 = arith.cmpi ne, %and3A_1140, %ne3A_1142 : vector<256x128xi32>
      %slice3A_1144 = vector.extract_strided_slice %select_n3A_1123 {offsets = [0, 124], sizes = [256, 4], strides = [1, 1]} : vector<256x128xf32> to vector<256x4xf32>
      %slice3A_1145 = vector.extract_strided_slice %select_n3A_1123 {offsets = [0, 0], sizes = [256, 124], strides = [1, 1]} : vector<256x128xf32> to vector<256x124xf32>
      %concatenate3A_1146 = tpu.concatenate %slice3A_1144, %slice3A_1145 in 1 : vector<256x4xf32>, vector<256x124xf32> -> vector<256x128xf32>
      %slice3A_1147 = vector.extract_strided_slice %select_n3A_1123 {offsets = [0, 4], sizes = [256, 124], strides = [1, 1]} : vector<256x128xf32> to vector<256x124xf32>
      %slice3A_1148 = vector.extract_strided_slice %select_n3A_1123 {offsets = [0, 0], sizes = [256, 4], strides = [1, 1]} : vector<256x128xf32> to vector<256x4xf32>
      %concatenate3A_1149 = tpu.concatenate %slice3A_1147, %slice3A_1148 in 1 : vector<256x124xf32>, vector<256x4xf32> -> vector<256x128xf32>
      %select_n3A_1150 = arith.select %ne3A_1143, %concatenate3A_1146, %concatenate3A_1149 : vector<256x128xi1>, vector<256x128xf32>
      %slice3A_1151 = vector.extract_strided_slice %select_n3A_1124 {offsets = [0, 124], sizes = [256, 4], strides = [1, 1]} : vector<256x128xi32> to vector<256x4xi32>
      %slice3A_1152 = vector.extract_strided_slice %select_n3A_1124 {offsets = [0, 0], sizes = [256, 124], strides = [1, 1]} : vector<256x128xi32> to vector<256x124xi32>
      %concatenate3A_1153 = tpu.concatenate %slice3A_1151, %slice3A_1152 in 1 : vector<256x4xi32>, vector<256x124xi32> -> vector<256x128xi32>
      %slice3A_1154 = vector.extract_strided_slice %select_n3A_1124 {offsets = [0, 4], sizes = [256, 124], strides = [1, 1]} : vector<256x128xi32> to vector<256x124xi32>
      %slice3A_1155 = vector.extract_strided_slice %select_n3A_1124 {offsets = [0, 0], sizes = [256, 4], strides = [1, 1]} : vector<256x128xi32> to vector<256x4xi32>
      %concatenate3A_1156 = tpu.concatenate %slice3A_1154, %slice3A_1155 in 1 : vector<256x124xi32>, vector<256x4xi32> -> vector<256x128xi32>
      %select_n3A_1157 = arith.select %ne3A_1143, %concatenate3A_1153, %concatenate3A_1156 : vector<256x128xi1>, vector<256x128xi32>
      %lt3A_1158 = arith.cmpf olt, %select_n3A_1150, %select_n3A_1123 : vector<256x128xf32>
      %and3A_1159 = arith.andi %xor3A_1137, %lt3A_1158 : vector<256x128xi1>
      %not3A_1160 = arith.constant dense<true> : vector<256x128xi1>
      %not3A_1161 = arith.xori %xor3A_1137, %not3A_1160 : vector<256x128xi1>
      %gt3A_1162 = arith.cmpf ogt, %select_n3A_1150, %select_n3A_1123 : vector<256x128xf32>
      %and3A_1163 = arith.andi %not3A_1161, %gt3A_1162 : vector<256x128xi1>
      %or3A_1164 = arith.ori %and3A_1159, %and3A_1163 : vector<256x128xi1>
      %select_n3A_1165 = arith.select %or3A_1164, %select_n3A_1150, %select_n3A_1123 : vector<256x128xi1>, vector<256x128xf32>
      %select_n3A_1166 = arith.select %or3A_1164, %select_n3A_1157, %select_n3A_1124 : vector<256x128xi1>, vector<256x128xi32>
      %and3A_1167 = arith.constant 128 : i32
      %and3A_1168 = vector.broadcast %and3A_1167 : i32 to vector<256x128xi32>
      %and3A_1169 = arith.andi %iota3A, %and3A_1168 : vector<256x128xi32>
      %ne3A_1170 = arith.constant 0 : i32
      %ne3A_1171 = vector.broadcast %ne3A_1170 : i32 to vector<256x128xi32>
      %ne3A_1172 = arith.cmpi ne, %and3A_1169, %ne3A_1171 : vector<256x128xi32>
      %and3A_1173 = arith.constant 2 : i32
      %and3A_1174 = vector.broadcast %and3A_1173 : i32 to vector<256x128xi32>
      %and3A_1175 = arith.andi %iota3A, %and3A_1174 : vector<256x128xi32>
      %ne3A_1176 = arith.constant 0 : i32
      %ne3A_1177 = vector.broadcast %ne3A_1176 : i32 to vector<256x128xi32>
      %ne3A_1178 = arith.cmpi ne, %and3A_1175, %ne3A_1177 : vector<256x128xi32>
      %xor3A_1179 = arith.xori %ne3A_1172, %ne3A_1178 : vector<256x128xi1>
      %and3A_1180 = arith.constant 2 : i32
      %and3A_1181 = vector.broadcast %and3A_1180 : i32 to vector<256x128xi32>
      %and3A_1182 = arith.andi %iota3A, %and3A_1181 : vector<256x128xi32>
      %ne3A_1183 = arith.constant 0 : i32
      %ne3A_1184 = vector.broadcast %ne3A_1183 : i32 to vector<256x128xi32>
      %ne3A_1185 = arith.cmpi ne, %and3A_1182, %ne3A_1184 : vector<256x128xi32>
      %slice3A_1186 = vector.extract_strided_slice %select_n3A_1165 {offsets = [0, 126], sizes = [256, 2], strides = [1, 1]} : vector<256x128xf32> to vector<256x2xf32>
      %slice3A_1187 = vector.extract_strided_slice %select_n3A_1165 {offsets = [0, 0], sizes = [256, 126], strides = [1, 1]} : vector<256x128xf32> to vector<256x126xf32>
      %concatenate3A_1188 = tpu.concatenate %slice3A_1186, %slice3A_1187 in 1 : vector<256x2xf32>, vector<256x126xf32> -> vector<256x128xf32>
      %slice3A_1189 = vector.extract_strided_slice %select_n3A_1165 {offsets = [0, 2], sizes = [256, 126], strides = [1, 1]} : vector<256x128xf32> to vector<256x126xf32>
      %slice3A_1190 = vector.extract_strided_slice %select_n3A_1165 {offsets = [0, 0], sizes = [256, 2], strides = [1, 1]} : vector<256x128xf32> to vector<256x2xf32>
      %concatenate3A_1191 = tpu.concatenate %slice3A_1189, %slice3A_1190 in 1 : vector<256x126xf32>, vector<256x2xf32> -> vector<256x128xf32>
      %select_n3A_1192 = arith.select %ne3A_1185, %concatenate3A_1188, %concatenate3A_1191 : vector<256x128xi1>, vector<256x128xf32>
      %slice3A_1193 = vector.extract_strided_slice %select_n3A_1166 {offsets = [0, 126], sizes = [256, 2], strides = [1, 1]} : vector<256x128xi32> to vector<256x2xi32>
      %slice3A_1194 = vector.extract_strided_slice %select_n3A_1166 {offsets = [0, 0], sizes = [256, 126], strides = [1, 1]} : vector<256x128xi32> to vector<256x126xi32>
      %concatenate3A_1195 = tpu.concatenate %slice3A_1193, %slice3A_1194 in 1 : vector<256x2xi32>, vector<256x126xi32> -> vector<256x128xi32>
      %slice3A_1196 = vector.extract_strided_slice %select_n3A_1166 {offsets = [0, 2], sizes = [256, 126], strides = [1, 1]} : vector<256x128xi32> to vector<256x126xi32>
      %slice3A_1197 = vector.extract_strided_slice %select_n3A_1166 {offsets = [0, 0], sizes = [256, 2], strides = [1, 1]} : vector<256x128xi32> to vector<256x2xi32>
      %concatenate3A_1198 = tpu.concatenate %slice3A_1196, %slice3A_1197 in 1 : vector<256x126xi32>, vector<256x2xi32> -> vector<256x128xi32>
      %select_n3A_1199 = arith.select %ne3A_1185, %concatenate3A_1195, %concatenate3A_1198 : vector<256x128xi1>, vector<256x128xi32>
      %lt3A_1200 = arith.cmpf olt, %select_n3A_1192, %select_n3A_1165 : vector<256x128xf32>
      %and3A_1201 = arith.andi %xor3A_1179, %lt3A_1200 : vector<256x128xi1>
      %not3A_1202 = arith.constant dense<true> : vector<256x128xi1>
      %not3A_1203 = arith.xori %xor3A_1179, %not3A_1202 : vector<256x128xi1>
      %gt3A_1204 = arith.cmpf ogt, %select_n3A_1192, %select_n3A_1165 : vector<256x128xf32>
      %and3A_1205 = arith.andi %not3A_1203, %gt3A_1204 : vector<256x128xi1>
      %or3A_1206 = arith.ori %and3A_1201, %and3A_1205 : vector<256x128xi1>
      %select_n3A_1207 = arith.select %or3A_1206, %select_n3A_1192, %select_n3A_1165 : vector<256x128xi1>, vector<256x128xf32>
      %select_n3A_1208 = arith.select %or3A_1206, %select_n3A_1199, %select_n3A_1166 : vector<256x128xi1>, vector<256x128xi32>
      %and3A_1209 = arith.constant 128 : i32
      %and3A_1210 = vector.broadcast %and3A_1209 : i32 to vector<256x128xi32>
      %and3A_1211 = arith.andi %iota3A, %and3A_1210 : vector<256x128xi32>
      %ne3A_1212 = arith.constant 0 : i32
      %ne3A_1213 = vector.broadcast %ne3A_1212 : i32 to vector<256x128xi32>
      %ne3A_1214 = arith.cmpi ne, %and3A_1211, %ne3A_1213 : vector<256x128xi32>
      %and3A_1215 = arith.constant 1 : i32
      %and3A_1216 = vector.broadcast %and3A_1215 : i32 to vector<256x128xi32>
      %and3A_1217 = arith.andi %iota3A, %and3A_1216 : vector<256x128xi32>
      %ne3A_1218 = arith.constant 0 : i32
      %ne3A_1219 = vector.broadcast %ne3A_1218 : i32 to vector<256x128xi32>
      %ne3A_1220 = arith.cmpi ne, %and3A_1217, %ne3A_1219 : vector<256x128xi32>
      %xor3A_1221 = arith.xori %ne3A_1214, %ne3A_1220 : vector<256x128xi1>
      %and3A_1222 = arith.constant 1 : i32
      %and3A_1223 = vector.broadcast %and3A_1222 : i32 to vector<256x128xi32>
      %and3A_1224 = arith.andi %iota3A, %and3A_1223 : vector<256x128xi32>
      %ne3A_1225 = arith.constant 0 : i32
      %ne3A_1226 = vector.broadcast %ne3A_1225 : i32 to vector<256x128xi32>
      %ne3A_1227 = arith.cmpi ne, %and3A_1224, %ne3A_1226 : vector<256x128xi32>
      %slice3A_1228 = vector.extract_strided_slice %select_n3A_1207 {offsets = [0, 127], sizes = [256, 1], strides = [1, 1]} : vector<256x128xf32> to vector<256x1xf32>
      %slice3A_1229 = vector.extract_strided_slice %select_n3A_1207 {offsets = [0, 0], sizes = [256, 127], strides = [1, 1]} : vector<256x128xf32> to vector<256x127xf32>
      %concatenate3A_1230 = tpu.concatenate %slice3A_1228, %slice3A_1229 in 1 : vector<256x1xf32>, vector<256x127xf32> -> vector<256x128xf32>
      %slice3A_1231 = vector.extract_strided_slice %select_n3A_1207 {offsets = [0, 1], sizes = [256, 127], strides = [1, 1]} : vector<256x128xf32> to vector<256x127xf32>
      %slice3A_1232 = vector.extract_strided_slice %select_n3A_1207 {offsets = [0, 0], sizes = [256, 1], strides = [1, 1]} : vector<256x128xf32> to vector<256x1xf32>
      %concatenate3A_1233 = tpu.concatenate %slice3A_1231, %slice3A_1232 in 1 : vector<256x127xf32>, vector<256x1xf32> -> vector<256x128xf32>
      %select_n3A_1234 = arith.select %ne3A_1227, %concatenate3A_1230, %concatenate3A_1233 : vector<256x128xi1>, vector<256x128xf32>
      %slice3A_1235 = vector.extract_strided_slice %select_n3A_1208 {offsets = [0, 127], sizes = [256, 1], strides = [1, 1]} : vector<256x128xi32> to vector<256x1xi32>
      %slice3A_1236 = vector.extract_strided_slice %select_n3A_1208 {offsets = [0, 0], sizes = [256, 127], strides = [1, 1]} : vector<256x128xi32> to vector<256x127xi32>
      %concatenate3A_1237 = tpu.concatenate %slice3A_1235, %slice3A_1236 in 1 : vector<256x1xi32>, vector<256x127xi32> -> vector<256x128xi32>
      %slice3A_1238 = vector.extract_strided_slice %select_n3A_1208 {offsets = [0, 1], sizes = [256, 127], strides = [1, 1]} : vector<256x128xi32> to vector<256x127xi32>
      %slice3A_1239 = vector.extract_strided_slice %select_n3A_1208 {offsets = [0, 0], sizes = [256, 1], strides = [1, 1]} : vector<256x128xi32> to vector<256x1xi32>
      %concatenate3A_1240 = tpu.concatenate %slice3A_1238, %slice3A_1239 in 1 : vector<256x127xi32>, vector<256x1xi32> -> vector<256x128xi32>
      %select_n3A_1241 = arith.select %ne3A_1227, %concatenate3A_1237, %concatenate3A_1240 : vector<256x128xi1>, vector<256x128xi32>
      %lt3A_1242 = arith.cmpf olt, %select_n3A_1234, %select_n3A_1207 : vector<256x128xf32>
      %and3A_1243 = arith.andi %xor3A_1221, %lt3A_1242 : vector<256x128xi1>
      %not3A_1244 = arith.constant dense<true> : vector<256x128xi1>
      %not3A_1245 = arith.xori %xor3A_1221, %not3A_1244 : vector<256x128xi1>
      %gt3A_1246 = arith.cmpf ogt, %select_n3A_1234, %select_n3A_1207 : vector<256x128xf32>
      %and3A_1247 = arith.andi %not3A_1245, %gt3A_1246 : vector<256x128xi1>
      %or3A_1248 = arith.ori %and3A_1243, %and3A_1247 : vector<256x128xi1>
      %select_n3A_1249 = arith.select %or3A_1248, %select_n3A_1234, %select_n3A_1207 : vector<256x128xi1>, vector<256x128xf32>
      %select_n3A_1250 = arith.select %or3A_1248, %select_n3A_1241, %select_n3A_1208 : vector<256x128xi1>, vector<256x128xi32>
      %slice3A_1251 = vector.extract_strided_slice %select_n3A_1249 {offsets = [0, 64], sizes = [256, 64], strides = [1, 1]} : vector<256x128xf32> to vector<256x64xf32>
      %slice3A_1252 = vector.extract_strided_slice %select_n3A_1249 {offsets = [0, 0], sizes = [256, 64], strides = [1, 1]} : vector<256x128xf32> to vector<256x64xf32>
      %concatenate3A_1253 = tpu.concatenate %slice3A_1251, %slice3A_1252 in 1 : vector<256x64xf32>, vector<256x64xf32> -> vector<256x128xf32>
      %broadcast_in_dim3A_1254 = vector.broadcast %while3A : f32 to vector<256x128xf32>
      %select_n3A_1255 = arith.select %lt3A_1, %concatenate3A_1253, %broadcast_in_dim3A_1254 : vector<256x128xi1>, vector<256x128xf32>
      %slice3A_1256 = vector.extract_strided_slice %select_n3A_1250 {offsets = [0, 64], sizes = [256, 64], strides = [1, 1]} : vector<256x128xi32> to vector<256x64xi32>
      %slice3A_1257 = vector.extract_strided_slice %select_n3A_1250 {offsets = [0, 0], sizes = [256, 64], strides = [1, 1]} : vector<256x128xi32> to vector<256x64xi32>
      %concatenate3A_1258 = tpu.concatenate %slice3A_1256, %slice3A_1257 in 1 : vector<256x64xi32>, vector<256x64xi32> -> vector<256x128xi32>
      %lt3A_1259 = arith.cmpf olt, %select_n3A_1255, %while3A_45 : vector<256x128xf32>
      %select_n3A_1260 = arith.select %lt3A_1259, %select_n3A_1255, %while3A_45 : vector<256x128xi1>, vector<256x128xf32>
      %select_n3A_1261 = arith.select %lt3A_1259, %concatenate3A_1258, %while3A_46 : vector<256x128xi1>, vector<256x128xi32>
      %and3A_1262 = arith.constant 32 : i32
      %and3A_1263 = vector.broadcast %and3A_1262 : i32 to vector<256x128xi32>
      %and3A_1264 = arith.andi %iota3A, %and3A_1263 : vector<256x128xi32>
      %eq3A_1265 = arith.constant 0 : i32
      %eq3A_1266 = vector.broadcast %eq3A_1265 : i32 to vector<256x128xi32>
      %eq3A_1267 = arith.cmpi eq, %and3A_1264, %eq3A_1266 : vector<256x128xi32>
      %and3A_1268 = arith.constant 32 : i32
      %and3A_1269 = vector.broadcast %and3A_1268 : i32 to vector<256x128xi32>
      %and3A_1270 = arith.andi %iota3A, %and3A_1269 : vector<256x128xi32>
      %ne3A_1271 = arith.constant 0 : i32
      %ne3A_1272 = vector.broadcast %ne3A_1271 : i32 to vector<256x128xi32>
      %ne3A_1273 = arith.cmpi ne, %and3A_1270, %ne3A_1272 : vector<256x128xi32>
      %slice3A_1274 = vector.extract_strided_slice %select_n3A_1260 {offsets = [0, 96], sizes = [256, 32], strides = [1, 1]} : vector<256x128xf32> to vector<256x32xf32>
      %slice3A_1275 = vector.extract_strided_slice %select_n3A_1260 {offsets = [0, 0], sizes = [256, 96], strides = [1, 1]} : vector<256x128xf32> to vector<256x96xf32>
      %concatenate3A_1276 = tpu.concatenate %slice3A_1274, %slice3A_1275 in 1 : vector<256x32xf32>, vector<256x96xf32> -> vector<256x128xf32>
      %slice3A_1277 = vector.extract_strided_slice %select_n3A_1260 {offsets = [0, 32], sizes = [256, 96], strides = [1, 1]} : vector<256x128xf32> to vector<256x96xf32>
      %slice3A_1278 = vector.extract_strided_slice %select_n3A_1260 {offsets = [0, 0], sizes = [256, 32], strides = [1, 1]} : vector<256x128xf32> to vector<256x32xf32>
      %concatenate3A_1279 = tpu.concatenate %slice3A_1277, %slice3A_1278 in 1 : vector<256x96xf32>, vector<256x32xf32> -> vector<256x128xf32>
      %select_n3A_1280 = arith.select %ne3A_1273, %concatenate3A_1276, %concatenate3A_1279 : vector<256x128xi1>, vector<256x128xf32>
      %slice3A_1281 = vector.extract_strided_slice %select_n3A_1261 {offsets = [0, 96], sizes = [256, 32], strides = [1, 1]} : vector<256x128xi32> to vector<256x32xi32>
      %slice3A_1282 = vector.extract_strided_slice %select_n3A_1261 {offsets = [0, 0], sizes = [256, 96], strides = [1, 1]} : vector<256x128xi32> to vector<256x96xi32>
      %concatenate3A_1283 = tpu.concatenate %slice3A_1281, %slice3A_1282 in 1 : vector<256x32xi32>, vector<256x96xi32> -> vector<256x128xi32>
      %slice3A_1284 = vector.extract_strided_slice %select_n3A_1261 {offsets = [0, 32], sizes = [256, 96], strides = [1, 1]} : vector<256x128xi32> to vector<256x96xi32>
      %slice3A_1285 = vector.extract_strided_slice %select_n3A_1261 {offsets = [0, 0], sizes = [256, 32], strides = [1, 1]} : vector<256x128xi32> to vector<256x32xi32>
      %concatenate3A_1286 = tpu.concatenate %slice3A_1284, %slice3A_1285 in 1 : vector<256x96xi32>, vector<256x32xi32> -> vector<256x128xi32>
      %select_n3A_1287 = arith.select %ne3A_1273, %concatenate3A_1283, %concatenate3A_1286 : vector<256x128xi1>, vector<256x128xi32>
      %lt3A_1288 = arith.cmpf olt, %select_n3A_1280, %select_n3A_1260 : vector<256x128xf32>
      %and3A_1289 = arith.andi %eq3A_1267, %lt3A_1288 : vector<256x128xi1>
      %not3A_1290 = arith.constant dense<true> : vector<256x128xi1>
      %not3A_1291 = arith.xori %eq3A_1267, %not3A_1290 : vector<256x128xi1>
      %gt3A_1292 = arith.cmpf ogt, %select_n3A_1280, %select_n3A_1260 : vector<256x128xf32>
      %and3A_1293 = arith.andi %not3A_1291, %gt3A_1292 : vector<256x128xi1>
      %or3A_1294 = arith.ori %and3A_1289, %and3A_1293 : vector<256x128xi1>
      %select_n3A_1295 = arith.select %or3A_1294, %select_n3A_1280, %select_n3A_1260 : vector<256x128xi1>, vector<256x128xf32>
      %select_n3A_1296 = arith.select %or3A_1294, %select_n3A_1287, %select_n3A_1261 : vector<256x128xi1>, vector<256x128xi32>
      %and3A_1297 = arith.constant 16 : i32
      %and3A_1298 = vector.broadcast %and3A_1297 : i32 to vector<256x128xi32>
      %and3A_1299 = arith.andi %iota3A, %and3A_1298 : vector<256x128xi32>
      %eq3A_1300 = arith.constant 0 : i32
      %eq3A_1301 = vector.broadcast %eq3A_1300 : i32 to vector<256x128xi32>
      %eq3A_1302 = arith.cmpi eq, %and3A_1299, %eq3A_1301 : vector<256x128xi32>
      %and3A_1303 = arith.constant 16 : i32
      %and3A_1304 = vector.broadcast %and3A_1303 : i32 to vector<256x128xi32>
      %and3A_1305 = arith.andi %iota3A, %and3A_1304 : vector<256x128xi32>
      %ne3A_1306 = arith.constant 0 : i32
      %ne3A_1307 = vector.broadcast %ne3A_1306 : i32 to vector<256x128xi32>
      %ne3A_1308 = arith.cmpi ne, %and3A_1305, %ne3A_1307 : vector<256x128xi32>
      %slice3A_1309 = vector.extract_strided_slice %select_n3A_1295 {offsets = [0, 112], sizes = [256, 16], strides = [1, 1]} : vector<256x128xf32> to vector<256x16xf32>
      %slice3A_1310 = vector.extract_strided_slice %select_n3A_1295 {offsets = [0, 0], sizes = [256, 112], strides = [1, 1]} : vector<256x128xf32> to vector<256x112xf32>
      %concatenate3A_1311 = tpu.concatenate %slice3A_1309, %slice3A_1310 in 1 : vector<256x16xf32>, vector<256x112xf32> -> vector<256x128xf32>
      %slice3A_1312 = vector.extract_strided_slice %select_n3A_1295 {offsets = [0, 16], sizes = [256, 112], strides = [1, 1]} : vector<256x128xf32> to vector<256x112xf32>
      %slice3A_1313 = vector.extract_strided_slice %select_n3A_1295 {offsets = [0, 0], sizes = [256, 16], strides = [1, 1]} : vector<256x128xf32> to vector<256x16xf32>
      %concatenate3A_1314 = tpu.concatenate %slice3A_1312, %slice3A_1313 in 1 : vector<256x112xf32>, vector<256x16xf32> -> vector<256x128xf32>
      %select_n3A_1315 = arith.select %ne3A_1308, %concatenate3A_1311, %concatenate3A_1314 : vector<256x128xi1>, vector<256x128xf32>
      %slice3A_1316 = vector.extract_strided_slice %select_n3A_1296 {offsets = [0, 112], sizes = [256, 16], strides = [1, 1]} : vector<256x128xi32> to vector<256x16xi32>
      %slice3A_1317 = vector.extract_strided_slice %select_n3A_1296 {offsets = [0, 0], sizes = [256, 112], strides = [1, 1]} : vector<256x128xi32> to vector<256x112xi32>
      %concatenate3A_1318 = tpu.concatenate %slice3A_1316, %slice3A_1317 in 1 : vector<256x16xi32>, vector<256x112xi32> -> vector<256x128xi32>
      %slice3A_1319 = vector.extract_strided_slice %select_n3A_1296 {offsets = [0, 16], sizes = [256, 112], strides = [1, 1]} : vector<256x128xi32> to vector<256x112xi32>
      %slice3A_1320 = vector.extract_strided_slice %select_n3A_1296 {offsets = [0, 0], sizes = [256, 16], strides = [1, 1]} : vector<256x128xi32> to vector<256x16xi32>
      %concatenate3A_1321 = tpu.concatenate %slice3A_1319, %slice3A_1320 in 1 : vector<256x112xi32>, vector<256x16xi32> -> vector<256x128xi32>
      %select_n3A_1322 = arith.select %ne3A_1308, %concatenate3A_1318, %concatenate3A_1321 : vector<256x128xi1>, vector<256x128xi32>
      %lt3A_1323 = arith.cmpf olt, %select_n3A_1315, %select_n3A_1295 : vector<256x128xf32>
      %and3A_1324 = arith.andi %eq3A_1302, %lt3A_1323 : vector<256x128xi1>
      %not3A_1325 = arith.constant dense<true> : vector<256x128xi1>
      %not3A_1326 = arith.xori %eq3A_1302, %not3A_1325 : vector<256x128xi1>
      %gt3A_1327 = arith.cmpf ogt, %select_n3A_1315, %select_n3A_1295 : vector<256x128xf32>
      %and3A_1328 = arith.andi %not3A_1326, %gt3A_1327 : vector<256x128xi1>
      %or3A_1329 = arith.ori %and3A_1324, %and3A_1328 : vector<256x128xi1>
      %select_n3A_1330 = arith.select %or3A_1329, %select_n3A_1315, %select_n3A_1295 : vector<256x128xi1>, vector<256x128xf32>
      %select_n3A_1331 = arith.select %or3A_1329, %select_n3A_1322, %select_n3A_1296 : vector<256x128xi1>, vector<256x128xi32>
      %and3A_1332 = arith.constant 8 : i32
      %and3A_1333 = vector.broadcast %and3A_1332 : i32 to vector<256x128xi32>
      %and3A_1334 = arith.andi %iota3A, %and3A_1333 : vector<256x128xi32>
      %eq3A_1335 = arith.constant 0 : i32
      %eq3A_1336 = vector.broadcast %eq3A_1335 : i32 to vector<256x128xi32>
      %eq3A_1337 = arith.cmpi eq, %and3A_1334, %eq3A_1336 : vector<256x128xi32>
      %and3A_1338 = arith.constant 8 : i32
      %and3A_1339 = vector.broadcast %and3A_1338 : i32 to vector<256x128xi32>
      %and3A_1340 = arith.andi %iota3A, %and3A_1339 : vector<256x128xi32>
      %ne3A_1341 = arith.constant 0 : i32
      %ne3A_1342 = vector.broadcast %ne3A_1341 : i32 to vector<256x128xi32>
      %ne3A_1343 = arith.cmpi ne, %and3A_1340, %ne3A_1342 : vector<256x128xi32>
      %slice3A_1344 = vector.extract_strided_slice %select_n3A_1330 {offsets = [0, 120], sizes = [256, 8], strides = [1, 1]} : vector<256x128xf32> to vector<256x8xf32>
      %slice3A_1345 = vector.extract_strided_slice %select_n3A_1330 {offsets = [0, 0], sizes = [256, 120], strides = [1, 1]} : vector<256x128xf32> to vector<256x120xf32>
      %concatenate3A_1346 = tpu.concatenate %slice3A_1344, %slice3A_1345 in 1 : vector<256x8xf32>, vector<256x120xf32> -> vector<256x128xf32>
      %slice3A_1347 = vector.extract_strided_slice %select_n3A_1330 {offsets = [0, 8], sizes = [256, 120], strides = [1, 1]} : vector<256x128xf32> to vector<256x120xf32>
      %slice3A_1348 = vector.extract_strided_slice %select_n3A_1330 {offsets = [0, 0], sizes = [256, 8], strides = [1, 1]} : vector<256x128xf32> to vector<256x8xf32>
      %concatenate3A_1349 = tpu.concatenate %slice3A_1347, %slice3A_1348 in 1 : vector<256x120xf32>, vector<256x8xf32> -> vector<256x128xf32>
      %select_n3A_1350 = arith.select %ne3A_1343, %concatenate3A_1346, %concatenate3A_1349 : vector<256x128xi1>, vector<256x128xf32>
      %slice3A_1351 = vector.extract_strided_slice %select_n3A_1331 {offsets = [0, 120], sizes = [256, 8], strides = [1, 1]} : vector<256x128xi32> to vector<256x8xi32>
      %slice3A_1352 = vector.extract_strided_slice %select_n3A_1331 {offsets = [0, 0], sizes = [256, 120], strides = [1, 1]} : vector<256x128xi32> to vector<256x120xi32>
      %concatenate3A_1353 = tpu.concatenate %slice3A_1351, %slice3A_1352 in 1 : vector<256x8xi32>, vector<256x120xi32> -> vector<256x128xi32>
      %slice3A_1354 = vector.extract_strided_slice %select_n3A_1331 {offsets = [0, 8], sizes = [256, 120], strides = [1, 1]} : vector<256x128xi32> to vector<256x120xi32>
      %slice3A_1355 = vector.extract_strided_slice %select_n3A_1331 {offsets = [0, 0], sizes = [256, 8], strides = [1, 1]} : vector<256x128xi32> to vector<256x8xi32>
      %concatenate3A_1356 = tpu.concatenate %slice3A_1354, %slice3A_1355 in 1 : vector<256x120xi32>, vector<256x8xi32> -> vector<256x128xi32>
      %select_n3A_1357 = arith.select %ne3A_1343, %concatenate3A_1353, %concatenate3A_1356 : vector<256x128xi1>, vector<256x128xi32>
      %lt3A_1358 = arith.cmpf olt, %select_n3A_1350, %select_n3A_1330 : vector<256x128xf32>
      %and3A_1359 = arith.andi %eq3A_1337, %lt3A_1358 : vector<256x128xi1>
      %not3A_1360 = arith.constant dense<true> : vector<256x128xi1>
      %not3A_1361 = arith.xori %eq3A_1337, %not3A_1360 : vector<256x128xi1>
      %gt3A_1362 = arith.cmpf ogt, %select_n3A_1350, %select_n3A_1330 : vector<256x128xf32>
      %and3A_1363 = arith.andi %not3A_1361, %gt3A_1362 : vector<256x128xi1>
      %or3A_1364 = arith.ori %and3A_1359, %and3A_1363 : vector<256x128xi1>
      %select_n3A_1365 = arith.select %or3A_1364, %select_n3A_1350, %select_n3A_1330 : vector<256x128xi1>, vector<256x128xf32>
      %select_n3A_1366 = arith.select %or3A_1364, %select_n3A_1357, %select_n3A_1331 : vector<256x128xi1>, vector<256x128xi32>
      %and3A_1367 = arith.constant 4 : i32
      %and3A_1368 = vector.broadcast %and3A_1367 : i32 to vector<256x128xi32>
      %and3A_1369 = arith.andi %iota3A, %and3A_1368 : vector<256x128xi32>
      %eq3A_1370 = arith.constant 0 : i32
      %eq3A_1371 = vector.broadcast %eq3A_1370 : i32 to vector<256x128xi32>
      %eq3A_1372 = arith.cmpi eq, %and3A_1369, %eq3A_1371 : vector<256x128xi32>
      %and3A_1373 = arith.constant 4 : i32
      %and3A_1374 = vector.broadcast %and3A_1373 : i32 to vector<256x128xi32>
      %and3A_1375 = arith.andi %iota3A, %and3A_1374 : vector<256x128xi32>
      %ne3A_1376 = arith.constant 0 : i32
      %ne3A_1377 = vector.broadcast %ne3A_1376 : i32 to vector<256x128xi32>
      %ne3A_1378 = arith.cmpi ne, %and3A_1375, %ne3A_1377 : vector<256x128xi32>
      %slice3A_1379 = vector.extract_strided_slice %select_n3A_1365 {offsets = [0, 124], sizes = [256, 4], strides = [1, 1]} : vector<256x128xf32> to vector<256x4xf32>
      %slice3A_1380 = vector.extract_strided_slice %select_n3A_1365 {offsets = [0, 0], sizes = [256, 124], strides = [1, 1]} : vector<256x128xf32> to vector<256x124xf32>
      %concatenate3A_1381 = tpu.concatenate %slice3A_1379, %slice3A_1380 in 1 : vector<256x4xf32>, vector<256x124xf32> -> vector<256x128xf32>
      %slice3A_1382 = vector.extract_strided_slice %select_n3A_1365 {offsets = [0, 4], sizes = [256, 124], strides = [1, 1]} : vector<256x128xf32> to vector<256x124xf32>
      %slice3A_1383 = vector.extract_strided_slice %select_n3A_1365 {offsets = [0, 0], sizes = [256, 4], strides = [1, 1]} : vector<256x128xf32> to vector<256x4xf32>
      %concatenate3A_1384 = tpu.concatenate %slice3A_1382, %slice3A_1383 in 1 : vector<256x124xf32>, vector<256x4xf32> -> vector<256x128xf32>
      %select_n3A_1385 = arith.select %ne3A_1378, %concatenate3A_1381, %concatenate3A_1384 : vector<256x128xi1>, vector<256x128xf32>
      %slice3A_1386 = vector.extract_strided_slice %select_n3A_1366 {offsets = [0, 124], sizes = [256, 4], strides = [1, 1]} : vector<256x128xi32> to vector<256x4xi32>
      %slice3A_1387 = vector.extract_strided_slice %select_n3A_1366 {offsets = [0, 0], sizes = [256, 124], strides = [1, 1]} : vector<256x128xi32> to vector<256x124xi32>
      %concatenate3A_1388 = tpu.concatenate %slice3A_1386, %slice3A_1387 in 1 : vector<256x4xi32>, vector<256x124xi32> -> vector<256x128xi32>
      %slice3A_1389 = vector.extract_strided_slice %select_n3A_1366 {offsets = [0, 4], sizes = [256, 124], strides = [1, 1]} : vector<256x128xi32> to vector<256x124xi32>
      %slice3A_1390 = vector.extract_strided_slice %select_n3A_1366 {offsets = [0, 0], sizes = [256, 4], strides = [1, 1]} : vector<256x128xi32> to vector<256x4xi32>
      %concatenate3A_1391 = tpu.concatenate %slice3A_1389, %slice3A_1390 in 1 : vector<256x124xi32>, vector<256x4xi32> -> vector<256x128xi32>
      %select_n3A_1392 = arith.select %ne3A_1378, %concatenate3A_1388, %concatenate3A_1391 : vector<256x128xi1>, vector<256x128xi32>
      %lt3A_1393 = arith.cmpf olt, %select_n3A_1385, %select_n3A_1365 : vector<256x128xf32>
      %and3A_1394 = arith.andi %eq3A_1372, %lt3A_1393 : vector<256x128xi1>
      %not3A_1395 = arith.constant dense<true> : vector<256x128xi1>
      %not3A_1396 = arith.xori %eq3A_1372, %not3A_1395 : vector<256x128xi1>
      %gt3A_1397 = arith.cmpf ogt, %select_n3A_1385, %select_n3A_1365 : vector<256x128xf32>
      %and3A_1398 = arith.andi %not3A_1396, %gt3A_1397 : vector<256x128xi1>
      %or3A_1399 = arith.ori %and3A_1394, %and3A_1398 : vector<256x128xi1>
      %select_n3A_1400 = arith.select %or3A_1399, %select_n3A_1385, %select_n3A_1365 : vector<256x128xi1>, vector<256x128xf32>
      %select_n3A_1401 = arith.select %or3A_1399, %select_n3A_1392, %select_n3A_1366 : vector<256x128xi1>, vector<256x128xi32>
      %and3A_1402 = arith.constant 2 : i32
      %and3A_1403 = vector.broadcast %and3A_1402 : i32 to vector<256x128xi32>
      %and3A_1404 = arith.andi %iota3A, %and3A_1403 : vector<256x128xi32>
      %eq3A_1405 = arith.constant 0 : i32
      %eq3A_1406 = vector.broadcast %eq3A_1405 : i32 to vector<256x128xi32>
      %eq3A_1407 = arith.cmpi eq, %and3A_1404, %eq3A_1406 : vector<256x128xi32>
      %and3A_1408 = arith.constant 2 : i32
      %and3A_1409 = vector.broadcast %and3A_1408 : i32 to vector<256x128xi32>
      %and3A_1410 = arith.andi %iota3A, %and3A_1409 : vector<256x128xi32>
      %ne3A_1411 = arith.constant 0 : i32
      %ne3A_1412 = vector.broadcast %ne3A_1411 : i32 to vector<256x128xi32>
      %ne3A_1413 = arith.cmpi ne, %and3A_1410, %ne3A_1412 : vector<256x128xi32>
      %slice3A_1414 = vector.extract_strided_slice %select_n3A_1400 {offsets = [0, 126], sizes = [256, 2], strides = [1, 1]} : vector<256x128xf32> to vector<256x2xf32>
      %slice3A_1415 = vector.extract_strided_slice %select_n3A_1400 {offsets = [0, 0], sizes = [256, 126], strides = [1, 1]} : vector<256x128xf32> to vector<256x126xf32>
      %concatenate3A_1416 = tpu.concatenate %slice3A_1414, %slice3A_1415 in 1 : vector<256x2xf32>, vector<256x126xf32> -> vector<256x128xf32>
      %slice3A_1417 = vector.extract_strided_slice %select_n3A_1400 {offsets = [0, 2], sizes = [256, 126], strides = [1, 1]} : vector<256x128xf32> to vector<256x126xf32>
      %slice3A_1418 = vector.extract_strided_slice %select_n3A_1400 {offsets = [0, 0], sizes = [256, 2], strides = [1, 1]} : vector<256x128xf32> to vector<256x2xf32>
      %concatenate3A_1419 = tpu.concatenate %slice3A_1417, %slice3A_1418 in 1 : vector<256x126xf32>, vector<256x2xf32> -> vector<256x128xf32>
      %select_n3A_1420 = arith.select %ne3A_1413, %concatenate3A_1416, %concatenate3A_1419 : vector<256x128xi1>, vector<256x128xf32>
      %slice3A_1421 = vector.extract_strided_slice %select_n3A_1401 {offsets = [0, 126], sizes = [256, 2], strides = [1, 1]} : vector<256x128xi32> to vector<256x2xi32>
      %slice3A_1422 = vector.extract_strided_slice %select_n3A_1401 {offsets = [0, 0], sizes = [256, 126], strides = [1, 1]} : vector<256x128xi32> to vector<256x126xi32>
      %concatenate3A_1423 = tpu.concatenate %slice3A_1421, %slice3A_1422 in 1 : vector<256x2xi32>, vector<256x126xi32> -> vector<256x128xi32>
      %slice3A_1424 = vector.extract_strided_slice %select_n3A_1401 {offsets = [0, 2], sizes = [256, 126], strides = [1, 1]} : vector<256x128xi32> to vector<256x126xi32>
      %slice3A_1425 = vector.extract_strided_slice %select_n3A_1401 {offsets = [0, 0], sizes = [256, 2], strides = [1, 1]} : vector<256x128xi32> to vector<256x2xi32>
      %concatenate3A_1426 = tpu.concatenate %slice3A_1424, %slice3A_1425 in 1 : vector<256x126xi32>, vector<256x2xi32> -> vector<256x128xi32>
      %select_n3A_1427 = arith.select %ne3A_1413, %concatenate3A_1423, %concatenate3A_1426 : vector<256x128xi1>, vector<256x128xi32>
      %lt3A_1428 = arith.cmpf olt, %select_n3A_1420, %select_n3A_1400 : vector<256x128xf32>
      %and3A_1429 = arith.andi %eq3A_1407, %lt3A_1428 : vector<256x128xi1>
      %not3A_1430 = arith.constant dense<true> : vector<256x128xi1>
      %not3A_1431 = arith.xori %eq3A_1407, %not3A_1430 : vector<256x128xi1>
      %gt3A_1432 = arith.cmpf ogt, %select_n3A_1420, %select_n3A_1400 : vector<256x128xf32>
      %and3A_1433 = arith.andi %not3A_1431, %gt3A_1432 : vector<256x128xi1>
      %or3A_1434 = arith.ori %and3A_1429, %and3A_1433 : vector<256x128xi1>
      %select_n3A_1435 = arith.select %or3A_1434, %select_n3A_1420, %select_n3A_1400 : vector<256x128xi1>, vector<256x128xf32>
      %select_n3A_1436 = arith.select %or3A_1434, %select_n3A_1427, %select_n3A_1401 : vector<256x128xi1>, vector<256x128xi32>
      %and3A_1437 = arith.constant 1 : i32
      %and3A_1438 = vector.broadcast %and3A_1437 : i32 to vector<256x128xi32>
      %and3A_1439 = arith.andi %iota3A, %and3A_1438 : vector<256x128xi32>
      %eq3A_1440 = arith.constant 0 : i32
      %eq3A_1441 = vector.broadcast %eq3A_1440 : i32 to vector<256x128xi32>
      %eq3A_1442 = arith.cmpi eq, %and3A_1439, %eq3A_1441 : vector<256x128xi32>
      %and3A_1443 = arith.constant 1 : i32
      %and3A_1444 = vector.broadcast %and3A_1443 : i32 to vector<256x128xi32>
      %and3A_1445 = arith.andi %iota3A, %and3A_1444 : vector<256x128xi32>
      %ne3A_1446 = arith.constant 0 : i32
      %ne3A_1447 = vector.broadcast %ne3A_1446 : i32 to vector<256x128xi32>
      %ne3A_1448 = arith.cmpi ne, %and3A_1445, %ne3A_1447 : vector<256x128xi32>
      %slice3A_1449 = vector.extract_strided_slice %select_n3A_1435 {offsets = [0, 127], sizes = [256, 1], strides = [1, 1]} : vector<256x128xf32> to vector<256x1xf32>
      %slice3A_1450 = vector.extract_strided_slice %select_n3A_1435 {offsets = [0, 0], sizes = [256, 127], strides = [1, 1]} : vector<256x128xf32> to vector<256x127xf32>
      %concatenate3A_1451 = tpu.concatenate %slice3A_1449, %slice3A_1450 in 1 : vector<256x1xf32>, vector<256x127xf32> -> vector<256x128xf32>
      %slice3A_1452 = vector.extract_strided_slice %select_n3A_1435 {offsets = [0, 1], sizes = [256, 127], strides = [1, 1]} : vector<256x128xf32> to vector<256x127xf32>
      %slice3A_1453 = vector.extract_strided_slice %select_n3A_1435 {offsets = [0, 0], sizes = [256, 1], strides = [1, 1]} : vector<256x128xf32> to vector<256x1xf32>
      %concatenate3A_1454 = tpu.concatenate %slice3A_1452, %slice3A_1453 in 1 : vector<256x127xf32>, vector<256x1xf32> -> vector<256x128xf32>
      %select_n3A_1455 = arith.select %ne3A_1448, %concatenate3A_1451, %concatenate3A_1454 : vector<256x128xi1>, vector<256x128xf32>
      %slice3A_1456 = vector.extract_strided_slice %select_n3A_1436 {offsets = [0, 127], sizes = [256, 1], strides = [1, 1]} : vector<256x128xi32> to vector<256x1xi32>
      %slice3A_1457 = vector.extract_strided_slice %select_n3A_1436 {offsets = [0, 0], sizes = [256, 127], strides = [1, 1]} : vector<256x128xi32> to vector<256x127xi32>
      %concatenate3A_1458 = tpu.concatenate %slice3A_1456, %slice3A_1457 in 1 : vector<256x1xi32>, vector<256x127xi32> -> vector<256x128xi32>
      %slice3A_1459 = vector.extract_strided_slice %select_n3A_1436 {offsets = [0, 1], sizes = [256, 127], strides = [1, 1]} : vector<256x128xi32> to vector<256x127xi32>
      %slice3A_1460 = vector.extract_strided_slice %select_n3A_1436 {offsets = [0, 0], sizes = [256, 1], strides = [1, 1]} : vector<256x128xi32> to vector<256x1xi32>
      %concatenate3A_1461 = tpu.concatenate %slice3A_1459, %slice3A_1460 in 1 : vector<256x127xi32>, vector<256x1xi32> -> vector<256x128xi32>
      %select_n3A_1462 = arith.select %ne3A_1448, %concatenate3A_1458, %concatenate3A_1461 : vector<256x128xi1>, vector<256x128xi32>
      %lt3A_1463 = arith.cmpf olt, %select_n3A_1455, %select_n3A_1435 : vector<256x128xf32>
      %and3A_1464 = arith.andi %eq3A_1442, %lt3A_1463 : vector<256x128xi1>
      %not3A_1465 = arith.constant dense<true> : vector<256x128xi1>
      %not3A_1466 = arith.xori %eq3A_1442, %not3A_1465 : vector<256x128xi1>
      %gt3A_1467 = arith.cmpf ogt, %select_n3A_1455, %select_n3A_1435 : vector<256x128xf32>
      %and3A_1468 = arith.andi %not3A_1466, %gt3A_1467 : vector<256x128xi1>
      %or3A_1469 = arith.ori %and3A_1464, %and3A_1468 : vector<256x128xi1>
      %select_n3A_1470 = arith.select %or3A_1469, %select_n3A_1455, %select_n3A_1435 : vector<256x128xi1>, vector<256x128xf32>
      %select_n3A_1471 = arith.select %or3A_1469, %select_n3A_1462, %select_n3A_1436 : vector<256x128xi1>, vector<256x128xi32>
      scf.yield %select_n3A_1470, %select_n3A_1471 : vector<256x128xf32>, vector<256x128xi32>
    }
    %while3A_32 = arith.constant 1 : i32
    %while3A_33:2 = scf.for %while3A_44 = %while3A_29 to %while3A_25 step %while3A_32 iter_args(%while3A_45 = %while3A_31#0, %while3A_46 = %while3A_31#1) -> (vector<256x128xf32>, vector<256x128xi32>)  : i32 {
      %mul3A_47 = arith.constant 128 : i32
      %mul3A_48 = arith.muli %while3A_44, %mul3A_47 : i32
      %get3A_49 = arith.constant 0 : index
      %get3A_50 = arith.index_cast %mul3A_48 : i32 to index
      %get3A_51 = vector.load %arg3[%get3A_49, %get3A_50] : memref<8x10240xf32, #tpu.memory_space<vmem>>, vector<1x128xf32>
      %get3A_52 = arith.constant 1 : index
      %get3A_53 = arith.index_cast %mul3A_48 : i32 to index
      %get3A_54 = vector.load %arg3[%get3A_52, %get3A_53] : memref<8x10240xf32, #tpu.memory_space<vmem>>, vector<1x128xf32>
      %get3A_55 = arith.constant 2 : index
      %get3A_56 = arith.index_cast %mul3A_48 : i32 to index
      %get3A_57 = vector.load %arg3[%get3A_55, %get3A_56] : memref<8x10240xf32, #tpu.memory_space<vmem>>, vector<1x128xf32>
      %get3A_58 = arith.constant 3 : index
      %get3A_59 = arith.index_cast %mul3A_48 : i32 to index
      %get3A_60 = vector.load %arg3[%get3A_58, %get3A_59] : memref<8x10240xf32, #tpu.memory_space<vmem>>, vector<1x128xf32>
      %sub3A = vector.broadcast %get3A_3 : vector<256x1xf32> to vector<256x128xf32>
      %sub3A_61 = vector.broadcast %get3A_51 : vector<1x128xf32> to vector<256x128xf32>
      %sub3A_62 = arith.subf %sub3A, %sub3A_61 : vector<256x128xf32>
      %sub3A_63 = vector.broadcast %get3A_6 : vector<256x1xf32> to vector<256x128xf32>
      %sub3A_64 = vector.broadcast %get3A_54 : vector<1x128xf32> to vector<256x128xf32>
      %sub3A_65 = arith.subf %sub3A_63, %sub3A_64 : vector<256x128xf32>
      %sub3A_66 = vector.broadcast %get3A_9 : vector<256x1xf32> to vector<256x128xf32>
      %sub3A_67 = vector.broadcast %get3A_57 : vector<1x128xf32> to vector<256x128xf32>
      %sub3A_68 = arith.subf %sub3A_66, %sub3A_67 : vector<256x128xf32>
      %mul3A_69 = arith.mulf %sub3A_62, %sub3A_62 : vector<256x128xf32>
      %mul3A_70 = arith.mulf %sub3A_65, %sub3A_65 : vector<256x128xf32>
      %add3A_71 = arith.addf %mul3A_69, %mul3A_70 : vector<256x128xf32>
      %mul3A_72 = arith.mulf %sub3A_68, %sub3A_68 : vector<256x128xf32>
      %add3A_73 = arith.addf %add3A_71, %mul3A_72 : vector<256x128xf32>
      %eq3A = vector.broadcast %get3A_12 : vector<256x1xf32> to vector<256x128xf32>
      %eq3A_74 = vector.broadcast %get3A_60 : vector<1x128xf32> to vector<256x128xf32>
      %eq3A_75 = arith.cmpf oeq, %eq3A, %eq3A_74 : vector<256x128xf32>
      %le3A = arith.constant 2.500000e+01 : f32
      %le3A_76 = vector.broadcast %le3A : f32 to vector<256x128xf32>
      %le3A_77 = arith.cmpf ole, %add3A_73, %le3A_76 : vector<256x128xf32>
      %and3A = arith.andi %eq3A_75, %le3A_77 : vector<256x128xi1>
      %broadcast_in_dim3A_78 = vector.broadcast %while3A : f32 to vector<256x128xf32>
      %select_n3A = arith.select %and3A, %add3A_73, %broadcast_in_dim3A_78 : vector<256x128xi1>, vector<256x128xf32>
      %add3A_79 = vector.broadcast %mul3A_48 : i32 to vector<256x128xi32>
      %add3A_80 = arith.addi %iota3A, %add3A_79 : vector<256x128xi32>
      %and3A_81 = arith.constant 2 : i32
      %and3A_82 = vector.broadcast %and3A_81 : i32 to vector<256x128xi32>
      %and3A_83 = arith.andi %iota3A, %and3A_82 : vector<256x128xi32>
      %ne3A = arith.constant 0 : i32
      %ne3A_84 = vector.broadcast %ne3A : i32 to vector<256x128xi32>
      %ne3A_85 = arith.cmpi ne, %and3A_83, %ne3A_84 : vector<256x128xi32>
      %and3A_86 = arith.constant 1 : i32
      %and3A_87 = vector.broadcast %and3A_86 : i32 to vector<256x128xi32>
      %and3A_88 = arith.andi %iota3A, %and3A_87 : vector<256x128xi32>
      %ne3A_89 = arith.constant 0 : i32
      %ne3A_90 = vector.broadcast %ne3A_89 : i32 to vector<256x128xi32>
      %ne3A_91 = arith.cmpi ne, %and3A_88, %ne3A_90 : vector<256x128xi32>
      %xor3A = arith.xori %ne3A_85, %ne3A_91 : vector<256x128xi1>
      %and3A_92 = arith.constant 1 : i32
      %and3A_93 = vector.broadcast %and3A_92 : i32 to vector<256x128xi32>
      %and3A_94 = arith.andi %iota3A, %and3A_93 : vector<256x128xi32>
      %ne3A_95 = arith.constant 0 : i32
      %ne3A_96 = vector.broadcast %ne3A_95 : i32 to vector<256x128xi32>
      %ne3A_97 = arith.cmpi ne, %and3A_94, %ne3A_96 : vector<256x128xi32>
      %slice3A_98 = vector.extract_strided_slice %select_n3A {offsets = [0, 127], sizes = [256, 1], strides = [1, 1]} : vector<256x128xf32> to vector<256x1xf32>
      %slice3A_99 = vector.extract_strided_slice %select_n3A {offsets = [0, 0], sizes = [256, 127], strides = [1, 1]} : vector<256x128xf32> to vector<256x127xf32>
      %concatenate3A = tpu.concatenate %slice3A_98, %slice3A_99 in 1 : vector<256x1xf32>, vector<256x127xf32> -> vector<256x128xf32>
      %slice3A_100 = vector.extract_strided_slice %select_n3A {offsets = [0, 1], sizes = [256, 127], strides = [1, 1]} : vector<256x128xf32> to vector<256x127xf32>
      %slice3A_101 = vector.extract_strided_slice %select_n3A {offsets = [0, 0], sizes = [256, 1], strides = [1, 1]} : vector<256x128xf32> to vector<256x1xf32>
      %concatenate3A_102 = tpu.concatenate %slice3A_100, %slice3A_101 in 1 : vector<256x127xf32>, vector<256x1xf32> -> vector<256x128xf32>
      %select_n3A_103 = arith.select %ne3A_97, %concatenate3A, %concatenate3A_102 : vector<256x128xi1>, vector<256x128xf32>
      %slice3A_104 = vector.extract_strided_slice %add3A_80 {offsets = [0, 127], sizes = [256, 1], strides = [1, 1]} : vector<256x128xi32> to vector<256x1xi32>
      %slice3A_105 = vector.extract_strided_slice %add3A_80 {offsets = [0, 0], sizes = [256, 127], strides = [1, 1]} : vector<256x128xi32> to vector<256x127xi32>
      %concatenate3A_106 = tpu.concatenate %slice3A_104, %slice3A_105 in 1 : vector<256x1xi32>, vector<256x127xi32> -> vector<256x128xi32>
      %slice3A_107 = vector.extract_strided_slice %add3A_80 {offsets = [0, 1], sizes = [256, 127], strides = [1, 1]} : vector<256x128xi32> to vector<256x127xi32>
      %slice3A_108 = vector.extract_strided_slice %add3A_80 {offsets = [0, 0], sizes = [256, 1], strides = [1, 1]} : vector<256x128xi32> to vector<256x1xi32>
      %concatenate3A_109 = tpu.concatenate %slice3A_107, %slice3A_108 in 1 : vector<256x127xi32>, vector<256x1xi32> -> vector<256x128xi32>
      %select_n3A_110 = arith.select %ne3A_97, %concatenate3A_106, %concatenate3A_109 : vector<256x128xi1>, vector<256x128xi32>
      %lt3A_111 = arith.cmpf olt, %select_n3A_103, %select_n3A : vector<256x128xf32>
      %and3A_112 = arith.andi %xor3A, %lt3A_111 : vector<256x128xi1>
      %not3A = arith.constant dense<true> : vector<256x128xi1>
      %not3A_113 = arith.xori %xor3A, %not3A : vector<256x128xi1>
      %gt3A = arith.cmpf ogt, %select_n3A_103, %select_n3A : vector<256x128xf32>
      %and3A_114 = arith.andi %not3A_113, %gt3A : vector<256x128xi1>
      %or3A = arith.ori %and3A_112, %and3A_114 : vector<256x128xi1>
      %select_n3A_115 = arith.select %or3A, %select_n3A_103, %select_n3A : vector<256x128xi1>, vector<256x128xf32>
      %select_n3A_116 = arith.select %or3A, %select_n3A_110, %add3A_80 : vector<256x128xi1>, vector<256x128xi32>
      %and3A_117 = arith.constant 4 : i32
      %and3A_118 = vector.broadcast %and3A_117 : i32 to vector<256x128xi32>
      %and3A_119 = arith.andi %iota3A, %and3A_118 : vector<256x128xi32>
      %ne3A_120 = arith.constant 0 : i32
      %ne3A_121 = vector.broadcast %ne3A_120 : i32 to vector<256x128xi32>
      %ne3A_122 = arith.cmpi ne, %and3A_119, %ne3A_121 : vector<256x128xi32>
      %and3A_123 = arith.constant 2 : i32
      %and3A_124 = vector.broadcast %and3A_123 : i32 to vector<256x128xi32>
      %and3A_125 = arith.andi %iota3A, %and3A_124 : vector<256x128xi32>
      %ne3A_126 = arith.constant 0 : i32
      %ne3A_127 = vector.broadcast %ne3A_126 : i32 to vector<256x128xi32>
      %ne3A_128 = arith.cmpi ne, %and3A_125, %ne3A_127 : vector<256x128xi32>
      %xor3A_129 = arith.xori %ne3A_122, %ne3A_128 : vector<256x128xi1>
      %and3A_130 = arith.constant 2 : i32
      %and3A_131 = vector.broadcast %and3A_130 : i32 to vector<256x128xi32>
      %and3A_132 = arith.andi %iota3A, %and3A_131 : vector<256x128xi32>
      %ne3A_133 = arith.constant 0 : i32
      %ne3A_134 = vector.broadcast %ne3A_133 : i32 to vector<256x128xi32>
      %ne3A_135 = arith.cmpi ne, %and3A_132, %ne3A_134 : vector<256x128xi32>
      %slice3A_136 = vector.extract_strided_slice %select_n3A_115 {offsets = [0, 126], sizes = [256, 2], strides = [1, 1]} : vector<256x128xf32> to vector<256x2xf32>
      %slice3A_137 = vector.extract_strided_slice %select_n3A_115 {offsets = [0, 0], sizes = [256, 126], strides = [1, 1]} : vector<256x128xf32> to vector<256x126xf32>
      %concatenate3A_138 = tpu.concatenate %slice3A_136, %slice3A_137 in 1 : vector<256x2xf32>, vector<256x126xf32> -> vector<256x128xf32>
      %slice3A_139 = vector.extract_strided_slice %select_n3A_115 {offsets = [0, 2], sizes = [256, 126], strides = [1, 1]} : vector<256x128xf32> to vector<256x126xf32>
      %slice3A_140 = vector.extract_strided_slice %select_n3A_115 {offsets = [0, 0], sizes = [256, 2], strides = [1, 1]} : vector<256x128xf32> to vector<256x2xf32>
      %concatenate3A_141 = tpu.concatenate %slice3A_139, %slice3A_140 in 1 : vector<256x126xf32>, vector<256x2xf32> -> vector<256x128xf32>
      %select_n3A_142 = arith.select %ne3A_135, %concatenate3A_138, %concatenate3A_141 : vector<256x128xi1>, vector<256x128xf32>
      %slice3A_143 = vector.extract_strided_slice %select_n3A_116 {offsets = [0, 126], sizes = [256, 2], strides = [1, 1]} : vector<256x128xi32> to vector<256x2xi32>
      %slice3A_144 = vector.extract_strided_slice %select_n3A_116 {offsets = [0, 0], sizes = [256, 126], strides = [1, 1]} : vector<256x128xi32> to vector<256x126xi32>
      %concatenate3A_145 = tpu.concatenate %slice3A_143, %slice3A_144 in 1 : vector<256x2xi32>, vector<256x126xi32> -> vector<256x128xi32>
      %slice3A_146 = vector.extract_strided_slice %select_n3A_116 {offsets = [0, 2], sizes = [256, 126], strides = [1, 1]} : vector<256x128xi32> to vector<256x126xi32>
      %slice3A_147 = vector.extract_strided_slice %select_n3A_116 {offsets = [0, 0], sizes = [256, 2], strides = [1, 1]} : vector<256x128xi32> to vector<256x2xi32>
      %concatenate3A_148 = tpu.concatenate %slice3A_146, %slice3A_147 in 1 : vector<256x126xi32>, vector<256x2xi32> -> vector<256x128xi32>
      %select_n3A_149 = arith.select %ne3A_135, %concatenate3A_145, %concatenate3A_148 : vector<256x128xi1>, vector<256x128xi32>
      %lt3A_150 = arith.cmpf olt, %select_n3A_142, %select_n3A_115 : vector<256x128xf32>
      %and3A_151 = arith.andi %xor3A_129, %lt3A_150 : vector<256x128xi1>
      %not3A_152 = arith.constant dense<true> : vector<256x128xi1>
      %not3A_153 = arith.xori %xor3A_129, %not3A_152 : vector<256x128xi1>
      %gt3A_154 = arith.cmpf ogt, %select_n3A_142, %select_n3A_115 : vector<256x128xf32>
      %and3A_155 = arith.andi %not3A_153, %gt3A_154 : vector<256x128xi1>
      %or3A_156 = arith.ori %and3A_151, %and3A_155 : vector<256x128xi1>
      %select_n3A_157 = arith.select %or3A_156, %select_n3A_142, %select_n3A_115 : vector<256x128xi1>, vector<256x128xf32>
      %select_n3A_158 = arith.select %or3A_156, %select_n3A_149, %select_n3A_116 : vector<256x128xi1>, vector<256x128xi32>
      %and3A_159 = arith.constant 4 : i32
      %and3A_160 = vector.broadcast %and3A_159 : i32 to vector<256x128xi32>
      %and3A_161 = arith.andi %iota3A, %and3A_160 : vector<256x128xi32>
      %ne3A_162 = arith.constant 0 : i32
      %ne3A_163 = vector.broadcast %ne3A_162 : i32 to vector<256x128xi32>
      %ne3A_164 = arith.cmpi ne, %and3A_161, %ne3A_163 : vector<256x128xi32>
      %and3A_165 = arith.constant 1 : i32
      %and3A_166 = vector.broadcast %and3A_165 : i32 to vector<256x128xi32>
      %and3A_167 = arith.andi %iota3A, %and3A_166 : vector<256x128xi32>
      %ne3A_168 = arith.constant 0 : i32
      %ne3A_169 = vector.broadcast %ne3A_168 : i32 to vector<256x128xi32>
      %ne3A_170 = arith.cmpi ne, %and3A_167, %ne3A_169 : vector<256x128xi32>
      %xor3A_171 = arith.xori %ne3A_164, %ne3A_170 : vector<256x128xi1>
      %and3A_172 = arith.constant 1 : i32
      %and3A_173 = vector.broadcast %and3A_172 : i32 to vector<256x128xi32>
      %and3A_174 = arith.andi %iota3A, %and3A_173 : vector<256x128xi32>
      %ne3A_175 = arith.constant 0 : i32
      %ne3A_176 = vector.broadcast %ne3A_175 : i32 to vector<256x128xi32>
      %ne3A_177 = arith.cmpi ne, %and3A_174, %ne3A_176 : vector<256x128xi32>
      %slice3A_178 = vector.extract_strided_slice %select_n3A_157 {offsets = [0, 127], sizes = [256, 1], strides = [1, 1]} : vector<256x128xf32> to vector<256x1xf32>
      %slice3A_179 = vector.extract_strided_slice %select_n3A_157 {offsets = [0, 0], sizes = [256, 127], strides = [1, 1]} : vector<256x128xf32> to vector<256x127xf32>
      %concatenate3A_180 = tpu.concatenate %slice3A_178, %slice3A_179 in 1 : vector<256x1xf32>, vector<256x127xf32> -> vector<256x128xf32>
      %slice3A_181 = vector.extract_strided_slice %select_n3A_157 {offsets = [0, 1], sizes = [256, 127], strides = [1, 1]} : vector<256x128xf32> to vector<256x127xf32>
      %slice3A_182 = vector.extract_strided_slice %select_n3A_157 {offsets = [0, 0], sizes = [256, 1], strides = [1, 1]} : vector<256x128xf32> to vector<256x1xf32>
      %concatenate3A_183 = tpu.concatenate %slice3A_181, %slice3A_182 in 1 : vector<256x127xf32>, vector<256x1xf32> -> vector<256x128xf32>
      %select_n3A_184 = arith.select %ne3A_177, %concatenate3A_180, %concatenate3A_183 : vector<256x128xi1>, vector<256x128xf32>
      %slice3A_185 = vector.extract_strided_slice %select_n3A_158 {offsets = [0, 127], sizes = [256, 1], strides = [1, 1]} : vector<256x128xi32> to vector<256x1xi32>
      %slice3A_186 = vector.extract_strided_slice %select_n3A_158 {offsets = [0, 0], sizes = [256, 127], strides = [1, 1]} : vector<256x128xi32> to vector<256x127xi32>
      %concatenate3A_187 = tpu.concatenate %slice3A_185, %slice3A_186 in 1 : vector<256x1xi32>, vector<256x127xi32> -> vector<256x128xi32>
      %slice3A_188 = vector.extract_strided_slice %select_n3A_158 {offsets = [0, 1], sizes = [256, 127], strides = [1, 1]} : vector<256x128xi32> to vector<256x127xi32>
      %slice3A_189 = vector.extract_strided_slice %select_n3A_158 {offsets = [0, 0], sizes = [256, 1], strides = [1, 1]} : vector<256x128xi32> to vector<256x1xi32>
      %concatenate3A_190 = tpu.concatenate %slice3A_188, %slice3A_189 in 1 : vector<256x127xi32>, vector<256x1xi32> -> vector<256x128xi32>
      %select_n3A_191 = arith.select %ne3A_177, %concatenate3A_187, %concatenate3A_190 : vector<256x128xi1>, vector<256x128xi32>
      %lt3A_192 = arith.cmpf olt, %select_n3A_184, %select_n3A_157 : vector<256x128xf32>
      %and3A_193 = arith.andi %xor3A_171, %lt3A_192 : vector<256x128xi1>
      %not3A_194 = arith.constant dense<true> : vector<256x128xi1>
      %not3A_195 = arith.xori %xor3A_171, %not3A_194 : vector<256x128xi1>
      %gt3A_196 = arith.cmpf ogt, %select_n3A_184, %select_n3A_157 : vector<256x128xf32>
      %and3A_197 = arith.andi %not3A_195, %gt3A_196 : vector<256x128xi1>
      %or3A_198 = arith.ori %and3A_193, %and3A_197 : vector<256x128xi1>
      %select_n3A_199 = arith.select %or3A_198, %select_n3A_184, %select_n3A_157 : vector<256x128xi1>, vector<256x128xf32>
      %select_n3A_200 = arith.select %or3A_198, %select_n3A_191, %select_n3A_158 : vector<256x128xi1>, vector<256x128xi32>
      %and3A_201 = arith.constant 8 : i32
      %and3A_202 = vector.broadcast %and3A_201 : i32 to vector<256x128xi32>
      %and3A_203 = arith.andi %iota3A, %and3A_202 : vector<256x128xi32>
      %ne3A_204 = arith.constant 0 : i32
      %ne3A_205 = vector.broadcast %ne3A_204 : i32 to vector<256x128xi32>
      %ne3A_206 = arith.cmpi ne, %and3A_203, %ne3A_205 : vector<256x128xi32>
      %and3A_207 = arith.constant 4 : i32
      %and3A_208 = vector.broadcast %and3A_207 : i32 to vector<256x128xi32>
      %and3A_209 = arith.andi %iota3A, %and3A_208 : vector<256x128xi32>
      %ne3A_210 = arith.constant 0 : i32
      %ne3A_211 = vector.broadcast %ne3A_210 : i32 to vector<256x128xi32>
      %ne3A_212 = arith.cmpi ne, %and3A_209, %ne3A_211 : vector<256x128xi32>
      %xor3A_213 = arith.xori %ne3A_206, %ne3A_212 : vector<256x128xi1>
      %and3A_214 = arith.constant 4 : i32
      %and3A_215 = vector.broadcast %and3A_214 : i32 to vector<256x128xi32>
      %and3A_216 = arith.andi %iota3A, %and3A_215 : vector<256x128xi32>
      %ne3A_217 = arith.constant 0 : i32
      %ne3A_218 = vector.broadcast %ne3A_217 : i32 to vector<256x128xi32>
      %ne3A_219 = arith.cmpi ne, %and3A_216, %ne3A_218 : vector<256x128xi32>
      %slice3A_220 = vector.extract_strided_slice %select_n3A_199 {offsets = [0, 124], sizes = [256, 4], strides = [1, 1]} : vector<256x128xf32> to vector<256x4xf32>
      %slice3A_221 = vector.extract_strided_slice %select_n3A_199 {offsets = [0, 0], sizes = [256, 124], strides = [1, 1]} : vector<256x128xf32> to vector<256x124xf32>
      %concatenate3A_222 = tpu.concatenate %slice3A_220, %slice3A_221 in 1 : vector<256x4xf32>, vector<256x124xf32> -> vector<256x128xf32>
      %slice3A_223 = vector.extract_strided_slice %select_n3A_199 {offsets = [0, 4], sizes = [256, 124], strides = [1, 1]} : vector<256x128xf32> to vector<256x124xf32>
      %slice3A_224 = vector.extract_strided_slice %select_n3A_199 {offsets = [0, 0], sizes = [256, 4], strides = [1, 1]} : vector<256x128xf32> to vector<256x4xf32>
      %concatenate3A_225 = tpu.concatenate %slice3A_223, %slice3A_224 in 1 : vector<256x124xf32>, vector<256x4xf32> -> vector<256x128xf32>
      %select_n3A_226 = arith.select %ne3A_219, %concatenate3A_222, %concatenate3A_225 : vector<256x128xi1>, vector<256x128xf32>
      %slice3A_227 = vector.extract_strided_slice %select_n3A_200 {offsets = [0, 124], sizes = [256, 4], strides = [1, 1]} : vector<256x128xi32> to vector<256x4xi32>
      %slice3A_228 = vector.extract_strided_slice %select_n3A_200 {offsets = [0, 0], sizes = [256, 124], strides = [1, 1]} : vector<256x128xi32> to vector<256x124xi32>
      %concatenate3A_229 = tpu.concatenate %slice3A_227, %slice3A_228 in 1 : vector<256x4xi32>, vector<256x124xi32> -> vector<256x128xi32>
      %slice3A_230 = vector.extract_strided_slice %select_n3A_200 {offsets = [0, 4], sizes = [256, 124], strides = [1, 1]} : vector<256x128xi32> to vector<256x124xi32>
      %slice3A_231 = vector.extract_strided_slice %select_n3A_200 {offsets = [0, 0], sizes = [256, 4], strides = [1, 1]} : vector<256x128xi32> to vector<256x4xi32>
      %concatenate3A_232 = tpu.concatenate %slice3A_230, %slice3A_231 in 1 : vector<256x124xi32>, vector<256x4xi32> -> vector<256x128xi32>
      %select_n3A_233 = arith.select %ne3A_219, %concatenate3A_229, %concatenate3A_232 : vector<256x128xi1>, vector<256x128xi32>
      %lt3A_234 = arith.cmpf olt, %select_n3A_226, %select_n3A_199 : vector<256x128xf32>
      %and3A_235 = arith.andi %xor3A_213, %lt3A_234 : vector<256x128xi1>
      %not3A_236 = arith.constant dense<true> : vector<256x128xi1>
      %not3A_237 = arith.xori %xor3A_213, %not3A_236 : vector<256x128xi1>
      %gt3A_238 = arith.cmpf ogt, %select_n3A_226, %select_n3A_199 : vector<256x128xf32>
      %and3A_239 = arith.andi %not3A_237, %gt3A_238 : vector<256x128xi1>
      %or3A_240 = arith.ori %and3A_235, %and3A_239 : vector<256x128xi1>
      %select_n3A_241 = arith.select %or3A_240, %select_n3A_226, %select_n3A_199 : vector<256x128xi1>, vector<256x128xf32>
      %select_n3A_242 = arith.select %or3A_240, %select_n3A_233, %select_n3A_200 : vector<256x128xi1>, vector<256x128xi32>
      %and3A_243 = arith.constant 8 : i32
      %and3A_244 = vector.broadcast %and3A_243 : i32 to vector<256x128xi32>
      %and3A_245 = arith.andi %iota3A, %and3A_244 : vector<256x128xi32>
      %ne3A_246 = arith.constant 0 : i32
      %ne3A_247 = vector.broadcast %ne3A_246 : i32 to vector<256x128xi32>
      %ne3A_248 = arith.cmpi ne, %and3A_245, %ne3A_247 : vector<256x128xi32>
      %and3A_249 = arith.constant 2 : i32
      %and3A_250 = vector.broadcast %and3A_249 : i32 to vector<256x128xi32>
      %and3A_251 = arith.andi %iota3A, %and3A_250 : vector<256x128xi32>
      %ne3A_252 = arith.constant 0 : i32
      %ne3A_253 = vector.broadcast %ne3A_252 : i32 to vector<256x128xi32>
      %ne3A_254 = arith.cmpi ne, %and3A_251, %ne3A_253 : vector<256x128xi32>
      %xor3A_255 = arith.xori %ne3A_248, %ne3A_254 : vector<256x128xi1>
      %and3A_256 = arith.constant 2 : i32
      %and3A_257 = vector.broadcast %and3A_256 : i32 to vector<256x128xi32>
      %and3A_258 = arith.andi %iota3A, %and3A_257 : vector<256x128xi32>
      %ne3A_259 = arith.constant 0 : i32
      %ne3A_260 = vector.broadcast %ne3A_259 : i32 to vector<256x128xi32>
      %ne3A_261 = arith.cmpi ne, %and3A_258, %ne3A_260 : vector<256x128xi32>
      %slice3A_262 = vector.extract_strided_slice %select_n3A_241 {offsets = [0, 126], sizes = [256, 2], strides = [1, 1]} : vector<256x128xf32> to vector<256x2xf32>
      %slice3A_263 = vector.extract_strided_slice %select_n3A_241 {offsets = [0, 0], sizes = [256, 126], strides = [1, 1]} : vector<256x128xf32> to vector<256x126xf32>
      %concatenate3A_264 = tpu.concatenate %slice3A_262, %slice3A_263 in 1 : vector<256x2xf32>, vector<256x126xf32> -> vector<256x128xf32>
      %slice3A_265 = vector.extract_strided_slice %select_n3A_241 {offsets = [0, 2], sizes = [256, 126], strides = [1, 1]} : vector<256x128xf32> to vector<256x126xf32>
      %slice3A_266 = vector.extract_strided_slice %select_n3A_241 {offsets = [0, 0], sizes = [256, 2], strides = [1, 1]} : vector<256x128xf32> to vector<256x2xf32>
      %concatenate3A_267 = tpu.concatenate %slice3A_265, %slice3A_266 in 1 : vector<256x126xf32>, vector<256x2xf32> -> vector<256x128xf32>
      %select_n3A_268 = arith.select %ne3A_261, %concatenate3A_264, %concatenate3A_267 : vector<256x128xi1>, vector<256x128xf32>
      %slice3A_269 = vector.extract_strided_slice %select_n3A_242 {offsets = [0, 126], sizes = [256, 2], strides = [1, 1]} : vector<256x128xi32> to vector<256x2xi32>
      %slice3A_270 = vector.extract_strided_slice %select_n3A_242 {offsets = [0, 0], sizes = [256, 126], strides = [1, 1]} : vector<256x128xi32> to vector<256x126xi32>
      %concatenate3A_271 = tpu.concatenate %slice3A_269, %slice3A_270 in 1 : vector<256x2xi32>, vector<256x126xi32> -> vector<256x128xi32>
      %slice3A_272 = vector.extract_strided_slice %select_n3A_242 {offsets = [0, 2], sizes = [256, 126], strides = [1, 1]} : vector<256x128xi32> to vector<256x126xi32>
      %slice3A_273 = vector.extract_strided_slice %select_n3A_242 {offsets = [0, 0], sizes = [256, 2], strides = [1, 1]} : vector<256x128xi32> to vector<256x2xi32>
      %concatenate3A_274 = tpu.concatenate %slice3A_272, %slice3A_273 in 1 : vector<256x126xi32>, vector<256x2xi32> -> vector<256x128xi32>
      %select_n3A_275 = arith.select %ne3A_261, %concatenate3A_271, %concatenate3A_274 : vector<256x128xi1>, vector<256x128xi32>
      %lt3A_276 = arith.cmpf olt, %select_n3A_268, %select_n3A_241 : vector<256x128xf32>
      %and3A_277 = arith.andi %xor3A_255, %lt3A_276 : vector<256x128xi1>
      %not3A_278 = arith.constant dense<true> : vector<256x128xi1>
      %not3A_279 = arith.xori %xor3A_255, %not3A_278 : vector<256x128xi1>
      %gt3A_280 = arith.cmpf ogt, %select_n3A_268, %select_n3A_241 : vector<256x128xf32>
      %and3A_281 = arith.andi %not3A_279, %gt3A_280 : vector<256x128xi1>
      %or3A_282 = arith.ori %and3A_277, %and3A_281 : vector<256x128xi1>
      %select_n3A_283 = arith.select %or3A_282, %select_n3A_268, %select_n3A_241 : vector<256x128xi1>, vector<256x128xf32>
      %select_n3A_284 = arith.select %or3A_282, %select_n3A_275, %select_n3A_242 : vector<256x128xi1>, vector<256x128xi32>
      %and3A_285 = arith.constant 8 : i32
      %and3A_286 = vector.broadcast %and3A_285 : i32 to vector<256x128xi32>
      %and3A_287 = arith.andi %iota3A, %and3A_286 : vector<256x128xi32>
      %ne3A_288 = arith.constant 0 : i32
      %ne3A_289 = vector.broadcast %ne3A_288 : i32 to vector<256x128xi32>
      %ne3A_290 = arith.cmpi ne, %and3A_287, %ne3A_289 : vector<256x128xi32>
      %and3A_291 = arith.constant 1 : i32
      %and3A_292 = vector.broadcast %and3A_291 : i32 to vector<256x128xi32>
      %and3A_293 = arith.andi %iota3A, %and3A_292 : vector<256x128xi32>
      %ne3A_294 = arith.constant 0 : i32
      %ne3A_295 = vector.broadcast %ne3A_294 : i32 to vector<256x128xi32>
      %ne3A_296 = arith.cmpi ne, %and3A_293, %ne3A_295 : vector<256x128xi32>
      %xor3A_297 = arith.xori %ne3A_290, %ne3A_296 : vector<256x128xi1>
      %and3A_298 = arith.constant 1 : i32
      %and3A_299 = vector.broadcast %and3A_298 : i32 to vector<256x128xi32>
      %and3A_300 = arith.andi %iota3A, %and3A_299 : vector<256x128xi32>
      %ne3A_301 = arith.constant 0 : i32
      %ne3A_302 = vector.broadcast %ne3A_301 : i32 to vector<256x128xi32>
      %ne3A_303 = arith.cmpi ne, %and3A_300, %ne3A_302 : vector<256x128xi32>
      %slice3A_304 = vector.extract_strided_slice %select_n3A_283 {offsets = [0, 127], sizes = [256, 1], strides = [1, 1]} : vector<256x128xf32> to vector<256x1xf32>
      %slice3A_305 = vector.extract_strided_slice %select_n3A_283 {offsets = [0, 0], sizes = [256, 127], strides = [1, 1]} : vector<256x128xf32> to vector<256x127xf32>
      %concatenate3A_306 = tpu.concatenate %slice3A_304, %slice3A_305 in 1 : vector<256x1xf32>, vector<256x127xf32> -> vector<256x128xf32>
      %slice3A_307 = vector.extract_strided_slice %select_n3A_283 {offsets = [0, 1], sizes = [256, 127], strides = [1, 1]} : vector<256x128xf32> to vector<256x127xf32>
      %slice3A_308 = vector.extract_strided_slice %select_n3A_283 {offsets = [0, 0], sizes = [256, 1], strides = [1, 1]} : vector<256x128xf32> to vector<256x1xf32>
      %concatenate3A_309 = tpu.concatenate %slice3A_307, %slice3A_308 in 1 : vector<256x127xf32>, vector<256x1xf32> -> vector<256x128xf32>
      %select_n3A_310 = arith.select %ne3A_303, %concatenate3A_306, %concatenate3A_309 : vector<256x128xi1>, vector<256x128xf32>
      %slice3A_311 = vector.extract_strided_slice %select_n3A_284 {offsets = [0, 127], sizes = [256, 1], strides = [1, 1]} : vector<256x128xi32> to vector<256x1xi32>
      %slice3A_312 = vector.extract_strided_slice %select_n3A_284 {offsets = [0, 0], sizes = [256, 127], strides = [1, 1]} : vector<256x128xi32> to vector<256x127xi32>
      %concatenate3A_313 = tpu.concatenate %slice3A_311, %slice3A_312 in 1 : vector<256x1xi32>, vector<256x127xi32> -> vector<256x128xi32>
      %slice3A_314 = vector.extract_strided_slice %select_n3A_284 {offsets = [0, 1], sizes = [256, 127], strides = [1, 1]} : vector<256x128xi32> to vector<256x127xi32>
      %slice3A_315 = vector.extract_strided_slice %select_n3A_284 {offsets = [0, 0], sizes = [256, 1], strides = [1, 1]} : vector<256x128xi32> to vector<256x1xi32>
      %concatenate3A_316 = tpu.concatenate %slice3A_314, %slice3A_315 in 1 : vector<256x127xi32>, vector<256x1xi32> -> vector<256x128xi32>
      %select_n3A_317 = arith.select %ne3A_303, %concatenate3A_313, %concatenate3A_316 : vector<256x128xi1>, vector<256x128xi32>
      %lt3A_318 = arith.cmpf olt, %select_n3A_310, %select_n3A_283 : vector<256x128xf32>
      %and3A_319 = arith.andi %xor3A_297, %lt3A_318 : vector<256x128xi1>
      %not3A_320 = arith.constant dense<true> : vector<256x128xi1>
      %not3A_321 = arith.xori %xor3A_297, %not3A_320 : vector<256x128xi1>
      %gt3A_322 = arith.cmpf ogt, %select_n3A_310, %select_n3A_283 : vector<256x128xf32>
      %and3A_323 = arith.andi %not3A_321, %gt3A_322 : vector<256x128xi1>
      %or3A_324 = arith.ori %and3A_319, %and3A_323 : vector<256x128xi1>
      %select_n3A_325 = arith.select %or3A_324, %select_n3A_310, %select_n3A_283 : vector<256x128xi1>, vector<256x128xf32>
      %select_n3A_326 = arith.select %or3A_324, %select_n3A_317, %select_n3A_284 : vector<256x128xi1>, vector<256x128xi32>
      %and3A_327 = arith.constant 16 : i32
      %and3A_328 = vector.broadcast %and3A_327 : i32 to vector<256x128xi32>
      %and3A_329 = arith.andi %iota3A, %and3A_328 : vector<256x128xi32>
      %ne3A_330 = arith.constant 0 : i32
      %ne3A_331 = vector.broadcast %ne3A_330 : i32 to vector<256x128xi32>
      %ne3A_332 = arith.cmpi ne, %and3A_329, %ne3A_331 : vector<256x128xi32>
      %and3A_333 = arith.constant 8 : i32
      %and3A_334 = vector.broadcast %and3A_333 : i32 to vector<256x128xi32>
      %and3A_335 = arith.andi %iota3A, %and3A_334 : vector<256x128xi32>
      %ne3A_336 = arith.constant 0 : i32
      %ne3A_337 = vector.broadcast %ne3A_336 : i32 to vector<256x128xi32>
      %ne3A_338 = arith.cmpi ne, %and3A_335, %ne3A_337 : vector<256x128xi32>
      %xor3A_339 = arith.xori %ne3A_332, %ne3A_338 : vector<256x128xi1>
      %and3A_340 = arith.constant 8 : i32
      %and3A_341 = vector.broadcast %and3A_340 : i32 to vector<256x128xi32>
      %and3A_342 = arith.andi %iota3A, %and3A_341 : vector<256x128xi32>
      %ne3A_343 = arith.constant 0 : i32
      %ne3A_344 = vector.broadcast %ne3A_343 : i32 to vector<256x128xi32>
      %ne3A_345 = arith.cmpi ne, %and3A_342, %ne3A_344 : vector<256x128xi32>
      %slice3A_346 = vector.extract_strided_slice %select_n3A_325 {offsets = [0, 120], sizes = [256, 8], strides = [1, 1]} : vector<256x128xf32> to vector<256x8xf32>
      %slice3A_347 = vector.extract_strided_slice %select_n3A_325 {offsets = [0, 0], sizes = [256, 120], strides = [1, 1]} : vector<256x128xf32> to vector<256x120xf32>
      %concatenate3A_348 = tpu.concatenate %slice3A_346, %slice3A_347 in 1 : vector<256x8xf32>, vector<256x120xf32> -> vector<256x128xf32>
      %slice3A_349 = vector.extract_strided_slice %select_n3A_325 {offsets = [0, 8], sizes = [256, 120], strides = [1, 1]} : vector<256x128xf32> to vector<256x120xf32>
      %slice3A_350 = vector.extract_strided_slice %select_n3A_325 {offsets = [0, 0], sizes = [256, 8], strides = [1, 1]} : vector<256x128xf32> to vector<256x8xf32>
      %concatenate3A_351 = tpu.concatenate %slice3A_349, %slice3A_350 in 1 : vector<256x120xf32>, vector<256x8xf32> -> vector<256x128xf32>
      %select_n3A_352 = arith.select %ne3A_345, %concatenate3A_348, %concatenate3A_351 : vector<256x128xi1>, vector<256x128xf32>
      %slice3A_353 = vector.extract_strided_slice %select_n3A_326 {offsets = [0, 120], sizes = [256, 8], strides = [1, 1]} : vector<256x128xi32> to vector<256x8xi32>
      %slice3A_354 = vector.extract_strided_slice %select_n3A_326 {offsets = [0, 0], sizes = [256, 120], strides = [1, 1]} : vector<256x128xi32> to vector<256x120xi32>
      %concatenate3A_355 = tpu.concatenate %slice3A_353, %slice3A_354 in 1 : vector<256x8xi32>, vector<256x120xi32> -> vector<256x128xi32>
      %slice3A_356 = vector.extract_strided_slice %select_n3A_326 {offsets = [0, 8], sizes = [256, 120], strides = [1, 1]} : vector<256x128xi32> to vector<256x120xi32>
      %slice3A_357 = vector.extract_strided_slice %select_n3A_326 {offsets = [0, 0], sizes = [256, 8], strides = [1, 1]} : vector<256x128xi32> to vector<256x8xi32>
      %concatenate3A_358 = tpu.concatenate %slice3A_356, %slice3A_357 in 1 : vector<256x120xi32>, vector<256x8xi32> -> vector<256x128xi32>
      %select_n3A_359 = arith.select %ne3A_345, %concatenate3A_355, %concatenate3A_358 : vector<256x128xi1>, vector<256x128xi32>
      %lt3A_360 = arith.cmpf olt, %select_n3A_352, %select_n3A_325 : vector<256x128xf32>
      %and3A_361 = arith.andi %xor3A_339, %lt3A_360 : vector<256x128xi1>
      %not3A_362 = arith.constant dense<true> : vector<256x128xi1>
      %not3A_363 = arith.xori %xor3A_339, %not3A_362 : vector<256x128xi1>
      %gt3A_364 = arith.cmpf ogt, %select_n3A_352, %select_n3A_325 : vector<256x128xf32>
      %and3A_365 = arith.andi %not3A_363, %gt3A_364 : vector<256x128xi1>
      %or3A_366 = arith.ori %and3A_361, %and3A_365 : vector<256x128xi1>
      %select_n3A_367 = arith.select %or3A_366, %select_n3A_352, %select_n3A_325 : vector<256x128xi1>, vector<256x128xf32>
      %select_n3A_368 = arith.select %or3A_366, %select_n3A_359, %select_n3A_326 : vector<256x128xi1>, vector<256x128xi32>
      %and3A_369 = arith.constant 16 : i32
      %and3A_370 = vector.broadcast %and3A_369 : i32 to vector<256x128xi32>
      %and3A_371 = arith.andi %iota3A, %and3A_370 : vector<256x128xi32>
      %ne3A_372 = arith.constant 0 : i32
      %ne3A_373 = vector.broadcast %ne3A_372 : i32 to vector<256x128xi32>
      %ne3A_374 = arith.cmpi ne, %and3A_371, %ne3A_373 : vector<256x128xi32>
      %and3A_375 = arith.constant 4 : i32
      %and3A_376 = vector.broadcast %and3A_375 : i32 to vector<256x128xi32>
      %and3A_377 = arith.andi %iota3A, %and3A_376 : vector<256x128xi32>
      %ne3A_378 = arith.constant 0 : i32
      %ne3A_379 = vector.broadcast %ne3A_378 : i32 to vector<256x128xi32>
      %ne3A_380 = arith.cmpi ne, %and3A_377, %ne3A_379 : vector<256x128xi32>
      %xor3A_381 = arith.xori %ne3A_374, %ne3A_380 : vector<256x128xi1>
      %and3A_382 = arith.constant 4 : i32
      %and3A_383 = vector.broadcast %and3A_382 : i32 to vector<256x128xi32>
      %and3A_384 = arith.andi %iota3A, %and3A_383 : vector<256x128xi32>
      %ne3A_385 = arith.constant 0 : i32
      %ne3A_386 = vector.broadcast %ne3A_385 : i32 to vector<256x128xi32>
      %ne3A_387 = arith.cmpi ne, %and3A_384, %ne3A_386 : vector<256x128xi32>
      %slice3A_388 = vector.extract_strided_slice %select_n3A_367 {offsets = [0, 124], sizes = [256, 4], strides = [1, 1]} : vector<256x128xf32> to vector<256x4xf32>
      %slice3A_389 = vector.extract_strided_slice %select_n3A_367 {offsets = [0, 0], sizes = [256, 124], strides = [1, 1]} : vector<256x128xf32> to vector<256x124xf32>
      %concatenate3A_390 = tpu.concatenate %slice3A_388, %slice3A_389 in 1 : vector<256x4xf32>, vector<256x124xf32> -> vector<256x128xf32>
      %slice3A_391 = vector.extract_strided_slice %select_n3A_367 {offsets = [0, 4], sizes = [256, 124], strides = [1, 1]} : vector<256x128xf32> to vector<256x124xf32>
      %slice3A_392 = vector.extract_strided_slice %select_n3A_367 {offsets = [0, 0], sizes = [256, 4], strides = [1, 1]} : vector<256x128xf32> to vector<256x4xf32>
      %concatenate3A_393 = tpu.concatenate %slice3A_391, %slice3A_392 in 1 : vector<256x124xf32>, vector<256x4xf32> -> vector<256x128xf32>
      %select_n3A_394 = arith.select %ne3A_387, %concatenate3A_390, %concatenate3A_393 : vector<256x128xi1>, vector<256x128xf32>
      %slice3A_395 = vector.extract_strided_slice %select_n3A_368 {offsets = [0, 124], sizes = [256, 4], strides = [1, 1]} : vector<256x128xi32> to vector<256x4xi32>
      %slice3A_396 = vector.extract_strided_slice %select_n3A_368 {offsets = [0, 0], sizes = [256, 124], strides = [1, 1]} : vector<256x128xi32> to vector<256x124xi32>
      %concatenate3A_397 = tpu.concatenate %slice3A_395, %slice3A_396 in 1 : vector<256x4xi32>, vector<256x124xi32> -> vector<256x128xi32>
      %slice3A_398 = vector.extract_strided_slice %select_n3A_368 {offsets = [0, 4], sizes = [256, 124], strides = [1, 1]} : vector<256x128xi32> to vector<256x124xi32>
      %slice3A_399 = vector.extract_strided_slice %select_n3A_368 {offsets = [0, 0], sizes = [256, 4], strides = [1, 1]} : vector<256x128xi32> to vector<256x4xi32>
      %concatenate3A_400 = tpu.concatenate %slice3A_398, %slice3A_399 in 1 : vector<256x124xi32>, vector<256x4xi32> -> vector<256x128xi32>
      %select_n3A_401 = arith.select %ne3A_387, %concatenate3A_397, %concatenate3A_400 : vector<256x128xi1>, vector<256x128xi32>
      %lt3A_402 = arith.cmpf olt, %select_n3A_394, %select_n3A_367 : vector<256x128xf32>
      %and3A_403 = arith.andi %xor3A_381, %lt3A_402 : vector<256x128xi1>
      %not3A_404 = arith.constant dense<true> : vector<256x128xi1>
      %not3A_405 = arith.xori %xor3A_381, %not3A_404 : vector<256x128xi1>
      %gt3A_406 = arith.cmpf ogt, %select_n3A_394, %select_n3A_367 : vector<256x128xf32>
      %and3A_407 = arith.andi %not3A_405, %gt3A_406 : vector<256x128xi1>
      %or3A_408 = arith.ori %and3A_403, %and3A_407 : vector<256x128xi1>
      %select_n3A_409 = arith.select %or3A_408, %select_n3A_394, %select_n3A_367 : vector<256x128xi1>, vector<256x128xf32>
      %select_n3A_410 = arith.select %or3A_408, %select_n3A_401, %select_n3A_368 : vector<256x128xi1>, vector<256x128xi32>
      %and3A_411 = arith.constant 16 : i32
      %and3A_412 = vector.broadcast %and3A_411 : i32 to vector<256x128xi32>
      %and3A_413 = arith.andi %iota3A, %and3A_412 : vector<256x128xi32>
      %ne3A_414 = arith.constant 0 : i32
      %ne3A_415 = vector.broadcast %ne3A_414 : i32 to vector<256x128xi32>
      %ne3A_416 = arith.cmpi ne, %and3A_413, %ne3A_415 : vector<256x128xi32>
      %and3A_417 = arith.constant 2 : i32
      %and3A_418 = vector.broadcast %and3A_417 : i32 to vector<256x128xi32>
      %and3A_419 = arith.andi %iota3A, %and3A_418 : vector<256x128xi32>
      %ne3A_420 = arith.constant 0 : i32
      %ne3A_421 = vector.broadcast %ne3A_420 : i32 to vector<256x128xi32>
      %ne3A_422 = arith.cmpi ne, %and3A_419, %ne3A_421 : vector<256x128xi32>
      %xor3A_423 = arith.xori %ne3A_416, %ne3A_422 : vector<256x128xi1>
      %and3A_424 = arith.constant 2 : i32
      %and3A_425 = vector.broadcast %and3A_424 : i32 to vector<256x128xi32>
      %and3A_426 = arith.andi %iota3A, %and3A_425 : vector<256x128xi32>
      %ne3A_427 = arith.constant 0 : i32
      %ne3A_428 = vector.broadcast %ne3A_427 : i32 to vector<256x128xi32>
      %ne3A_429 = arith.cmpi ne, %and3A_426, %ne3A_428 : vector<256x128xi32>
      %slice3A_430 = vector.extract_strided_slice %select_n3A_409 {offsets = [0, 126], sizes = [256, 2], strides = [1, 1]} : vector<256x128xf32> to vector<256x2xf32>
      %slice3A_431 = vector.extract_strided_slice %select_n3A_409 {offsets = [0, 0], sizes = [256, 126], strides = [1, 1]} : vector<256x128xf32> to vector<256x126xf32>
      %concatenate3A_432 = tpu.concatenate %slice3A_430, %slice3A_431 in 1 : vector<256x2xf32>, vector<256x126xf32> -> vector<256x128xf32>
      %slice3A_433 = vector.extract_strided_slice %select_n3A_409 {offsets = [0, 2], sizes = [256, 126], strides = [1, 1]} : vector<256x128xf32> to vector<256x126xf32>
      %slice3A_434 = vector.extract_strided_slice %select_n3A_409 {offsets = [0, 0], sizes = [256, 2], strides = [1, 1]} : vector<256x128xf32> to vector<256x2xf32>
      %concatenate3A_435 = tpu.concatenate %slice3A_433, %slice3A_434 in 1 : vector<256x126xf32>, vector<256x2xf32> -> vector<256x128xf32>
      %select_n3A_436 = arith.select %ne3A_429, %concatenate3A_432, %concatenate3A_435 : vector<256x128xi1>, vector<256x128xf32>
      %slice3A_437 = vector.extract_strided_slice %select_n3A_410 {offsets = [0, 126], sizes = [256, 2], strides = [1, 1]} : vector<256x128xi32> to vector<256x2xi32>
      %slice3A_438 = vector.extract_strided_slice %select_n3A_410 {offsets = [0, 0], sizes = [256, 126], strides = [1, 1]} : vector<256x128xi32> to vector<256x126xi32>
      %concatenate3A_439 = tpu.concatenate %slice3A_437, %slice3A_438 in 1 : vector<256x2xi32>, vector<256x126xi32> -> vector<256x128xi32>
      %slice3A_440 = vector.extract_strided_slice %select_n3A_410 {offsets = [0, 2], sizes = [256, 126], strides = [1, 1]} : vector<256x128xi32> to vector<256x126xi32>
      %slice3A_441 = vector.extract_strided_slice %select_n3A_410 {offsets = [0, 0], sizes = [256, 2], strides = [1, 1]} : vector<256x128xi32> to vector<256x2xi32>
      %concatenate3A_442 = tpu.concatenate %slice3A_440, %slice3A_441 in 1 : vector<256x126xi32>, vector<256x2xi32> -> vector<256x128xi32>
      %select_n3A_443 = arith.select %ne3A_429, %concatenate3A_439, %concatenate3A_442 : vector<256x128xi1>, vector<256x128xi32>
      %lt3A_444 = arith.cmpf olt, %select_n3A_436, %select_n3A_409 : vector<256x128xf32>
      %and3A_445 = arith.andi %xor3A_423, %lt3A_444 : vector<256x128xi1>
      %not3A_446 = arith.constant dense<true> : vector<256x128xi1>
      %not3A_447 = arith.xori %xor3A_423, %not3A_446 : vector<256x128xi1>
      %gt3A_448 = arith.cmpf ogt, %select_n3A_436, %select_n3A_409 : vector<256x128xf32>
      %and3A_449 = arith.andi %not3A_447, %gt3A_448 : vector<256x128xi1>
      %or3A_450 = arith.ori %and3A_445, %and3A_449 : vector<256x128xi1>
      %select_n3A_451 = arith.select %or3A_450, %select_n3A_436, %select_n3A_409 : vector<256x128xi1>, vector<256x128xf32>
      %select_n3A_452 = arith.select %or3A_450, %select_n3A_443, %select_n3A_410 : vector<256x128xi1>, vector<256x128xi32>
      %and3A_453 = arith.constant 16 : i32
      %and3A_454 = vector.broadcast %and3A_453 : i32 to vector<256x128xi32>
      %and3A_455 = arith.andi %iota3A, %and3A_454 : vector<256x128xi32>
      %ne3A_456 = arith.constant 0 : i32
      %ne3A_457 = vector.broadcast %ne3A_456 : i32 to vector<256x128xi32>
      %ne3A_458 = arith.cmpi ne, %and3A_455, %ne3A_457 : vector<256x128xi32>
      %and3A_459 = arith.constant 1 : i32
      %and3A_460 = vector.broadcast %and3A_459 : i32 to vector<256x128xi32>
      %and3A_461 = arith.andi %iota3A, %and3A_460 : vector<256x128xi32>
      %ne3A_462 = arith.constant 0 : i32
      %ne3A_463 = vector.broadcast %ne3A_462 : i32 to vector<256x128xi32>
      %ne3A_464 = arith.cmpi ne, %and3A_461, %ne3A_463 : vector<256x128xi32>
      %xor3A_465 = arith.xori %ne3A_458, %ne3A_464 : vector<256x128xi1>
      %and3A_466 = arith.constant 1 : i32
      %and3A_467 = vector.broadcast %and3A_466 : i32 to vector<256x128xi32>
      %and3A_468 = arith.andi %iota3A, %and3A_467 : vector<256x128xi32>
      %ne3A_469 = arith.constant 0 : i32
      %ne3A_470 = vector.broadcast %ne3A_469 : i32 to vector<256x128xi32>
      %ne3A_471 = arith.cmpi ne, %and3A_468, %ne3A_470 : vector<256x128xi32>
      %slice3A_472 = vector.extract_strided_slice %select_n3A_451 {offsets = [0, 127], sizes = [256, 1], strides = [1, 1]} : vector<256x128xf32> to vector<256x1xf32>
      %slice3A_473 = vector.extract_strided_slice %select_n3A_451 {offsets = [0, 0], sizes = [256, 127], strides = [1, 1]} : vector<256x128xf32> to vector<256x127xf32>
      %concatenate3A_474 = tpu.concatenate %slice3A_472, %slice3A_473 in 1 : vector<256x1xf32>, vector<256x127xf32> -> vector<256x128xf32>
      %slice3A_475 = vector.extract_strided_slice %select_n3A_451 {offsets = [0, 1], sizes = [256, 127], strides = [1, 1]} : vector<256x128xf32> to vector<256x127xf32>
      %slice3A_476 = vector.extract_strided_slice %select_n3A_451 {offsets = [0, 0], sizes = [256, 1], strides = [1, 1]} : vector<256x128xf32> to vector<256x1xf32>
      %concatenate3A_477 = tpu.concatenate %slice3A_475, %slice3A_476 in 1 : vector<256x127xf32>, vector<256x1xf32> -> vector<256x128xf32>
      %select_n3A_478 = arith.select %ne3A_471, %concatenate3A_474, %concatenate3A_477 : vector<256x128xi1>, vector<256x128xf32>
      %slice3A_479 = vector.extract_strided_slice %select_n3A_452 {offsets = [0, 127], sizes = [256, 1], strides = [1, 1]} : vector<256x128xi32> to vector<256x1xi32>
      %slice3A_480 = vector.extract_strided_slice %select_n3A_452 {offsets = [0, 0], sizes = [256, 127], strides = [1, 1]} : vector<256x128xi32> to vector<256x127xi32>
      %concatenate3A_481 = tpu.concatenate %slice3A_479, %slice3A_480 in 1 : vector<256x1xi32>, vector<256x127xi32> -> vector<256x128xi32>
      %slice3A_482 = vector.extract_strided_slice %select_n3A_452 {offsets = [0, 1], sizes = [256, 127], strides = [1, 1]} : vector<256x128xi32> to vector<256x127xi32>
      %slice3A_483 = vector.extract_strided_slice %select_n3A_452 {offsets = [0, 0], sizes = [256, 1], strides = [1, 1]} : vector<256x128xi32> to vector<256x1xi32>
      %concatenate3A_484 = tpu.concatenate %slice3A_482, %slice3A_483 in 1 : vector<256x127xi32>, vector<256x1xi32> -> vector<256x128xi32>
      %select_n3A_485 = arith.select %ne3A_471, %concatenate3A_481, %concatenate3A_484 : vector<256x128xi1>, vector<256x128xi32>
      %lt3A_486 = arith.cmpf olt, %select_n3A_478, %select_n3A_451 : vector<256x128xf32>
      %and3A_487 = arith.andi %xor3A_465, %lt3A_486 : vector<256x128xi1>
      %not3A_488 = arith.constant dense<true> : vector<256x128xi1>
      %not3A_489 = arith.xori %xor3A_465, %not3A_488 : vector<256x128xi1>
      %gt3A_490 = arith.cmpf ogt, %select_n3A_478, %select_n3A_451 : vector<256x128xf32>
      %and3A_491 = arith.andi %not3A_489, %gt3A_490 : vector<256x128xi1>
      %or3A_492 = arith.ori %and3A_487, %and3A_491 : vector<256x128xi1>
      %select_n3A_493 = arith.select %or3A_492, %select_n3A_478, %select_n3A_451 : vector<256x128xi1>, vector<256x128xf32>
      %select_n3A_494 = arith.select %or3A_492, %select_n3A_485, %select_n3A_452 : vector<256x128xi1>, vector<256x128xi32>
      %and3A_495 = arith.constant 32 : i32
      %and3A_496 = vector.broadcast %and3A_495 : i32 to vector<256x128xi32>
      %and3A_497 = arith.andi %iota3A, %and3A_496 : vector<256x128xi32>
      %ne3A_498 = arith.constant 0 : i32
      %ne3A_499 = vector.broadcast %ne3A_498 : i32 to vector<256x128xi32>
      %ne3A_500 = arith.cmpi ne, %and3A_497, %ne3A_499 : vector<256x128xi32>
      %and3A_501 = arith.constant 16 : i32
      %and3A_502 = vector.broadcast %and3A_501 : i32 to vector<256x128xi32>
      %and3A_503 = arith.andi %iota3A, %and3A_502 : vector<256x128xi32>
      %ne3A_504 = arith.constant 0 : i32
      %ne3A_505 = vector.broadcast %ne3A_504 : i32 to vector<256x128xi32>
      %ne3A_506 = arith.cmpi ne, %and3A_503, %ne3A_505 : vector<256x128xi32>
      %xor3A_507 = arith.xori %ne3A_500, %ne3A_506 : vector<256x128xi1>
      %and3A_508 = arith.constant 16 : i32
      %and3A_509 = vector.broadcast %and3A_508 : i32 to vector<256x128xi32>
      %and3A_510 = arith.andi %iota3A, %and3A_509 : vector<256x128xi32>
      %ne3A_511 = arith.constant 0 : i32
      %ne3A_512 = vector.broadcast %ne3A_511 : i32 to vector<256x128xi32>
      %ne3A_513 = arith.cmpi ne, %and3A_510, %ne3A_512 : vector<256x128xi32>
      %slice3A_514 = vector.extract_strided_slice %select_n3A_493 {offsets = [0, 112], sizes = [256, 16], strides = [1, 1]} : vector<256x128xf32> to vector<256x16xf32>
      %slice3A_515 = vector.extract_strided_slice %select_n3A_493 {offsets = [0, 0], sizes = [256, 112], strides = [1, 1]} : vector<256x128xf32> to vector<256x112xf32>
      %concatenate3A_516 = tpu.concatenate %slice3A_514, %slice3A_515 in 1 : vector<256x16xf32>, vector<256x112xf32> -> vector<256x128xf32>
      %slice3A_517 = vector.extract_strided_slice %select_n3A_493 {offsets = [0, 16], sizes = [256, 112], strides = [1, 1]} : vector<256x128xf32> to vector<256x112xf32>
      %slice3A_518 = vector.extract_strided_slice %select_n3A_493 {offsets = [0, 0], sizes = [256, 16], strides = [1, 1]} : vector<256x128xf32> to vector<256x16xf32>
      %concatenate3A_519 = tpu.concatenate %slice3A_517, %slice3A_518 in 1 : vector<256x112xf32>, vector<256x16xf32> -> vector<256x128xf32>
      %select_n3A_520 = arith.select %ne3A_513, %concatenate3A_516, %concatenate3A_519 : vector<256x128xi1>, vector<256x128xf32>
      %slice3A_521 = vector.extract_strided_slice %select_n3A_494 {offsets = [0, 112], sizes = [256, 16], strides = [1, 1]} : vector<256x128xi32> to vector<256x16xi32>
      %slice3A_522 = vector.extract_strided_slice %select_n3A_494 {offsets = [0, 0], sizes = [256, 112], strides = [1, 1]} : vector<256x128xi32> to vector<256x112xi32>
      %concatenate3A_523 = tpu.concatenate %slice3A_521, %slice3A_522 in 1 : vector<256x16xi32>, vector<256x112xi32> -> vector<256x128xi32>
      %slice3A_524 = vector.extract_strided_slice %select_n3A_494 {offsets = [0, 16], sizes = [256, 112], strides = [1, 1]} : vector<256x128xi32> to vector<256x112xi32>
      %slice3A_525 = vector.extract_strided_slice %select_n3A_494 {offsets = [0, 0], sizes = [256, 16], strides = [1, 1]} : vector<256x128xi32> to vector<256x16xi32>
      %concatenate3A_526 = tpu.concatenate %slice3A_524, %slice3A_525 in 1 : vector<256x112xi32>, vector<256x16xi32> -> vector<256x128xi32>
      %select_n3A_527 = arith.select %ne3A_513, %concatenate3A_523, %concatenate3A_526 : vector<256x128xi1>, vector<256x128xi32>
      %lt3A_528 = arith.cmpf olt, %select_n3A_520, %select_n3A_493 : vector<256x128xf32>
      %and3A_529 = arith.andi %xor3A_507, %lt3A_528 : vector<256x128xi1>
      %not3A_530 = arith.constant dense<true> : vector<256x128xi1>
      %not3A_531 = arith.xori %xor3A_507, %not3A_530 : vector<256x128xi1>
      %gt3A_532 = arith.cmpf ogt, %select_n3A_520, %select_n3A_493 : vector<256x128xf32>
      %and3A_533 = arith.andi %not3A_531, %gt3A_532 : vector<256x128xi1>
      %or3A_534 = arith.ori %and3A_529, %and3A_533 : vector<256x128xi1>
      %select_n3A_535 = arith.select %or3A_534, %select_n3A_520, %select_n3A_493 : vector<256x128xi1>, vector<256x128xf32>
      %select_n3A_536 = arith.select %or3A_534, %select_n3A_527, %select_n3A_494 : vector<256x128xi1>, vector<256x128xi32>
      %and3A_537 = arith.constant 32 : i32
      %and3A_538 = vector.broadcast %and3A_537 : i32 to vector<256x128xi32>
      %and3A_539 = arith.andi %iota3A, %and3A_538 : vector<256x128xi32>
      %ne3A_540 = arith.constant 0 : i32
      %ne3A_541 = vector.broadcast %ne3A_540 : i32 to vector<256x128xi32>
      %ne3A_542 = arith.cmpi ne, %and3A_539, %ne3A_541 : vector<256x128xi32>
      %and3A_543 = arith.constant 8 : i32
      %and3A_544 = vector.broadcast %and3A_543 : i32 to vector<256x128xi32>
      %and3A_545 = arith.andi %iota3A, %and3A_544 : vector<256x128xi32>
      %ne3A_546 = arith.constant 0 : i32
      %ne3A_547 = vector.broadcast %ne3A_546 : i32 to vector<256x128xi32>
      %ne3A_548 = arith.cmpi ne, %and3A_545, %ne3A_547 : vector<256x128xi32>
      %xor3A_549 = arith.xori %ne3A_542, %ne3A_548 : vector<256x128xi1>
      %and3A_550 = arith.constant 8 : i32
      %and3A_551 = vector.broadcast %and3A_550 : i32 to vector<256x128xi32>
      %and3A_552 = arith.andi %iota3A, %and3A_551 : vector<256x128xi32>
      %ne3A_553 = arith.constant 0 : i32
      %ne3A_554 = vector.broadcast %ne3A_553 : i32 to vector<256x128xi32>
      %ne3A_555 = arith.cmpi ne, %and3A_552, %ne3A_554 : vector<256x128xi32>
      %slice3A_556 = vector.extract_strided_slice %select_n3A_535 {offsets = [0, 120], sizes = [256, 8], strides = [1, 1]} : vector<256x128xf32> to vector<256x8xf32>
      %slice3A_557 = vector.extract_strided_slice %select_n3A_535 {offsets = [0, 0], sizes = [256, 120], strides = [1, 1]} : vector<256x128xf32> to vector<256x120xf32>
      %concatenate3A_558 = tpu.concatenate %slice3A_556, %slice3A_557 in 1 : vector<256x8xf32>, vector<256x120xf32> -> vector<256x128xf32>
      %slice3A_559 = vector.extract_strided_slice %select_n3A_535 {offsets = [0, 8], sizes = [256, 120], strides = [1, 1]} : vector<256x128xf32> to vector<256x120xf32>
      %slice3A_560 = vector.extract_strided_slice %select_n3A_535 {offsets = [0, 0], sizes = [256, 8], strides = [1, 1]} : vector<256x128xf32> to vector<256x8xf32>
      %concatenate3A_561 = tpu.concatenate %slice3A_559, %slice3A_560 in 1 : vector<256x120xf32>, vector<256x8xf32> -> vector<256x128xf32>
      %select_n3A_562 = arith.select %ne3A_555, %concatenate3A_558, %concatenate3A_561 : vector<256x128xi1>, vector<256x128xf32>
      %slice3A_563 = vector.extract_strided_slice %select_n3A_536 {offsets = [0, 120], sizes = [256, 8], strides = [1, 1]} : vector<256x128xi32> to vector<256x8xi32>
      %slice3A_564 = vector.extract_strided_slice %select_n3A_536 {offsets = [0, 0], sizes = [256, 120], strides = [1, 1]} : vector<256x128xi32> to vector<256x120xi32>
      %concatenate3A_565 = tpu.concatenate %slice3A_563, %slice3A_564 in 1 : vector<256x8xi32>, vector<256x120xi32> -> vector<256x128xi32>
      %slice3A_566 = vector.extract_strided_slice %select_n3A_536 {offsets = [0, 8], sizes = [256, 120], strides = [1, 1]} : vector<256x128xi32> to vector<256x120xi32>
      %slice3A_567 = vector.extract_strided_slice %select_n3A_536 {offsets = [0, 0], sizes = [256, 8], strides = [1, 1]} : vector<256x128xi32> to vector<256x8xi32>
      %concatenate3A_568 = tpu.concatenate %slice3A_566, %slice3A_567 in 1 : vector<256x120xi32>, vector<256x8xi32> -> vector<256x128xi32>
      %select_n3A_569 = arith.select %ne3A_555, %concatenate3A_565, %concatenate3A_568 : vector<256x128xi1>, vector<256x128xi32>
      %lt3A_570 = arith.cmpf olt, %select_n3A_562, %select_n3A_535 : vector<256x128xf32>
      %and3A_571 = arith.andi %xor3A_549, %lt3A_570 : vector<256x128xi1>
      %not3A_572 = arith.constant dense<true> : vector<256x128xi1>
      %not3A_573 = arith.xori %xor3A_549, %not3A_572 : vector<256x128xi1>
      %gt3A_574 = arith.cmpf ogt, %select_n3A_562, %select_n3A_535 : vector<256x128xf32>
      %and3A_575 = arith.andi %not3A_573, %gt3A_574 : vector<256x128xi1>
      %or3A_576 = arith.ori %and3A_571, %and3A_575 : vector<256x128xi1>
      %select_n3A_577 = arith.select %or3A_576, %select_n3A_562, %select_n3A_535 : vector<256x128xi1>, vector<256x128xf32>
      %select_n3A_578 = arith.select %or3A_576, %select_n3A_569, %select_n3A_536 : vector<256x128xi1>, vector<256x128xi32>
      %and3A_579 = arith.constant 32 : i32
      %and3A_580 = vector.broadcast %and3A_579 : i32 to vector<256x128xi32>
      %and3A_581 = arith.andi %iota3A, %and3A_580 : vector<256x128xi32>
      %ne3A_582 = arith.constant 0 : i32
      %ne3A_583 = vector.broadcast %ne3A_582 : i32 to vector<256x128xi32>
      %ne3A_584 = arith.cmpi ne, %and3A_581, %ne3A_583 : vector<256x128xi32>
      %and3A_585 = arith.constant 4 : i32
      %and3A_586 = vector.broadcast %and3A_585 : i32 to vector<256x128xi32>
      %and3A_587 = arith.andi %iota3A, %and3A_586 : vector<256x128xi32>
      %ne3A_588 = arith.constant 0 : i32
      %ne3A_589 = vector.broadcast %ne3A_588 : i32 to vector<256x128xi32>
      %ne3A_590 = arith.cmpi ne, %and3A_587, %ne3A_589 : vector<256x128xi32>
      %xor3A_591 = arith.xori %ne3A_584, %ne3A_590 : vector<256x128xi1>
      %and3A_592 = arith.constant 4 : i32
      %and3A_593 = vector.broadcast %and3A_592 : i32 to vector<256x128xi32>
      %and3A_594 = arith.andi %iota3A, %and3A_593 : vector<256x128xi32>
      %ne3A_595 = arith.constant 0 : i32
      %ne3A_596 = vector.broadcast %ne3A_595 : i32 to vector<256x128xi32>
      %ne3A_597 = arith.cmpi ne, %and3A_594, %ne3A_596 : vector<256x128xi32>
      %slice3A_598 = vector.extract_strided_slice %select_n3A_577 {offsets = [0, 124], sizes = [256, 4], strides = [1, 1]} : vector<256x128xf32> to vector<256x4xf32>
      %slice3A_599 = vector.extract_strided_slice %select_n3A_577 {offsets = [0, 0], sizes = [256, 124], strides = [1, 1]} : vector<256x128xf32> to vector<256x124xf32>
      %concatenate3A_600 = tpu.concatenate %slice3A_598, %slice3A_599 in 1 : vector<256x4xf32>, vector<256x124xf32> -> vector<256x128xf32>
      %slice3A_601 = vector.extract_strided_slice %select_n3A_577 {offsets = [0, 4], sizes = [256, 124], strides = [1, 1]} : vector<256x128xf32> to vector<256x124xf32>
      %slice3A_602 = vector.extract_strided_slice %select_n3A_577 {offsets = [0, 0], sizes = [256, 4], strides = [1, 1]} : vector<256x128xf32> to vector<256x4xf32>
      %concatenate3A_603 = tpu.concatenate %slice3A_601, %slice3A_602 in 1 : vector<256x124xf32>, vector<256x4xf32> -> vector<256x128xf32>
      %select_n3A_604 = arith.select %ne3A_597, %concatenate3A_600, %concatenate3A_603 : vector<256x128xi1>, vector<256x128xf32>
      %slice3A_605 = vector.extract_strided_slice %select_n3A_578 {offsets = [0, 124], sizes = [256, 4], strides = [1, 1]} : vector<256x128xi32> to vector<256x4xi32>
      %slice3A_606 = vector.extract_strided_slice %select_n3A_578 {offsets = [0, 0], sizes = [256, 124], strides = [1, 1]} : vector<256x128xi32> to vector<256x124xi32>
      %concatenate3A_607 = tpu.concatenate %slice3A_605, %slice3A_606 in 1 : vector<256x4xi32>, vector<256x124xi32> -> vector<256x128xi32>
      %slice3A_608 = vector.extract_strided_slice %select_n3A_578 {offsets = [0, 4], sizes = [256, 124], strides = [1, 1]} : vector<256x128xi32> to vector<256x124xi32>
      %slice3A_609 = vector.extract_strided_slice %select_n3A_578 {offsets = [0, 0], sizes = [256, 4], strides = [1, 1]} : vector<256x128xi32> to vector<256x4xi32>
      %concatenate3A_610 = tpu.concatenate %slice3A_608, %slice3A_609 in 1 : vector<256x124xi32>, vector<256x4xi32> -> vector<256x128xi32>
      %select_n3A_611 = arith.select %ne3A_597, %concatenate3A_607, %concatenate3A_610 : vector<256x128xi1>, vector<256x128xi32>
      %lt3A_612 = arith.cmpf olt, %select_n3A_604, %select_n3A_577 : vector<256x128xf32>
      %and3A_613 = arith.andi %xor3A_591, %lt3A_612 : vector<256x128xi1>
      %not3A_614 = arith.constant dense<true> : vector<256x128xi1>
      %not3A_615 = arith.xori %xor3A_591, %not3A_614 : vector<256x128xi1>
      %gt3A_616 = arith.cmpf ogt, %select_n3A_604, %select_n3A_577 : vector<256x128xf32>
      %and3A_617 = arith.andi %not3A_615, %gt3A_616 : vector<256x128xi1>
      %or3A_618 = arith.ori %and3A_613, %and3A_617 : vector<256x128xi1>
      %select_n3A_619 = arith.select %or3A_618, %select_n3A_604, %select_n3A_577 : vector<256x128xi1>, vector<256x128xf32>
      %select_n3A_620 = arith.select %or3A_618, %select_n3A_611, %select_n3A_578 : vector<256x128xi1>, vector<256x128xi32>
      %and3A_621 = arith.constant 32 : i32
      %and3A_622 = vector.broadcast %and3A_621 : i32 to vector<256x128xi32>
      %and3A_623 = arith.andi %iota3A, %and3A_622 : vector<256x128xi32>
      %ne3A_624 = arith.constant 0 : i32
      %ne3A_625 = vector.broadcast %ne3A_624 : i32 to vector<256x128xi32>
      %ne3A_626 = arith.cmpi ne, %and3A_623, %ne3A_625 : vector<256x128xi32>
      %and3A_627 = arith.constant 2 : i32
      %and3A_628 = vector.broadcast %and3A_627 : i32 to vector<256x128xi32>
      %and3A_629 = arith.andi %iota3A, %and3A_628 : vector<256x128xi32>
      %ne3A_630 = arith.constant 0 : i32
      %ne3A_631 = vector.broadcast %ne3A_630 : i32 to vector<256x128xi32>
      %ne3A_632 = arith.cmpi ne, %and3A_629, %ne3A_631 : vector<256x128xi32>
      %xor3A_633 = arith.xori %ne3A_626, %ne3A_632 : vector<256x128xi1>
      %and3A_634 = arith.constant 2 : i32
      %and3A_635 = vector.broadcast %and3A_634 : i32 to vector<256x128xi32>
      %and3A_636 = arith.andi %iota3A, %and3A_635 : vector<256x128xi32>
      %ne3A_637 = arith.constant 0 : i32
      %ne3A_638 = vector.broadcast %ne3A_637 : i32 to vector<256x128xi32>
      %ne3A_639 = arith.cmpi ne, %and3A_636, %ne3A_638 : vector<256x128xi32>
      %slice3A_640 = vector.extract_strided_slice %select_n3A_619 {offsets = [0, 126], sizes = [256, 2], strides = [1, 1]} : vector<256x128xf32> to vector<256x2xf32>
      %slice3A_641 = vector.extract_strided_slice %select_n3A_619 {offsets = [0, 0], sizes = [256, 126], strides = [1, 1]} : vector<256x128xf32> to vector<256x126xf32>
      %concatenate3A_642 = tpu.concatenate %slice3A_640, %slice3A_641 in 1 : vector<256x2xf32>, vector<256x126xf32> -> vector<256x128xf32>
      %slice3A_643 = vector.extract_strided_slice %select_n3A_619 {offsets = [0, 2], sizes = [256, 126], strides = [1, 1]} : vector<256x128xf32> to vector<256x126xf32>
      %slice3A_644 = vector.extract_strided_slice %select_n3A_619 {offsets = [0, 0], sizes = [256, 2], strides = [1, 1]} : vector<256x128xf32> to vector<256x2xf32>
      %concatenate3A_645 = tpu.concatenate %slice3A_643, %slice3A_644 in 1 : vector<256x126xf32>, vector<256x2xf32> -> vector<256x128xf32>
      %select_n3A_646 = arith.select %ne3A_639, %concatenate3A_642, %concatenate3A_645 : vector<256x128xi1>, vector<256x128xf32>
      %slice3A_647 = vector.extract_strided_slice %select_n3A_620 {offsets = [0, 126], sizes = [256, 2], strides = [1, 1]} : vector<256x128xi32> to vector<256x2xi32>
      %slice3A_648 = vector.extract_strided_slice %select_n3A_620 {offsets = [0, 0], sizes = [256, 126], strides = [1, 1]} : vector<256x128xi32> to vector<256x126xi32>
      %concatenate3A_649 = tpu.concatenate %slice3A_647, %slice3A_648 in 1 : vector<256x2xi32>, vector<256x126xi32> -> vector<256x128xi32>
      %slice3A_650 = vector.extract_strided_slice %select_n3A_620 {offsets = [0, 2], sizes = [256, 126], strides = [1, 1]} : vector<256x128xi32> to vector<256x126xi32>
      %slice3A_651 = vector.extract_strided_slice %select_n3A_620 {offsets = [0, 0], sizes = [256, 2], strides = [1, 1]} : vector<256x128xi32> to vector<256x2xi32>
      %concatenate3A_652 = tpu.concatenate %slice3A_650, %slice3A_651 in 1 : vector<256x126xi32>, vector<256x2xi32> -> vector<256x128xi32>
      %select_n3A_653 = arith.select %ne3A_639, %concatenate3A_649, %concatenate3A_652 : vector<256x128xi1>, vector<256x128xi32>
      %lt3A_654 = arith.cmpf olt, %select_n3A_646, %select_n3A_619 : vector<256x128xf32>
      %and3A_655 = arith.andi %xor3A_633, %lt3A_654 : vector<256x128xi1>
      %not3A_656 = arith.constant dense<true> : vector<256x128xi1>
      %not3A_657 = arith.xori %xor3A_633, %not3A_656 : vector<256x128xi1>
      %gt3A_658 = arith.cmpf ogt, %select_n3A_646, %select_n3A_619 : vector<256x128xf32>
      %and3A_659 = arith.andi %not3A_657, %gt3A_658 : vector<256x128xi1>
      %or3A_660 = arith.ori %and3A_655, %and3A_659 : vector<256x128xi1>
      %select_n3A_661 = arith.select %or3A_660, %select_n3A_646, %select_n3A_619 : vector<256x128xi1>, vector<256x128xf32>
      %select_n3A_662 = arith.select %or3A_660, %select_n3A_653, %select_n3A_620 : vector<256x128xi1>, vector<256x128xi32>
      %and3A_663 = arith.constant 32 : i32
      %and3A_664 = vector.broadcast %and3A_663 : i32 to vector<256x128xi32>
      %and3A_665 = arith.andi %iota3A, %and3A_664 : vector<256x128xi32>
      %ne3A_666 = arith.constant 0 : i32
      %ne3A_667 = vector.broadcast %ne3A_666 : i32 to vector<256x128xi32>
      %ne3A_668 = arith.cmpi ne, %and3A_665, %ne3A_667 : vector<256x128xi32>
      %and3A_669 = arith.constant 1 : i32
      %and3A_670 = vector.broadcast %and3A_669 : i32 to vector<256x128xi32>
      %and3A_671 = arith.andi %iota3A, %and3A_670 : vector<256x128xi32>
      %ne3A_672 = arith.constant 0 : i32
      %ne3A_673 = vector.broadcast %ne3A_672 : i32 to vector<256x128xi32>
      %ne3A_674 = arith.cmpi ne, %and3A_671, %ne3A_673 : vector<256x128xi32>
      %xor3A_675 = arith.xori %ne3A_668, %ne3A_674 : vector<256x128xi1>
      %and3A_676 = arith.constant 1 : i32
      %and3A_677 = vector.broadcast %and3A_676 : i32 to vector<256x128xi32>
      %and3A_678 = arith.andi %iota3A, %and3A_677 : vector<256x128xi32>
      %ne3A_679 = arith.constant 0 : i32
      %ne3A_680 = vector.broadcast %ne3A_679 : i32 to vector<256x128xi32>
      %ne3A_681 = arith.cmpi ne, %and3A_678, %ne3A_680 : vector<256x128xi32>
      %slice3A_682 = vector.extract_strided_slice %select_n3A_661 {offsets = [0, 127], sizes = [256, 1], strides = [1, 1]} : vector<256x128xf32> to vector<256x1xf32>
      %slice3A_683 = vector.extract_strided_slice %select_n3A_661 {offsets = [0, 0], sizes = [256, 127], strides = [1, 1]} : vector<256x128xf32> to vector<256x127xf32>
      %concatenate3A_684 = tpu.concatenate %slice3A_682, %slice3A_683 in 1 : vector<256x1xf32>, vector<256x127xf32> -> vector<256x128xf32>
      %slice3A_685 = vector.extract_strided_slice %select_n3A_661 {offsets = [0, 1], sizes = [256, 127], strides = [1, 1]} : vector<256x128xf32> to vector<256x127xf32>
      %slice3A_686 = vector.extract_strided_slice %select_n3A_661 {offsets = [0, 0], sizes = [256, 1], strides = [1, 1]} : vector<256x128xf32> to vector<256x1xf32>
      %concatenate3A_687 = tpu.concatenate %slice3A_685, %slice3A_686 in 1 : vector<256x127xf32>, vector<256x1xf32> -> vector<256x128xf32>
      %select_n3A_688 = arith.select %ne3A_681, %concatenate3A_684, %concatenate3A_687 : vector<256x128xi1>, vector<256x128xf32>
      %slice3A_689 = vector.extract_strided_slice %select_n3A_662 {offsets = [0, 127], sizes = [256, 1], strides = [1, 1]} : vector<256x128xi32> to vector<256x1xi32>
      %slice3A_690 = vector.extract_strided_slice %select_n3A_662 {offsets = [0, 0], sizes = [256, 127], strides = [1, 1]} : vector<256x128xi32> to vector<256x127xi32>
      %concatenate3A_691 = tpu.concatenate %slice3A_689, %slice3A_690 in 1 : vector<256x1xi32>, vector<256x127xi32> -> vector<256x128xi32>
      %slice3A_692 = vector.extract_strided_slice %select_n3A_662 {offsets = [0, 1], sizes = [256, 127], strides = [1, 1]} : vector<256x128xi32> to vector<256x127xi32>
      %slice3A_693 = vector.extract_strided_slice %select_n3A_662 {offsets = [0, 0], sizes = [256, 1], strides = [1, 1]} : vector<256x128xi32> to vector<256x1xi32>
      %concatenate3A_694 = tpu.concatenate %slice3A_692, %slice3A_693 in 1 : vector<256x127xi32>, vector<256x1xi32> -> vector<256x128xi32>
      %select_n3A_695 = arith.select %ne3A_681, %concatenate3A_691, %concatenate3A_694 : vector<256x128xi1>, vector<256x128xi32>
      %lt3A_696 = arith.cmpf olt, %select_n3A_688, %select_n3A_661 : vector<256x128xf32>
      %and3A_697 = arith.andi %xor3A_675, %lt3A_696 : vector<256x128xi1>
      %not3A_698 = arith.constant dense<true> : vector<256x128xi1>
      %not3A_699 = arith.xori %xor3A_675, %not3A_698 : vector<256x128xi1>
      %gt3A_700 = arith.cmpf ogt, %select_n3A_688, %select_n3A_661 : vector<256x128xf32>
      %and3A_701 = arith.andi %not3A_699, %gt3A_700 : vector<256x128xi1>
      %or3A_702 = arith.ori %and3A_697, %and3A_701 : vector<256x128xi1>
      %select_n3A_703 = arith.select %or3A_702, %select_n3A_688, %select_n3A_661 : vector<256x128xi1>, vector<256x128xf32>
      %select_n3A_704 = arith.select %or3A_702, %select_n3A_695, %select_n3A_662 : vector<256x128xi1>, vector<256x128xi32>
      %and3A_705 = arith.constant 64 : i32
      %and3A_706 = vector.broadcast %and3A_705 : i32 to vector<256x128xi32>
      %and3A_707 = arith.andi %iota3A, %and3A_706 : vector<256x128xi32>
      %ne3A_708 = arith.constant 0 : i32
      %ne3A_709 = vector.broadcast %ne3A_708 : i32 to vector<256x128xi32>
      %ne3A_710 = arith.cmpi ne, %and3A_707, %ne3A_709 : vector<256x128xi32>
      %and3A_711 = arith.constant 32 : i32
      %and3A_712 = vector.broadcast %and3A_711 : i32 to vector<256x128xi32>
      %and3A_713 = arith.andi %iota3A, %and3A_712 : vector<256x128xi32>
      %ne3A_714 = arith.constant 0 : i32
      %ne3A_715 = vector.broadcast %ne3A_714 : i32 to vector<256x128xi32>
      %ne3A_716 = arith.cmpi ne, %and3A_713, %ne3A_715 : vector<256x128xi32>
      %xor3A_717 = arith.xori %ne3A_710, %ne3A_716 : vector<256x128xi1>
      %and3A_718 = arith.constant 32 : i32
      %and3A_719 = vector.broadcast %and3A_718 : i32 to vector<256x128xi32>
      %and3A_720 = arith.andi %iota3A, %and3A_719 : vector<256x128xi32>
      %ne3A_721 = arith.constant 0 : i32
      %ne3A_722 = vector.broadcast %ne3A_721 : i32 to vector<256x128xi32>
      %ne3A_723 = arith.cmpi ne, %and3A_720, %ne3A_722 : vector<256x128xi32>
      %slice3A_724 = vector.extract_strided_slice %select_n3A_703 {offsets = [0, 96], sizes = [256, 32], strides = [1, 1]} : vector<256x128xf32> to vector<256x32xf32>
      %slice3A_725 = vector.extract_strided_slice %select_n3A_703 {offsets = [0, 0], sizes = [256, 96], strides = [1, 1]} : vector<256x128xf32> to vector<256x96xf32>
      %concatenate3A_726 = tpu.concatenate %slice3A_724, %slice3A_725 in 1 : vector<256x32xf32>, vector<256x96xf32> -> vector<256x128xf32>
      %slice3A_727 = vector.extract_strided_slice %select_n3A_703 {offsets = [0, 32], sizes = [256, 96], strides = [1, 1]} : vector<256x128xf32> to vector<256x96xf32>
      %slice3A_728 = vector.extract_strided_slice %select_n3A_703 {offsets = [0, 0], sizes = [256, 32], strides = [1, 1]} : vector<256x128xf32> to vector<256x32xf32>
      %concatenate3A_729 = tpu.concatenate %slice3A_727, %slice3A_728 in 1 : vector<256x96xf32>, vector<256x32xf32> -> vector<256x128xf32>
      %select_n3A_730 = arith.select %ne3A_723, %concatenate3A_726, %concatenate3A_729 : vector<256x128xi1>, vector<256x128xf32>
      %slice3A_731 = vector.extract_strided_slice %select_n3A_704 {offsets = [0, 96], sizes = [256, 32], strides = [1, 1]} : vector<256x128xi32> to vector<256x32xi32>
      %slice3A_732 = vector.extract_strided_slice %select_n3A_704 {offsets = [0, 0], sizes = [256, 96], strides = [1, 1]} : vector<256x128xi32> to vector<256x96xi32>
      %concatenate3A_733 = tpu.concatenate %slice3A_731, %slice3A_732 in 1 : vector<256x32xi32>, vector<256x96xi32> -> vector<256x128xi32>
      %slice3A_734 = vector.extract_strided_slice %select_n3A_704 {offsets = [0, 32], sizes = [256, 96], strides = [1, 1]} : vector<256x128xi32> to vector<256x96xi32>
      %slice3A_735 = vector.extract_strided_slice %select_n3A_704 {offsets = [0, 0], sizes = [256, 32], strides = [1, 1]} : vector<256x128xi32> to vector<256x32xi32>
      %concatenate3A_736 = tpu.concatenate %slice3A_734, %slice3A_735 in 1 : vector<256x96xi32>, vector<256x32xi32> -> vector<256x128xi32>
      %select_n3A_737 = arith.select %ne3A_723, %concatenate3A_733, %concatenate3A_736 : vector<256x128xi1>, vector<256x128xi32>
      %lt3A_738 = arith.cmpf olt, %select_n3A_730, %select_n3A_703 : vector<256x128xf32>
      %and3A_739 = arith.andi %xor3A_717, %lt3A_738 : vector<256x128xi1>
      %not3A_740 = arith.constant dense<true> : vector<256x128xi1>
      %not3A_741 = arith.xori %xor3A_717, %not3A_740 : vector<256x128xi1>
      %gt3A_742 = arith.cmpf ogt, %select_n3A_730, %select_n3A_703 : vector<256x128xf32>
      %and3A_743 = arith.andi %not3A_741, %gt3A_742 : vector<256x128xi1>
      %or3A_744 = arith.ori %and3A_739, %and3A_743 : vector<256x128xi1>
      %select_n3A_745 = arith.select %or3A_744, %select_n3A_730, %select_n3A_703 : vector<256x128xi1>, vector<256x128xf32>
      %select_n3A_746 = arith.select %or3A_744, %select_n3A_737, %select_n3A_704 : vector<256x128xi1>, vector<256x128xi32>
      %and3A_747 = arith.constant 64 : i32
      %and3A_748 = vector.broadcast %and3A_747 : i32 to vector<256x128xi32>
      %and3A_749 = arith.andi %iota3A, %and3A_748 : vector<256x128xi32>
      %ne3A_750 = arith.constant 0 : i32
      %ne3A_751 = vector.broadcast %ne3A_750 : i32 to vector<256x128xi32>
      %ne3A_752 = arith.cmpi ne, %and3A_749, %ne3A_751 : vector<256x128xi32>
      %and3A_753 = arith.constant 16 : i32
      %and3A_754 = vector.broadcast %and3A_753 : i32 to vector<256x128xi32>
      %and3A_755 = arith.andi %iota3A, %and3A_754 : vector<256x128xi32>
      %ne3A_756 = arith.constant 0 : i32
      %ne3A_757 = vector.broadcast %ne3A_756 : i32 to vector<256x128xi32>
      %ne3A_758 = arith.cmpi ne, %and3A_755, %ne3A_757 : vector<256x128xi32>
      %xor3A_759 = arith.xori %ne3A_752, %ne3A_758 : vector<256x128xi1>
      %and3A_760 = arith.constant 16 : i32
      %and3A_761 = vector.broadcast %and3A_760 : i32 to vector<256x128xi32>
      %and3A_762 = arith.andi %iota3A, %and3A_761 : vector<256x128xi32>
      %ne3A_763 = arith.constant 0 : i32
      %ne3A_764 = vector.broadcast %ne3A_763 : i32 to vector<256x128xi32>
      %ne3A_765 = arith.cmpi ne, %and3A_762, %ne3A_764 : vector<256x128xi32>
      %slice3A_766 = vector.extract_strided_slice %select_n3A_745 {offsets = [0, 112], sizes = [256, 16], strides = [1, 1]} : vector<256x128xf32> to vector<256x16xf32>
      %slice3A_767 = vector.extract_strided_slice %select_n3A_745 {offsets = [0, 0], sizes = [256, 112], strides = [1, 1]} : vector<256x128xf32> to vector<256x112xf32>
      %concatenate3A_768 = tpu.concatenate %slice3A_766, %slice3A_767 in 1 : vector<256x16xf32>, vector<256x112xf32> -> vector<256x128xf32>
      %slice3A_769 = vector.extract_strided_slice %select_n3A_745 {offsets = [0, 16], sizes = [256, 112], strides = [1, 1]} : vector<256x128xf32> to vector<256x112xf32>
      %slice3A_770 = vector.extract_strided_slice %select_n3A_745 {offsets = [0, 0], sizes = [256, 16], strides = [1, 1]} : vector<256x128xf32> to vector<256x16xf32>
      %concatenate3A_771 = tpu.concatenate %slice3A_769, %slice3A_770 in 1 : vector<256x112xf32>, vector<256x16xf32> -> vector<256x128xf32>
      %select_n3A_772 = arith.select %ne3A_765, %concatenate3A_768, %concatenate3A_771 : vector<256x128xi1>, vector<256x128xf32>
      %slice3A_773 = vector.extract_strided_slice %select_n3A_746 {offsets = [0, 112], sizes = [256, 16], strides = [1, 1]} : vector<256x128xi32> to vector<256x16xi32>
      %slice3A_774 = vector.extract_strided_slice %select_n3A_746 {offsets = [0, 0], sizes = [256, 112], strides = [1, 1]} : vector<256x128xi32> to vector<256x112xi32>
      %concatenate3A_775 = tpu.concatenate %slice3A_773, %slice3A_774 in 1 : vector<256x16xi32>, vector<256x112xi32> -> vector<256x128xi32>
      %slice3A_776 = vector.extract_strided_slice %select_n3A_746 {offsets = [0, 16], sizes = [256, 112], strides = [1, 1]} : vector<256x128xi32> to vector<256x112xi32>
      %slice3A_777 = vector.extract_strided_slice %select_n3A_746 {offsets = [0, 0], sizes = [256, 16], strides = [1, 1]} : vector<256x128xi32> to vector<256x16xi32>
      %concatenate3A_778 = tpu.concatenate %slice3A_776, %slice3A_777 in 1 : vector<256x112xi32>, vector<256x16xi32> -> vector<256x128xi32>
      %select_n3A_779 = arith.select %ne3A_765, %concatenate3A_775, %concatenate3A_778 : vector<256x128xi1>, vector<256x128xi32>
      %lt3A_780 = arith.cmpf olt, %select_n3A_772, %select_n3A_745 : vector<256x128xf32>
      %and3A_781 = arith.andi %xor3A_759, %lt3A_780 : vector<256x128xi1>
      %not3A_782 = arith.constant dense<true> : vector<256x128xi1>
      %not3A_783 = arith.xori %xor3A_759, %not3A_782 : vector<256x128xi1>
      %gt3A_784 = arith.cmpf ogt, %select_n3A_772, %select_n3A_745 : vector<256x128xf32>
      %and3A_785 = arith.andi %not3A_783, %gt3A_784 : vector<256x128xi1>
      %or3A_786 = arith.ori %and3A_781, %and3A_785 : vector<256x128xi1>
      %select_n3A_787 = arith.select %or3A_786, %select_n3A_772, %select_n3A_745 : vector<256x128xi1>, vector<256x128xf32>
      %select_n3A_788 = arith.select %or3A_786, %select_n3A_779, %select_n3A_746 : vector<256x128xi1>, vector<256x128xi32>
      %and3A_789 = arith.constant 64 : i32
      %and3A_790 = vector.broadcast %and3A_789 : i32 to vector<256x128xi32>
      %and3A_791 = arith.andi %iota3A, %and3A_790 : vector<256x128xi32>
      %ne3A_792 = arith.constant 0 : i32
      %ne3A_793 = vector.broadcast %ne3A_792 : i32 to vector<256x128xi32>
      %ne3A_794 = arith.cmpi ne, %and3A_791, %ne3A_793 : vector<256x128xi32>
      %and3A_795 = arith.constant 8 : i32
      %and3A_796 = vector.broadcast %and3A_795 : i32 to vector<256x128xi32>
      %and3A_797 = arith.andi %iota3A, %and3A_796 : vector<256x128xi32>
      %ne3A_798 = arith.constant 0 : i32
      %ne3A_799 = vector.broadcast %ne3A_798 : i32 to vector<256x128xi32>
      %ne3A_800 = arith.cmpi ne, %and3A_797, %ne3A_799 : vector<256x128xi32>
      %xor3A_801 = arith.xori %ne3A_794, %ne3A_800 : vector<256x128xi1>
      %and3A_802 = arith.constant 8 : i32
      %and3A_803 = vector.broadcast %and3A_802 : i32 to vector<256x128xi32>
      %and3A_804 = arith.andi %iota3A, %and3A_803 : vector<256x128xi32>
      %ne3A_805 = arith.constant 0 : i32
      %ne3A_806 = vector.broadcast %ne3A_805 : i32 to vector<256x128xi32>
      %ne3A_807 = arith.cmpi ne, %and3A_804, %ne3A_806 : vector<256x128xi32>
      %slice3A_808 = vector.extract_strided_slice %select_n3A_787 {offsets = [0, 120], sizes = [256, 8], strides = [1, 1]} : vector<256x128xf32> to vector<256x8xf32>
      %slice3A_809 = vector.extract_strided_slice %select_n3A_787 {offsets = [0, 0], sizes = [256, 120], strides = [1, 1]} : vector<256x128xf32> to vector<256x120xf32>
      %concatenate3A_810 = tpu.concatenate %slice3A_808, %slice3A_809 in 1 : vector<256x8xf32>, vector<256x120xf32> -> vector<256x128xf32>
      %slice3A_811 = vector.extract_strided_slice %select_n3A_787 {offsets = [0, 8], sizes = [256, 120], strides = [1, 1]} : vector<256x128xf32> to vector<256x120xf32>
      %slice3A_812 = vector.extract_strided_slice %select_n3A_787 {offsets = [0, 0], sizes = [256, 8], strides = [1, 1]} : vector<256x128xf32> to vector<256x8xf32>
      %concatenate3A_813 = tpu.concatenate %slice3A_811, %slice3A_812 in 1 : vector<256x120xf32>, vector<256x8xf32> -> vector<256x128xf32>
      %select_n3A_814 = arith.select %ne3A_807, %concatenate3A_810, %concatenate3A_813 : vector<256x128xi1>, vector<256x128xf32>
      %slice3A_815 = vector.extract_strided_slice %select_n3A_788 {offsets = [0, 120], sizes = [256, 8], strides = [1, 1]} : vector<256x128xi32> to vector<256x8xi32>
      %slice3A_816 = vector.extract_strided_slice %select_n3A_788 {offsets = [0, 0], sizes = [256, 120], strides = [1, 1]} : vector<256x128xi32> to vector<256x120xi32>
      %concatenate3A_817 = tpu.concatenate %slice3A_815, %slice3A_816 in 1 : vector<256x8xi32>, vector<256x120xi32> -> vector<256x128xi32>
      %slice3A_818 = vector.extract_strided_slice %select_n3A_788 {offsets = [0, 8], sizes = [256, 120], strides = [1, 1]} : vector<256x128xi32> to vector<256x120xi32>
      %slice3A_819 = vector.extract_strided_slice %select_n3A_788 {offsets = [0, 0], sizes = [256, 8], strides = [1, 1]} : vector<256x128xi32> to vector<256x8xi32>
      %concatenate3A_820 = tpu.concatenate %slice3A_818, %slice3A_819 in 1 : vector<256x120xi32>, vector<256x8xi32> -> vector<256x128xi32>
      %select_n3A_821 = arith.select %ne3A_807, %concatenate3A_817, %concatenate3A_820 : vector<256x128xi1>, vector<256x128xi32>
      %lt3A_822 = arith.cmpf olt, %select_n3A_814, %select_n3A_787 : vector<256x128xf32>
      %and3A_823 = arith.andi %xor3A_801, %lt3A_822 : vector<256x128xi1>
      %not3A_824 = arith.constant dense<true> : vector<256x128xi1>
      %not3A_825 = arith.xori %xor3A_801, %not3A_824 : vector<256x128xi1>
      %gt3A_826 = arith.cmpf ogt, %select_n3A_814, %select_n3A_787 : vector<256x128xf32>
      %and3A_827 = arith.andi %not3A_825, %gt3A_826 : vector<256x128xi1>
      %or3A_828 = arith.ori %and3A_823, %and3A_827 : vector<256x128xi1>
      %select_n3A_829 = arith.select %or3A_828, %select_n3A_814, %select_n3A_787 : vector<256x128xi1>, vector<256x128xf32>
      %select_n3A_830 = arith.select %or3A_828, %select_n3A_821, %select_n3A_788 : vector<256x128xi1>, vector<256x128xi32>
      %and3A_831 = arith.constant 64 : i32
      %and3A_832 = vector.broadcast %and3A_831 : i32 to vector<256x128xi32>
      %and3A_833 = arith.andi %iota3A, %and3A_832 : vector<256x128xi32>
      %ne3A_834 = arith.constant 0 : i32
      %ne3A_835 = vector.broadcast %ne3A_834 : i32 to vector<256x128xi32>
      %ne3A_836 = arith.cmpi ne, %and3A_833, %ne3A_835 : vector<256x128xi32>
      %and3A_837 = arith.constant 4 : i32
      %and3A_838 = vector.broadcast %and3A_837 : i32 to vector<256x128xi32>
      %and3A_839 = arith.andi %iota3A, %and3A_838 : vector<256x128xi32>
      %ne3A_840 = arith.constant 0 : i32
      %ne3A_841 = vector.broadcast %ne3A_840 : i32 to vector<256x128xi32>
      %ne3A_842 = arith.cmpi ne, %and3A_839, %ne3A_841 : vector<256x128xi32>
      %xor3A_843 = arith.xori %ne3A_836, %ne3A_842 : vector<256x128xi1>
      %and3A_844 = arith.constant 4 : i32
      %and3A_845 = vector.broadcast %and3A_844 : i32 to vector<256x128xi32>
      %and3A_846 = arith.andi %iota3A, %and3A_845 : vector<256x128xi32>
      %ne3A_847 = arith.constant 0 : i32
      %ne3A_848 = vector.broadcast %ne3A_847 : i32 to vector<256x128xi32>
      %ne3A_849 = arith.cmpi ne, %and3A_846, %ne3A_848 : vector<256x128xi32>
      %slice3A_850 = vector.extract_strided_slice %select_n3A_829 {offsets = [0, 124], sizes = [256, 4], strides = [1, 1]} : vector<256x128xf32> to vector<256x4xf32>
      %slice3A_851 = vector.extract_strided_slice %select_n3A_829 {offsets = [0, 0], sizes = [256, 124], strides = [1, 1]} : vector<256x128xf32> to vector<256x124xf32>
      %concatenate3A_852 = tpu.concatenate %slice3A_850, %slice3A_851 in 1 : vector<256x4xf32>, vector<256x124xf32> -> vector<256x128xf32>
      %slice3A_853 = vector.extract_strided_slice %select_n3A_829 {offsets = [0, 4], sizes = [256, 124], strides = [1, 1]} : vector<256x128xf32> to vector<256x124xf32>
      %slice3A_854 = vector.extract_strided_slice %select_n3A_829 {offsets = [0, 0], sizes = [256, 4], strides = [1, 1]} : vector<256x128xf32> to vector<256x4xf32>
      %concatenate3A_855 = tpu.concatenate %slice3A_853, %slice3A_854 in 1 : vector<256x124xf32>, vector<256x4xf32> -> vector<256x128xf32>
      %select_n3A_856 = arith.select %ne3A_849, %concatenate3A_852, %concatenate3A_855 : vector<256x128xi1>, vector<256x128xf32>
      %slice3A_857 = vector.extract_strided_slice %select_n3A_830 {offsets = [0, 124], sizes = [256, 4], strides = [1, 1]} : vector<256x128xi32> to vector<256x4xi32>
      %slice3A_858 = vector.extract_strided_slice %select_n3A_830 {offsets = [0, 0], sizes = [256, 124], strides = [1, 1]} : vector<256x128xi32> to vector<256x124xi32>
      %concatenate3A_859 = tpu.concatenate %slice3A_857, %slice3A_858 in 1 : vector<256x4xi32>, vector<256x124xi32> -> vector<256x128xi32>
      %slice3A_860 = vector.extract_strided_slice %select_n3A_830 {offsets = [0, 4], sizes = [256, 124], strides = [1, 1]} : vector<256x128xi32> to vector<256x124xi32>
      %slice3A_861 = vector.extract_strided_slice %select_n3A_830 {offsets = [0, 0], sizes = [256, 4], strides = [1, 1]} : vector<256x128xi32> to vector<256x4xi32>
      %concatenate3A_862 = tpu.concatenate %slice3A_860, %slice3A_861 in 1 : vector<256x124xi32>, vector<256x4xi32> -> vector<256x128xi32>
      %select_n3A_863 = arith.select %ne3A_849, %concatenate3A_859, %concatenate3A_862 : vector<256x128xi1>, vector<256x128xi32>
      %lt3A_864 = arith.cmpf olt, %select_n3A_856, %select_n3A_829 : vector<256x128xf32>
      %and3A_865 = arith.andi %xor3A_843, %lt3A_864 : vector<256x128xi1>
      %not3A_866 = arith.constant dense<true> : vector<256x128xi1>
      %not3A_867 = arith.xori %xor3A_843, %not3A_866 : vector<256x128xi1>
      %gt3A_868 = arith.cmpf ogt, %select_n3A_856, %select_n3A_829 : vector<256x128xf32>
      %and3A_869 = arith.andi %not3A_867, %gt3A_868 : vector<256x128xi1>
      %or3A_870 = arith.ori %and3A_865, %and3A_869 : vector<256x128xi1>
      %select_n3A_871 = arith.select %or3A_870, %select_n3A_856, %select_n3A_829 : vector<256x128xi1>, vector<256x128xf32>
      %select_n3A_872 = arith.select %or3A_870, %select_n3A_863, %select_n3A_830 : vector<256x128xi1>, vector<256x128xi32>
      %and3A_873 = arith.constant 64 : i32
      %and3A_874 = vector.broadcast %and3A_873 : i32 to vector<256x128xi32>
      %and3A_875 = arith.andi %iota3A, %and3A_874 : vector<256x128xi32>
      %ne3A_876 = arith.constant 0 : i32
      %ne3A_877 = vector.broadcast %ne3A_876 : i32 to vector<256x128xi32>
      %ne3A_878 = arith.cmpi ne, %and3A_875, %ne3A_877 : vector<256x128xi32>
      %and3A_879 = arith.constant 2 : i32
      %and3A_880 = vector.broadcast %and3A_879 : i32 to vector<256x128xi32>
      %and3A_881 = arith.andi %iota3A, %and3A_880 : vector<256x128xi32>
      %ne3A_882 = arith.constant 0 : i32
      %ne3A_883 = vector.broadcast %ne3A_882 : i32 to vector<256x128xi32>
      %ne3A_884 = arith.cmpi ne, %and3A_881, %ne3A_883 : vector<256x128xi32>
      %xor3A_885 = arith.xori %ne3A_878, %ne3A_884 : vector<256x128xi1>
      %and3A_886 = arith.constant 2 : i32
      %and3A_887 = vector.broadcast %and3A_886 : i32 to vector<256x128xi32>
      %and3A_888 = arith.andi %iota3A, %and3A_887 : vector<256x128xi32>
      %ne3A_889 = arith.constant 0 : i32
      %ne3A_890 = vector.broadcast %ne3A_889 : i32 to vector<256x128xi32>
      %ne3A_891 = arith.cmpi ne, %and3A_888, %ne3A_890 : vector<256x128xi32>
      %slice3A_892 = vector.extract_strided_slice %select_n3A_871 {offsets = [0, 126], sizes = [256, 2], strides = [1, 1]} : vector<256x128xf32> to vector<256x2xf32>
      %slice3A_893 = vector.extract_strided_slice %select_n3A_871 {offsets = [0, 0], sizes = [256, 126], strides = [1, 1]} : vector<256x128xf32> to vector<256x126xf32>
      %concatenate3A_894 = tpu.concatenate %slice3A_892, %slice3A_893 in 1 : vector<256x2xf32>, vector<256x126xf32> -> vector<256x128xf32>
      %slice3A_895 = vector.extract_strided_slice %select_n3A_871 {offsets = [0, 2], sizes = [256, 126], strides = [1, 1]} : vector<256x128xf32> to vector<256x126xf32>
      %slice3A_896 = vector.extract_strided_slice %select_n3A_871 {offsets = [0, 0], sizes = [256, 2], strides = [1, 1]} : vector<256x128xf32> to vector<256x2xf32>
      %concatenate3A_897 = tpu.concatenate %slice3A_895, %slice3A_896 in 1 : vector<256x126xf32>, vector<256x2xf32> -> vector<256x128xf32>
      %select_n3A_898 = arith.select %ne3A_891, %concatenate3A_894, %concatenate3A_897 : vector<256x128xi1>, vector<256x128xf32>
      %slice3A_899 = vector.extract_strided_slice %select_n3A_872 {offsets = [0, 126], sizes = [256, 2], strides = [1, 1]} : vector<256x128xi32> to vector<256x2xi32>
      %slice3A_900 = vector.extract_strided_slice %select_n3A_872 {offsets = [0, 0], sizes = [256, 126], strides = [1, 1]} : vector<256x128xi32> to vector<256x126xi32>
      %concatenate3A_901 = tpu.concatenate %slice3A_899, %slice3A_900 in 1 : vector<256x2xi32>, vector<256x126xi32> -> vector<256x128xi32>
      %slice3A_902 = vector.extract_strided_slice %select_n3A_872 {offsets = [0, 2], sizes = [256, 126], strides = [1, 1]} : vector<256x128xi32> to vector<256x126xi32>
      %slice3A_903 = vector.extract_strided_slice %select_n3A_872 {offsets = [0, 0], sizes = [256, 2], strides = [1, 1]} : vector<256x128xi32> to vector<256x2xi32>
      %concatenate3A_904 = tpu.concatenate %slice3A_902, %slice3A_903 in 1 : vector<256x126xi32>, vector<256x2xi32> -> vector<256x128xi32>
      %select_n3A_905 = arith.select %ne3A_891, %concatenate3A_901, %concatenate3A_904 : vector<256x128xi1>, vector<256x128xi32>
      %lt3A_906 = arith.cmpf olt, %select_n3A_898, %select_n3A_871 : vector<256x128xf32>
      %and3A_907 = arith.andi %xor3A_885, %lt3A_906 : vector<256x128xi1>
      %not3A_908 = arith.constant dense<true> : vector<256x128xi1>
      %not3A_909 = arith.xori %xor3A_885, %not3A_908 : vector<256x128xi1>
      %gt3A_910 = arith.cmpf ogt, %select_n3A_898, %select_n3A_871 : vector<256x128xf32>
      %and3A_911 = arith.andi %not3A_909, %gt3A_910 : vector<256x128xi1>
      %or3A_912 = arith.ori %and3A_907, %and3A_911 : vector<256x128xi1>
      %select_n3A_913 = arith.select %or3A_912, %select_n3A_898, %select_n3A_871 : vector<256x128xi1>, vector<256x128xf32>
      %select_n3A_914 = arith.select %or3A_912, %select_n3A_905, %select_n3A_872 : vector<256x128xi1>, vector<256x128xi32>
      %and3A_915 = arith.constant 64 : i32
      %and3A_916 = vector.broadcast %and3A_915 : i32 to vector<256x128xi32>
      %and3A_917 = arith.andi %iota3A, %and3A_916 : vector<256x128xi32>
      %ne3A_918 = arith.constant 0 : i32
      %ne3A_919 = vector.broadcast %ne3A_918 : i32 to vector<256x128xi32>
      %ne3A_920 = arith.cmpi ne, %and3A_917, %ne3A_919 : vector<256x128xi32>
      %and3A_921 = arith.constant 1 : i32
      %and3A_922 = vector.broadcast %and3A_921 : i32 to vector<256x128xi32>
      %and3A_923 = arith.andi %iota3A, %and3A_922 : vector<256x128xi32>
      %ne3A_924 = arith.constant 0 : i32
      %ne3A_925 = vector.broadcast %ne3A_924 : i32 to vector<256x128xi32>
      %ne3A_926 = arith.cmpi ne, %and3A_923, %ne3A_925 : vector<256x128xi32>
      %xor3A_927 = arith.xori %ne3A_920, %ne3A_926 : vector<256x128xi1>
      %and3A_928 = arith.constant 1 : i32
      %and3A_929 = vector.broadcast %and3A_928 : i32 to vector<256x128xi32>
      %and3A_930 = arith.andi %iota3A, %and3A_929 : vector<256x128xi32>
      %ne3A_931 = arith.constant 0 : i32
      %ne3A_932 = vector.broadcast %ne3A_931 : i32 to vector<256x128xi32>
      %ne3A_933 = arith.cmpi ne, %and3A_930, %ne3A_932 : vector<256x128xi32>
      %slice3A_934 = vector.extract_strided_slice %select_n3A_913 {offsets = [0, 127], sizes = [256, 1], strides = [1, 1]} : vector<256x128xf32> to vector<256x1xf32>
      %slice3A_935 = vector.extract_strided_slice %select_n3A_913 {offsets = [0, 0], sizes = [256, 127], strides = [1, 1]} : vector<256x128xf32> to vector<256x127xf32>
      %concatenate3A_936 = tpu.concatenate %slice3A_934, %slice3A_935 in 1 : vector<256x1xf32>, vector<256x127xf32> -> vector<256x128xf32>
      %slice3A_937 = vector.extract_strided_slice %select_n3A_913 {offsets = [0, 1], sizes = [256, 127], strides = [1, 1]} : vector<256x128xf32> to vector<256x127xf32>
      %slice3A_938 = vector.extract_strided_slice %select_n3A_913 {offsets = [0, 0], sizes = [256, 1], strides = [1, 1]} : vector<256x128xf32> to vector<256x1xf32>
      %concatenate3A_939 = tpu.concatenate %slice3A_937, %slice3A_938 in 1 : vector<256x127xf32>, vector<256x1xf32> -> vector<256x128xf32>
      %select_n3A_940 = arith.select %ne3A_933, %concatenate3A_936, %concatenate3A_939 : vector<256x128xi1>, vector<256x128xf32>
      %slice3A_941 = vector.extract_strided_slice %select_n3A_914 {offsets = [0, 127], sizes = [256, 1], strides = [1, 1]} : vector<256x128xi32> to vector<256x1xi32>
      %slice3A_942 = vector.extract_strided_slice %select_n3A_914 {offsets = [0, 0], sizes = [256, 127], strides = [1, 1]} : vector<256x128xi32> to vector<256x127xi32>
      %concatenate3A_943 = tpu.concatenate %slice3A_941, %slice3A_942 in 1 : vector<256x1xi32>, vector<256x127xi32> -> vector<256x128xi32>
      %slice3A_944 = vector.extract_strided_slice %select_n3A_914 {offsets = [0, 1], sizes = [256, 127], strides = [1, 1]} : vector<256x128xi32> to vector<256x127xi32>
      %slice3A_945 = vector.extract_strided_slice %select_n3A_914 {offsets = [0, 0], sizes = [256, 1], strides = [1, 1]} : vector<256x128xi32> to vector<256x1xi32>
      %concatenate3A_946 = tpu.concatenate %slice3A_944, %slice3A_945 in 1 : vector<256x127xi32>, vector<256x1xi32> -> vector<256x128xi32>
      %select_n3A_947 = arith.select %ne3A_933, %concatenate3A_943, %concatenate3A_946 : vector<256x128xi1>, vector<256x128xi32>
      %lt3A_948 = arith.cmpf olt, %select_n3A_940, %select_n3A_913 : vector<256x128xf32>
      %and3A_949 = arith.andi %xor3A_927, %lt3A_948 : vector<256x128xi1>
      %not3A_950 = arith.constant dense<true> : vector<256x128xi1>
      %not3A_951 = arith.xori %xor3A_927, %not3A_950 : vector<256x128xi1>
      %gt3A_952 = arith.cmpf ogt, %select_n3A_940, %select_n3A_913 : vector<256x128xf32>
      %and3A_953 = arith.andi %not3A_951, %gt3A_952 : vector<256x128xi1>
      %or3A_954 = arith.ori %and3A_949, %and3A_953 : vector<256x128xi1>
      %select_n3A_955 = arith.select %or3A_954, %select_n3A_940, %select_n3A_913 : vector<256x128xi1>, vector<256x128xf32>
      %select_n3A_956 = arith.select %or3A_954, %select_n3A_947, %select_n3A_914 : vector<256x128xi1>, vector<256x128xi32>
      %and3A_957 = arith.constant 128 : i32
      %and3A_958 = vector.broadcast %and3A_957 : i32 to vector<256x128xi32>
      %and3A_959 = arith.andi %iota3A, %and3A_958 : vector<256x128xi32>
      %ne3A_960 = arith.constant 0 : i32
      %ne3A_961 = vector.broadcast %ne3A_960 : i32 to vector<256x128xi32>
      %ne3A_962 = arith.cmpi ne, %and3A_959, %ne3A_961 : vector<256x128xi32>
      %and3A_963 = arith.constant 64 : i32
      %and3A_964 = vector.broadcast %and3A_963 : i32 to vector<256x128xi32>
      %and3A_965 = arith.andi %iota3A, %and3A_964 : vector<256x128xi32>
      %ne3A_966 = arith.constant 0 : i32
      %ne3A_967 = vector.broadcast %ne3A_966 : i32 to vector<256x128xi32>
      %ne3A_968 = arith.cmpi ne, %and3A_965, %ne3A_967 : vector<256x128xi32>
      %xor3A_969 = arith.xori %ne3A_962, %ne3A_968 : vector<256x128xi1>
      %and3A_970 = arith.constant 64 : i32
      %and3A_971 = vector.broadcast %and3A_970 : i32 to vector<256x128xi32>
      %and3A_972 = arith.andi %iota3A, %and3A_971 : vector<256x128xi32>
      %ne3A_973 = arith.constant 0 : i32
      %ne3A_974 = vector.broadcast %ne3A_973 : i32 to vector<256x128xi32>
      %ne3A_975 = arith.cmpi ne, %and3A_972, %ne3A_974 : vector<256x128xi32>
      %slice3A_976 = vector.extract_strided_slice %select_n3A_955 {offsets = [0, 64], sizes = [256, 64], strides = [1, 1]} : vector<256x128xf32> to vector<256x64xf32>
      %slice3A_977 = vector.extract_strided_slice %select_n3A_955 {offsets = [0, 0], sizes = [256, 64], strides = [1, 1]} : vector<256x128xf32> to vector<256x64xf32>
      %concatenate3A_978 = tpu.concatenate %slice3A_976, %slice3A_977 in 1 : vector<256x64xf32>, vector<256x64xf32> -> vector<256x128xf32>
      %slice3A_979 = vector.extract_strided_slice %select_n3A_955 {offsets = [0, 64], sizes = [256, 64], strides = [1, 1]} : vector<256x128xf32> to vector<256x64xf32>
      %slice3A_980 = vector.extract_strided_slice %select_n3A_955 {offsets = [0, 0], sizes = [256, 64], strides = [1, 1]} : vector<256x128xf32> to vector<256x64xf32>
      %concatenate3A_981 = tpu.concatenate %slice3A_979, %slice3A_980 in 1 : vector<256x64xf32>, vector<256x64xf32> -> vector<256x128xf32>
      %select_n3A_982 = arith.select %ne3A_975, %concatenate3A_978, %concatenate3A_981 : vector<256x128xi1>, vector<256x128xf32>
      %slice3A_983 = vector.extract_strided_slice %select_n3A_956 {offsets = [0, 64], sizes = [256, 64], strides = [1, 1]} : vector<256x128xi32> to vector<256x64xi32>
      %slice3A_984 = vector.extract_strided_slice %select_n3A_956 {offsets = [0, 0], sizes = [256, 64], strides = [1, 1]} : vector<256x128xi32> to vector<256x64xi32>
      %concatenate3A_985 = tpu.concatenate %slice3A_983, %slice3A_984 in 1 : vector<256x64xi32>, vector<256x64xi32> -> vector<256x128xi32>
      %slice3A_986 = vector.extract_strided_slice %select_n3A_956 {offsets = [0, 64], sizes = [256, 64], strides = [1, 1]} : vector<256x128xi32> to vector<256x64xi32>
      %slice3A_987 = vector.extract_strided_slice %select_n3A_956 {offsets = [0, 0], sizes = [256, 64], strides = [1, 1]} : vector<256x128xi32> to vector<256x64xi32>
      %concatenate3A_988 = tpu.concatenate %slice3A_986, %slice3A_987 in 1 : vector<256x64xi32>, vector<256x64xi32> -> vector<256x128xi32>
      %select_n3A_989 = arith.select %ne3A_975, %concatenate3A_985, %concatenate3A_988 : vector<256x128xi1>, vector<256x128xi32>
      %lt3A_990 = arith.cmpf olt, %select_n3A_982, %select_n3A_955 : vector<256x128xf32>
      %and3A_991 = arith.andi %xor3A_969, %lt3A_990 : vector<256x128xi1>
      %not3A_992 = arith.constant dense<true> : vector<256x128xi1>
      %not3A_993 = arith.xori %xor3A_969, %not3A_992 : vector<256x128xi1>
      %gt3A_994 = arith.cmpf ogt, %select_n3A_982, %select_n3A_955 : vector<256x128xf32>
      %and3A_995 = arith.andi %not3A_993, %gt3A_994 : vector<256x128xi1>
      %or3A_996 = arith.ori %and3A_991, %and3A_995 : vector<256x128xi1>
      %select_n3A_997 = arith.select %or3A_996, %select_n3A_982, %select_n3A_955 : vector<256x128xi1>, vector<256x128xf32>
      %select_n3A_998 = arith.select %or3A_996, %select_n3A_989, %select_n3A_956 : vector<256x128xi1>, vector<256x128xi32>
      %and3A_999 = arith.constant 128 : i32
      %and3A_1000 = vector.broadcast %and3A_999 : i32 to vector<256x128xi32>
      %and3A_1001 = arith.andi %iota3A, %and3A_1000 : vector<256x128xi32>
      %ne3A_1002 = arith.constant 0 : i32
      %ne3A_1003 = vector.broadcast %ne3A_1002 : i32 to vector<256x128xi32>
      %ne3A_1004 = arith.cmpi ne, %and3A_1001, %ne3A_1003 : vector<256x128xi32>
      %and3A_1005 = arith.constant 32 : i32
      %and3A_1006 = vector.broadcast %and3A_1005 : i32 to vector<256x128xi32>
      %and3A_1007 = arith.andi %iota3A, %and3A_1006 : vector<256x128xi32>
      %ne3A_1008 = arith.constant 0 : i32
      %ne3A_1009 = vector.broadcast %ne3A_1008 : i32 to vector<256x128xi32>
      %ne3A_1010 = arith.cmpi ne, %and3A_1007, %ne3A_1009 : vector<256x128xi32>
      %xor3A_1011 = arith.xori %ne3A_1004, %ne3A_1010 : vector<256x128xi1>
      %and3A_1012 = arith.constant 32 : i32
      %and3A_1013 = vector.broadcast %and3A_1012 : i32 to vector<256x128xi32>
      %and3A_1014 = arith.andi %iota3A, %and3A_1013 : vector<256x128xi32>
      %ne3A_1015 = arith.constant 0 : i32
      %ne3A_1016 = vector.broadcast %ne3A_1015 : i32 to vector<256x128xi32>
      %ne3A_1017 = arith.cmpi ne, %and3A_1014, %ne3A_1016 : vector<256x128xi32>
      %slice3A_1018 = vector.extract_strided_slice %select_n3A_997 {offsets = [0, 96], sizes = [256, 32], strides = [1, 1]} : vector<256x128xf32> to vector<256x32xf32>
      %slice3A_1019 = vector.extract_strided_slice %select_n3A_997 {offsets = [0, 0], sizes = [256, 96], strides = [1, 1]} : vector<256x128xf32> to vector<256x96xf32>
      %concatenate3A_1020 = tpu.concatenate %slice3A_1018, %slice3A_1019 in 1 : vector<256x32xf32>, vector<256x96xf32> -> vector<256x128xf32>
      %slice3A_1021 = vector.extract_strided_slice %select_n3A_997 {offsets = [0, 32], sizes = [256, 96], strides = [1, 1]} : vector<256x128xf32> to vector<256x96xf32>
      %slice3A_1022 = vector.extract_strided_slice %select_n3A_997 {offsets = [0, 0], sizes = [256, 32], strides = [1, 1]} : vector<256x128xf32> to vector<256x32xf32>
      %concatenate3A_1023 = tpu.concatenate %slice3A_1021, %slice3A_1022 in 1 : vector<256x96xf32>, vector<256x32xf32> -> vector<256x128xf32>
      %select_n3A_1024 = arith.select %ne3A_1017, %concatenate3A_1020, %concatenate3A_1023 : vector<256x128xi1>, vector<256x128xf32>
      %slice3A_1025 = vector.extract_strided_slice %select_n3A_998 {offsets = [0, 96], sizes = [256, 32], strides = [1, 1]} : vector<256x128xi32> to vector<256x32xi32>
      %slice3A_1026 = vector.extract_strided_slice %select_n3A_998 {offsets = [0, 0], sizes = [256, 96], strides = [1, 1]} : vector<256x128xi32> to vector<256x96xi32>
      %concatenate3A_1027 = tpu.concatenate %slice3A_1025, %slice3A_1026 in 1 : vector<256x32xi32>, vector<256x96xi32> -> vector<256x128xi32>
      %slice3A_1028 = vector.extract_strided_slice %select_n3A_998 {offsets = [0, 32], sizes = [256, 96], strides = [1, 1]} : vector<256x128xi32> to vector<256x96xi32>
      %slice3A_1029 = vector.extract_strided_slice %select_n3A_998 {offsets = [0, 0], sizes = [256, 32], strides = [1, 1]} : vector<256x128xi32> to vector<256x32xi32>
      %concatenate3A_1030 = tpu.concatenate %slice3A_1028, %slice3A_1029 in 1 : vector<256x96xi32>, vector<256x32xi32> -> vector<256x128xi32>
      %select_n3A_1031 = arith.select %ne3A_1017, %concatenate3A_1027, %concatenate3A_1030 : vector<256x128xi1>, vector<256x128xi32>
      %lt3A_1032 = arith.cmpf olt, %select_n3A_1024, %select_n3A_997 : vector<256x128xf32>
      %and3A_1033 = arith.andi %xor3A_1011, %lt3A_1032 : vector<256x128xi1>
      %not3A_1034 = arith.constant dense<true> : vector<256x128xi1>
      %not3A_1035 = arith.xori %xor3A_1011, %not3A_1034 : vector<256x128xi1>
      %gt3A_1036 = arith.cmpf ogt, %select_n3A_1024, %select_n3A_997 : vector<256x128xf32>
      %and3A_1037 = arith.andi %not3A_1035, %gt3A_1036 : vector<256x128xi1>
      %or3A_1038 = arith.ori %and3A_1033, %and3A_1037 : vector<256x128xi1>
      %select_n3A_1039 = arith.select %or3A_1038, %select_n3A_1024, %select_n3A_997 : vector<256x128xi1>, vector<256x128xf32>
      %select_n3A_1040 = arith.select %or3A_1038, %select_n3A_1031, %select_n3A_998 : vector<256x128xi1>, vector<256x128xi32>
      %and3A_1041 = arith.constant 128 : i32
      %and3A_1042 = vector.broadcast %and3A_1041 : i32 to vector<256x128xi32>
      %and3A_1043 = arith.andi %iota3A, %and3A_1042 : vector<256x128xi32>
      %ne3A_1044 = arith.constant 0 : i32
      %ne3A_1045 = vector.broadcast %ne3A_1044 : i32 to vector<256x128xi32>
      %ne3A_1046 = arith.cmpi ne, %and3A_1043, %ne3A_1045 : vector<256x128xi32>
      %and3A_1047 = arith.constant 16 : i32
      %and3A_1048 = vector.broadcast %and3A_1047 : i32 to vector<256x128xi32>
      %and3A_1049 = arith.andi %iota3A, %and3A_1048 : vector<256x128xi32>
      %ne3A_1050 = arith.constant 0 : i32
      %ne3A_1051 = vector.broadcast %ne3A_1050 : i32 to vector<256x128xi32>
      %ne3A_1052 = arith.cmpi ne, %and3A_1049, %ne3A_1051 : vector<256x128xi32>
      %xor3A_1053 = arith.xori %ne3A_1046, %ne3A_1052 : vector<256x128xi1>
      %and3A_1054 = arith.constant 16 : i32
      %and3A_1055 = vector.broadcast %and3A_1054 : i32 to vector<256x128xi32>
      %and3A_1056 = arith.andi %iota3A, %and3A_1055 : vector<256x128xi32>
      %ne3A_1057 = arith.constant 0 : i32
      %ne3A_1058 = vector.broadcast %ne3A_1057 : i32 to vector<256x128xi32>
      %ne3A_1059 = arith.cmpi ne, %and3A_1056, %ne3A_1058 : vector<256x128xi32>
      %slice3A_1060 = vector.extract_strided_slice %select_n3A_1039 {offsets = [0, 112], sizes = [256, 16], strides = [1, 1]} : vector<256x128xf32> to vector<256x16xf32>
      %slice3A_1061 = vector.extract_strided_slice %select_n3A_1039 {offsets = [0, 0], sizes = [256, 112], strides = [1, 1]} : vector<256x128xf32> to vector<256x112xf32>
      %concatenate3A_1062 = tpu.concatenate %slice3A_1060, %slice3A_1061 in 1 : vector<256x16xf32>, vector<256x112xf32> -> vector<256x128xf32>
      %slice3A_1063 = vector.extract_strided_slice %select_n3A_1039 {offsets = [0, 16], sizes = [256, 112], strides = [1, 1]} : vector<256x128xf32> to vector<256x112xf32>
      %slice3A_1064 = vector.extract_strided_slice %select_n3A_1039 {offsets = [0, 0], sizes = [256, 16], strides = [1, 1]} : vector<256x128xf32> to vector<256x16xf32>
      %concatenate3A_1065 = tpu.concatenate %slice3A_1063, %slice3A_1064 in 1 : vector<256x112xf32>, vector<256x16xf32> -> vector<256x128xf32>
      %select_n3A_1066 = arith.select %ne3A_1059, %concatenate3A_1062, %concatenate3A_1065 : vector<256x128xi1>, vector<256x128xf32>
      %slice3A_1067 = vector.extract_strided_slice %select_n3A_1040 {offsets = [0, 112], sizes = [256, 16], strides = [1, 1]} : vector<256x128xi32> to vector<256x16xi32>
      %slice3A_1068 = vector.extract_strided_slice %select_n3A_1040 {offsets = [0, 0], sizes = [256, 112], strides = [1, 1]} : vector<256x128xi32> to vector<256x112xi32>
      %concatenate3A_1069 = tpu.concatenate %slice3A_1067, %slice3A_1068 in 1 : vector<256x16xi32>, vector<256x112xi32> -> vector<256x128xi32>
      %slice3A_1070 = vector.extract_strided_slice %select_n3A_1040 {offsets = [0, 16], sizes = [256, 112], strides = [1, 1]} : vector<256x128xi32> to vector<256x112xi32>
      %slice3A_1071 = vector.extract_strided_slice %select_n3A_1040 {offsets = [0, 0], sizes = [256, 16], strides = [1, 1]} : vector<256x128xi32> to vector<256x16xi32>
      %concatenate3A_1072 = tpu.concatenate %slice3A_1070, %slice3A_1071 in 1 : vector<256x112xi32>, vector<256x16xi32> -> vector<256x128xi32>
      %select_n3A_1073 = arith.select %ne3A_1059, %concatenate3A_1069, %concatenate3A_1072 : vector<256x128xi1>, vector<256x128xi32>
      %lt3A_1074 = arith.cmpf olt, %select_n3A_1066, %select_n3A_1039 : vector<256x128xf32>
      %and3A_1075 = arith.andi %xor3A_1053, %lt3A_1074 : vector<256x128xi1>
      %not3A_1076 = arith.constant dense<true> : vector<256x128xi1>
      %not3A_1077 = arith.xori %xor3A_1053, %not3A_1076 : vector<256x128xi1>
      %gt3A_1078 = arith.cmpf ogt, %select_n3A_1066, %select_n3A_1039 : vector<256x128xf32>
      %and3A_1079 = arith.andi %not3A_1077, %gt3A_1078 : vector<256x128xi1>
      %or3A_1080 = arith.ori %and3A_1075, %and3A_1079 : vector<256x128xi1>
      %select_n3A_1081 = arith.select %or3A_1080, %select_n3A_1066, %select_n3A_1039 : vector<256x128xi1>, vector<256x128xf32>
      %select_n3A_1082 = arith.select %or3A_1080, %select_n3A_1073, %select_n3A_1040 : vector<256x128xi1>, vector<256x128xi32>
      %and3A_1083 = arith.constant 128 : i32
      %and3A_1084 = vector.broadcast %and3A_1083 : i32 to vector<256x128xi32>
      %and3A_1085 = arith.andi %iota3A, %and3A_1084 : vector<256x128xi32>
      %ne3A_1086 = arith.constant 0 : i32
      %ne3A_1087 = vector.broadcast %ne3A_1086 : i32 to vector<256x128xi32>
      %ne3A_1088 = arith.cmpi ne, %and3A_1085, %ne3A_1087 : vector<256x128xi32>
      %and3A_1089 = arith.constant 8 : i32
      %and3A_1090 = vector.broadcast %and3A_1089 : i32 to vector<256x128xi32>
      %and3A_1091 = arith.andi %iota3A, %and3A_1090 : vector<256x128xi32>
      %ne3A_1092 = arith.constant 0 : i32
      %ne3A_1093 = vector.broadcast %ne3A_1092 : i32 to vector<256x128xi32>
      %ne3A_1094 = arith.cmpi ne, %and3A_1091, %ne3A_1093 : vector<256x128xi32>
      %xor3A_1095 = arith.xori %ne3A_1088, %ne3A_1094 : vector<256x128xi1>
      %and3A_1096 = arith.constant 8 : i32
      %and3A_1097 = vector.broadcast %and3A_1096 : i32 to vector<256x128xi32>
      %and3A_1098 = arith.andi %iota3A, %and3A_1097 : vector<256x128xi32>
      %ne3A_1099 = arith.constant 0 : i32
      %ne3A_1100 = vector.broadcast %ne3A_1099 : i32 to vector<256x128xi32>
      %ne3A_1101 = arith.cmpi ne, %and3A_1098, %ne3A_1100 : vector<256x128xi32>
      %slice3A_1102 = vector.extract_strided_slice %select_n3A_1081 {offsets = [0, 120], sizes = [256, 8], strides = [1, 1]} : vector<256x128xf32> to vector<256x8xf32>
      %slice3A_1103 = vector.extract_strided_slice %select_n3A_1081 {offsets = [0, 0], sizes = [256, 120], strides = [1, 1]} : vector<256x128xf32> to vector<256x120xf32>
      %concatenate3A_1104 = tpu.concatenate %slice3A_1102, %slice3A_1103 in 1 : vector<256x8xf32>, vector<256x120xf32> -> vector<256x128xf32>
      %slice3A_1105 = vector.extract_strided_slice %select_n3A_1081 {offsets = [0, 8], sizes = [256, 120], strides = [1, 1]} : vector<256x128xf32> to vector<256x120xf32>
      %slice3A_1106 = vector.extract_strided_slice %select_n3A_1081 {offsets = [0, 0], sizes = [256, 8], strides = [1, 1]} : vector<256x128xf32> to vector<256x8xf32>
      %concatenate3A_1107 = tpu.concatenate %slice3A_1105, %slice3A_1106 in 1 : vector<256x120xf32>, vector<256x8xf32> -> vector<256x128xf32>
      %select_n3A_1108 = arith.select %ne3A_1101, %concatenate3A_1104, %concatenate3A_1107 : vector<256x128xi1>, vector<256x128xf32>
      %slice3A_1109 = vector.extract_strided_slice %select_n3A_1082 {offsets = [0, 120], sizes = [256, 8], strides = [1, 1]} : vector<256x128xi32> to vector<256x8xi32>
      %slice3A_1110 = vector.extract_strided_slice %select_n3A_1082 {offsets = [0, 0], sizes = [256, 120], strides = [1, 1]} : vector<256x128xi32> to vector<256x120xi32>
      %concatenate3A_1111 = tpu.concatenate %slice3A_1109, %slice3A_1110 in 1 : vector<256x8xi32>, vector<256x120xi32> -> vector<256x128xi32>
      %slice3A_1112 = vector.extract_strided_slice %select_n3A_1082 {offsets = [0, 8], sizes = [256, 120], strides = [1, 1]} : vector<256x128xi32> to vector<256x120xi32>
      %slice3A_1113 = vector.extract_strided_slice %select_n3A_1082 {offsets = [0, 0], sizes = [256, 8], strides = [1, 1]} : vector<256x128xi32> to vector<256x8xi32>
      %concatenate3A_1114 = tpu.concatenate %slice3A_1112, %slice3A_1113 in 1 : vector<256x120xi32>, vector<256x8xi32> -> vector<256x128xi32>
      %select_n3A_1115 = arith.select %ne3A_1101, %concatenate3A_1111, %concatenate3A_1114 : vector<256x128xi1>, vector<256x128xi32>
      %lt3A_1116 = arith.cmpf olt, %select_n3A_1108, %select_n3A_1081 : vector<256x128xf32>
      %and3A_1117 = arith.andi %xor3A_1095, %lt3A_1116 : vector<256x128xi1>
      %not3A_1118 = arith.constant dense<true> : vector<256x128xi1>
      %not3A_1119 = arith.xori %xor3A_1095, %not3A_1118 : vector<256x128xi1>
      %gt3A_1120 = arith.cmpf ogt, %select_n3A_1108, %select_n3A_1081 : vector<256x128xf32>
      %and3A_1121 = arith.andi %not3A_1119, %gt3A_1120 : vector<256x128xi1>
      %or3A_1122 = arith.ori %and3A_1117, %and3A_1121 : vector<256x128xi1>
      %select_n3A_1123 = arith.select %or3A_1122, %select_n3A_1108, %select_n3A_1081 : vector<256x128xi1>, vector<256x128xf32>
      %select_n3A_1124 = arith.select %or3A_1122, %select_n3A_1115, %select_n3A_1082 : vector<256x128xi1>, vector<256x128xi32>
      %and3A_1125 = arith.constant 128 : i32
      %and3A_1126 = vector.broadcast %and3A_1125 : i32 to vector<256x128xi32>
      %and3A_1127 = arith.andi %iota3A, %and3A_1126 : vector<256x128xi32>
      %ne3A_1128 = arith.constant 0 : i32
      %ne3A_1129 = vector.broadcast %ne3A_1128 : i32 to vector<256x128xi32>
      %ne3A_1130 = arith.cmpi ne, %and3A_1127, %ne3A_1129 : vector<256x128xi32>
      %and3A_1131 = arith.constant 4 : i32
      %and3A_1132 = vector.broadcast %and3A_1131 : i32 to vector<256x128xi32>
      %and3A_1133 = arith.andi %iota3A, %and3A_1132 : vector<256x128xi32>
      %ne3A_1134 = arith.constant 0 : i32
      %ne3A_1135 = vector.broadcast %ne3A_1134 : i32 to vector<256x128xi32>
      %ne3A_1136 = arith.cmpi ne, %and3A_1133, %ne3A_1135 : vector<256x128xi32>
      %xor3A_1137 = arith.xori %ne3A_1130, %ne3A_1136 : vector<256x128xi1>
      %and3A_1138 = arith.constant 4 : i32
      %and3A_1139 = vector.broadcast %and3A_1138 : i32 to vector<256x128xi32>
      %and3A_1140 = arith.andi %iota3A, %and3A_1139 : vector<256x128xi32>
      %ne3A_1141 = arith.constant 0 : i32
      %ne3A_1142 = vector.broadcast %ne3A_1141 : i32 to vector<256x128xi32>
      %ne3A_1143 = arith.cmpi ne, %and3A_1140, %ne3A_1142 : vector<256x128xi32>
      %slice3A_1144 = vector.extract_strided_slice %select_n3A_1123 {offsets = [0, 124], sizes = [256, 4], strides = [1, 1]} : vector<256x128xf32> to vector<256x4xf32>
      %slice3A_1145 = vector.extract_strided_slice %select_n3A_1123 {offsets = [0, 0], sizes = [256, 124], strides = [1, 1]} : vector<256x128xf32> to vector<256x124xf32>
      %concatenate3A_1146 = tpu.concatenate %slice3A_1144, %slice3A_1145 in 1 : vector<256x4xf32>, vector<256x124xf32> -> vector<256x128xf32>
      %slice3A_1147 = vector.extract_strided_slice %select_n3A_1123 {offsets = [0, 4], sizes = [256, 124], strides = [1, 1]} : vector<256x128xf32> to vector<256x124xf32>
      %slice3A_1148 = vector.extract_strided_slice %select_n3A_1123 {offsets = [0, 0], sizes = [256, 4], strides = [1, 1]} : vector<256x128xf32> to vector<256x4xf32>
      %concatenate3A_1149 = tpu.concatenate %slice3A_1147, %slice3A_1148 in 1 : vector<256x124xf32>, vector<256x4xf32> -> vector<256x128xf32>
      %select_n3A_1150 = arith.select %ne3A_1143, %concatenate3A_1146, %concatenate3A_1149 : vector<256x128xi1>, vector<256x128xf32>
      %slice3A_1151 = vector.extract_strided_slice %select_n3A_1124 {offsets = [0, 124], sizes = [256, 4], strides = [1, 1]} : vector<256x128xi32> to vector<256x4xi32>
      %slice3A_1152 = vector.extract_strided_slice %select_n3A_1124 {offsets = [0, 0], sizes = [256, 124], strides = [1, 1]} : vector<256x128xi32> to vector<256x124xi32>
      %concatenate3A_1153 = tpu.concatenate %slice3A_1151, %slice3A_1152 in 1 : vector<256x4xi32>, vector<256x124xi32> -> vector<256x128xi32>
      %slice3A_1154 = vector.extract_strided_slice %select_n3A_1124 {offsets = [0, 4], sizes = [256, 124], strides = [1, 1]} : vector<256x128xi32> to vector<256x124xi32>
      %slice3A_1155 = vector.extract_strided_slice %select_n3A_1124 {offsets = [0, 0], sizes = [256, 4], strides = [1, 1]} : vector<256x128xi32> to vector<256x4xi32>
      %concatenate3A_1156 = tpu.concatenate %slice3A_1154, %slice3A_1155 in 1 : vector<256x124xi32>, vector<256x4xi32> -> vector<256x128xi32>
      %select_n3A_1157 = arith.select %ne3A_1143, %concatenate3A_1153, %concatenate3A_1156 : vector<256x128xi1>, vector<256x128xi32>
      %lt3A_1158 = arith.cmpf olt, %select_n3A_1150, %select_n3A_1123 : vector<256x128xf32>
      %and3A_1159 = arith.andi %xor3A_1137, %lt3A_1158 : vector<256x128xi1>
      %not3A_1160 = arith.constant dense<true> : vector<256x128xi1>
      %not3A_1161 = arith.xori %xor3A_1137, %not3A_1160 : vector<256x128xi1>
      %gt3A_1162 = arith.cmpf ogt, %select_n3A_1150, %select_n3A_1123 : vector<256x128xf32>
      %and3A_1163 = arith.andi %not3A_1161, %gt3A_1162 : vector<256x128xi1>
      %or3A_1164 = arith.ori %and3A_1159, %and3A_1163 : vector<256x128xi1>
      %select_n3A_1165 = arith.select %or3A_1164, %select_n3A_1150, %select_n3A_1123 : vector<256x128xi1>, vector<256x128xf32>
      %select_n3A_1166 = arith.select %or3A_1164, %select_n3A_1157, %select_n3A_1124 : vector<256x128xi1>, vector<256x128xi32>
      %and3A_1167 = arith.constant 128 : i32
      %and3A_1168 = vector.broadcast %and3A_1167 : i32 to vector<256x128xi32>
      %and3A_1169 = arith.andi %iota3A, %and3A_1168 : vector<256x128xi32>
      %ne3A_1170 = arith.constant 0 : i32
      %ne3A_1171 = vector.broadcast %ne3A_1170 : i32 to vector<256x128xi32>
      %ne3A_1172 = arith.cmpi ne, %and3A_1169, %ne3A_1171 : vector<256x128xi32>
      %and3A_1173 = arith.constant 2 : i32
      %and3A_1174 = vector.broadcast %and3A_1173 : i32 to vector<256x128xi32>
      %and3A_1175 = arith.andi %iota3A, %and3A_1174 : vector<256x128xi32>
      %ne3A_1176 = arith.constant 0 : i32
      %ne3A_1177 = vector.broadcast %ne3A_1176 : i32 to vector<256x128xi32>
      %ne3A_1178 = arith.cmpi ne, %and3A_1175, %ne3A_1177 : vector<256x128xi32>
      %xor3A_1179 = arith.xori %ne3A_1172, %ne3A_1178 : vector<256x128xi1>
      %and3A_1180 = arith.constant 2 : i32
      %and3A_1181 = vector.broadcast %and3A_1180 : i32 to vector<256x128xi32>
      %and3A_1182 = arith.andi %iota3A, %and3A_1181 : vector<256x128xi32>
      %ne3A_1183 = arith.constant 0 : i32
      %ne3A_1184 = vector.broadcast %ne3A_1183 : i32 to vector<256x128xi32>
      %ne3A_1185 = arith.cmpi ne, %and3A_1182, %ne3A_1184 : vector<256x128xi32>
      %slice3A_1186 = vector.extract_strided_slice %select_n3A_1165 {offsets = [0, 126], sizes = [256, 2], strides = [1, 1]} : vector<256x128xf32> to vector<256x2xf32>
      %slice3A_1187 = vector.extract_strided_slice %select_n3A_1165 {offsets = [0, 0], sizes = [256, 126], strides = [1, 1]} : vector<256x128xf32> to vector<256x126xf32>
      %concatenate3A_1188 = tpu.concatenate %slice3A_1186, %slice3A_1187 in 1 : vector<256x2xf32>, vector<256x126xf32> -> vector<256x128xf32>
      %slice3A_1189 = vector.extract_strided_slice %select_n3A_1165 {offsets = [0, 2], sizes = [256, 126], strides = [1, 1]} : vector<256x128xf32> to vector<256x126xf32>
      %slice3A_1190 = vector.extract_strided_slice %select_n3A_1165 {offsets = [0, 0], sizes = [256, 2], strides = [1, 1]} : vector<256x128xf32> to vector<256x2xf32>
      %concatenate3A_1191 = tpu.concatenate %slice3A_1189, %slice3A_1190 in 1 : vector<256x126xf32>, vector<256x2xf32> -> vector<256x128xf32>
      %select_n3A_1192 = arith.select %ne3A_1185, %concatenate3A_1188, %concatenate3A_1191 : vector<256x128xi1>, vector<256x128xf32>
      %slice3A_1193 = vector.extract_strided_slice %select_n3A_1166 {offsets = [0, 126], sizes = [256, 2], strides = [1, 1]} : vector<256x128xi32> to vector<256x2xi32>
      %slice3A_1194 = vector.extract_strided_slice %select_n3A_1166 {offsets = [0, 0], sizes = [256, 126], strides = [1, 1]} : vector<256x128xi32> to vector<256x126xi32>
      %concatenate3A_1195 = tpu.concatenate %slice3A_1193, %slice3A_1194 in 1 : vector<256x2xi32>, vector<256x126xi32> -> vector<256x128xi32>
      %slice3A_1196 = vector.extract_strided_slice %select_n3A_1166 {offsets = [0, 2], sizes = [256, 126], strides = [1, 1]} : vector<256x128xi32> to vector<256x126xi32>
      %slice3A_1197 = vector.extract_strided_slice %select_n3A_1166 {offsets = [0, 0], sizes = [256, 2], strides = [1, 1]} : vector<256x128xi32> to vector<256x2xi32>
      %concatenate3A_1198 = tpu.concatenate %slice3A_1196, %slice3A_1197 in 1 : vector<256x126xi32>, vector<256x2xi32> -> vector<256x128xi32>
      %select_n3A_1199 = arith.select %ne3A_1185, %concatenate3A_1195, %concatenate3A_1198 : vector<256x128xi1>, vector<256x128xi32>
      %lt3A_1200 = arith.cmpf olt, %select_n3A_1192, %select_n3A_1165 : vector<256x128xf32>
      %and3A_1201 = arith.andi %xor3A_1179, %lt3A_1200 : vector<256x128xi1>
      %not3A_1202 = arith.constant dense<true> : vector<256x128xi1>
      %not3A_1203 = arith.xori %xor3A_1179, %not3A_1202 : vector<256x128xi1>
      %gt3A_1204 = arith.cmpf ogt, %select_n3A_1192, %select_n3A_1165 : vector<256x128xf32>
      %and3A_1205 = arith.andi %not3A_1203, %gt3A_1204 : vector<256x128xi1>
      %or3A_1206 = arith.ori %and3A_1201, %and3A_1205 : vector<256x128xi1>
      %select_n3A_1207 = arith.select %or3A_1206, %select_n3A_1192, %select_n3A_1165 : vector<256x128xi1>, vector<256x128xf32>
      %select_n3A_1208 = arith.select %or3A_1206, %select_n3A_1199, %select_n3A_1166 : vector<256x128xi1>, vector<256x128xi32>
      %and3A_1209 = arith.constant 128 : i32
      %and3A_1210 = vector.broadcast %and3A_1209 : i32 to vector<256x128xi32>
      %and3A_1211 = arith.andi %iota3A, %and3A_1210 : vector<256x128xi32>
      %ne3A_1212 = arith.constant 0 : i32
      %ne3A_1213 = vector.broadcast %ne3A_1212 : i32 to vector<256x128xi32>
      %ne3A_1214 = arith.cmpi ne, %and3A_1211, %ne3A_1213 : vector<256x128xi32>
      %and3A_1215 = arith.constant 1 : i32
      %and3A_1216 = vector.broadcast %and3A_1215 : i32 to vector<256x128xi32>
      %and3A_1217 = arith.andi %iota3A, %and3A_1216 : vector<256x128xi32>
      %ne3A_1218 = arith.constant 0 : i32
      %ne3A_1219 = vector.broadcast %ne3A_1218 : i32 to vector<256x128xi32>
      %ne3A_1220 = arith.cmpi ne, %and3A_1217, %ne3A_1219 : vector<256x128xi32>
      %xor3A_1221 = arith.xori %ne3A_1214, %ne3A_1220 : vector<256x128xi1>
      %and3A_1222 = arith.constant 1 : i32
      %and3A_1223 = vector.broadcast %and3A_1222 : i32 to vector<256x128xi32>
      %and3A_1224 = arith.andi %iota3A, %and3A_1223 : vector<256x128xi32>
      %ne3A_1225 = arith.constant 0 : i32
      %ne3A_1226 = vector.broadcast %ne3A_1225 : i32 to vector<256x128xi32>
      %ne3A_1227 = arith.cmpi ne, %and3A_1224, %ne3A_1226 : vector<256x128xi32>
      %slice3A_1228 = vector.extract_strided_slice %select_n3A_1207 {offsets = [0, 127], sizes = [256, 1], strides = [1, 1]} : vector<256x128xf32> to vector<256x1xf32>
      %slice3A_1229 = vector.extract_strided_slice %select_n3A_1207 {offsets = [0, 0], sizes = [256, 127], strides = [1, 1]} : vector<256x128xf32> to vector<256x127xf32>
      %concatenate3A_1230 = tpu.concatenate %slice3A_1228, %slice3A_1229 in 1 : vector<256x1xf32>, vector<256x127xf32> -> vector<256x128xf32>
      %slice3A_1231 = vector.extract_strided_slice %select_n3A_1207 {offsets = [0, 1], sizes = [256, 127], strides = [1, 1]} : vector<256x128xf32> to vector<256x127xf32>
      %slice3A_1232 = vector.extract_strided_slice %select_n3A_1207 {offsets = [0, 0], sizes = [256, 1], strides = [1, 1]} : vector<256x128xf32> to vector<256x1xf32>
      %concatenate3A_1233 = tpu.concatenate %slice3A_1231, %slice3A_1232 in 1 : vector<256x127xf32>, vector<256x1xf32> -> vector<256x128xf32>
      %select_n3A_1234 = arith.select %ne3A_1227, %concatenate3A_1230, %concatenate3A_1233 : vector<256x128xi1>, vector<256x128xf32>
      %slice3A_1235 = vector.extract_strided_slice %select_n3A_1208 {offsets = [0, 127], sizes = [256, 1], strides = [1, 1]} : vector<256x128xi32> to vector<256x1xi32>
      %slice3A_1236 = vector.extract_strided_slice %select_n3A_1208 {offsets = [0, 0], sizes = [256, 127], strides = [1, 1]} : vector<256x128xi32> to vector<256x127xi32>
      %concatenate3A_1237 = tpu.concatenate %slice3A_1235, %slice3A_1236 in 1 : vector<256x1xi32>, vector<256x127xi32> -> vector<256x128xi32>
      %slice3A_1238 = vector.extract_strided_slice %select_n3A_1208 {offsets = [0, 1], sizes = [256, 127], strides = [1, 1]} : vector<256x128xi32> to vector<256x127xi32>
      %slice3A_1239 = vector.extract_strided_slice %select_n3A_1208 {offsets = [0, 0], sizes = [256, 1], strides = [1, 1]} : vector<256x128xi32> to vector<256x1xi32>
      %concatenate3A_1240 = tpu.concatenate %slice3A_1238, %slice3A_1239 in 1 : vector<256x127xi32>, vector<256x1xi32> -> vector<256x128xi32>
      %select_n3A_1241 = arith.select %ne3A_1227, %concatenate3A_1237, %concatenate3A_1240 : vector<256x128xi1>, vector<256x128xi32>
      %lt3A_1242 = arith.cmpf olt, %select_n3A_1234, %select_n3A_1207 : vector<256x128xf32>
      %and3A_1243 = arith.andi %xor3A_1221, %lt3A_1242 : vector<256x128xi1>
      %not3A_1244 = arith.constant dense<true> : vector<256x128xi1>
      %not3A_1245 = arith.xori %xor3A_1221, %not3A_1244 : vector<256x128xi1>
      %gt3A_1246 = arith.cmpf ogt, %select_n3A_1234, %select_n3A_1207 : vector<256x128xf32>
      %and3A_1247 = arith.andi %not3A_1245, %gt3A_1246 : vector<256x128xi1>
      %or3A_1248 = arith.ori %and3A_1243, %and3A_1247 : vector<256x128xi1>
      %select_n3A_1249 = arith.select %or3A_1248, %select_n3A_1234, %select_n3A_1207 : vector<256x128xi1>, vector<256x128xf32>
      %select_n3A_1250 = arith.select %or3A_1248, %select_n3A_1241, %select_n3A_1208 : vector<256x128xi1>, vector<256x128xi32>
      %slice3A_1251 = vector.extract_strided_slice %select_n3A_1249 {offsets = [0, 64], sizes = [256, 64], strides = [1, 1]} : vector<256x128xf32> to vector<256x64xf32>
      %slice3A_1252 = vector.extract_strided_slice %select_n3A_1249 {offsets = [0, 0], sizes = [256, 64], strides = [1, 1]} : vector<256x128xf32> to vector<256x64xf32>
      %concatenate3A_1253 = tpu.concatenate %slice3A_1251, %slice3A_1252 in 1 : vector<256x64xf32>, vector<256x64xf32> -> vector<256x128xf32>
      %broadcast_in_dim3A_1254 = vector.broadcast %while3A : f32 to vector<256x128xf32>
      %select_n3A_1255 = arith.select %lt3A_1, %concatenate3A_1253, %broadcast_in_dim3A_1254 : vector<256x128xi1>, vector<256x128xf32>
      %slice3A_1256 = vector.extract_strided_slice %select_n3A_1250 {offsets = [0, 64], sizes = [256, 64], strides = [1, 1]} : vector<256x128xi32> to vector<256x64xi32>
      %slice3A_1257 = vector.extract_strided_slice %select_n3A_1250 {offsets = [0, 0], sizes = [256, 64], strides = [1, 1]} : vector<256x128xi32> to vector<256x64xi32>
      %concatenate3A_1258 = tpu.concatenate %slice3A_1256, %slice3A_1257 in 1 : vector<256x64xi32>, vector<256x64xi32> -> vector<256x128xi32>
      %lt3A_1259 = arith.cmpf olt, %select_n3A_1255, %while3A_45 : vector<256x128xf32>
      %select_n3A_1260 = arith.select %lt3A_1259, %select_n3A_1255, %while3A_45 : vector<256x128xi1>, vector<256x128xf32>
      %select_n3A_1261 = arith.select %lt3A_1259, %concatenate3A_1258, %while3A_46 : vector<256x128xi1>, vector<256x128xi32>
      %and3A_1262 = arith.constant 32 : i32
      %and3A_1263 = vector.broadcast %and3A_1262 : i32 to vector<256x128xi32>
      %and3A_1264 = arith.andi %iota3A, %and3A_1263 : vector<256x128xi32>
      %eq3A_1265 = arith.constant 0 : i32
      %eq3A_1266 = vector.broadcast %eq3A_1265 : i32 to vector<256x128xi32>
      %eq3A_1267 = arith.cmpi eq, %and3A_1264, %eq3A_1266 : vector<256x128xi32>
      %and3A_1268 = arith.constant 32 : i32
      %and3A_1269 = vector.broadcast %and3A_1268 : i32 to vector<256x128xi32>
      %and3A_1270 = arith.andi %iota3A, %and3A_1269 : vector<256x128xi32>
      %ne3A_1271 = arith.constant 0 : i32
      %ne3A_1272 = vector.broadcast %ne3A_1271 : i32 to vector<256x128xi32>
      %ne3A_1273 = arith.cmpi ne, %and3A_1270, %ne3A_1272 : vector<256x128xi32>
      %slice3A_1274 = vector.extract_strided_slice %select_n3A_1260 {offsets = [0, 96], sizes = [256, 32], strides = [1, 1]} : vector<256x128xf32> to vector<256x32xf32>
      %slice3A_1275 = vector.extract_strided_slice %select_n3A_1260 {offsets = [0, 0], sizes = [256, 96], strides = [1, 1]} : vector<256x128xf32> to vector<256x96xf32>
      %concatenate3A_1276 = tpu.concatenate %slice3A_1274, %slice3A_1275 in 1 : vector<256x32xf32>, vector<256x96xf32> -> vector<256x128xf32>
      %slice3A_1277 = vector.extract_strided_slice %select_n3A_1260 {offsets = [0, 32], sizes = [256, 96], strides = [1, 1]} : vector<256x128xf32> to vector<256x96xf32>
      %slice3A_1278 = vector.extract_strided_slice %select_n3A_1260 {offsets = [0, 0], sizes = [256, 32], strides = [1, 1]} : vector<256x128xf32> to vector<256x32xf32>
      %concatenate3A_1279 = tpu.concatenate %slice3A_1277, %slice3A_1278 in 1 : vector<256x96xf32>, vector<256x32xf32> -> vector<256x128xf32>
      %select_n3A_1280 = arith.select %ne3A_1273, %concatenate3A_1276, %concatenate3A_1279 : vector<256x128xi1>, vector<256x128xf32>
      %slice3A_1281 = vector.extract_strided_slice %select_n3A_1261 {offsets = [0, 96], sizes = [256, 32], strides = [1, 1]} : vector<256x128xi32> to vector<256x32xi32>
      %slice3A_1282 = vector.extract_strided_slice %select_n3A_1261 {offsets = [0, 0], sizes = [256, 96], strides = [1, 1]} : vector<256x128xi32> to vector<256x96xi32>
      %concatenate3A_1283 = tpu.concatenate %slice3A_1281, %slice3A_1282 in 1 : vector<256x32xi32>, vector<256x96xi32> -> vector<256x128xi32>
      %slice3A_1284 = vector.extract_strided_slice %select_n3A_1261 {offsets = [0, 32], sizes = [256, 96], strides = [1, 1]} : vector<256x128xi32> to vector<256x96xi32>
      %slice3A_1285 = vector.extract_strided_slice %select_n3A_1261 {offsets = [0, 0], sizes = [256, 32], strides = [1, 1]} : vector<256x128xi32> to vector<256x32xi32>
      %concatenate3A_1286 = tpu.concatenate %slice3A_1284, %slice3A_1285 in 1 : vector<256x96xi32>, vector<256x32xi32> -> vector<256x128xi32>
      %select_n3A_1287 = arith.select %ne3A_1273, %concatenate3A_1283, %concatenate3A_1286 : vector<256x128xi1>, vector<256x128xi32>
      %lt3A_1288 = arith.cmpf olt, %select_n3A_1280, %select_n3A_1260 : vector<256x128xf32>
      %and3A_1289 = arith.andi %eq3A_1267, %lt3A_1288 : vector<256x128xi1>
      %not3A_1290 = arith.constant dense<true> : vector<256x128xi1>
      %not3A_1291 = arith.xori %eq3A_1267, %not3A_1290 : vector<256x128xi1>
      %gt3A_1292 = arith.cmpf ogt, %select_n3A_1280, %select_n3A_1260 : vector<256x128xf32>
      %and3A_1293 = arith.andi %not3A_1291, %gt3A_1292 : vector<256x128xi1>
      %or3A_1294 = arith.ori %and3A_1289, %and3A_1293 : vector<256x128xi1>
      %select_n3A_1295 = arith.select %or3A_1294, %select_n3A_1280, %select_n3A_1260 : vector<256x128xi1>, vector<256x128xf32>
      %select_n3A_1296 = arith.select %or3A_1294, %select_n3A_1287, %select_n3A_1261 : vector<256x128xi1>, vector<256x128xi32>
      %and3A_1297 = arith.constant 16 : i32
      %and3A_1298 = vector.broadcast %and3A_1297 : i32 to vector<256x128xi32>
      %and3A_1299 = arith.andi %iota3A, %and3A_1298 : vector<256x128xi32>
      %eq3A_1300 = arith.constant 0 : i32
      %eq3A_1301 = vector.broadcast %eq3A_1300 : i32 to vector<256x128xi32>
      %eq3A_1302 = arith.cmpi eq, %and3A_1299, %eq3A_1301 : vector<256x128xi32>
      %and3A_1303 = arith.constant 16 : i32
      %and3A_1304 = vector.broadcast %and3A_1303 : i32 to vector<256x128xi32>
      %and3A_1305 = arith.andi %iota3A, %and3A_1304 : vector<256x128xi32>
      %ne3A_1306 = arith.constant 0 : i32
      %ne3A_1307 = vector.broadcast %ne3A_1306 : i32 to vector<256x128xi32>
      %ne3A_1308 = arith.cmpi ne, %and3A_1305, %ne3A_1307 : vector<256x128xi32>
      %slice3A_1309 = vector.extract_strided_slice %select_n3A_1295 {offsets = [0, 112], sizes = [256, 16], strides = [1, 1]} : vector<256x128xf32> to vector<256x16xf32>
      %slice3A_1310 = vector.extract_strided_slice %select_n3A_1295 {offsets = [0, 0], sizes = [256, 112], strides = [1, 1]} : vector<256x128xf32> to vector<256x112xf32>
      %concatenate3A_1311 = tpu.concatenate %slice3A_1309, %slice3A_1310 in 1 : vector<256x16xf32>, vector<256x112xf32> -> vector<256x128xf32>
      %slice3A_1312 = vector.extract_strided_slice %select_n3A_1295 {offsets = [0, 16], sizes = [256, 112], strides = [1, 1]} : vector<256x128xf32> to vector<256x112xf32>
      %slice3A_1313 = vector.extract_strided_slice %select_n3A_1295 {offsets = [0, 0], sizes = [256, 16], strides = [1, 1]} : vector<256x128xf32> to vector<256x16xf32>
      %concatenate3A_1314 = tpu.concatenate %slice3A_1312, %slice3A_1313 in 1 : vector<256x112xf32>, vector<256x16xf32> -> vector<256x128xf32>
      %select_n3A_1315 = arith.select %ne3A_1308, %concatenate3A_1311, %concatenate3A_1314 : vector<256x128xi1>, vector<256x128xf32>
      %slice3A_1316 = vector.extract_strided_slice %select_n3A_1296 {offsets = [0, 112], sizes = [256, 16], strides = [1, 1]} : vector<256x128xi32> to vector<256x16xi32>
      %slice3A_1317 = vector.extract_strided_slice %select_n3A_1296 {offsets = [0, 0], sizes = [256, 112], strides = [1, 1]} : vector<256x128xi32> to vector<256x112xi32>
      %concatenate3A_1318 = tpu.concatenate %slice3A_1316, %slice3A_1317 in 1 : vector<256x16xi32>, vector<256x112xi32> -> vector<256x128xi32>
      %slice3A_1319 = vector.extract_strided_slice %select_n3A_1296 {offsets = [0, 16], sizes = [256, 112], strides = [1, 1]} : vector<256x128xi32> to vector<256x112xi32>
      %slice3A_1320 = vector.extract_strided_slice %select_n3A_1296 {offsets = [0, 0], sizes = [256, 16], strides = [1, 1]} : vector<256x128xi32> to vector<256x16xi32>
      %concatenate3A_1321 = tpu.concatenate %slice3A_1319, %slice3A_1320 in 1 : vector<256x112xi32>, vector<256x16xi32> -> vector<256x128xi32>
      %select_n3A_1322 = arith.select %ne3A_1308, %concatenate3A_1318, %concatenate3A_1321 : vector<256x128xi1>, vector<256x128xi32>
      %lt3A_1323 = arith.cmpf olt, %select_n3A_1315, %select_n3A_1295 : vector<256x128xf32>
      %and3A_1324 = arith.andi %eq3A_1302, %lt3A_1323 : vector<256x128xi1>
      %not3A_1325 = arith.constant dense<true> : vector<256x128xi1>
      %not3A_1326 = arith.xori %eq3A_1302, %not3A_1325 : vector<256x128xi1>
      %gt3A_1327 = arith.cmpf ogt, %select_n3A_1315, %select_n3A_1295 : vector<256x128xf32>
      %and3A_1328 = arith.andi %not3A_1326, %gt3A_1327 : vector<256x128xi1>
      %or3A_1329 = arith.ori %and3A_1324, %and3A_1328 : vector<256x128xi1>
      %select_n3A_1330 = arith.select %or3A_1329, %select_n3A_1315, %select_n3A_1295 : vector<256x128xi1>, vector<256x128xf32>
      %select_n3A_1331 = arith.select %or3A_1329, %select_n3A_1322, %select_n3A_1296 : vector<256x128xi1>, vector<256x128xi32>
      %and3A_1332 = arith.constant 8 : i32
      %and3A_1333 = vector.broadcast %and3A_1332 : i32 to vector<256x128xi32>
      %and3A_1334 = arith.andi %iota3A, %and3A_1333 : vector<256x128xi32>
      %eq3A_1335 = arith.constant 0 : i32
      %eq3A_1336 = vector.broadcast %eq3A_1335 : i32 to vector<256x128xi32>
      %eq3A_1337 = arith.cmpi eq, %and3A_1334, %eq3A_1336 : vector<256x128xi32>
      %and3A_1338 = arith.constant 8 : i32
      %and3A_1339 = vector.broadcast %and3A_1338 : i32 to vector<256x128xi32>
      %and3A_1340 = arith.andi %iota3A, %and3A_1339 : vector<256x128xi32>
      %ne3A_1341 = arith.constant 0 : i32
      %ne3A_1342 = vector.broadcast %ne3A_1341 : i32 to vector<256x128xi32>
      %ne3A_1343 = arith.cmpi ne, %and3A_1340, %ne3A_1342 : vector<256x128xi32>
      %slice3A_1344 = vector.extract_strided_slice %select_n3A_1330 {offsets = [0, 120], sizes = [256, 8], strides = [1, 1]} : vector<256x128xf32> to vector<256x8xf32>
      %slice3A_1345 = vector.extract_strided_slice %select_n3A_1330 {offsets = [0, 0], sizes = [256, 120], strides = [1, 1]} : vector<256x128xf32> to vector<256x120xf32>
      %concatenate3A_1346 = tpu.concatenate %slice3A_1344, %slice3A_1345 in 1 : vector<256x8xf32>, vector<256x120xf32> -> vector<256x128xf32>
      %slice3A_1347 = vector.extract_strided_slice %select_n3A_1330 {offsets = [0, 8], sizes = [256, 120], strides = [1, 1]} : vector<256x128xf32> to vector<256x120xf32>
      %slice3A_1348 = vector.extract_strided_slice %select_n3A_1330 {offsets = [0, 0], sizes = [256, 8], strides = [1, 1]} : vector<256x128xf32> to vector<256x8xf32>
      %concatenate3A_1349 = tpu.concatenate %slice3A_1347, %slice3A_1348 in 1 : vector<256x120xf32>, vector<256x8xf32> -> vector<256x128xf32>
      %select_n3A_1350 = arith.select %ne3A_1343, %concatenate3A_1346, %concatenate3A_1349 : vector<256x128xi1>, vector<256x128xf32>
      %slice3A_1351 = vector.extract_strided_slice %select_n3A_1331 {offsets = [0, 120], sizes = [256, 8], strides = [1, 1]} : vector<256x128xi32> to vector<256x8xi32>
      %slice3A_1352 = vector.extract_strided_slice %select_n3A_1331 {offsets = [0, 0], sizes = [256, 120], strides = [1, 1]} : vector<256x128xi32> to vector<256x120xi32>
      %concatenate3A_1353 = tpu.concatenate %slice3A_1351, %slice3A_1352 in 1 : vector<256x8xi32>, vector<256x120xi32> -> vector<256x128xi32>
      %slice3A_1354 = vector.extract_strided_slice %select_n3A_1331 {offsets = [0, 8], sizes = [256, 120], strides = [1, 1]} : vector<256x128xi32> to vector<256x120xi32>
      %slice3A_1355 = vector.extract_strided_slice %select_n3A_1331 {offsets = [0, 0], sizes = [256, 8], strides = [1, 1]} : vector<256x128xi32> to vector<256x8xi32>
      %concatenate3A_1356 = tpu.concatenate %slice3A_1354, %slice3A_1355 in 1 : vector<256x120xi32>, vector<256x8xi32> -> vector<256x128xi32>
      %select_n3A_1357 = arith.select %ne3A_1343, %concatenate3A_1353, %concatenate3A_1356 : vector<256x128xi1>, vector<256x128xi32>
      %lt3A_1358 = arith.cmpf olt, %select_n3A_1350, %select_n3A_1330 : vector<256x128xf32>
      %and3A_1359 = arith.andi %eq3A_1337, %lt3A_1358 : vector<256x128xi1>
      %not3A_1360 = arith.constant dense<true> : vector<256x128xi1>
      %not3A_1361 = arith.xori %eq3A_1337, %not3A_1360 : vector<256x128xi1>
      %gt3A_1362 = arith.cmpf ogt, %select_n3A_1350, %select_n3A_1330 : vector<256x128xf32>
      %and3A_1363 = arith.andi %not3A_1361, %gt3A_1362 : vector<256x128xi1>
      %or3A_1364 = arith.ori %and3A_1359, %and3A_1363 : vector<256x128xi1>
      %select_n3A_1365 = arith.select %or3A_1364, %select_n3A_1350, %select_n3A_1330 : vector<256x128xi1>, vector<256x128xf32>
      %select_n3A_1366 = arith.select %or3A_1364, %select_n3A_1357, %select_n3A_1331 : vector<256x128xi1>, vector<256x128xi32>
      %and3A_1367 = arith.constant 4 : i32
      %and3A_1368 = vector.broadcast %and3A_1367 : i32 to vector<256x128xi32>
      %and3A_1369 = arith.andi %iota3A, %and3A_1368 : vector<256x128xi32>
      %eq3A_1370 = arith.constant 0 : i32
      %eq3A_1371 = vector.broadcast %eq3A_1370 : i32 to vector<256x128xi32>
      %eq3A_1372 = arith.cmpi eq, %and3A_1369, %eq3A_1371 : vector<256x128xi32>
      %and3A_1373 = arith.constant 4 : i32
      %and3A_1374 = vector.broadcast %and3A_1373 : i32 to vector<256x128xi32>
      %and3A_1375 = arith.andi %iota3A, %and3A_1374 : vector<256x128xi32>
      %ne3A_1376 = arith.constant 0 : i32
      %ne3A_1377 = vector.broadcast %ne3A_1376 : i32 to vector<256x128xi32>
      %ne3A_1378 = arith.cmpi ne, %and3A_1375, %ne3A_1377 : vector<256x128xi32>
      %slice3A_1379 = vector.extract_strided_slice %select_n3A_1365 {offsets = [0, 124], sizes = [256, 4], strides = [1, 1]} : vector<256x128xf32> to vector<256x4xf32>
      %slice3A_1380 = vector.extract_strided_slice %select_n3A_1365 {offsets = [0, 0], sizes = [256, 124], strides = [1, 1]} : vector<256x128xf32> to vector<256x124xf32>
      %concatenate3A_1381 = tpu.concatenate %slice3A_1379, %slice3A_1380 in 1 : vector<256x4xf32>, vector<256x124xf32> -> vector<256x128xf32>
      %slice3A_1382 = vector.extract_strided_slice %select_n3A_1365 {offsets = [0, 4], sizes = [256, 124], strides = [1, 1]} : vector<256x128xf32> to vector<256x124xf32>
      %slice3A_1383 = vector.extract_strided_slice %select_n3A_1365 {offsets = [0, 0], sizes = [256, 4], strides = [1, 1]} : vector<256x128xf32> to vector<256x4xf32>
      %concatenate3A_1384 = tpu.concatenate %slice3A_1382, %slice3A_1383 in 1 : vector<256x124xf32>, vector<256x4xf32> -> vector<256x128xf32>
      %select_n3A_1385 = arith.select %ne3A_1378, %concatenate3A_1381, %concatenate3A_1384 : vector<256x128xi1>, vector<256x128xf32>
      %slice3A_1386 = vector.extract_strided_slice %select_n3A_1366 {offsets = [0, 124], sizes = [256, 4], strides = [1, 1]} : vector<256x128xi32> to vector<256x4xi32>
      %slice3A_1387 = vector.extract_strided_slice %select_n3A_1366 {offsets = [0, 0], sizes = [256, 124], strides = [1, 1]} : vector<256x128xi32> to vector<256x124xi32>
      %concatenate3A_1388 = tpu.concatenate %slice3A_1386, %slice3A_1387 in 1 : vector<256x4xi32>, vector<256x124xi32> -> vector<256x128xi32>
      %slice3A_1389 = vector.extract_strided_slice %select_n3A_1366 {offsets = [0, 4], sizes = [256, 124], strides = [1, 1]} : vector<256x128xi32> to vector<256x124xi32>
      %slice3A_1390 = vector.extract_strided_slice %select_n3A_1366 {offsets = [0, 0], sizes = [256, 4], strides = [1, 1]} : vector<256x128xi32> to vector<256x4xi32>
      %concatenate3A_1391 = tpu.concatenate %slice3A_1389, %slice3A_1390 in 1 : vector<256x124xi32>, vector<256x4xi32> -> vector<256x128xi32>
      %select_n3A_1392 = arith.select %ne3A_1378, %concatenate3A_1388, %concatenate3A_1391 : vector<256x128xi1>, vector<256x128xi32>
      %lt3A_1393 = arith.cmpf olt, %select_n3A_1385, %select_n3A_1365 : vector<256x128xf32>
      %and3A_1394 = arith.andi %eq3A_1372, %lt3A_1393 : vector<256x128xi1>
      %not3A_1395 = arith.constant dense<true> : vector<256x128xi1>
      %not3A_1396 = arith.xori %eq3A_1372, %not3A_1395 : vector<256x128xi1>
      %gt3A_1397 = arith.cmpf ogt, %select_n3A_1385, %select_n3A_1365 : vector<256x128xf32>
      %and3A_1398 = arith.andi %not3A_1396, %gt3A_1397 : vector<256x128xi1>
      %or3A_1399 = arith.ori %and3A_1394, %and3A_1398 : vector<256x128xi1>
      %select_n3A_1400 = arith.select %or3A_1399, %select_n3A_1385, %select_n3A_1365 : vector<256x128xi1>, vector<256x128xf32>
      %select_n3A_1401 = arith.select %or3A_1399, %select_n3A_1392, %select_n3A_1366 : vector<256x128xi1>, vector<256x128xi32>
      %and3A_1402 = arith.constant 2 : i32
      %and3A_1403 = vector.broadcast %and3A_1402 : i32 to vector<256x128xi32>
      %and3A_1404 = arith.andi %iota3A, %and3A_1403 : vector<256x128xi32>
      %eq3A_1405 = arith.constant 0 : i32
      %eq3A_1406 = vector.broadcast %eq3A_1405 : i32 to vector<256x128xi32>
      %eq3A_1407 = arith.cmpi eq, %and3A_1404, %eq3A_1406 : vector<256x128xi32>
      %and3A_1408 = arith.constant 2 : i32
      %and3A_1409 = vector.broadcast %and3A_1408 : i32 to vector<256x128xi32>
      %and3A_1410 = arith.andi %iota3A, %and3A_1409 : vector<256x128xi32>
      %ne3A_1411 = arith.constant 0 : i32
      %ne3A_1412 = vector.broadcast %ne3A_1411 : i32 to vector<256x128xi32>
      %ne3A_1413 = arith.cmpi ne, %and3A_1410, %ne3A_1412 : vector<256x128xi32>
      %slice3A_1414 = vector.extract_strided_slice %select_n3A_1400 {offsets = [0, 126], sizes = [256, 2], strides = [1, 1]} : vector<256x128xf32> to vector<256x2xf32>
      %slice3A_1415 = vector.extract_strided_slice %select_n3A_1400 {offsets = [0, 0], sizes = [256, 126], strides = [1, 1]} : vector<256x128xf32> to vector<256x126xf32>
      %concatenate3A_1416 = tpu.concatenate %slice3A_1414, %slice3A_1415 in 1 : vector<256x2xf32>, vector<256x126xf32> -> vector<256x128xf32>
      %slice3A_1417 = vector.extract_strided_slice %select_n3A_1400 {offsets = [0, 2], sizes = [256, 126], strides = [1, 1]} : vector<256x128xf32> to vector<256x126xf32>
      %slice3A_1418 = vector.extract_strided_slice %select_n3A_1400 {offsets = [0, 0], sizes = [256, 2], strides = [1, 1]} : vector<256x128xf32> to vector<256x2xf32>
      %concatenate3A_1419 = tpu.concatenate %slice3A_1417, %slice3A_1418 in 1 : vector<256x126xf32>, vector<256x2xf32> -> vector<256x128xf32>
      %select_n3A_1420 = arith.select %ne3A_1413, %concatenate3A_1416, %concatenate3A_1419 : vector<256x128xi1>, vector<256x128xf32>
      %slice3A_1421 = vector.extract_strided_slice %select_n3A_1401 {offsets = [0, 126], sizes = [256, 2], strides = [1, 1]} : vector<256x128xi32> to vector<256x2xi32>
      %slice3A_1422 = vector.extract_strided_slice %select_n3A_1401 {offsets = [0, 0], sizes = [256, 126], strides = [1, 1]} : vector<256x128xi32> to vector<256x126xi32>
      %concatenate3A_1423 = tpu.concatenate %slice3A_1421, %slice3A_1422 in 1 : vector<256x2xi32>, vector<256x126xi32> -> vector<256x128xi32>
      %slice3A_1424 = vector.extract_strided_slice %select_n3A_1401 {offsets = [0, 2], sizes = [256, 126], strides = [1, 1]} : vector<256x128xi32> to vector<256x126xi32>
      %slice3A_1425 = vector.extract_strided_slice %select_n3A_1401 {offsets = [0, 0], sizes = [256, 2], strides = [1, 1]} : vector<256x128xi32> to vector<256x2xi32>
      %concatenate3A_1426 = tpu.concatenate %slice3A_1424, %slice3A_1425 in 1 : vector<256x126xi32>, vector<256x2xi32> -> vector<256x128xi32>
      %select_n3A_1427 = arith.select %ne3A_1413, %concatenate3A_1423, %concatenate3A_1426 : vector<256x128xi1>, vector<256x128xi32>
      %lt3A_1428 = arith.cmpf olt, %select_n3A_1420, %select_n3A_1400 : vector<256x128xf32>
      %and3A_1429 = arith.andi %eq3A_1407, %lt3A_1428 : vector<256x128xi1>
      %not3A_1430 = arith.constant dense<true> : vector<256x128xi1>
      %not3A_1431 = arith.xori %eq3A_1407, %not3A_1430 : vector<256x128xi1>
      %gt3A_1432 = arith.cmpf ogt, %select_n3A_1420, %select_n3A_1400 : vector<256x128xf32>
      %and3A_1433 = arith.andi %not3A_1431, %gt3A_1432 : vector<256x128xi1>
      %or3A_1434 = arith.ori %and3A_1429, %and3A_1433 : vector<256x128xi1>
      %select_n3A_1435 = arith.select %or3A_1434, %select_n3A_1420, %select_n3A_1400 : vector<256x128xi1>, vector<256x128xf32>
      %select_n3A_1436 = arith.select %or3A_1434, %select_n3A_1427, %select_n3A_1401 : vector<256x128xi1>, vector<256x128xi32>
      %and3A_1437 = arith.constant 1 : i32
      %and3A_1438 = vector.broadcast %and3A_1437 : i32 to vector<256x128xi32>
      %and3A_1439 = arith.andi %iota3A, %and3A_1438 : vector<256x128xi32>
      %eq3A_1440 = arith.constant 0 : i32
      %eq3A_1441 = vector.broadcast %eq3A_1440 : i32 to vector<256x128xi32>
      %eq3A_1442 = arith.cmpi eq, %and3A_1439, %eq3A_1441 : vector<256x128xi32>
      %and3A_1443 = arith.constant 1 : i32
      %and3A_1444 = vector.broadcast %and3A_1443 : i32 to vector<256x128xi32>
      %and3A_1445 = arith.andi %iota3A, %and3A_1444 : vector<256x128xi32>
      %ne3A_1446 = arith.constant 0 : i32
      %ne3A_1447 = vector.broadcast %ne3A_1446 : i32 to vector<256x128xi32>
      %ne3A_1448 = arith.cmpi ne, %and3A_1445, %ne3A_1447 : vector<256x128xi32>
      %slice3A_1449 = vector.extract_strided_slice %select_n3A_1435 {offsets = [0, 127], sizes = [256, 1], strides = [1, 1]} : vector<256x128xf32> to vector<256x1xf32>
      %slice3A_1450 = vector.extract_strided_slice %select_n3A_1435 {offsets = [0, 0], sizes = [256, 127], strides = [1, 1]} : vector<256x128xf32> to vector<256x127xf32>
      %concatenate3A_1451 = tpu.concatenate %slice3A_1449, %slice3A_1450 in 1 : vector<256x1xf32>, vector<256x127xf32> -> vector<256x128xf32>
      %slice3A_1452 = vector.extract_strided_slice %select_n3A_1435 {offsets = [0, 1], sizes = [256, 127], strides = [1, 1]} : vector<256x128xf32> to vector<256x127xf32>
      %slice3A_1453 = vector.extract_strided_slice %select_n3A_1435 {offsets = [0, 0], sizes = [256, 1], strides = [1, 1]} : vector<256x128xf32> to vector<256x1xf32>
      %concatenate3A_1454 = tpu.concatenate %slice3A_1452, %slice3A_1453 in 1 : vector<256x127xf32>, vector<256x1xf32> -> vector<256x128xf32>
      %select_n3A_1455 = arith.select %ne3A_1448, %concatenate3A_1451, %concatenate3A_1454 : vector<256x128xi1>, vector<256x128xf32>
      %slice3A_1456 = vector.extract_strided_slice %select_n3A_1436 {offsets = [0, 127], sizes = [256, 1], strides = [1, 1]} : vector<256x128xi32> to vector<256x1xi32>
      %slice3A_1457 = vector.extract_strided_slice %select_n3A_1436 {offsets = [0, 0], sizes = [256, 127], strides = [1, 1]} : vector<256x128xi32> to vector<256x127xi32>
      %concatenate3A_1458 = tpu.concatenate %slice3A_1456, %slice3A_1457 in 1 : vector<256x1xi32>, vector<256x127xi32> -> vector<256x128xi32>
      %slice3A_1459 = vector.extract_strided_slice %select_n3A_1436 {offsets = [0, 1], sizes = [256, 127], strides = [1, 1]} : vector<256x128xi32> to vector<256x127xi32>
      %slice3A_1460 = vector.extract_strided_slice %select_n3A_1436 {offsets = [0, 0], sizes = [256, 1], strides = [1, 1]} : vector<256x128xi32> to vector<256x1xi32>
      %concatenate3A_1461 = tpu.concatenate %slice3A_1459, %slice3A_1460 in 1 : vector<256x127xi32>, vector<256x1xi32> -> vector<256x128xi32>
      %select_n3A_1462 = arith.select %ne3A_1448, %concatenate3A_1458, %concatenate3A_1461 : vector<256x128xi1>, vector<256x128xi32>
      %lt3A_1463 = arith.cmpf olt, %select_n3A_1455, %select_n3A_1435 : vector<256x128xf32>
      %and3A_1464 = arith.andi %eq3A_1442, %lt3A_1463 : vector<256x128xi1>
      %not3A_1465 = arith.constant dense<true> : vector<256x128xi1>
      %not3A_1466 = arith.xori %eq3A_1442, %not3A_1465 : vector<256x128xi1>
      %gt3A_1467 = arith.cmpf ogt, %select_n3A_1455, %select_n3A_1435 : vector<256x128xf32>
      %and3A_1468 = arith.andi %not3A_1466, %gt3A_1467 : vector<256x128xi1>
      %or3A_1469 = arith.ori %and3A_1464, %and3A_1468 : vector<256x128xi1>
      %select_n3A_1470 = arith.select %or3A_1469, %select_n3A_1455, %select_n3A_1435 : vector<256x128xi1>, vector<256x128xf32>
      %select_n3A_1471 = arith.select %or3A_1469, %select_n3A_1462, %select_n3A_1436 : vector<256x128xi1>, vector<256x128xi32>
      scf.yield %select_n3A_1470, %select_n3A_1471 : vector<256x128xf32>, vector<256x128xi32>
    }
    %slice3A = vector.extract_strided_slice %while3A_33#1 {offsets = [0, 0], sizes = [256, 64], strides = [1, 1]} : vector<256x128xi32> to vector<256x64xi32>
    %swap3A = arith.constant 0 : index
    %swap3A_34 = arith.constant 0 : index
    %swap3A_35 = vector.load %arg4[%swap3A, %swap3A_34] : memref<256x64xi32, #tpu.memory_space<vmem>>, vector<256x64xi32>
    tpu.vector_store %arg4[%swap3A, %swap3A_34], %slice3A {strides = array<i32>} : memref<256x64xi32, #tpu.memory_space<vmem>>, vector<256x64xi32>,
    %slice3A_36 = vector.extract_strided_slice %while3A_33#0 {offsets = [0, 0], sizes = [256, 64], strides = [1, 1]} : vector<256x128xf32> to vector<256x64xf32>
    %lt3A_37 = arith.constant 1.000000e+30 : f32
    %lt3A_38 = vector.broadcast %lt3A_37 : f32 to vector<256x64xf32>
    %lt3A_39 = arith.cmpf olt, %slice3A_36, %lt3A_38 : vector<256x64xf32>
    %convert_element_type3A = arith.extui %lt3A_39 : vector<256x64xi1> to vector<256x64xi32>
    %convert_element_type3A_40 = arith.sitofp %convert_element_type3A : vector<256x64xi32> to vector<256x64xf32>
    %swap3A_41 = arith.constant 0 : index
    %swap3A_42 = arith.constant 0 : index
    %swap3A_43 = vector.load %arg5[%swap3A_41, %swap3A_42] : memref<256x64xf32, #tpu.memory_space<vmem>>, vector<256x64xf32>
    tpu.vector_store %arg5[%swap3A_41, %swap3A_42], %convert_element_type3A_40 {strides = array<i32>} : memref<256x64xf32, #tpu.memory_space<vmem>>, vector<256x64xf32>,
    return
  }
  func.func @transform_0(%arg0: i32, %arg1: memref<80xi32, #tpu.memory_space<smem>>) -> (i32, i32) {
    %c0_i32 = arith.constant 0 : i32
    %c0_i32_0 = arith.constant 0 : i32
    return %arg0, %c0_i32 : i32, i32
  }
  func.func @transform_1(%arg0: i32, %arg1: memref<80xi32, #tpu.memory_space<smem>>) -> (i32, i32) {
    %c0_i32 = arith.constant 0 : i32
    %c0_i32_0 = arith.constant 0 : i32
    %c0_i32_1 = arith.constant 0 : i32
    return %c0_i32, %c0_i32_0 : i32, i32
  }
  func.func @transform_2(%arg0: i32, %arg1: memref<80xi32, #tpu.memory_space<smem>>) -> (i32, i32) {
    %c0_i32 = arith.constant 0 : i32
    %c0_i32_0 = arith.constant 0 : i32
    return %arg0, %c0_i32 : i32, i32
  }
  func.func @transform_3(%arg0: i32, %arg1: memref<80xi32, #tpu.memory_space<smem>>) -> (i32, i32) {
    %c0_i32 = arith.constant 0 : i32
    %c0_i32_0 = arith.constant 0 : i32
    return %arg0, %c0_i32 : i32, i32
  }
}

module attributes {stable_mosaic.version = 14 : i64} {
  func.func @_msg_kernel(%arg0: i32, %arg1: memref<4096x128xf32, #tpu.memory_space<vmem>>, %arg2: memref<64x64xf32, #tpu.memory_space<vmem>>, %arg3: memref<64x8xf32, #tpu.memory_space<vmem>>, %arg4: memref<64x64xf32, #tpu.memory_space<vmem>>, %arg5: memref<64x128xf32, #tpu.memory_space<vmem>>, %arg6: memref<64x128xf32, #tpu.memory_space<vmem>>, %arg7: memref<64x128xf32, #tpu.memory_space<vmem>>, %arg8: memref<8x128xf32, #tpu.memory_space<vmem>>, %arg9: memref<1x128xf32, #tpu.memory_space<vmem>>, %arg10: memref<1x128xf32, #tpu.memory_space<vmem>>, %arg11: memref<128x128xf32, #tpu.memory_space<vmem>>, %arg12: memref<64x128xf32, #tpu.memory_space<vmem>>) attributes {dimension_semantics = [#tpu.dimension_semantics<arbitrary>], iteration_bounds = array<i64: 160>, scalar_prefetch = 0 : i64, scratch_operands = 0 : i64, tpu.core_type = #tpu.core_type<tc>, window_params = [{transform_indices = @transform_0, window_bounds = array<i64: 4096, 128>}, {transform_indices = @transform_1, window_bounds = array<i64: 64, 64>}, {transform_indices = @transform_2, window_bounds = array<i64: 64, 8>}, {transform_indices = @transform_3, window_bounds = array<i64: 64, 64>}, {pipeline_mode = #tpu.pipeline_mode<synchronous>, transform_indices = @transform_4, window_bounds = array<i64: 64, 128>}, {pipeline_mode = #tpu.pipeline_mode<synchronous>, transform_indices = @transform_5, window_bounds = array<i64: 64, 128>}, {pipeline_mode = #tpu.pipeline_mode<synchronous>, transform_indices = @transform_6, window_bounds = array<i64: 64, 128>}, {pipeline_mode = #tpu.pipeline_mode<synchronous>, transform_indices = @transform_7, window_bounds = array<i64: 8, 128>}, {pipeline_mode = #tpu.pipeline_mode<synchronous>, transform_indices = @transform_8, window_bounds = array<i64: 1, 128>}, {pipeline_mode = #tpu.pipeline_mode<synchronous>, transform_indices = @transform_9, window_bounds = array<i64: 1, 128>}, {pipeline_mode = #tpu.pipeline_mode<synchronous>, transform_indices = @transform_10, window_bounds = array<i64: 128, 128>}, {transform_indices = @transform_11, window_bounds = array<i64: 64, 128>}]} {
    %get3A = arith.constant 0 : index
    %get3A_0 = arith.constant 0 : index
    %get3A_1 = vector.load %arg1[%get3A, %get3A_0] : memref<4096x128xf32, #tpu.memory_space<vmem>>, vector<4096x128xf32>
    %slice3A = vector.extract_strided_slice %get3A_1 {offsets = [0, 0], sizes = [4096, 64], strides = [1, 1]} : vector<4096x128xf32> to vector<4096x64xf32>
    %slice3A_2 = vector.extract_strided_slice %get3A_1 {offsets = [0, 64], sizes = [4096, 8], strides = [1, 1]} : vector<4096x128xf32> to vector<4096x8xf32>
    %get3A_3 = arith.constant 0 : index
    %get3A_4 = arith.constant 0 : index
    %get3A_5 = vector.load %arg3[%get3A_3, %get3A_4] : memref<64x8xf32, #tpu.memory_space<vmem>>, vector<64x8xf32>
    %broadcast_in_dim3A = vector.shape_cast %get3A_5 : vector<64x8xf32> to vector<64x1x8xf32>
    %reshape3A = vector.shape_cast %slice3A_2 : vector<4096x8xf32> to vector<64x64x8xf32>
    %sub3A = vector.broadcast %broadcast_in_dim3A : vector<64x1x8xf32> to vector<64x64x8xf32>
    %sub3A_6 = arith.subf %sub3A, %reshape3A : vector<64x64x8xf32>
    %reshape3A_7 = vector.shape_cast %sub3A_6 : vector<64x64x8xf32> to vector<4096x8xf32>
    %get3A_8 = arith.constant 0 : index
    %get3A_9 = arith.constant 0 : index
    %get3A_10 = vector.load %arg8[%get3A_8, %get3A_9] : memref<8x128xf32, #tpu.memory_space<vmem>>, vector<8x128xf32>
    %dot_general3A = arith.constant dense<0.000000e+00> : vector<4096x128xf32>
    %dot_general3A_11 = tpu.matmul %reshape3A_7, %get3A_10, %dot_general3A {dimension_numbers = #tpu.dot_dimension_numbers<[1], [0], [0], [1], [0, 0, 1, 1], [], []>, transpose_lhs_hint = false} : vector<4096x8xf32>, vector<8x128xf32>, vector<4096x128xf32> -> vector<4096x128xf32>
    %get3A_12 = arith.constant 0 : index
    %get3A_13 = arith.constant 0 : index
    %get3A_14 = vector.load %arg9[%get3A_12, %get3A_13] : memref<1x128xf32, #tpu.memory_space<vmem>>, vector<1x128xf32>
    %add3A = vector.broadcast %get3A_14 : vector<1x128xf32> to vector<4096x128xf32>
    %add3A_15 = arith.addf %dot_general3A_11, %add3A : vector<4096x128xf32>
    %max3A = arith.constant 0.000000e+00 : f32
    %max3A_16 = vector.broadcast %max3A : f32 to vector<4096x128xf32>
    %max3A_17 = arith.maximumf %add3A_15, %max3A_16 : vector<4096x128xf32>
    %get3A_18 = arith.constant 0 : index
    %get3A_19 = arith.constant 0 : index
    %get3A_20 = vector.load %arg11[%get3A_18, %get3A_19] : memref<128x128xf32, #tpu.memory_space<vmem>>, vector<128x128xf32>
    %dot_general3A_21 = arith.constant dense<0.000000e+00> : vector<4096x128xf32>
    %dot_general3A_22 = tpu.matmul %max3A_17, %get3A_20, %dot_general3A_21 {dimension_numbers = #tpu.dot_dimension_numbers<[1], [0], [0], [1], [0, 0, 1, 1], [], []>, transpose_lhs_hint = false} : vector<4096x128xf32>, vector<128x128xf32>, vector<4096x128xf32> -> vector<4096x128xf32>
    %get3A_23 = arith.constant 0 : index
    %get3A_24 = arith.constant 0 : index
    %get3A_25 = vector.load %arg6[%get3A_23, %get3A_24] : memref<64x128xf32, #tpu.memory_space<vmem>>, vector<64x128xf32>
    %dot_general3A_26 = arith.constant dense<0.000000e+00> : vector<4096x128xf32>
    %dot_general3A_27 = tpu.matmul %slice3A, %get3A_25, %dot_general3A_26 {dimension_numbers = #tpu.dot_dimension_numbers<[1], [0], [0], [1], [0, 0, 1, 1], [], []>, transpose_lhs_hint = false} : vector<4096x64xf32>, vector<64x128xf32>, vector<4096x128xf32> -> vector<4096x128xf32>
    %get3A_28 = arith.constant 0 : index
    %get3A_29 = arith.constant 0 : index
    %get3A_30 = vector.load %arg5[%get3A_28, %get3A_29] : memref<64x128xf32, #tpu.memory_space<vmem>>, vector<64x128xf32>
    %dot_general3A_31 = arith.constant dense<0.000000e+00> : vector<4096x128xf32>
    %dot_general3A_32 = tpu.matmul %slice3A, %get3A_30, %dot_general3A_31 {dimension_numbers = #tpu.dot_dimension_numbers<[1], [0], [0], [1], [0, 0, 1, 1], [], []>, transpose_lhs_hint = false} : vector<4096x64xf32>, vector<64x128xf32>, vector<4096x128xf32> -> vector<4096x128xf32>
    %get3A_33 = arith.constant 0 : index
    %get3A_34 = arith.constant 0 : index
    %get3A_35 = vector.load %arg2[%get3A_33, %get3A_34] : memref<64x64xf32, #tpu.memory_space<vmem>>, vector<64x64xf32>
    %get3A_36 = arith.constant 0 : index
    %get3A_37 = arith.constant 0 : index
    %get3A_38 = vector.load %arg7[%get3A_36, %get3A_37] : memref<64x128xf32, #tpu.memory_space<vmem>>, vector<64x128xf32>
    %dot_general3A_39 = arith.constant dense<0.000000e+00> : vector<64x128xf32>
    %dot_general3A_40 = tpu.matmul %get3A_35, %get3A_38, %dot_general3A_39 {dimension_numbers = #tpu.dot_dimension_numbers<[1], [0], [0], [1], [0, 0, 1, 1], [], []>, transpose_lhs_hint = false} : vector<64x64xf32>, vector<64x128xf32>, vector<64x128xf32> -> vector<64x128xf32>
    %get3A_41 = arith.constant 0 : index
    %get3A_42 = arith.constant 0 : index
    %get3A_43 = vector.load %arg10[%get3A_41, %get3A_42] : memref<1x128xf32, #tpu.memory_space<vmem>>, vector<1x128xf32>
    %add3A_44 = vector.broadcast %get3A_43 : vector<1x128xf32> to vector<64x128xf32>
    %add3A_45 = arith.addf %dot_general3A_40, %add3A_44 : vector<64x128xf32>
    %broadcast_in_dim3A_46 = vector.shape_cast %add3A_45 : vector<64x128xf32> to vector<64x1x128xf32>
    %reshape3A_47 = vector.shape_cast %dot_general3A_27 : vector<4096x128xf32> to vector<64x64x128xf32>
    %sub3A_48 = vector.broadcast %broadcast_in_dim3A_46 : vector<64x1x128xf32> to vector<64x64x128xf32>
    %sub3A_49 = arith.subf %sub3A_48, %reshape3A_47 : vector<64x64x128xf32>
    %reshape3A_50 = vector.shape_cast %dot_general3A_22 : vector<4096x128xf32> to vector<64x64x128xf32>
    %add3A_51 = arith.addf %sub3A_49, %reshape3A_50 : vector<64x64x128xf32>
    %max3A_52 = arith.constant 0.000000e+00 : f32
    %max3A_53 = vector.broadcast %max3A_52 : f32 to vector<64x64x128xf32>
    %max3A_54 = arith.maximumf %add3A_51, %max3A_53 : vector<64x64x128xf32>
    %get3A_55 = arith.constant 0 : index
    %get3A_56 = arith.constant 0 : index
    %get3A_57 = vector.load %arg4[%get3A_55, %get3A_56] : memref<64x64xf32, #tpu.memory_space<vmem>>, vector<64x64xf32>
    %broadcast_in_dim3A_58 = vector.shape_cast %get3A_57 : vector<64x64xf32> to vector<64x64x1xf32>
    %gt3A = arith.constant 0.000000e+00 : f32
    %gt3A_59 = vector.broadcast %gt3A : f32 to vector<64x64x1xf32>
    %gt3A_60 = arith.cmpf ogt, %broadcast_in_dim3A_58, %gt3A_59 : vector<64x64x1xf32>
    %jit3A = arith.constant -1.000000e+30 : f32
    %broadcast_in_dim3A_61 = vector.shape_cast %gt3A_60 : vector<64x64x1xi1> to vector<64x64x1xi1>
    %broadcast_in_dim3A_62 = vector.broadcast %broadcast_in_dim3A_61 : vector<64x64x1xi1> to vector<64x64x128xi1>
    %broadcast_in_dim3A_63 = vector.broadcast %jit3A : f32 to vector<64x64x128xf32>
    %select_n3A = arith.select %broadcast_in_dim3A_62, %max3A_54, %broadcast_in_dim3A_63 : vector<64x64x128xi1>, vector<64x64x128xf32>
    %reduce_max3A = arith.constant dense<0xFF800000> : vector<64x128xf32>
    %reduce_max3A_64 = vector.multi_reduction <maximumf>, %select_n3A, %reduce_max3A [1] : vector<64x64x128xf32> to vector<64x128xf32>
    %broadcast_in_dim3A_65 = vector.shape_cast %reduce_max3A_64 : vector<64x128xf32> to vector<64x1x128xf32>
    %sub3A_66 = vector.broadcast %broadcast_in_dim3A_65 : vector<64x1x128xf32> to vector<64x64x128xf32>
    %sub3A_67 = arith.subf %select_n3A, %sub3A_66 : vector<64x64x128xf32>
    %exp3A = math.exp %sub3A_67 : vector<64x64x128xf32>
    %reduce_sum3A = arith.constant dense<0.000000e+00> : vector<64x128xf32>
    %reduce_sum3A_68 = vector.multi_reduction <add>, %exp3A, %reduce_sum3A [1] : vector<64x64x128xf32> to vector<64x128xf32>
    %broadcast_in_dim3A_69 = vector.shape_cast %reduce_sum3A_68 : vector<64x128xf32> to vector<64x1x128xf32>
    %div3A = vector.broadcast %broadcast_in_dim3A_69 : vector<64x1x128xf32> to vector<64x64x128xf32>
    %div3A_70 = arith.divf %exp3A, %div3A : vector<64x64x128xf32>
    %add3A_71 = arith.addf %dot_general3A_32, %max3A_17 : vector<4096x128xf32>
    %reshape3A_72 = vector.shape_cast %add3A_71 : vector<4096x128xf32> to vector<64x64x128xf32>
    %mul3A = arith.mulf %div3A_70, %reshape3A_72 : vector<64x64x128xf32>
    %jit3A_73 = arith.constant 0.000000e+00 : f32
    %broadcast_in_dim3A_74 = vector.shape_cast %gt3A_60 : vector<64x64x1xi1> to vector<64x64x1xi1>
    %broadcast_in_dim3A_75 = vector.broadcast %broadcast_in_dim3A_74 : vector<64x64x1xi1> to vector<64x64x128xi1>
    %broadcast_in_dim3A_76 = vector.broadcast %jit3A_73 : f32 to vector<64x64x128xf32>
    %select_n3A_77 = arith.select %broadcast_in_dim3A_75, %mul3A, %broadcast_in_dim3A_76 : vector<64x64x128xi1>, vector<64x64x128xf32>
    %reduce_sum3A_78 = arith.constant dense<0.000000e+00> : vector<64x128xf32>
    %reduce_sum3A_79 = vector.multi_reduction <add>, %select_n3A_77, %reduce_sum3A_78 [1] : vector<64x64x128xf32> to vector<64x128xf32>
    %swap3A = arith.constant 0 : index
    %swap3A_80 = arith.constant 0 : index
    %swap3A_81 = vector.load %arg12[%swap3A, %swap3A_80] : memref<64x128xf32, #tpu.memory_space<vmem>>, vector<64x128xf32>
    tpu.vector_store %arg12[%swap3A, %swap3A_80], %reduce_sum3A_79 {strides = array<i32>} : memref<64x128xf32, #tpu.memory_space<vmem>>, vector<64x128xf32>,
    return
  }
  func.func @transform_0(%arg0: i32) -> (i32, i32) {
    %c0_i32 = arith.constant 0 : i32
    %c0_i32_0 = arith.constant 0 : i32
    return %arg0, %c0_i32 : i32, i32
  }
  func.func @transform_1(%arg0: i32) -> (i32, i32) {
    %c0_i32 = arith.constant 0 : i32
    %c0_i32_0 = arith.constant 0 : i32
    return %arg0, %c0_i32 : i32, i32
  }
  func.func @transform_2(%arg0: i32) -> (i32, i32) {
    %c0_i32 = arith.constant 0 : i32
    %c0_i32_0 = arith.constant 0 : i32
    return %arg0, %c0_i32 : i32, i32
  }
  func.func @transform_3(%arg0: i32) -> (i32, i32) {
    %c0_i32 = arith.constant 0 : i32
    %c0_i32_0 = arith.constant 0 : i32
    return %arg0, %c0_i32 : i32, i32
  }
  func.func @transform_4(%arg0: i32) -> (i32, i32) {
    %c0_i32 = arith.constant 0 : i32
    %c0_i32_0 = arith.constant 0 : i32
    %c0_i32_1 = arith.constant 0 : i32
    return %c0_i32, %c0_i32_0 : i32, i32
  }
  func.func @transform_5(%arg0: i32) -> (i32, i32) {
    %c0_i32 = arith.constant 0 : i32
    %c0_i32_0 = arith.constant 0 : i32
    %c0_i32_1 = arith.constant 0 : i32
    return %c0_i32, %c0_i32_0 : i32, i32
  }
  func.func @transform_6(%arg0: i32) -> (i32, i32) {
    %c0_i32 = arith.constant 0 : i32
    %c0_i32_0 = arith.constant 0 : i32
    %c0_i32_1 = arith.constant 0 : i32
    return %c0_i32, %c0_i32_0 : i32, i32
  }
  func.func @transform_7(%arg0: i32) -> (i32, i32) {
    %c0_i32 = arith.constant 0 : i32
    %c0_i32_0 = arith.constant 0 : i32
    %c0_i32_1 = arith.constant 0 : i32
    return %c0_i32, %c0_i32_0 : i32, i32
  }
  func.func @transform_8(%arg0: i32) -> (i32, i32) {
    %c0_i32 = arith.constant 0 : i32
    %c0_i32_0 = arith.constant 0 : i32
    %c0_i32_1 = arith.constant 0 : i32
    return %c0_i32, %c0_i32_0 : i32, i32
  }
  func.func @transform_9(%arg0: i32) -> (i32, i32) {
    %c0_i32 = arith.constant 0 : i32
    %c0_i32_0 = arith.constant 0 : i32
    %c0_i32_1 = arith.constant 0 : i32
    return %c0_i32, %c0_i32_0 : i32, i32
  }
  func.func @transform_10(%arg0: i32) -> (i32, i32) {
    %c0_i32 = arith.constant 0 : i32
    %c0_i32_0 = arith.constant 0 : i32
    %c0_i32_1 = arith.constant 0 : i32
    return %c0_i32, %c0_i32_0 : i32, i32
  }
  func.func @transform_11(%arg0: i32) -> (i32, i32) {
    %c0_i32 = arith.constant 0 : i32
    %c0_i32_0 = arith.constant 0 : i32
    return %arg0, %c0_i32 : i32, i32
  }
}

</mosaic_0001>

<sc_bundles>
// kernel: kernel.5.cloned.1.call-start
scs
__scs_entry_jumppad:
0x0: {  	(pc) =	sbr.rel $0x88, $3  }
0x1: {  	(tag) =	ssettag $0x0;
	lr =	simm.s32 $0x1  }
0x2: {  	[smem:$0x3F92] =	sst lr;
	_ =	strace $0xD0000000  }
0x3: {  	_ = 	snop  }
0x4: {  	_ = 	snop  }
0x5: {  	_ = 	snop  }
0x6: {  	_ = 	snop  }
0x7: {  	_ = 	snop  }
__scs_overlays_trampoline_lowered:
0x8: {  	[smem:$0x3FA1] =	sst s0  }
0x9: {  	[smem:$0x3FA2] =	sst s1  }
0xa: {  	[smem:$0x3FA3] =	sst s2  }
0xb: {  	[smem:$0x3FA4] =	sst s3  }
0xc: {  	[smem:$0x3FA5] =	sst s4  }
0xd: {  	[smem:$0x3FA6] =	sst s5  }
0xe: {  	[smem:$0x3FA7] =	sst s6  }
0xf: {  	[smem:$0x3FA8] =	sst s7  }
0x10: {  	[smem:$0x3FA9] =	sst s8  }
0x11: {  	[smem:$0x3FAA] =	sst s9;
	s0 =	simm.s32 @!p0 $0x0  }
0x12: {  	s1 =	sld [smem:$0x3F90];
	s0 =	simm.s32 @p0 $0x1  }
0x13: {  	[smem:$0x3FAB] =	sst s0;
	s0 =	simm.s32 @!p1 $0x0  }
0x14: {  	s2 =	sld [smem:$0x3F8F];
	s0 =	simm.s32 @p1 $0x1  }
0x15: {  	[smem:$0x3FAC] =	sst s0;
	s0 =	simm.s32 @!p2 $0x0  }
0x16: {  	s3 =	sld [smem:$0x3FDB];
	s0 =	simm.s32 @p2 $0x1  }
0x17: {  	s4 =	simm.s32 $0x1BF5;
	[smem:$0x3FAE] =	sst s0  }
0x18: {  	s0 =	sld [smem:$0x3F91];
	_ =	swait.ge [sflag:s4], $0x0  }
0x19: {  	s7 =	sld [smem:$0x3F92]  }
0x1a: {  	s8 =	sadd.s32 $0xFFFFE003, lr  }
0x1b: {  	s9 =	sadd.s32 $0xFFFFFEF7, lr;
	s5 =	simm.s32 $0xFFFFFFFF;
	p2 =	slt.u32 s8, $0xFFFFF086  }
0x1c: {  	p1 =	slt.u32 s9, $0xF7A;
	s5 =	simm.s32 @!p2 $0x0  }
0x1d: {  	s5 =	simm.s32 @p1 $0x1;
	p0 =	seq.s32 s7, s2  }
0x1e: {  	s7 =	smul.u32 @!p0 $0xF7A, s2;
	p2 =	seq.s32 @!p0 s5, $0x0  }
0x1f: {  	s9 =	smul.u32 $0xF7A, s1;
	s8 =	simm.s32 @!p0 $0x1BF5;
	p2 =	por !p2, p0  }
0x20: {  	[sflag:s8] =	ssyncset.s32 @!p0 $0xFFFFF086;
	s6 =	sadd.s32 @!p0 s3, s7;
	s7 =	simm.s32 @!p0 $0x108  }
0x21: {  	s3 =	sadd.s32 s3, s9;
	s6 =	sadd.s32 @!p0 $0x88, s6;
	s7 =	simm.s32 @p2 $0x1082  }
0x22: {  	[simem:s7], [sflag:s8] =	dma.local @!p0 [hbm:s6], $0xF7A  }
0x23: {  	s9 =	sor.u32 $0xD0000000, s2;
	s6 =	simm.s32 $0x108;
	_ =	swait.ge @!p0 [sflag:s8], $0x0  }
0x24: {  	s3 =	sadd.s32 $0x88, s3;
	s6 =	simm.s32 @!p1 $0x1082;
	[sflag:s4] =	ssyncset.s32 $0xFFFFF086  }
0x25: {  	[simem:s6], [sflag:s4] =	dma.local [hbm:s3], $0xF7A  }
0x26: {  	[smem:$0x3F92] =	sst s1;
	(tag) =	ssettag s2;
	_ =	strace s9  }
0x27: {  	s1 =	sld [smem:$0x3FA2]  }
0x28: {  	s2 =	sld [smem:$0x3FA3]  }
0x29: {  	s4 =	sld [smem:$0x3FA5]  }
0x2a: {  	p0 =	seq.s32 s5, $0x0;
	s5 =	sld [smem:$0x3FA6]  }
0x2b: {  	s6 =	sld [smem:$0x3FA7]  }
0x2c: {  	s7 =	sld [smem:$0x3FA8]  }
0x2d: {  	s3 =	simm.s32 $0x108;
	s8 =	sld [smem:$0x3FA9]  }
0x2e: {  	s3 =	simm.s32 @!p0 $0x1082;
	s9 =	sld [smem:$0x3FAA]  }
0x2f: {  	lr =	sadd.s32 s0, s3;
	s0 =	sld [smem:$0x3FA1]  }
0x30: {  	s3 =	sld [smem:$0x3FA4]  }
0x31: {  	[smem:$0x3FAD] =	sst s10  }
0x32: {  	s10 =	sld [smem:$0x3FAB];
	_ =	sdelay $0x3  }
0x33: {  	p0 =	seq.s32 s10, $0x1;
	s10 =	sld [smem:$0x3FAD];
	_ =	sdelay $0x3  }
0x34: {  	[smem:$0x3FAD] =	sst s10  }
0x35: {  	s10 =	sld [smem:$0x3FAC];
	_ =	sdelay $0x3  }
0x36: {  	p1 =	seq.s32 s10, $0x1;
	s10 =	sld [smem:$0x3FAD];
	_ =	sdelay $0x3  }
0x37: {  	[smem:$0x3FAD] =	sst s10  }
0x38: {  	s10 =	sld [smem:$0x3FAE]  }
0x39: {  	_ = 	snop;
	(pc) =	sbr.ind lr, $3  }
0x3a: {  	_ = 	snop  }
0x3b: {  	_ = 	snop  }
0x3c: {  	p2 =	seq.s32 s10, $0x1;
	s10 =	sld [smem:$0x3FAD]  }
0x3d: {  	_ =	shalt  }
0x3e: {  	_ =	shalt  }
0x3f: {  	_ =	shalt  }
0x40: {  	_ =	shalt  }
0x41: {  	_ =	shalt  }
0x42: {  	_ =	shalt  }
0x43: {  	_ =	shalt  }
0x44: {  	_ =	shalt  }
0x45: {  	_ =	shalt  }
0x46: {  	_ =	shalt  }
0x47: {  	_ =	shalt  }
0x48: {  	_ =	shalt  }
0x49: {  	_ =	shalt  }
0x4a: {  	_ =	shalt  }
0x4b: {  	_ =	shalt  }
0x4c: {  	_ =	shalt  }
0x4d: {  	_ =	shalt  }
0x4e: {  	_ =	shalt  }
0x4f: {  	_ =	shalt  }
0x50: {  	_ =	shalt  }
0x51: {  	_ =	shalt  }
0x52: {  	_ =	shalt  }
0x53: {  	_ =	shalt  }
0x54: {  	_ =	shalt  }
0x55: {  	_ =	shalt  }
0x56: {  	_ =	shalt  }
0x57: {  	_ =	shalt  }
0x58: {  	_ =	shalt  }
0x59: {  	_ =	shalt  }
0x5a: {  	_ =	shalt  }
0x5b: {  	_ =	shalt  }
0x5c: {  	_ =	shalt  }
0x5d: {  	_ =	shalt  }
0x5e: {  	_ =	shalt  }
0x5f: {  	_ =	shalt  }
0x60: {  	_ =	shalt  }
0x61: {  	_ =	shalt  }
0x62: {  	_ =	shalt  }
0x63: {  	_ =	shalt  }
0x64: {  	_ =	shalt  }
0x65: {  	_ =	shalt  }
0x66: {  	_ =	shalt  }
0x67: {  	_ =	shalt  }
0x68: {  	_ =	shalt  }
0x69: {  	_ =	shalt  }
0x6a: {  	_ =	shalt  }
0x6b: {  	_ =	shalt  }
0x6c: {  	_ =	shalt  }
0x6d: {  	_ =	shalt  }
0x6e: {  	_ =	shalt  }
0x6f: {  	_ =	shalt  }
0x70: {  	_ =	shalt  }
0x71: {  	_ =	shalt  }
0x72: {  	_ =	shalt  }
0x73: {  	_ =	shalt  }
0x74: {  	_ =	shalt  }
0x75: {  	_ =	shalt  }
0x76: {  	_ =	shalt  }
0x77: {  	_ =	shalt  }
0x78: {  	_ =	shalt  }
0x79: {  	_ =	shalt  }
0x7a: {  	_ =	shalt  }
0x7b: {  	_ =	shalt  }
0x7c: {  	_ =	shalt  }
0x7d: {  	_ =	shalt  }
0x7e: {  	_ =	shalt  }
0x7f: {  	_ =	shalt  }
0x80: {  	_ =	shalt  }
0x81: {  	_ =	shalt  }
0x82: {  	_ =	shalt  }
0x83: {  	_ =	shalt  }
0x84: {  	_ =	shalt  }
0x85: {  	_ =	shalt  }
0x86: {  	_ =	shalt  }
0x87: {  	_ =	shalt  }
.Lfunc_end0:
.L_simem_size_0:
called_computation_lowered:
.L_overlay_start_0:
0x88: {  	s2 =	sld [smem:$0x3FD9]  }
0x89: {  	s3 =	sld [smem:$0x3FFE];
	_ =	sdelay $0x1  }
0x8a: {  	s1 =	srdreg.scid  }
0x8b: {  	s0 =	sand.u32 $0x1, s1  }
0x8c: {  	s17 =	sshll.u32 s0, $0xA;
	s2 =	sadd.s32 s3, s2  }
0x8d: {  	s2 =	sadd.s32 s2, s17  }
0x8e: {  	[smem:$0x3FB9] =	sst s2  }
0x8f: {  	_ = 	snop  }
0x90: {  	s2 =	sld [smem:$0x3FD0];
	(tm) =	ssettm $0x1  }
0x91: {  	s18 =	sld [smem:$0x3FFB];
	_ =	sdelay $0x3  }
0x92: {  	_ =	strace s18  }
0x93: {  	s3 =	sld [smem:$0x3FFC];
	_ =	sdelay $0x3  }
0x94: {  	_ =	strace s3  }
0x95: {  	s3 =	sld [smem:$0x3FFD];
	_ =	sdelay $0x3  }
0x96: {  	_ =	strace s3  }
0x97: {  	_ =	strace $0x8FFFFFFF  }
0x98: {  	s19 =	sld [smem:$0x3FDB];
	_ =	sdelay $0x1  }
0x99: {  	s4 =	simm.s32 $_scs_section_size  }
0x9a: {  	s5 =	simm.s32 $_size__tile_overlayer_lowered;
	s6 =	simm.s32 $_tile_overlayer_lowered  }
0x9b: {  	s22 =	simm.s32 $0x1BFF;
	s21 =	sshll.u32 s6, $0x1;
	s3 =	sadd.s32 s4, s19  }
0x9c: {  	s7 =	simm.s32 $0x0;
	s20 =	sshll.u32 s5, $0x1;
	s5 =	sadd.s32 s21, s3  }
0x9d: {  	[timem:s7], [sflag:s22] =	dma.local [hbm:s5], s20  }
0x9e: {  	_ =	swait.ge [sflag:s22], s20  }
0x9f: {  	s4 =	ssub.s32 $0x0, s20;
	[sflag:s22] =	ssyncset.done $0x0  }
0xa0: {  	[sflag:s22] =	ssyncadd.s32 s4;
	_ =	sdelay $0x1  }
0xa1: {  	s23 =	simm.s32 $0x1B8B  }
0xa2: {  	_ =	swait.ge [sflag:s23], $0x1  }
0xa3: {  	[sflag:s23] =	ssyncset.done $0x0  }
0xa4: {  	s25 =	simm.s32 $0x1B8E;
	s24 =	sld [smem:$0x3FFE];
	[sflag:s23] =	ssyncadd.s32 $0xFFFFFFFF  }
0xa5: {  	s26 =	simm.s32 $execute0_lowered;
	[smem:$0x3FD2] =	sst s25  }
0xa6: {  	s5 =	sshll.u32 s26, $0x1;
	_ =	strace $0x80000046;
	[dreg:$0x1] =	wrdreg $0xFFFFFFFF  }
0xa7: {  	s28 =	simm.s32 $_size_execute0_lowered;
	s3 =	sadd.s32 s3, s5;
	[dreg:$0x0] =	wrdreg $0x0  }
0xa8: {  	s5 =	sshll.u32 s28, $0x1;
	[dreg:$0x2] =	wrdreg s3  }
0xa9: {  	[dreg:$0x3] =	wrdreg s5  }
0xaa: {  	[dreg:$0x4] =	wrdreg $0xC0  }
0xab: {  	_ =	task [dreg:s7], $0x5FFFF  }
0xac: {  	[dreg:$0x1] =	wrdreg $0xFFFFFFFF  }
0xad: {  	[dreg:$0x0] =	wrdreg $0x60  }
0xae: {  	[dreg:$0x2] =	wrdreg s24  }
0xaf: {  	[dreg:$0x3] =	wrdreg s2  }
0xb0: {  	[dreg:$0x4] =	wrdreg $0x9  }
0xb1: {  	_ =	task.clear_ibuf [dreg:s7], $0x5FFFF;
	_ =	strace $0x90000046  }
0xb2: {  	s29 =	simm.s32 $0x9;
	_ =	strace $0x80000048  }
0xb3: {  	_ =	swait.ge [sflag:s29], $0x1  }
0xb4: {  	[sflag:s29] =	ssyncadd.s32 $0xFFFFFFFF  }
0xb5: {  	_ =	strace $0x90000048  }
0xb6: {  	_ =	sfence  }
0xb7: {  	s30 =	sld [smem:$0x0];
	_ =	sdelay $0x2  }
0xb8: {  	s31 =	sshll.u32 s1, $0xD;
	s1 =	sshrl.u32 s1, $0x2  }
0xb9: {  	s3 =	sand.u32 $0x4000, s31;
	s1 =	sadd.s32 s1, s30  }
0xba: {  	s0 =	sor.u32 s3, s0;
	s1 =	sshll.u32 s1, $0x11  }
0xbb: {  	s0 =	sor.u32 s1, s0  }
0xbc: {  	s0 =	sadd.s32 $0x8F2B, s0  }
0xbd: {  	[sflag:s0] =	ssyncadd.remote.s32 $0x1  }
0xbe: {  	_ =	sfence.sel $0xFFFF  }
0xbf: {  	[dreg:$0x0] =	wrdreg $0xFFFFFFFF;
	(pc) =	sbr.abs _section_cstart, $3  }
0xc0: {  	[dreg:$0x1] =	wrdreg $0xFFFFFFFF  }
0xc1: {  	_ =	task.clear_ibuf [dreg:s7], $0x2FFFF;
	_ =	strace $0x9FFFFFFF  }
0xc2: {  	(tm) =	ssettm $0x7FFFFFFF  }
0xc3: {  	_ =	shalt  }
tec
execute0_lowered:
.L_overlay_start_1:
0x0: {  	(tag) =	ssettag $0x1  }
0x1: {  	s4 =	rddreg [dreg:$0x0]  }
0x2: {  	s6 =	rddreg [dreg:$0x1]  }
0x3: {  	s0 =	rddreg [dreg:$0x2];
	s1 =	stileid.u32  }
0x4: {  	s2 =	simm.s32 $0x0;
	s3 =	srdreg.scid;
	s12 =	simm.s32 $0x8200  }
0x5: {  	s13 =	simm.s32 $0x180;
	s14 =	simm.s32 $0xC200;
	s5 =	smul.u32 $0xA0000, s1  }
0x6: {  	s15 =	simm.s32 $0x1;
	s7 =	sand.u32 $0x1, s3;
	s8 =	smul.u32 $0xA000, s1  }
0x7: {  	s16 =	simm.s32 $0x0;
	[smem:$0x7FF] =	sst s2;
	s10 =	smul.u32 $0x5000, s7  }
0x8: {  	s3 =	sadd.s32 $0x53800, s4;
	s9 =	ssub.s32 $0x2, s7;
	s7 =	smul.u32 $0x50000, s7  }
0x9: {  	_ =	strace $0x80000047;
	s11 =	sshrl.u32 s9, $0x1;
	s5 =	sadd.s32 s5, s4  }
0xa: {  	s30 =	ssub.s32 s9, s11;
	s8 =	sadd.s32 s10, s8;
	s5 =	sadd.s32 s7, s5  }
0xb: {  	s7 =	simm.s32 $0x2;
	s9 =	simm.s32 $0x200;
	s10 =	simm.s32 $0x4200  }
0xc: {  	s11 =	simm.s32 $0x100;
	s4 =	smax.u32 s30, $0x1;
	s31 =	sshrl.u32 s8, $0x3  }
0xd: {  	s5 =	sadd.s32 $0xA3800, s5;
	s8 =	simm.s32 $0x80;
	s6 =	sadd.s32 s31, s6  }
.LBB2_1:
0xe: {  	s17 =	sadd.s32 $0x0, s6  }
0xf: {  	[tilespmem:s2], [sflag:$0x2] =	stream.linear.gather [hbm4b:s17+s2], $0x200, $0x38;
	[tilespmem:$0x10200] =	vst v63  }
0x10: {  	_ =	swait.ge [sflag:s7], $0x200  }
0x11: {  	[sflag:s7] =	ssyncset.done $0x0  }
0x12: {  	[sflag:s7] =	ssyncadd.s32 $0xFFFFFE00  }
0x13: {  	[tilespmem:s9], [sflag:$0x1] =	stream.indirect.gather [hbm4b:s3+s8], $0x80, s2, s8, $0xb8;
	[tilespmem:$0x10200] =	vst v63  }
0x14: {  	_ = 	snop  }
0x15: {  	[tilespmem:s10], [sflag:$0x1] =	stream.indirect.gather [hbm4b:s3+s8], $0x80, s8, s8, $0xb8;
	[tilespmem:$0x10200] =	vst v63  }
0x16: {  	_ = 	snop  }
0x17: {  	[tilespmem:s12], [sflag:$0x1] =	stream.indirect.gather [hbm4b:s3+s8], $0x80, s11, s8, $0xb8;
	[tilespmem:$0x10200] =	vst v63  }
0x18: {  	_ = 	snop  }
0x19: {  	[tilespmem:s14], [sflag:$0x1] =	stream.indirect.gather [hbm4b:s3+s8], $0x80, s13, s8, $0xb8;
	[tilespmem:$0x10200] =	vst v63  }
0x1a: {  	_ =	swait.ge [sflag:s15], $0x4000  }
0x1b: {  	[sflag:s15] =	ssyncset.done $0x0  }
0x1c: {  	[sflag:s15] =	ssyncadd.s32 $0xFFFFC000  }
0x1d: {  	_ =	swait.ge [sflag:s15], $0x4000  }
0x1e: {  	[sflag:s15] =	ssyncset.done $0x0  }
0x1f: {  	[sflag:s15] =	ssyncadd.s32 $0xFFFFC000  }
0x20: {  	_ =	swait.ge [sflag:s15], $0x4000  }
0x21: {  	[sflag:s15] =	ssyncset.done $0x0  }
0x22: {  	[sflag:s15] =	ssyncadd.s32 $0xFFFFC000  }
0x23: {  	_ =	swait.ge [sflag:s15], $0x4000  }
0x24: {  	[sflag:s15] =	ssyncset.done $0x0  }
0x25: {  	[sflag:s15] =	ssyncadd.s32 $0xFFFFC000  }
0x26: {  	[hbm4b:s5+s2] =	stream.linear.scatter [tilespmem:s9], [sflag:$0x2], $0x10000, $0x38;
	[tilespmem:$0x10200] =	vst v63  }
0x27: {  	s18 =	simm.s32 $0x40;
	_ =	swait.ge [sflag:s7], $0x10000  }
0x28: {  	s19 =	simm.s32 $0x80;
	s17 =	sadd.s32 $0x2000, s5;
	[sflag:s7] =	ssyncset.done $0x0  }
.LBB2_2:
0x29: {  	s20 =	sadd.s32 s18, s6  }
0x2a: {  	[sflag:s7] =	ssyncadd.s32 $0xFFFF0000;
	s18 =	smov.u32 s19;
	s21 =	sadd.s32 $0x40, s19  }
0x2b: {  	[tilespmem:s2], [sflag:$0x2] =	stream.linear.gather [hbm4b:s20+s2], $0x200, $0x38;
	[tilespmem:$0x10200] =	vst v63  }
0x2c: {  	p0 =	sne.s32 s19, $0x9C0;
	_ =	swait.ge [sflag:s7], $0x200  }
0x2d: {  	[sflag:s7] =	ssyncset.done $0x0  }
0x2e: {  	[sflag:s7] =	ssyncadd.s32 $0xFFFFFE00  }
0x2f: {  	[tilespmem:s9], [sflag:$0x1] =	stream.indirect.gather [hbm4b:s3+s8], $0x80, s2, s8, $0xb8;
	[tilespmem:$0x10200] =	vst v63  }
0x30: {  	_ = 	snop  }
0x31: {  	[tilespmem:s10], [sflag:$0x1] =	stream.indirect.gather [hbm4b:s3+s8], $0x80, s8, s8, $0xb8;
	[tilespmem:$0x10200] =	vst v63  }
0x32: {  	_ = 	snop  }
0x33: {  	[tilespmem:s12], [sflag:$0x1] =	stream.indirect.gather [hbm4b:s3+s8], $0x80, s11, s8, $0xb8;
	[tilespmem:$0x10200] =	vst v63  }
0x34: {  	_ = 	snop  }
0x35: {  	[tilespmem:s14], [sflag:$0x1] =	stream.indirect.gather [hbm4b:s3+s8], $0x80, s13, s8, $0xb8;
	[tilespmem:$0x10200] =	vst v63  }
0x36: {  	_ =	swait.ge [sflag:s15], $0x4000  }
0x37: {  	[sflag:s15] =	ssyncset.done $0x0  }
0x38: {  	[sflag:s15] =	ssyncadd.s32 $0xFFFFC000  }
0x39: {  	_ =	swait.ge [sflag:s15], $0x4000  }
0x3a: {  	[sflag:s15] =	ssyncset.done $0x0  }
0x3b: {  	[sflag:s15] =	ssyncadd.s32 $0xFFFFC000  }
0x3c: {  	_ =	swait.ge [sflag:s15], $0x4000  }
0x3d: {  	[sflag:s15] =	ssyncset.done $0x0  }
0x3e: {  	[sflag:s15] =	ssyncadd.s32 $0xFFFFC000  }
0x3f: {  	_ =	swait.ge [sflag:s15], $0x4000  }
.Ltmp0:
0x40: {  	[sflag:s15] =	ssyncset.done $0x0;
	(pc) =	sbr.rel @p0 .LBB2_2-.Ltmp0, $4  }
0x41: {  	[sflag:s15] =	ssyncadd.s32 $0xFFFFC000  }
0x42: {  	[hbm4b:s17+s2] =	stream.linear.scatter [tilespmem:s9], [sflag:$0x2], $0x10000, $0x38;
	[tilespmem:$0x10200] =	vst v63  }
0x43: {  	_ =	swait.ge [sflag:s7], $0x10000  }
0x44: {  	s19 =	smov.u32 s21;
	s17 =	sadd.s32 $0x2000, s17;
	[sflag:s7] =	ssyncset.done $0x0  }
0x45: {  	s18 =	sadd.s32 s18, s6;
	[sflag:s7] =	ssyncadd.s32 $0xFFFF0000  }
0x46: {  	[tilespmem:s2], [sflag:$0x2] =	stream.linear.gather [hbm4b:s18+s2], $0x200, $0x38;
	[tilespmem:$0x10200] =	vst v63  }
0x47: {  	_ =	swait.ge [sflag:s7], $0x200  }
0x48: {  	[sflag:s7] =	ssyncset.done $0x0  }
0x49: {  	[sflag:s7] =	ssyncadd.s32 $0xFFFFFE00  }
0x4a: {  	[tilespmem:s9], [sflag:$0x1] =	stream.indirect.gather [hbm4b:s3+s8], $0x80, s2, s8, $0xb8;
	[tilespmem:$0x10200] =	vst v63  }
0x4b: {  	_ = 	snop  }
0x4c: {  	[tilespmem:s10], [sflag:$0x1] =	stream.indirect.gather [hbm4b:s3+s8], $0x80, s8, s8, $0xb8;
	[tilespmem:$0x10200] =	vst v63  }
0x4d: {  	_ = 	snop  }
0x4e: {  	[tilespmem:s12], [sflag:$0x1] =	stream.indirect.gather [hbm4b:s3+s8], $0x80, s11, s8, $0xb8;
	[tilespmem:$0x10200] =	vst v63  }
0x4f: {  	_ = 	snop  }
0x50: {  	[tilespmem:s14], [sflag:$0x1] =	stream.indirect.gather [hbm4b:s3+s8], $0x80, s13, s8, $0xb8;
	[tilespmem:$0x10200] =	vst v63  }
0x51: {  	_ =	swait.ge [sflag:s15], $0x4000  }
0x52: {  	[sflag:s15] =	ssyncset.done $0x0  }
0x53: {  	[sflag:s15] =	ssyncadd.s32 $0xFFFFC000  }
0x54: {  	_ =	swait.ge [sflag:s15], $0x4000  }
0x55: {  	[sflag:s15] =	ssyncset.done $0x0  }
0x56: {  	[sflag:s15] =	ssyncadd.s32 $0xFFFFC000  }
0x57: {  	_ =	swait.ge [sflag:s15], $0x4000  }
0x58: {  	[sflag:s15] =	ssyncset.done $0x0  }
0x59: {  	[sflag:s15] =	ssyncadd.s32 $0xFFFFC000  }
0x5a: {  	s16 =	sadd.s32 $0x1, s16;
	_ =	swait.ge [sflag:s15], $0x4000  }
0x5b: {  	p0 =	sne.s32 s16, s4;
	[sflag:s15] =	ssyncset.done $0x0  }
.Ltmp1:
0x5c: {  	[sflag:s15] =	ssyncadd.s32 $0xFFFFC000;
	(pc) =	sbr.rel @p0 .LBB2_1-.Ltmp1, $4  }
0x5d: {  	[hbm4b:s17+s2] =	stream.linear.scatter [tilespmem:s9], [sflag:$0x2], $0x10000, $0x38;
	[tilespmem:$0x10200] =	vst v63  }
0x5e: {  	_ =	swait.ge [sflag:s7], $0x10000  }
0x5f: {  	[sflag:s7] =	ssyncset.done $0x0  }
0x60: {  	[sflag:s7] =	ssyncadd.s32 $0xFFFF0000  }
0x61: {  	_ =	sfence.sel $0x180000  }
0x62: {  	[bflag:$0x0] =	sbarrier.arrive $0xFFFF  }
0x63: {  	p0 =	sne.s32 s1, $0x0;
	_ =	strace $0x90000047  }
0x64: {  	s0 =	sadd.s32 @!p0 $0x100000, s0;
	[bflag:$0x2] =	sbarrier.arrive $0xFFFF  }
0x65: {  	[sflag:s0] =	ssyncadd.tile.s32 @!p0 $0x1;
	_ =	shalt  }
.Lfunc_end2:
_tile_overlayer_lowered:
.L_overlay_start_2:
0x66: {  	(tag) =	ssettag $0x2  }
0x67: {  	s0 =	rddreg [dreg:$0x0];
	s2 =	stileid.u32  }
0x68: {  	s1 =	rddreg [dreg:$0x1];
	p0 =	sne.s32 s2, $0x0  }
0x69: {  	s3 =	rddreg [dreg:$0x2];
	[bflag:$0x3] =	sbarrier.arrive $0xFFFF;
	s2 =	simm.s32 @!p0 $0x1C02  }
0x6a: {  	[timem:s3], [sflag:s2] =	dma.local @!p0 [hbm:s0], s1  }
0x6b: {  	s0 =	simm.s32 @!p0 $0x2  }
0x6c: {  	_ =	swait.ge @!p0 [sflag:s0], s1  }
0x6d: {  	s1 =	ssub.s32 @!p0 $0x0, s1;
	[sflag:s0] =	ssyncset.done @!p0 $0x0  }
0x6e: {  	[sflag:s0] =	ssyncadd.s32 @!p0 s1  }
0x6f: {  	[bflag:$0x3] =	sbarrier.arrive $0xFFFF  }
0x70: {  	_ =	shalt  }

</sc_bundles>
